<compile_context>
chip_gen: v7x
topology: tpu7x:2x2x1
jax: 0.10.2.dev20260603
libtpu: 0.0.44.dev20260713+nightly
codegen_flags: <defaults>
</compile_context>

<pallas_src>
import functools

import jax
import jax.numpy as jnp
from jax import lax
from jax.experimental import pallas as pl
from jax.experimental.pallas import tpu as pltpu
from jax.experimental.pallas import tpu_sc as plsc

_NUM_CORES = 2
_NUM_SUBCORES = 16
_NUM_WORKERS = _NUM_CORES * _NUM_SUBCORES

_CHUNK = 1024
_TASK = 128


@functools.lru_cache(maxsize=None)
def _gather_call(n_fields, batch, dim):
    n_idx = n_fields * batch
    n_per_w = n_idx // _NUM_WORKERS
    n_chunks = n_per_w // _CHUNK
    tasks_per_chunk = _CHUNK // _TASK
    tasks_per_w = n_chunks * tasks_per_chunk
    n_tc = batch // 128
    n_tr = dim // 8

    mesh = plsc.VectorSubcoreMesh(core_axis_name="c", subcore_axis_name="s")

    @functools.partial(
        pl.kernel,
        mesh=mesh,
        compiler_params=pltpu.CompilerParams(use_tc_tiling_on_sc=False,
                                             needs_layout_passes=False),
        out_type=jax.ShapeDtypeStruct((n_fields, n_tr, n_tc, 8, 128),
                                      jnp.float32),
        scratch_types=[
            pltpu.VMEM((n_per_w,), jnp.int32),
            pltpu.VMEM((2, _CHUNK, dim), jnp.float32),
            pltpu.VMEM((2, n_tr, 8, 128), jnp.float32),
            pltpu.SemaphoreType.DMA,
            pltpu.SemaphoreType.DMA,
            pltpu.SemaphoreType.DMA,
            pltpu.SemaphoreType.DMA,
        ],
    )
    def k(idx_hbm, table_hbm, out_hbm, idx_v, rows_v, blk_v,
          sg0, sg1, sb0, sb1):
        sems_g = (sg0, sg1)
        sems_b = (sb0, sb1)
        wid = lax.axis_index("s") * _NUM_CORES + lax.axis_index("c")
        base = wid * n_per_w
        t0 = wid * tasks_per_w

        lane = jax.lax.iota(jnp.int32, 16)
        tr_lo = lax.shift_right_logical(lane, 3)
        tr_hi = tr_lo + 2
        r_all = lax.bitwise_and(lane, 7)

        pltpu.sync_copy(idx_hbm.at[pl.ds(base, n_per_w)], idx_v)

        def start_gather(g, b):
            pltpu.async_copy(
                table_hbm.at[idx_v.at[pl.ds(g * _CHUNK, _CHUNK)]],
                rows_v.at[b], sems_g[b])

        def wait_gather(b):
            pltpu.make_async_copy(
                table_hbm.at[idx_v.at[pl.ds(0, _CHUNK)]],
                rows_v.at[b], sems_g[b]).wait()

        def out_slot(t):
            f = t // n_tc
            tc = lax.rem(t, n_tc)
            return out_hbm.at[f, :, tc]

        def start_block(t, bb):
            pltpu.async_copy(blk_v.at[bb], out_slot(t), sems_b[bb])

        def wait_block(t, bb):
            pltpu.make_async_copy(blk_v.at[bb], out_slot(t),
                                  sems_b[bb]).wait()

        start_gather(0, 0)

        def pair_body(p, carry):
            for bg in range(2):
                g = p * 2 + bg
                wait_gather(bg)

                @pl.when(g + 1 < n_chunks)
                def _():
                    start_gather(g + 1, 1 - bg)

                for j in range(tasks_per_chunk):
                    tl = g * tasks_per_chunk + j
                    bb = j % 2

                    @pl.when(tl >= 2)
                    def _():
                        wait_block(t0 + tl - 2, bb)

                    def row_body(i, c2):
                        cs = jnp.full((16,), i, jnp.int32)
                        for half, trv in ((0, tr_lo), (1, tr_hi)):
                            vals = rows_v[bg, j * _TASK + i,
                                          pl.ds(half * 16, 16)]
                            plsc.store_scatter(blk_v.at[bb],
                                               [trv, r_all, cs], vals)
                        return c2

                    lax.fori_loop(0, _TASK, row_body, 0, unroll=4)
                    start_block(t0 + tl, bb)
            return carry

        lax.fori_loop(0, n_chunks // 2, pair_body, 0)

        wait_block(t0 + tasks_per_w - 2, 0)
        wait_block(t0 + tasks_per_w - 1, 1)

    return k


def kernel(indices, embedding_weight):
    batch, n_fields = indices.shape
    _, dim = embedding_weight.shape
    idx_flat = indices.T.reshape(batch * n_fields).astype(jnp.int32)
    out5 = _gather_call(n_fields, batch, dim)(idx_flat, embedding_weight)
    return out5.transpose(2, 4, 0, 1, 3).reshape(batch, n_fields, dim)

# --- scband reference (transcript-rebuilt; emitter-appended) ---
"""Pipeline reference for scband-tuple-embedding-3384434229881 (READ-ONLY COPY).

The authoritative reference and input builder live on the scoring server;
editing this copy changes nothing except your own understanding.
"""

import jax, jax.numpy as jnp
import numpy as np

NUM_EMBEDDINGS = 1000000
EMBEDDING_DIM = 32
BATCH = 16384
N_FIELDS = 100


def setup_inputs(seed: int = 0) -> dict:
    key = jax.random.key(seed)
    k_idx, k_w = jax.random.split(key)
    indices = jax.random.randint(k_idx, (BATCH, N_FIELDS), 0, NUM_EMBEDDINGS)
    embedding_weight = jax.random.normal(k_w, (NUM_EMBEDDINGS, EMBEDDING_DIM), dtype=jnp.float32) * 0.02
    return {"indices": indices, "embedding_weight": embedding_weight}


def reference(indices, embedding_weight):
    # Embedding lookup: gather rows of the table per index.
    out = jnp.take(embedding_weight, indices, axis=0)  # [BATCH, N_FIELDS, EMBEDDING_DIM]
    return out

if __name__ == "__main__":
    import jax
    _d = setup_inputs()
    print(jax.jit(kernel)(*tuple(_d.values())))

</pallas_src>

<mosaic_0001>
#map = affine_map<(d0, d1) -> (0)>
#map1 = affine_map<(d0, d1) -> (0, 0)>
#map2 = affine_map<(d0, d1) -> (0, 0, 0, 0, 0)>
module attributes {stable_mosaic.version = 14 : i64} {
  func.func @k(%arg0: i32, %arg1: i32, %arg2: memref<1638400xi32, #tpu.memory_space<hbm>>, %arg3: memref<1000000x32xf32, #tpu.memory_space<hbm>>, %arg4: memref<100x4x128x8x128xf32, #tpu.memory_space<hbm>>, %arg5: memref<51200xi32, #tpu.memory_space<vmem>>, %arg6: memref<2x1024x32xf32, #tpu.memory_space<vmem>>, %arg7: memref<2x4x8x128xf32, #tpu.memory_space<vmem>>, %arg8: memref<!tpu.dma_semaphore, #tpu.memory_space<semaphore_mem>>, %arg9: memref<!tpu.dma_semaphore, #tpu.memory_space<semaphore_mem>>, %arg10: memref<!tpu.dma_semaphore, #tpu.memory_space<semaphore_mem>>, %arg11: memref<!tpu.dma_semaphore, #tpu.memory_space<semaphore_mem>>) attributes {dimension_semantics = [#tpu.dimension_semantics<core_parallel>, #tpu.dimension_semantics<subcore_parallel>], iteration_bounds = array<i64: 2, 16>, scalar_prefetch = 0 : i64, scratch_operands = 7 : i64, tpu.core_type = #tpu.core_type<sc_vector_subcore>, window_params = [{transform_indices = #map}, {transform_indices = #map1}, {transform_indices = #map2}]} {
    %mul3A = arith.constant 2 : i32
    %mul3A_0 = arith.muli %arg1, %mul3A : i32
    %add3A = arith.addi %mul3A_0, %arg0 : i32
    %mul3A_1 = arith.constant 51200 : i32
    %mul3A_2 = arith.muli %add3A, %mul3A_1 : i32
    %mul3A_3 = arith.constant 400 : i32
    %mul3A_4 = arith.muli %add3A, %mul3A_3 : i32
    %iota3A = tpu.iota {dimensions = array<i32: 0>} : vector<16xi32>
    %shift_right_logical3A = arith.constant 3 : i32
    %shift_right_logical3A_5 = vector.broadcast %shift_right_logical3A : i32 to vector<16xi32>
    %shift_right_logical3A_6 = arith.shrui %iota3A, %shift_right_logical3A_5 : vector<16xi32>
    %add3A_7 = arith.constant 2 : i32
    %add3A_8 = vector.broadcast %add3A_7 : i32 to vector<16xi32>
    %add3A_9 = arith.addi %shift_right_logical3A_6, %add3A_8 : vector<16xi32>
    %and3A = arith.constant 7 : i32
    %and3A_10 = vector.broadcast %and3A : i32 to vector<16xi32>
    %and3A_11 = arith.andi %iota3A, %and3A_10 : vector<16xi32>
    "tpu.region"() ({
      %run_scoped3A = tpu.sem_alloc : memref<!tpu.dma_semaphore, #tpu.memory_space<semaphore_mem>>
      %dma_start3A_120 = tpu.memref_slice %arg2[%mul3A_2] : memref<1638400xi32, #tpu.memory_space<hbm>> -> memref<51200xi32, #tpu.memory_space<hbm>>
      %dma_start3A_121 = tpu.memref_slice %arg2[%mul3A_2] : memref<1638400xi32, #tpu.memory_space<hbm>> -> memref<51200xi32, #tpu.memory_space<hbm>>
      tpu.enqueue_dma source(%dma_start3A_121 : memref<51200xi32, #tpu.memory_space<hbm>>) target(%arg5 : memref<51200xi32, #tpu.memory_space<vmem>>) target_semaphore(%run_scoped3A : memref<!tpu.dma_semaphore, #tpu.memory_space<semaphore_mem>>)
      %dma_wait3A_122 = tpu.memref_slice %arg2[%mul3A_2] : memref<1638400xi32, #tpu.memory_space<hbm>> -> memref<51200xi32, #tpu.memory_space<hbm>>
      %dma_wait3A_123 = tpu.memref_slice %arg2[%mul3A_2] : memref<1638400xi32, #tpu.memory_space<hbm>> -> memref<51200xi32, #tpu.memory_space<hbm>>
      tpu.wait_dma2 semaphore(%run_scoped3A : memref<!tpu.dma_semaphore, #tpu.memory_space<semaphore_mem>>) src(%dma_wait3A_123 : memref<51200xi32, #tpu.memory_space<hbm>>) dst(%arg5 : memref<51200xi32, #tpu.memory_space<vmem>>)
      tpu.yield
    }) : () -> ()
    %dma_start3A = arith.constant 0 : i32
    %dma_start3A_12 = arith.constant 0 : i32
    %dma_start3A_13 = arith.constant 0 : i32
    %dma_start3A_14 = tpu.memref_slice %arg6[%dma_start3A, %dma_start3A_12, %dma_start3A_13] : memref<2x1024x32xf32, #tpu.memory_space<vmem>> -> memref<1x1024x32xf32, #tpu.memory_space<vmem>>
    %dma_start3A_15 = tpu.memref_squeeze %dma_start3A_14 : memref<1x1024x32xf32, #tpu.memory_space<vmem>> -> memref<1024x32xf32, #tpu.memory_space<vmem>>
    %dma_start3A_16 = arith.constant 0 : i32
    %dma_start3A_17 = tpu.memref_slice %arg5[%dma_start3A_16] : memref<51200xi32, #tpu.memory_space<vmem>> -> memref<1024xi32, #tpu.memory_space<vmem>>
    %dma_start3A_18 = arith.constant 0 : i32
    %dma_start3A_19 = arith.constant 0 : i32
    %dma_start3A_20 = tpu.memref_slice %arg3[%dma_start3A_18, %dma_start3A_19] : memref<1000000x32xf32, #tpu.memory_space<hbm>> -> memref<1000000x32xf32, #tpu.memory_space<hbm>>
    tpu.enqueue_indirect_dma source(%dma_start3A_20 : memref<1000000x32xf32, #tpu.memory_space<hbm>>) target(%dma_start3A_15 : memref<1024x32xf32, #tpu.memory_space<vmem>>) offsets(%dma_start3A_17 : memref<1024xi32, #tpu.memory_space<vmem>>) semaphore(%arg8 : memref<!tpu.dma_semaphore, #tpu.memory_space<semaphore_mem>>)
    %scan3A = arith.constant 0 : i32
    %scan3A_21 = arith.constant 0 : i32
    %scan3A_22 = arith.constant 25 : i32
    %scan3A_23 = arith.addi %scan3A_21, %scan3A_22 : i32
    %scan3A_24 = arith.constant 1 : i32
    scf.for %scan3A_120 = %scan3A_21 to %scan3A_23 step %scan3A_24  : i32 {
      %mul3A_121 = arith.constant 2 : i32
      %mul3A_122 = arith.muli %scan3A_120, %mul3A_121 : i32
      %add3A_123 = arith.constant 0 : i32
      %add3A_124 = arith.addi %mul3A_122, %add3A_123 : i32
      %dma_wait3A_125 = arith.constant 0 : i32
      %dma_wait3A_126 = arith.constant 0 : i32
      %dma_wait3A_127 = arith.constant 0 : i32
      %dma_wait3A_128 = tpu.memref_slice %arg6[%dma_wait3A_125, %dma_wait3A_126, %dma_wait3A_127] : memref<2x1024x32xf32, #tpu.memory_space<vmem>> -> memref<1x1024x32xf32, #tpu.memory_space<vmem>>
      %dma_wait3A_129 = tpu.memref_squeeze %dma_wait3A_128 : memref<1x1024x32xf32, #tpu.memory_space<vmem>> -> memref<1024x32xf32, #tpu.memory_space<vmem>>
      %dma_wait3A_130 = arith.constant 0 : i32
      %dma_wait3A_131 = tpu.memref_slice %arg5[%dma_wait3A_130] : memref<51200xi32, #tpu.memory_space<vmem>> -> memref<1024xi32, #tpu.memory_space<vmem>>
      %dma_wait3A_132 = arith.constant 0 : i32
      %dma_wait3A_133 = arith.constant 0 : i32
      %dma_wait3A_134 = tpu.memref_slice %arg3[%dma_wait3A_132, %dma_wait3A_133] : memref<1000000x32xf32, #tpu.memory_space<hbm>> -> memref<1000000x32xf32, #tpu.memory_space<hbm>>
      tpu.wait_indirect_dma semaphore(%arg8 : memref<!tpu.dma_semaphore, #tpu.memory_space<semaphore_mem>>) src(%dma_wait3A_134 : memref<1000000x32xf32, #tpu.memory_space<hbm>>) dst(%dma_wait3A_129 : memref<1024x32xf32, #tpu.memory_space<vmem>>)
      %add3A_135 = arith.constant 1 : i32
      %add3A_136 = arith.addi %add3A_124, %add3A_135 : i32
      %lt3A = arith.constant 50 : i32
      %lt3A_137 = arith.cmpi slt, %add3A_136, %lt3A : i32
      %convert_element_type3A = arith.extui %lt3A_137 : i1 to i32
      %cond3A = arith.constant 0 : i32
      %cond3A_138 = arith.cmpi ne, %convert_element_type3A, %cond3A : i32
      scf.if %cond3A_138 {
        %add3A_1167 = arith.constant 1 : i32
        %add3A_1168 = arith.addi %add3A_124, %add3A_1167 : i32
        %mul3A_1169 = arith.constant 1024 : i32
        %mul3A_1170 = arith.muli %add3A_1168, %mul3A_1169 : i32
        %dma_start3A_1171 = arith.constant 1 : i32
        %dma_start3A_1172 = arith.constant 0 : i32
        %dma_start3A_1173 = arith.constant 0 : i32
        %dma_start3A_1174 = tpu.memref_slice %arg6[%dma_start3A_1171, %dma_start3A_1172, %dma_start3A_1173] : memref<2x1024x32xf32, #tpu.memory_space<vmem>> -> memref<1x1024x32xf32, #tpu.memory_space<vmem>>
        %dma_start3A_1175 = tpu.memref_squeeze %dma_start3A_1174 : memref<1x1024x32xf32, #tpu.memory_space<vmem>> -> memref<1024x32xf32, #tpu.memory_space<vmem>>
        %dma_start3A_1176 = tpu.memref_slice %arg5[%mul3A_1170] : memref<51200xi32, #tpu.memory_space<vmem>> -> memref<1024xi32, #tpu.memory_space<vmem>>
        %dma_start3A_1177 = arith.constant 0 : i32
        %dma_start3A_1178 = arith.constant 0 : i32
        %dma_start3A_1179 = tpu.memref_slice %arg3[%dma_start3A_1177, %dma_start3A_1178] : memref<1000000x32xf32, #tpu.memory_space<hbm>> -> memref<1000000x32xf32, #tpu.memory_space<hbm>>
        tpu.enqueue_indirect_dma source(%dma_start3A_1179 : memref<1000000x32xf32, #tpu.memory_space<hbm>>) target(%dma_start3A_1175 : memref<1024x32xf32, #tpu.memory_space<vmem>>) offsets(%dma_start3A_1176 : memref<1024xi32, #tpu.memory_space<vmem>>) semaphore(%arg9 : memref<!tpu.dma_semaphore, #tpu.memory_space<semaphore_mem>>)
      } else {
      }
      %mul3A_139 = arith.constant 8 : i32
      %mul3A_140 = arith.muli %add3A_124, %mul3A_139 : i32
      %add3A_141 = arith.constant 0 : i32
      %add3A_142 = arith.addi %mul3A_140, %add3A_141 : i32
      %ge3A = arith.constant 2 : i32
      %ge3A_143 = arith.cmpi sge, %add3A_142, %ge3A : i32
      %convert_element_type3A_144 = arith.extui %ge3A_143 : i1 to i32
      %cond3A_145 = arith.constant 0 : i32
      %cond3A_146 = arith.cmpi ne, %convert_element_type3A_144, %cond3A_145 : i32
      scf.if %cond3A_146 {
        %add3A_1167 = arith.addi %mul3A_4, %add3A_142 : i32
        %sub3A_1168 = arith.constant 2 : i32
        %sub3A_1169 = arith.subi %add3A_1167, %sub3A_1168 : i32
        %jit3A_1170 = arith.constant 128 : i32
        %div3A_1171 = arith.divsi %sub3A_1169, %jit3A_1170 : i32
        %sign3A_1172 = arith.constant 0 : i32
        %sign3A_1173 = arith.cmpi sgt, %sub3A_1169, %sign3A_1172 : i32
        %sign3A_1174 = arith.extui %sign3A_1173 : i1 to i32
        %sign3A_1175 = arith.constant 0 : i32
        %sign3A_1176 = arith.cmpi slt, %sub3A_1169, %sign3A_1175 : i32
        %sign3A_1177 = arith.extui %sign3A_1176 : i1 to i32
        %sign3A_1178 = arith.subi %sign3A_1174, %sign3A_1177 : i32
        %sign3A_1179 = arith.constant 0 : i32
        %sign3A_1180 = arith.cmpi sgt, %jit3A_1170, %sign3A_1179 : i32
        %sign3A_1181 = arith.extui %sign3A_1180 : i1 to i32
        %sign3A_1182 = arith.constant 0 : i32
        %sign3A_1183 = arith.cmpi slt, %jit3A_1170, %sign3A_1182 : i32
        %sign3A_1184 = arith.extui %sign3A_1183 : i1 to i32
        %sign3A_1185 = arith.subi %sign3A_1181, %sign3A_1184 : i32
        %ne3A_1186 = arith.cmpi ne, %sign3A_1178, %sign3A_1185 : i32
        %rem3A_1187 = arith.remsi %sub3A_1169, %jit3A_1170 : i32
        %ne3A_1188 = arith.constant 0 : i32
        %ne3A_1189 = arith.cmpi ne, %rem3A_1187, %ne3A_1188 : i32
        %and3A_1190 = arith.andi %ne3A_1186, %ne3A_1189 : i1
        %sub3A_1191 = arith.constant 1 : i32
        %sub3A_1192 = arith.subi %div3A_1171, %sub3A_1191 : i32
        %select_n3A_1193 = arith.select %and3A_1190, %sub3A_1192, %div3A_1171 : i32
        %rem3A_1194 = arith.constant 128 : i32
        %rem3A_1195 = arith.remsi %sub3A_1169, %rem3A_1194 : i32
        %dma_wait3A_1196 = arith.constant 0 : i32
        %dma_wait3A_1197 = arith.constant 0 : i32
        %dma_wait3A_1198 = arith.constant 0 : i32
        %dma_wait3A_1199 = arith.constant 0 : i32
        %dma_wait3A_1200 = tpu.memref_slice %arg7[%dma_wait3A_1196, %dma_wait3A_1197, %dma_wait3A_1198, %dma_wait3A_1199] : memref<2x4x8x128xf32, #tpu.memory_space<vmem>> -> memref<1x4x8x128xf32, #tpu.memory_space<vmem>>
        %dma_wait3A_1201 = tpu.memref_squeeze %dma_wait3A_1200 : memref<1x4x8x128xf32, #tpu.memory_space<vmem>> -> memref<4x8x128xf32, #tpu.memory_space<vmem>>
        %dma_wait3A_1202 = arith.constant 0 : i32
        %dma_wait3A_1203 = arith.constant 0 : i32
        %dma_wait3A_1204 = arith.constant 0 : i32
        %dma_wait3A_1205 = tpu.memref_slice %arg4[%select_n3A_1193, %dma_wait3A_1202, %rem3A_1195, %dma_wait3A_1203, %dma_wait3A_1204] : memref<100x4x128x8x128xf32, #tpu.memory_space<hbm>> -> memref<1x4x1x8x128xf32, #tpu.memory_space<hbm>>
        %dma_wait3A_1206 = tpu.memref_squeeze %dma_wait3A_1205 : memref<1x4x1x8x128xf32, #tpu.memory_space<hbm>> -> memref<4x8x128xf32, #tpu.memory_space<hbm>>
        %dma_wait3A_1207 = arith.constant 0 : i32
        %dma_wait3A_1208 = arith.constant 0 : i32
        %dma_wait3A_1209 = arith.constant 0 : i32
        %dma_wait3A_1210 = tpu.memref_slice %arg4[%select_n3A_1193, %dma_wait3A_1207, %rem3A_1195, %dma_wait3A_1208, %dma_wait3A_1209] : memref<100x4x128x8x128xf32, #tpu.memory_space<hbm>> -> memref<1x4x1x8x128xf32, #tpu.memory_space<hbm>>
        %dma_wait3A_1211 = tpu.memref_squeeze %dma_wait3A_1210 : memref<1x4x1x8x128xf32, #tpu.memory_space<hbm>> -> memref<4x8x128xf32, #tpu.memory_space<hbm>>
        %dma_wait3A_1212 = arith.constant 0 : i32
        %dma_wait3A_1213 = arith.constant 0 : i32
        %dma_wait3A_1214 = arith.constant 0 : i32
        %dma_wait3A_1215 = tpu.memref_slice %arg7[%dma_wait3A_1196, %dma_wait3A_1212, %dma_wait3A_1213, %dma_wait3A_1214] : memref<2x4x8x128xf32, #tpu.memory_space<vmem>> -> memref<1x4x8x128xf32, #tpu.memory_space<vmem>>
        %dma_wait3A_1216 = tpu.memref_squeeze %dma_wait3A_1215 : memref<1x4x8x128xf32, #tpu.memory_space<vmem>> -> memref<4x8x128xf32, #tpu.memory_space<vmem>>
        tpu.wait_dma2 semaphore(%arg10 : memref<!tpu.dma_semaphore, #tpu.memory_space<semaphore_mem>>) src(%dma_wait3A_1216 : memref<4x8x128xf32, #tpu.memory_space<vmem>>) dst(%dma_wait3A_1211 : memref<4x8x128xf32, #tpu.memory_space<hbm>>)
      } else {
      }
      %scan3A_147 = arith.constant 0 : i32
      %scan3A_148 = arith.constant 0 : i32
      %scan3A_149 = arith.constant 128 : i32
      %scan3A_150 = arith.addi %scan3A_148, %scan3A_149 : i32
      %scan3A_151 = arith.constant 4 : i32
      scf.for %scan3A_1167 = %scan3A_148 to %scan3A_150 step %scan3A_151  : i32 {
        %broadcast_in_dim3A = vector.broadcast %scan3A_1167 : i32 to vector<16xi32>
        %add3A_1168 = arith.constant 0 : i32
        %add3A_1169 = arith.addi %add3A_1168, %scan3A_1167 : i32
        %get3A = arith.constant 0 : i32
        %get3A_1170 = arith.index_cast %get3A : i32 to index
        %get3A_1171 = arith.index_cast %add3A_1169 : i32 to index
        %get3A_1172 = arith.constant 0 : index
        %get3A_1173 = tpu.vector_load %arg6[%get3A_1170, %get3A_1171, %get3A_1172] {strides = array<i32>} : memref<2x1024x32xf32, #tpu.memory_space<vmem>>, vector<16xf32>,
        %scatter3A = arith.constant 0 : i32
        %scatter3A_1174 = arith.constant 0 : i32
        %scatter3A_1175 = arith.constant 0 : i32
        %scatter3A_1176 = arith.constant 0 : i32
        %scatter3A_1177 = tpu.memref_slice %arg7[%scatter3A, %scatter3A_1174, %scatter3A_1175, %scatter3A_1176] : memref<2x4x8x128xf32, #tpu.memory_space<vmem>> -> memref<1x4x8x128xf32, #tpu.memory_space<vmem>>
        %scatter3A_1178 = tpu.memref_squeeze %scatter3A_1177 : memref<1x4x8x128xf32, #tpu.memory_space<vmem>> -> memref<4x8x128xf32, #tpu.memory_space<vmem>>
        tpu.vector_store_idx %scatter3A_1178[%shift_right_logical3A_6, %and3A_11, %broadcast_in_dim3A], %get3A_1173 : memref<4x8x128xf32, #tpu.memory_space<vmem>>[vector<16xi32>, vector<16xi32>, vector<16xi32>], vector<16xf32>,
        %add3A_1179 = arith.constant 0 : i32
        %add3A_1180 = arith.addi %add3A_1179, %scan3A_1167 : i32
        %get3A_1181 = arith.constant 0 : i32
        %get3A_1182 = arith.index_cast %get3A_1181 : i32 to index
        %get3A_1183 = arith.index_cast %add3A_1180 : i32 to index
        %get3A_1184 = arith.constant 16 : index
        %get3A_1185 = tpu.vector_load %arg6[%get3A_1182, %get3A_1183, %get3A_1184] {strides = array<i32>} : memref<2x1024x32xf32, #tpu.memory_space<vmem>>, vector<16xf32>,
        %scatter3A_1186 = arith.constant 0 : i32
        %scatter3A_1187 = arith.constant 0 : i32
        %scatter3A_1188 = arith.constant 0 : i32
        %scatter3A_1189 = arith.constant 0 : i32
        %scatter3A_1190 = tpu.memref_slice %arg7[%scatter3A_1186, %scatter3A_1187, %scatter3A_1188, %scatter3A_1189] : memref<2x4x8x128xf32, #tpu.memory_space<vmem>> -> memref<1x4x8x128xf32, #tpu.memory_space<vmem>>
        %scatter3A_1191 = tpu.memref_squeeze %scatter3A_1190 : memref<1x4x8x128xf32, #tpu.memory_space<vmem>> -> memref<4x8x128xf32, #tpu.memory_space<vmem>>
        tpu.vector_store_idx %scatter3A_1191[%add3A_9, %and3A_11, %broadcast_in_dim3A], %get3A_1185 : memref<4x8x128xf32, #tpu.memory_space<vmem>>[vector<16xi32>, vector<16xi32>, vector<16xi32>], vector<16xf32>,
        %scan3A_1192 = arith.constant 1 : i32
        %scan3A_1193 = arith.addi %scan3A_1167, %scan3A_1192 : i32
        %broadcast_in_dim3A_1194 = vector.broadcast %scan3A_1193 : i32 to vector<16xi32>
        %add3A_1195 = arith.constant 0 : i32
        %add3A_1196 = arith.addi %add3A_1195, %scan3A_1193 : i32
        %get3A_1197 = arith.constant 0 : i32
        %get3A_1198 = arith.index_cast %get3A_1197 : i32 to index
        %get3A_1199 = arith.index_cast %add3A_1196 : i32 to index
        %get3A_1200 = arith.constant 0 : index
        %get3A_1201 = tpu.vector_load %arg6[%get3A_1198, %get3A_1199, %get3A_1200] {strides = array<i32>} : memref<2x1024x32xf32, #tpu.memory_space<vmem>>, vector<16xf32>,
        %scatter3A_1202 = arith.constant 0 : i32
        %scatter3A_1203 = arith.constant 0 : i32
        %scatter3A_1204 = arith.constant 0 : i32
        %scatter3A_1205 = arith.constant 0 : i32
        %scatter3A_1206 = tpu.memref_slice %arg7[%scatter3A_1202, %scatter3A_1203, %scatter3A_1204, %scatter3A_1205] : memref<2x4x8x128xf32, #tpu.memory_space<vmem>> -> memref<1x4x8x128xf32, #tpu.memory_space<vmem>>
        %scatter3A_1207 = tpu.memref_squeeze %scatter3A_1206 : memref<1x4x8x128xf32, #tpu.memory_space<vmem>> -> memref<4x8x128xf32, #tpu.memory_space<vmem>>
        tpu.vector_store_idx %scatter3A_1207[%shift_right_logical3A_6, %and3A_11, %broadcast_in_dim3A_1194], %get3A_1201 : memref<4x8x128xf32, #tpu.memory_space<vmem>>[vector<16xi32>, vector<16xi32>, vector<16xi32>], vector<16xf32>,
        %add3A_1208 = arith.constant 0 : i32
        %add3A_1209 = arith.addi %add3A_1208, %scan3A_1193 : i32
        %get3A_1210 = arith.constant 0 : i32
        %get3A_1211 = arith.index_cast %get3A_1210 : i32 to index
        %get3A_1212 = arith.index_cast %add3A_1209 : i32 to index
        %get3A_1213 = arith.constant 16 : index
        %get3A_1214 = tpu.vector_load %arg6[%get3A_1211, %get3A_1212, %get3A_1213] {strides = array<i32>} : memref<2x1024x32xf32, #tpu.memory_space<vmem>>, vector<16xf32>,
        %scatter3A_1215 = arith.constant 0 : i32
        %scatter3A_1216 = arith.constant 0 : i32
        %scatter3A_1217 = arith.constant 0 : i32
        %scatter3A_1218 = arith.constant 0 : i32
        %scatter3A_1219 = tpu.memref_slice %arg7[%scatter3A_1215, %scatter3A_1216, %scatter3A_1217, %scatter3A_1218] : memref<2x4x8x128xf32, #tpu.memory_space<vmem>> -> memref<1x4x8x128xf32, #tpu.memory_space<vmem>>
        %scatter3A_1220 = tpu.memref_squeeze %scatter3A_1219 : memref<1x4x8x128xf32, #tpu.memory_space<vmem>> -> memref<4x8x128xf32, #tpu.memory_space<vmem>>
        tpu.vector_store_idx %scatter3A_1220[%add3A_9, %and3A_11, %broadcast_in_dim3A_1194], %get3A_1214 : memref<4x8x128xf32, #tpu.memory_space<vmem>>[vector<16xi32>, vector<16xi32>, vector<16xi32>], vector<16xf32>,
        %scan3A_1221 = arith.constant 2 : i32
        %scan3A_1222 = arith.addi %scan3A_1167, %scan3A_1221 : i32
        %broadcast_in_dim3A_1223 = vector.broadcast %scan3A_1222 : i32 to vector<16xi32>
        %add3A_1224 = arith.constant 0 : i32
        %add3A_1225 = arith.addi %add3A_1224, %scan3A_1222 : i32
        %get3A_1226 = arith.constant 0 : i32
        %get3A_1227 = arith.index_cast %get3A_1226 : i32 to index
        %get3A_1228 = arith.index_cast %add3A_1225 : i32 to index
        %get3A_1229 = arith.constant 0 : index
        %get3A_1230 = tpu.vector_load %arg6[%get3A_1227, %get3A_1228, %get3A_1229] {strides = array<i32>} : memref<2x1024x32xf32, #tpu.memory_space<vmem>>, vector<16xf32>,
        %scatter3A_1231 = arith.constant 0 : i32
        %scatter3A_1232 = arith.constant 0 : i32
        %scatter3A_1233 = arith.constant 0 : i32
        %scatter3A_1234 = arith.constant 0 : i32
        %scatter3A_1235 = tpu.memref_slice %arg7[%scatter3A_1231, %scatter3A_1232, %scatter3A_1233, %scatter3A_1234] : memref<2x4x8x128xf32, #tpu.memory_space<vmem>> -> memref<1x4x8x128xf32, #tpu.memory_space<vmem>>
        %scatter3A_1236 = tpu.memref_squeeze %scatter3A_1235 : memref<1x4x8x128xf32, #tpu.memory_space<vmem>> -> memref<4x8x128xf32, #tpu.memory_space<vmem>>
        tpu.vector_store_idx %scatter3A_1236[%shift_right_logical3A_6, %and3A_11, %broadcast_in_dim3A_1223], %get3A_1230 : memref<4x8x128xf32, #tpu.memory_space<vmem>>[vector<16xi32>, vector<16xi32>, vector<16xi32>], vector<16xf32>,
        %add3A_1237 = arith.constant 0 : i32
        %add3A_1238 = arith.addi %add3A_1237, %scan3A_1222 : i32
        %get3A_1239 = arith.constant 0 : i32
        %get3A_1240 = arith.index_cast %get3A_1239 : i32 to index
        %get3A_1241 = arith.index_cast %add3A_1238 : i32 to index
        %get3A_1242 = arith.constant 16 : index
        %get3A_1243 = tpu.vector_load %arg6[%get3A_1240, %get3A_1241, %get3A_1242] {strides = array<i32>} : memref<2x1024x32xf32, #tpu.memory_space<vmem>>, vector<16xf32>,
        %scatter3A_1244 = arith.constant 0 : i32
        %scatter3A_1245 = arith.constant 0 : i32
        %scatter3A_1246 = arith.constant 0 : i32
        %scatter3A_1247 = arith.constant 0 : i32
        %scatter3A_1248 = tpu.memref_slice %arg7[%scatter3A_1244, %scatter3A_1245, %scatter3A_1246, %scatter3A_1247] : memref<2x4x8x128xf32, #tpu.memory_space<vmem>> -> memref<1x4x8x128xf32, #tpu.memory_space<vmem>>
        %scatter3A_1249 = tpu.memref_squeeze %scatter3A_1248 : memref<1x4x8x128xf32, #tpu.memory_space<vmem>> -> memref<4x8x128xf32, #tpu.memory_space<vmem>>
        tpu.vector_store_idx %scatter3A_1249[%add3A_9, %and3A_11, %broadcast_in_dim3A_1223], %get3A_1243 : memref<4x8x128xf32, #tpu.memory_space<vmem>>[vector<16xi32>, vector<16xi32>, vector<16xi32>], vector<16xf32>,
        %scan3A_1250 = arith.constant 3 : i32
        %scan3A_1251 = arith.addi %scan3A_1167, %scan3A_1250 : i32
        %broadcast_in_dim3A_1252 = vector.broadcast %scan3A_1251 : i32 to vector<16xi32>
        %add3A_1253 = arith.constant 0 : i32
        %add3A_1254 = arith.addi %add3A_1253, %scan3A_1251 : i32
        %get3A_1255 = arith.constant 0 : i32
        %get3A_1256 = arith.index_cast %get3A_1255 : i32 to index
        %get3A_1257 = arith.index_cast %add3A_1254 : i32 to index
        %get3A_1258 = arith.constant 0 : index
        %get3A_1259 = tpu.vector_load %arg6[%get3A_1256, %get3A_1257, %get3A_1258] {strides = array<i32>} : memref<2x1024x32xf32, #tpu.memory_space<vmem>>, vector<16xf32>,
        %scatter3A_1260 = arith.constant 0 : i32
        %scatter3A_1261 = arith.constant 0 : i32
        %scatter3A_1262 = arith.constant 0 : i32
        %scatter3A_1263 = arith.constant 0 : i32
        %scatter3A_1264 = tpu.memref_slice %arg7[%scatter3A_1260, %scatter3A_1261, %scatter3A_1262, %scatter3A_1263] : memref<2x4x8x128xf32, #tpu.memory_space<vmem>> -> memref<1x4x8x128xf32, #tpu.memory_space<vmem>>
        %scatter3A_1265 = tpu.memref_squeeze %scatter3A_1264 : memref<1x4x8x128xf32, #tpu.memory_space<vmem>> -> memref<4x8x128xf32, #tpu.memory_space<vmem>>
        tpu.vector_store_idx %scatter3A_1265[%shift_right_logical3A_6, %and3A_11, %broadcast_in_dim3A_1252], %get3A_1259 : memref<4x8x128xf32, #tpu.memory_space<vmem>>[vector<16xi32>, vector<16xi32>, vector<16xi32>], vector<16xf32>,
        %add3A_1266 = arith.constant 0 : i32
        %add3A_1267 = arith.addi %add3A_1266, %scan3A_1251 : i32
        %get3A_1268 = arith.constant 0 : i32
        %get3A_1269 = arith.index_cast %get3A_1268 : i32 to index
        %get3A_1270 = arith.index_cast %add3A_1267 : i32 to index
        %get3A_1271 = arith.constant 16 : index
        %get3A_1272 = tpu.vector_load %arg6[%get3A_1269, %get3A_1270, %get3A_1271] {strides = array<i32>} : memref<2x1024x32xf32, #tpu.memory_space<vmem>>, vector<16xf32>,
        %scatter3A_1273 = arith.constant 0 : i32
        %scatter3A_1274 = arith.constant 0 : i32
        %scatter3A_1275 = arith.constant 0 : i32
        %scatter3A_1276 = arith.constant 0 : i32
        %scatter3A_1277 = tpu.memref_slice %arg7[%scatter3A_1273, %scatter3A_1274, %scatter3A_1275, %scatter3A_1276] : memref<2x4x8x128xf32, #tpu.memory_space<vmem>> -> memref<1x4x8x128xf32, #tpu.memory_space<vmem>>
        %scatter3A_1278 = tpu.memref_squeeze %scatter3A_1277 : memref<1x4x8x128xf32, #tpu.memory_space<vmem>> -> memref<4x8x128xf32, #tpu.memory_space<vmem>>
        tpu.vector_store_idx %scatter3A_1278[%add3A_9, %and3A_11, %broadcast_in_dim3A_1252], %get3A_1272 : memref<4x8x128xf32, #tpu.memory_space<vmem>>[vector<16xi32>, vector<16xi32>, vector<16xi32>], vector<16xf32>,
      }
      %scan3A_152 = arith.constant 128 : i32
      %add3A_153 = arith.addi %mul3A_4, %add3A_142 : i32
      %jit3A_154 = arith.constant 128 : i32
      %div3A_155 = arith.divsi %add3A_153, %jit3A_154 : i32
      %sign3A_156 = arith.constant 0 : i32
      %sign3A_157 = arith.cmpi sgt, %add3A_153, %sign3A_156 : i32
      %sign3A_158 = arith.extui %sign3A_157 : i1 to i32
      %sign3A_159 = arith.constant 0 : i32
      %sign3A_160 = arith.cmpi slt, %add3A_153, %sign3A_159 : i32
      %sign3A_161 = arith.extui %sign3A_160 : i1 to i32
      %sign3A_162 = arith.subi %sign3A_158, %sign3A_161 : i32
      %sign3A_163 = arith.constant 0 : i32
      %sign3A_164 = arith.cmpi sgt, %jit3A_154, %sign3A_163 : i32
      %sign3A_165 = arith.extui %sign3A_164 : i1 to i32
      %sign3A_166 = arith.constant 0 : i32
      %sign3A_167 = arith.cmpi slt, %jit3A_154, %sign3A_166 : i32
      %sign3A_168 = arith.extui %sign3A_167 : i1 to i32
      %sign3A_169 = arith.subi %sign3A_165, %sign3A_168 : i32
      %ne3A_170 = arith.cmpi ne, %sign3A_162, %sign3A_169 : i32
      %rem3A_171 = arith.remsi %add3A_153, %jit3A_154 : i32
      %ne3A_172 = arith.constant 0 : i32
      %ne3A_173 = arith.cmpi ne, %rem3A_171, %ne3A_172 : i32
      %and3A_174 = arith.andi %ne3A_170, %ne3A_173 : i1
      %sub3A_175 = arith.constant 1 : i32
      %sub3A_176 = arith.subi %div3A_155, %sub3A_175 : i32
      %select_n3A_177 = arith.select %and3A_174, %sub3A_176, %div3A_155 : i32
      %rem3A_178 = arith.constant 128 : i32
      %rem3A_179 = arith.remsi %add3A_153, %rem3A_178 : i32
      %dma_start3A_180 = arith.constant 0 : i32
      %dma_start3A_181 = arith.constant 0 : i32
      %dma_start3A_182 = arith.constant 0 : i32
      %dma_start3A_183 = arith.constant 0 : i32
      %dma_start3A_184 = tpu.memref_slice %arg7[%dma_start3A_180, %dma_start3A_181, %dma_start3A_182, %dma_start3A_183] : memref<2x4x8x128xf32, #tpu.memory_space<vmem>> -> memref<1x4x8x128xf32, #tpu.memory_space<vmem>>
      %dma_start3A_185 = tpu.memref_squeeze %dma_start3A_184 : memref<1x4x8x128xf32, #tpu.memory_space<vmem>> -> memref<4x8x128xf32, #tpu.memory_space<vmem>>
      %dma_start3A_186 = arith.constant 0 : i32
      %dma_start3A_187 = arith.constant 0 : i32
      %dma_start3A_188 = arith.constant 0 : i32
      %dma_start3A_189 = tpu.memref_slice %arg4[%select_n3A_177, %dma_start3A_186, %rem3A_179, %dma_start3A_187, %dma_start3A_188] : memref<100x4x128x8x128xf32, #tpu.memory_space<hbm>> -> memref<1x4x1x8x128xf32, #tpu.memory_space<hbm>>
      %dma_start3A_190 = tpu.memref_squeeze %dma_start3A_189 : memref<1x4x1x8x128xf32, #tpu.memory_space<hbm>> -> memref<4x8x128xf32, #tpu.memory_space<hbm>>
      %dma_start3A_191 = arith.constant 0 : i32
      %dma_start3A_192 = arith.constant 0 : i32
      %dma_start3A_193 = arith.constant 0 : i32
      %dma_start3A_194 = tpu.memref_slice %arg4[%select_n3A_177, %dma_start3A_191, %rem3A_179, %dma_start3A_192, %dma_start3A_193] : memref<100x4x128x8x128xf32, #tpu.memory_space<hbm>> -> memref<1x4x1x8x128xf32, #tpu.memory_space<hbm>>
      %dma_start3A_195 = tpu.memref_squeeze %dma_start3A_194 : memref<1x4x1x8x128xf32, #tpu.memory_space<hbm>> -> memref<4x8x128xf32, #tpu.memory_space<hbm>>
      %dma_start3A_196 = arith.constant 0 : i32
      %dma_start3A_197 = arith.constant 0 : i32
      %dma_start3A_198 = arith.constant 0 : i32
      %dma_start3A_199 = tpu.memref_slice %arg7[%dma_start3A_180, %dma_start3A_196, %dma_start3A_197, %dma_start3A_198] : memref<2x4x8x128xf32, #tpu.memory_space<vmem>> -> memref<1x4x8x128xf32, #tpu.memory_space<vmem>>
      %dma_start3A_200 = tpu.memref_squeeze %dma_start3A_199 : memref<1x4x8x128xf32, #tpu.memory_space<vmem>> -> memref<4x8x128xf32, #tpu.memory_space<vmem>>
      tpu.enqueue_dma source(%dma_start3A_200 : memref<4x8x128xf32, #tpu.memory_space<vmem>>) target(%dma_start3A_195 : memref<4x8x128xf32, #tpu.memory_space<hbm>>) target_semaphore(%arg10 : memref<!tpu.dma_semaphore, #tpu.memory_space<semaphore_mem>>)
      %mul3A_201 = arith.constant 8 : i32
      %mul3A_202 = arith.muli %add3A_124, %mul3A_201 : i32
      %add3A_203 = arith.constant 1 : i32
      %add3A_204 = arith.addi %mul3A_202, %add3A_203 : i32
      %ge3A_205 = arith.constant 2 : i32
      %ge3A_206 = arith.cmpi sge, %add3A_204, %ge3A_205 : i32
      %convert_element_type3A_207 = arith.extui %ge3A_206 : i1 to i32
      %cond3A_208 = arith.constant 0 : i32
      %cond3A_209 = arith.cmpi ne, %convert_element_type3A_207, %cond3A_208 : i32
      scf.if %cond3A_209 {
        %add3A_1167 = arith.addi %mul3A_4, %add3A_204 : i32
        %sub3A_1168 = arith.constant 2 : i32
        %sub3A_1169 = arith.subi %add3A_1167, %sub3A_1168 : i32
        %jit3A_1170 = arith.constant 128 : i32
        %div3A_1171 = arith.divsi %sub3A_1169, %jit3A_1170 : i32
        %sign3A_1172 = arith.constant 0 : i32
        %sign3A_1173 = arith.cmpi sgt, %sub3A_1169, %sign3A_1172 : i32
        %sign3A_1174 = arith.extui %sign3A_1173 : i1 to i32
        %sign3A_1175 = arith.constant 0 : i32
        %sign3A_1176 = arith.cmpi slt, %sub3A_1169, %sign3A_1175 : i32
        %sign3A_1177 = arith.extui %sign3A_1176 : i1 to i32
        %sign3A_1178 = arith.subi %sign3A_1174, %sign3A_1177 : i32
        %sign3A_1179 = arith.constant 0 : i32
        %sign3A_1180 = arith.cmpi sgt, %jit3A_1170, %sign3A_1179 : i32
        %sign3A_1181 = arith.extui %sign3A_1180 : i1 to i32
        %sign3A_1182 = arith.constant 0 : i32
        %sign3A_1183 = arith.cmpi slt, %jit3A_1170, %sign3A_1182 : i32
        %sign3A_1184 = arith.extui %sign3A_1183 : i1 to i32
        %sign3A_1185 = arith.subi %sign3A_1181, %sign3A_1184 : i32
        %ne3A_1186 = arith.cmpi ne, %sign3A_1178, %sign3A_1185 : i32
        %rem3A_1187 = arith.remsi %sub3A_1169, %jit3A_1170 : i32
        %ne3A_1188 = arith.constant 0 : i32
        %ne3A_1189 = arith.cmpi ne, %rem3A_1187, %ne3A_1188 : i32
        %and3A_1190 = arith.andi %ne3A_1186, %ne3A_1189 : i1
        %sub3A_1191 = arith.constant 1 : i32
        %sub3A_1192 = arith.subi %div3A_1171, %sub3A_1191 : i32
        %select_n3A_1193 = arith.select %and3A_1190, %sub3A_1192, %div3A_1171 : i32
        %rem3A_1194 = arith.constant 128 : i32
        %rem3A_1195 = arith.remsi %sub3A_1169, %rem3A_1194 : i32
        %dma_wait3A_1196 = arith.constant 1 : i32
        %dma_wait3A_1197 = arith.constant 0 : i32
        %dma_wait3A_1198 = arith.constant 0 : i32
        %dma_wait3A_1199 = arith.constant 0 : i32
        %dma_wait3A_1200 = tpu.memref_slice %arg7[%dma_wait3A_1196, %dma_wait3A_1197, %dma_wait3A_1198, %dma_wait3A_1199] : memref<2x4x8x128xf32, #tpu.memory_space<vmem>> -> memref<1x4x8x128xf32, #tpu.memory_space<vmem>>
        %dma_wait3A_1201 = tpu.memref_squeeze %dma_wait3A_1200 : memref<1x4x8x128xf32, #tpu.memory_space<vmem>> -> memref<4x8x128xf32, #tpu.memory_space<vmem>>
        %dma_wait3A_1202 = arith.constant 0 : i32
        %dma_wait3A_1203 = arith.constant 0 : i32
        %dma_wait3A_1204 = arith.constant 0 : i32
        %dma_wait3A_1205 = tpu.memref_slice %arg4[%select_n3A_1193, %dma_wait3A_1202, %rem3A_1195, %dma_wait3A_1203, %dma_wait3A_1204] : memref<100x4x128x8x128xf32, #tpu.memory_space<hbm>> -> memref<1x4x1x8x128xf32, #tpu.memory_space<hbm>>
        %dma_wait3A_1206 = tpu.memref_squeeze %dma_wait3A_1205 : memref<1x4x1x8x128xf32, #tpu.memory_space<hbm>> -> memref<4x8x128xf32, #tpu.memory_space<hbm>>
        %dma_wait3A_1207 = arith.constant 0 : i32
        %dma_wait3A_1208 = arith.constant 0 : i32
        %dma_wait3A_1209 = arith.constant 0 : i32
        %dma_wait3A_1210 = tpu.memref_slice %arg4[%select_n3A_1193, %dma_wait3A_1207, %rem3A_1195, %dma_wait3A_1208, %dma_wait3A_1209] : memref<100x4x128x8x128xf32, #tpu.memory_space<hbm>> -> memref<1x4x1x8x128xf32, #tpu.memory_space<hbm>>
        %dma_wait3A_1211 = tpu.memref_squeeze %dma_wait3A_1210 : memref<1x4x1x8x128xf32, #tpu.memory_space<hbm>> -> memref<4x8x128xf32, #tpu.memory_space<hbm>>
        %dma_wait3A_1212 = arith.constant 0 : i32
        %dma_wait3A_1213 = arith.constant 0 : i32
        %dma_wait3A_1214 = arith.constant 0 : i32
        %dma_wait3A_1215 = tpu.memref_slice %arg7[%dma_wait3A_1196, %dma_wait3A_1212, %dma_wait3A_1213, %dma_wait3A_1214] : memref<2x4x8x128xf32, #tpu.memory_space<vmem>> -> memref<1x4x8x128xf32, #tpu.memory_space<vmem>>
        %dma_wait3A_1216 = tpu.memref_squeeze %dma_wait3A_1215 : memref<1x4x8x128xf32, #tpu.memory_space<vmem>> -> memref<4x8x128xf32, #tpu.memory_space<vmem>>
        tpu.wait_dma2 semaphore(%arg11 : memref<!tpu.dma_semaphore, #tpu.memory_space<semaphore_mem>>) src(%dma_wait3A_1216 : memref<4x8x128xf32, #tpu.memory_space<vmem>>) dst(%dma_wait3A_1211 : memref<4x8x128xf32, #tpu.memory_space<hbm>>)
      } else {
      }
      %scan3A_210 = arith.constant 0 : i32
      %scan3A_211 = arith.constant 0 : i32
      %scan3A_212 = arith.constant 128 : i32
      %scan3A_213 = arith.addi %scan3A_211, %scan3A_212 : i32
      %scan3A_214 = arith.constant 4 : i32
      scf.for %scan3A_1167 = %scan3A_211 to %scan3A_213 step %scan3A_214  : i32 {
        %broadcast_in_dim3A = vector.broadcast %scan3A_1167 : i32 to vector<16xi32>
        %add3A_1168 = arith.constant 128 : i32
        %add3A_1169 = arith.addi %add3A_1168, %scan3A_1167 : i32
        %get3A = arith.constant 0 : i32
        %get3A_1170 = arith.index_cast %get3A : i32 to index
        %get3A_1171 = arith.index_cast %add3A_1169 : i32 to index
        %get3A_1172 = arith.constant 0 : index
        %get3A_1173 = tpu.vector_load %arg6[%get3A_1170, %get3A_1171, %get3A_1172] {strides = array<i32>} : memref<2x1024x32xf32, #tpu.memory_space<vmem>>, vector<16xf32>,
        %scatter3A = arith.constant 1 : i32
        %scatter3A_1174 = arith.constant 0 : i32
        %scatter3A_1175 = arith.constant 0 : i32
        %scatter3A_1176 = arith.constant 0 : i32
        %scatter3A_1177 = tpu.memref_slice %arg7[%scatter3A, %scatter3A_1174, %scatter3A_1175, %scatter3A_1176] : memref<2x4x8x128xf32, #tpu.memory_space<vmem>> -> memref<1x4x8x128xf32, #tpu.memory_space<vmem>>
        %scatter3A_1178 = tpu.memref_squeeze %scatter3A_1177 : memref<1x4x8x128xf32, #tpu.memory_space<vmem>> -> memref<4x8x128xf32, #tpu.memory_space<vmem>>
        tpu.vector_store_idx %scatter3A_1178[%shift_right_logical3A_6, %and3A_11, %broadcast_in_dim3A], %get3A_1173 : memref<4x8x128xf32, #tpu.memory_space<vmem>>[vector<16xi32>, vector<16xi32>, vector<16xi32>], vector<16xf32>,
        %add3A_1179 = arith.constant 128 : i32
        %add3A_1180 = arith.addi %add3A_1179, %scan3A_1167 : i32
        %get3A_1181 = arith.constant 0 : i32
        %get3A_1182 = arith.index_cast %get3A_1181 : i32 to index
        %get3A_1183 = arith.index_cast %add3A_1180 : i32 to index
        %get3A_1184 = arith.constant 16 : index
        %get3A_1185 = tpu.vector_load %arg6[%get3A_1182, %get3A_1183, %get3A_1184] {strides = array<i32>} : memref<2x1024x32xf32, #tpu.memory_space<vmem>>, vector<16xf32>,
        %scatter3A_1186 = arith.constant 1 : i32
        %scatter3A_1187 = arith.constant 0 : i32
        %scatter3A_1188 = arith.constant 0 : i32
        %scatter3A_1189 = arith.constant 0 : i32
        %scatter3A_1190 = tpu.memref_slice %arg7[%scatter3A_1186, %scatter3A_1187, %scatter3A_1188, %scatter3A_1189] : memref<2x4x8x128xf32, #tpu.memory_space<vmem>> -> memref<1x4x8x128xf32, #tpu.memory_space<vmem>>
        %scatter3A_1191 = tpu.memref_squeeze %scatter3A_1190 : memref<1x4x8x128xf32, #tpu.memory_space<vmem>> -> memref<4x8x128xf32, #tpu.memory_space<vmem>>
        tpu.vector_store_idx %scatter3A_1191[%add3A_9, %and3A_11, %broadcast_in_dim3A], %get3A_1185 : memref<4x8x128xf32, #tpu.memory_space<vmem>>[vector<16xi32>, vector<16xi32>, vector<16xi32>], vector<16xf32>,
        %scan3A_1192 = arith.constant 1 : i32
        %scan3A_1193 = arith.addi %scan3A_1167, %scan3A_1192 : i32
        %broadcast_in_dim3A_1194 = vector.broadcast %scan3A_1193 : i32 to vector<16xi32>
        %add3A_1195 = arith.constant 128 : i32
        %add3A_1196 = arith.addi %add3A_1195, %scan3A_1193 : i32
        %get3A_1197 = arith.constant 0 : i32
        %get3A_1198 = arith.index_cast %get3A_1197 : i32 to index
        %get3A_1199 = arith.index_cast %add3A_1196 : i32 to index
        %get3A_1200 = arith.constant 0 : index
        %get3A_1201 = tpu.vector_load %arg6[%get3A_1198, %get3A_1199, %get3A_1200] {strides = array<i32>} : memref<2x1024x32xf32, #tpu.memory_space<vmem>>, vector<16xf32>,
        %scatter3A_1202 = arith.constant 1 : i32
        %scatter3A_1203 = arith.constant 0 : i32
        %scatter3A_1204 = arith.constant 0 : i32
        %scatter3A_1205 = arith.constant 0 : i32
        %scatter3A_1206 = tpu.memref_slice %arg7[%scatter3A_1202, %scatter3A_1203, %scatter3A_1204, %scatter3A_1205] : memref<2x4x8x128xf32, #tpu.memory_space<vmem>> -> memref<1x4x8x128xf32, #tpu.memory_space<vmem>>
        %scatter3A_1207 = tpu.memref_squeeze %scatter3A_1206 : memref<1x4x8x128xf32, #tpu.memory_space<vmem>> -> memref<4x8x128xf32, #tpu.memory_space<vmem>>
        tpu.vector_store_idx %scatter3A_1207[%shift_right_logical3A_6, %and3A_11, %broadcast_in_dim3A_1194], %get3A_1201 : memref<4x8x128xf32, #tpu.memory_space<vmem>>[vector<16xi32>, vector<16xi32>, vector<16xi32>], vector<16xf32>,
        %add3A_1208 = arith.constant 128 : i32
        %add3A_1209 = arith.addi %add3A_1208, %scan3A_1193 : i32
        %get3A_1210 = arith.constant 0 : i32
        %get3A_1211 = arith.index_cast %get3A_1210 : i32 to index
        %get3A_1212 = arith.index_cast %add3A_1209 : i32 to index
        %get3A_1213 = arith.constant 16 : index
        %get3A_1214 = tpu.vector_load %arg6[%get3A_1211, %get3A_1212, %get3A_1213] {strides = array<i32>} : memref<2x1024x32xf32, #tpu.memory_space<vmem>>, vector<16xf32>,
        %scatter3A_1215 = arith.constant 1 : i32
        %scatter3A_1216 = arith.constant 0 : i32
        %scatter3A_1217 = arith.constant 0 : i32
        %scatter3A_1218 = arith.constant 0 : i32
        %scatter3A_1219 = tpu.memref_slice %arg7[%scatter3A_1215, %scatter3A_1216, %scatter3A_1217, %scatter3A_1218] : memref<2x4x8x128xf32, #tpu.memory_space<vmem>> -> memref<1x4x8x128xf32, #tpu.memory_space<vmem>>
        %scatter3A_1220 = tpu.memref_squeeze %scatter3A_1219 : memref<1x4x8x128xf32, #tpu.memory_space<vmem>> -> memref<4x8x128xf32, #tpu.memory_space<vmem>>
        tpu.vector_store_idx %scatter3A_1220[%add3A_9, %and3A_11, %broadcast_in_dim3A_1194], %get3A_1214 : memref<4x8x128xf32, #tpu.memory_space<vmem>>[vector<16xi32>, vector<16xi32>, vector<16xi32>], vector<16xf32>,
        %scan3A_1221 = arith.constant 2 : i32
        %scan3A_1222 = arith.addi %scan3A_1167, %scan3A_1221 : i32
        %broadcast_in_dim3A_1223 = vector.broadcast %scan3A_1222 : i32 to vector<16xi32>
        %add3A_1224 = arith.constant 128 : i32
        %add3A_1225 = arith.addi %add3A_1224, %scan3A_1222 : i32
        %get3A_1226 = arith.constant 0 : i32
        %get3A_1227 = arith.index_cast %get3A_1226 : i32 to index
        %get3A_1228 = arith.index_cast %add3A_1225 : i32 to index
        %get3A_1229 = arith.constant 0 : index
        %get3A_1230 = tpu.vector_load %arg6[%get3A_1227, %get3A_1228, %get3A_1229] {strides = array<i32>} : memref<2x1024x32xf32, #tpu.memory_space<vmem>>, vector<16xf32>,
        %scatter3A_1231 = arith.constant 1 : i32
        %scatter3A_1232 = arith.constant 0 : i32
        %scatter3A_1233 = arith.constant 0 : i32
        %scatter3A_1234 = arith.constant 0 : i32
        %scatter3A_1235 = tpu.memref_slice %arg7[%scatter3A_1231, %scatter3A_1232, %scatter3A_1233, %scatter3A_1234] : memref<2x4x8x128xf32, #tpu.memory_space<vmem>> -> memref<1x4x8x128xf32, #tpu.memory_space<vmem>>
        %scatter3A_1236 = tpu.memref_squeeze %scatter3A_1235 : memref<1x4x8x128xf32, #tpu.memory_space<vmem>> -> memref<4x8x128xf32, #tpu.memory_space<vmem>>
        tpu.vector_store_idx %scatter3A_1236[%shift_right_logical3A_6, %and3A_11, %broadcast_in_dim3A_1223], %get3A_1230 : memref<4x8x128xf32, #tpu.memory_space<vmem>>[vector<16xi32>, vector<16xi32>, vector<16xi32>], vector<16xf32>,
        %add3A_1237 = arith.constant 128 : i32
        %add3A_1238 = arith.addi %add3A_1237, %scan3A_1222 : i32
        %get3A_1239 = arith.constant 0 : i32
        %get3A_1240 = arith.index_cast %get3A_1239 : i32 to index
        %get3A_1241 = arith.index_cast %add3A_1238 : i32 to index
        %get3A_1242 = arith.constant 16 : index
        %get3A_1243 = tpu.vector_load %arg6[%get3A_1240, %get3A_1241, %get3A_1242] {strides = array<i32>} : memref<2x1024x32xf32, #tpu.memory_space<vmem>>, vector<16xf32>,
        %scatter3A_1244 = arith.constant 1 : i32
        %scatter3A_1245 = arith.constant 0 : i32
        %scatter3A_1246 = arith.constant 0 : i32
        %scatter3A_1247 = arith.constant 0 : i32
        %scatter3A_1248 = tpu.memref_slice %arg7[%scatter3A_1244, %scatter3A_1245, %scatter3A_1246, %scatter3A_1247] : memref<2x4x8x128xf32, #tpu.memory_space<vmem>> -> memref<1x4x8x128xf32, #tpu.memory_space<vmem>>
        %scatter3A_1249 = tpu.memref_squeeze %scatter3A_1248 : memref<1x4x8x128xf32, #tpu.memory_space<vmem>> -> memref<4x8x128xf32, #tpu.memory_space<vmem>>
        tpu.vector_store_idx %scatter3A_1249[%add3A_9, %and3A_11, %broadcast_in_dim3A_1223], %get3A_1243 : memref<4x8x128xf32, #tpu.memory_space<vmem>>[vector<16xi32>, vector<16xi32>, vector<16xi32>], vector<16xf32>,
        %scan3A_1250 = arith.constant 3 : i32
        %scan3A_1251 = arith.addi %scan3A_1167, %scan3A_1250 : i32
        %broadcast_in_dim3A_1252 = vector.broadcast %scan3A_1251 : i32 to vector<16xi32>
        %add3A_1253 = arith.constant 128 : i32
        %add3A_1254 = arith.addi %add3A_1253, %scan3A_1251 : i32
        %get3A_1255 = arith.constant 0 : i32
        %get3A_1256 = arith.index_cast %get3A_1255 : i32 to index
        %get3A_1257 = arith.index_cast %add3A_1254 : i32 to index
        %get3A_1258 = arith.constant 0 : index
        %get3A_1259 = tpu.vector_load %arg6[%get3A_1256, %get3A_1257, %get3A_1258] {strides = array<i32>} : memref<2x1024x32xf32, #tpu.memory_space<vmem>>, vector<16xf32>,
        %scatter3A_1260 = arith.constant 1 : i32
        %scatter3A_1261 = arith.constant 0 : i32
        %scatter3A_1262 = arith.constant 0 : i32
        %scatter3A_1263 = arith.constant 0 : i32
        %scatter3A_1264 = tpu.memref_slice %arg7[%scatter3A_1260, %scatter3A_1261, %scatter3A_1262, %scatter3A_1263] : memref<2x4x8x128xf32, #tpu.memory_space<vmem>> -> memref<1x4x8x128xf32, #tpu.memory_space<vmem>>
        %scatter3A_1265 = tpu.memref_squeeze %scatter3A_1264 : memref<1x4x8x128xf32, #tpu.memory_space<vmem>> -> memref<4x8x128xf32, #tpu.memory_space<vmem>>
        tpu.vector_store_idx %scatter3A_1265[%shift_right_logical3A_6, %and3A_11, %broadcast_in_dim3A_1252], %get3A_1259 : memref<4x8x128xf32, #tpu.memory_space<vmem>>[vector<16xi32>, vector<16xi32>, vector<16xi32>], vector<16xf32>,
        %add3A_1266 = arith.constant 128 : i32
        %add3A_1267 = arith.addi %add3A_1266, %scan3A_1251 : i32
        %get3A_1268 = arith.constant 0 : i32
        %get3A_1269 = arith.index_cast %get3A_1268 : i32 to index
        %get3A_1270 = arith.index_cast %add3A_1267 : i32 to index
        %get3A_1271 = arith.constant 16 : index
        %get3A_1272 = tpu.vector_load %arg6[%get3A_1269, %get3A_1270, %get3A_1271] {strides = array<i32>} : memref<2x1024x32xf32, #tpu.memory_space<vmem>>, vector<16xf32>,
        %scatter3A_1273 = arith.constant 1 : i32
        %scatter3A_1274 = arith.constant 0 : i32
        %scatter3A_1275 = arith.constant 0 : i32
        %scatter3A_1276 = arith.constant 0 : i32
        %scatter3A_1277 = tpu.memref_slice %arg7[%scatter3A_1273, %scatter3A_1274, %scatter3A_1275, %scatter3A_1276] : memref<2x4x8x128xf32, #tpu.memory_space<vmem>> -> memref<1x4x8x128xf32, #tpu.memory_space<vmem>>
        %scatter3A_1278 = tpu.memref_squeeze %scatter3A_1277 : memref<1x4x8x128xf32, #tpu.memory_space<vmem>> -> memref<4x8x128xf32, #tpu.memory_space<vmem>>
        tpu.vector_store_idx %scatter3A_1278[%add3A_9, %and3A_11, %broadcast_in_dim3A_1252], %get3A_1272 : memref<4x8x128xf32, #tpu.memory_space<vmem>>[vector<16xi32>, vector<16xi32>, vector<16xi32>], vector<16xf32>,
      }
      %scan3A_215 = arith.constant 128 : i32
      %add3A_216 = arith.addi %mul3A_4, %add3A_204 : i32
      %jit3A_217 = arith.constant 128 : i32
      %div3A_218 = arith.divsi %add3A_216, %jit3A_217 : i32
      %sign3A_219 = arith.constant 0 : i32
      %sign3A_220 = arith.cmpi sgt, %add3A_216, %sign3A_219 : i32
      %sign3A_221 = arith.extui %sign3A_220 : i1 to i32
      %sign3A_222 = arith.constant 0 : i32
      %sign3A_223 = arith.cmpi slt, %add3A_216, %sign3A_222 : i32
      %sign3A_224 = arith.extui %sign3A_223 : i1 to i32
      %sign3A_225 = arith.subi %sign3A_221, %sign3A_224 : i32
      %sign3A_226 = arith.constant 0 : i32
      %sign3A_227 = arith.cmpi sgt, %jit3A_217, %sign3A_226 : i32
      %sign3A_228 = arith.extui %sign3A_227 : i1 to i32
      %sign3A_229 = arith.constant 0 : i32
      %sign3A_230 = arith.cmpi slt, %jit3A_217, %sign3A_229 : i32
      %sign3A_231 = arith.extui %sign3A_230 : i1 to i32
      %sign3A_232 = arith.subi %sign3A_228, %sign3A_231 : i32
      %ne3A_233 = arith.cmpi ne, %sign3A_225, %sign3A_232 : i32
      %rem3A_234 = arith.remsi %add3A_216, %jit3A_217 : i32
      %ne3A_235 = arith.constant 0 : i32
      %ne3A_236 = arith.cmpi ne, %rem3A_234, %ne3A_235 : i32
      %and3A_237 = arith.andi %ne3A_233, %ne3A_236 : i1
      %sub3A_238 = arith.constant 1 : i32
      %sub3A_239 = arith.subi %div3A_218, %sub3A_238 : i32
      %select_n3A_240 = arith.select %and3A_237, %sub3A_239, %div3A_218 : i32
      %rem3A_241 = arith.constant 128 : i32
      %rem3A_242 = arith.remsi %add3A_216, %rem3A_241 : i32
      %dma_start3A_243 = arith.constant 1 : i32
      %dma_start3A_244 = arith.constant 0 : i32
      %dma_start3A_245 = arith.constant 0 : i32
      %dma_start3A_246 = arith.constant 0 : i32
      %dma_start3A_247 = tpu.memref_slice %arg7[%dma_start3A_243, %dma_start3A_244, %dma_start3A_245, %dma_start3A_246] : memref<2x4x8x128xf32, #tpu.memory_space<vmem>> -> memref<1x4x8x128xf32, #tpu.memory_space<vmem>>
      %dma_start3A_248 = tpu.memref_squeeze %dma_start3A_247 : memref<1x4x8x128xf32, #tpu.memory_space<vmem>> -> memref<4x8x128xf32, #tpu.memory_space<vmem>>
      %dma_start3A_249 = arith.constant 0 : i32
      %dma_start3A_250 = arith.constant 0 : i32
      %dma_start3A_251 = arith.constant 0 : i32
      %dma_start3A_252 = tpu.memref_slice %arg4[%select_n3A_240, %dma_start3A_249, %rem3A_242, %dma_start3A_250, %dma_start3A_251] : memref<100x4x128x8x128xf32, #tpu.memory_space<hbm>> -> memref<1x4x1x8x128xf32, #tpu.memory_space<hbm>>
      %dma_start3A_253 = tpu.memref_squeeze %dma_start3A_252 : memref<1x4x1x8x128xf32, #tpu.memory_space<hbm>> -> memref<4x8x128xf32, #tpu.memory_space<hbm>>
      %dma_start3A_254 = arith.constant 0 : i32
      %dma_start3A_255 = arith.constant 0 : i32
      %dma_start3A_256 = arith.constant 0 : i32
      %dma_start3A_257 = tpu.memref_slice %arg4[%select_n3A_240, %dma_start3A_254, %rem3A_242, %dma_start3A_255, %dma_start3A_256] : memref<100x4x128x8x128xf32, #tpu.memory_space<hbm>> -> memref<1x4x1x8x128xf32, #tpu.memory_space<hbm>>
      %dma_start3A_258 = tpu.memref_squeeze %dma_start3A_257 : memref<1x4x1x8x128xf32, #tpu.memory_space<hbm>> -> memref<4x8x128xf32, #tpu.memory_space<hbm>>
      %dma_start3A_259 = arith.constant 0 : i32
      %dma_start3A_260 = arith.constant 0 : i32
      %dma_start3A_261 = arith.constant 0 : i32
      %dma_start3A_262 = tpu.memref_slice %arg7[%dma_start3A_243, %dma_start3A_259, %dma_start3A_260, %dma_start3A_261] : memref<2x4x8x128xf32, #tpu.memory_space<vmem>> -> memref<1x4x8x128xf32, #tpu.memory_space<vmem>>
      %dma_start3A_263 = tpu.memref_squeeze %dma_start3A_262 : memref<1x4x8x128xf32, #tpu.memory_space<vmem>> -> memref<4x8x128xf32, #tpu.memory_space<vmem>>
      tpu.enqueue_dma source(%dma_start3A_263 : memref<4x8x128xf32, #tpu.memory_space<vmem>>) target(%dma_start3A_258 : memref<4x8x128xf32, #tpu.memory_space<hbm>>) target_semaphore(%arg11 : memref<!tpu.dma_semaphore, #tpu.memory_space<semaphore_mem>>)
      %mul3A_264 = arith.constant 8 : i32
      %mul3A_265 = arith.muli %add3A_124, %mul3A_264 : i32
      %add3A_266 = arith.constant 2 : i32
      %add3A_267 = arith.addi %mul3A_265, %add3A_266 : i32
      %ge3A_268 = arith.constant 2 : i32
      %ge3A_269 = arith.cmpi sge, %add3A_267, %ge3A_268 : i32
      %convert_element_type3A_270 = arith.extui %ge3A_269 : i1 to i32
      %cond3A_271 = arith.constant 0 : i32
      %cond3A_272 = arith.cmpi ne, %convert_element_type3A_270, %cond3A_271 : i32
      scf.if %cond3A_272 {
        %add3A_1167 = arith.addi %mul3A_4, %add3A_267 : i32
        %sub3A_1168 = arith.constant 2 : i32
        %sub3A_1169 = arith.subi %add3A_1167, %sub3A_1168 : i32
        %jit3A_1170 = arith.constant 128 : i32
        %div3A_1171 = arith.divsi %sub3A_1169, %jit3A_1170 : i32
        %sign3A_1172 = arith.constant 0 : i32
        %sign3A_1173 = arith.cmpi sgt, %sub3A_1169, %sign3A_1172 : i32
        %sign3A_1174 = arith.extui %sign3A_1173 : i1 to i32
        %sign3A_1175 = arith.constant 0 : i32
        %sign3A_1176 = arith.cmpi slt, %sub3A_1169, %sign3A_1175 : i32
        %sign3A_1177 = arith.extui %sign3A_1176 : i1 to i32
        %sign3A_1178 = arith.subi %sign3A_1174, %sign3A_1177 : i32
        %sign3A_1179 = arith.constant 0 : i32
        %sign3A_1180 = arith.cmpi sgt, %jit3A_1170, %sign3A_1179 : i32
        %sign3A_1181 = arith.extui %sign3A_1180 : i1 to i32
        %sign3A_1182 = arith.constant 0 : i32
        %sign3A_1183 = arith.cmpi slt, %jit3A_1170, %sign3A_1182 : i32
        %sign3A_1184 = arith.extui %sign3A_1183 : i1 to i32
        %sign3A_1185 = arith.subi %sign3A_1181, %sign3A_1184 : i32
        %ne3A_1186 = arith.cmpi ne, %sign3A_1178, %sign3A_1185 : i32
        %rem3A_1187 = arith.remsi %sub3A_1169, %jit3A_1170 : i32
        %ne3A_1188 = arith.constant 0 : i32
        %ne3A_1189 = arith.cmpi ne, %rem3A_1187, %ne3A_1188 : i32
        %and3A_1190 = arith.andi %ne3A_1186, %ne3A_1189 : i1
        %sub3A_1191 = arith.constant 1 : i32
        %sub3A_1192 = arith.subi %div3A_1171, %sub3A_1191 : i32
        %select_n3A_1193 = arith.select %and3A_1190, %sub3A_1192, %div3A_1171 : i32
        %rem3A_1194 = arith.constant 128 : i32
        %rem3A_1195 = arith.remsi %sub3A_1169, %rem3A_1194 : i32
        %dma_wait3A_1196 = arith.constant 0 : i32
        %dma_wait3A_1197 = arith.constant 0 : i32
        %dma_wait3A_1198 = arith.constant 0 : i32
        %dma_wait3A_1199 = arith.constant 0 : i32
        %dma_wait3A_1200 = tpu.memref_slice %arg7[%dma_wait3A_1196, %dma_wait3A_1197, %dma_wait3A_1198, %dma_wait3A_1199] : memref<2x4x8x128xf32, #tpu.memory_space<vmem>> -> memref<1x4x8x128xf32, #tpu.memory_space<vmem>>
        %dma_wait3A_1201 = tpu.memref_squeeze %dma_wait3A_1200 : memref<1x4x8x128xf32, #tpu.memory_space<vmem>> -> memref<4x8x128xf32, #tpu.memory_space<vmem>>
        %dma_wait3A_1202 = arith.constant 0 : i32
        %dma_wait3A_1203 = arith.constant 0 : i32
        %dma_wait3A_1204 = arith.constant 0 : i32
        %dma_wait3A_1205 = tpu.memref_slice %arg4[%select_n3A_1193, %dma_wait3A_1202, %rem3A_1195, %dma_wait3A_1203, %dma_wait3A_1204] : memref<100x4x128x8x128xf32, #tpu.memory_space<hbm>> -> memref<1x4x1x8x128xf32, #tpu.memory_space<hbm>>
        %dma_wait3A_1206 = tpu.memref_squeeze %dma_wait3A_1205 : memref<1x4x1x8x128xf32, #tpu.memory_space<hbm>> -> memref<4x8x128xf32, #tpu.memory_space<hbm>>
        %dma_wait3A_1207 = arith.constant 0 : i32
        %dma_wait3A_1208 = arith.constant 0 : i32
        %dma_wait3A_1209 = arith.constant 0 : i32
        %dma_wait3A_1210 = tpu.memref_slice %arg4[%select_n3A_1193, %dma_wait3A_1207, %rem3A_1195, %dma_wait3A_1208, %dma_wait3A_1209] : memref<100x4x128x8x128xf32, #tpu.memory_space<hbm>> -> memref<1x4x1x8x128xf32, #tpu.memory_space<hbm>>
        %dma_wait3A_1211 = tpu.memref_squeeze %dma_wait3A_1210 : memref<1x4x1x8x128xf32, #tpu.memory_space<hbm>> -> memref<4x8x128xf32, #tpu.memory_space<hbm>>
        %dma_wait3A_1212 = arith.constant 0 : i32
        %dma_wait3A_1213 = arith.constant 0 : i32
        %dma_wait3A_1214 = arith.constant 0 : i32
        %dma_wait3A_1215 = tpu.memref_slice %arg7[%dma_wait3A_1196, %dma_wait3A_1212, %dma_wait3A_1213, %dma_wait3A_1214] : memref<2x4x8x128xf32, #tpu.memory_space<vmem>> -> memref<1x4x8x128xf32, #tpu.memory_space<vmem>>
        %dma_wait3A_1216 = tpu.memref_squeeze %dma_wait3A_1215 : memref<1x4x8x128xf32, #tpu.memory_space<vmem>> -> memref<4x8x128xf32, #tpu.memory_space<vmem>>
        tpu.wait_dma2 semaphore(%arg10 : memref<!tpu.dma_semaphore, #tpu.memory_space<semaphore_mem>>) src(%dma_wait3A_1216 : memref<4x8x128xf32, #tpu.memory_space<vmem>>) dst(%dma_wait3A_1211 : memref<4x8x128xf32, #tpu.memory_space<hbm>>)
      } else {
      }
      %scan3A_273 = arith.constant 0 : i32
      %scan3A_274 = arith.constant 0 : i32
      %scan3A_275 = arith.constant 128 : i32
      %scan3A_276 = arith.addi %scan3A_274, %scan3A_275 : i32
      %scan3A_277 = arith.constant 4 : i32
      scf.for %scan3A_1167 = %scan3A_274 to %scan3A_276 step %scan3A_277  : i32 {
        %broadcast_in_dim3A = vector.broadcast %scan3A_1167 : i32 to vector<16xi32>
        %add3A_1168 = arith.constant 256 : i32
        %add3A_1169 = arith.addi %add3A_1168, %scan3A_1167 : i32
        %get3A = arith.constant 0 : i32
        %get3A_1170 = arith.index_cast %get3A : i32 to index
        %get3A_1171 = arith.index_cast %add3A_1169 : i32 to index
        %get3A_1172 = arith.constant 0 : index
        %get3A_1173 = tpu.vector_load %arg6[%get3A_1170, %get3A_1171, %get3A_1172] {strides = array<i32>} : memref<2x1024x32xf32, #tpu.memory_space<vmem>>, vector<16xf32>,
        %scatter3A = arith.constant 0 : i32
        %scatter3A_1174 = arith.constant 0 : i32
        %scatter3A_1175 = arith.constant 0 : i32
        %scatter3A_1176 = arith.constant 0 : i32
        %scatter3A_1177 = tpu.memref_slice %arg7[%scatter3A, %scatter3A_1174, %scatter3A_1175, %scatter3A_1176] : memref<2x4x8x128xf32, #tpu.memory_space<vmem>> -> memref<1x4x8x128xf32, #tpu.memory_space<vmem>>
        %scatter3A_1178 = tpu.memref_squeeze %scatter3A_1177 : memref<1x4x8x128xf32, #tpu.memory_space<vmem>> -> memref<4x8x128xf32, #tpu.memory_space<vmem>>
        tpu.vector_store_idx %scatter3A_1178[%shift_right_logical3A_6, %and3A_11, %broadcast_in_dim3A], %get3A_1173 : memref<4x8x128xf32, #tpu.memory_space<vmem>>[vector<16xi32>, vector<16xi32>, vector<16xi32>], vector<16xf32>,
        %add3A_1179 = arith.constant 256 : i32
        %add3A_1180 = arith.addi %add3A_1179, %scan3A_1167 : i32
        %get3A_1181 = arith.constant 0 : i32
        %get3A_1182 = arith.index_cast %get3A_1181 : i32 to index
        %get3A_1183 = arith.index_cast %add3A_1180 : i32 to index
        %get3A_1184 = arith.constant 16 : index
        %get3A_1185 = tpu.vector_load %arg6[%get3A_1182, %get3A_1183, %get3A_1184] {strides = array<i32>} : memref<2x1024x32xf32, #tpu.memory_space<vmem>>, vector<16xf32>,
        %scatter3A_1186 = arith.constant 0 : i32
        %scatter3A_1187 = arith.constant 0 : i32
        %scatter3A_1188 = arith.constant 0 : i32
        %scatter3A_1189 = arith.constant 0 : i32
        %scatter3A_1190 = tpu.memref_slice %arg7[%scatter3A_1186, %scatter3A_1187, %scatter3A_1188, %scatter3A_1189] : memref<2x4x8x128xf32, #tpu.memory_space<vmem>> -> memref<1x4x8x128xf32, #tpu.memory_space<vmem>>
        %scatter3A_1191 = tpu.memref_squeeze %scatter3A_1190 : memref<1x4x8x128xf32, #tpu.memory_space<vmem>> -> memref<4x8x128xf32, #tpu.memory_space<vmem>>
        tpu.vector_store_idx %scatter3A_1191[%add3A_9, %and3A_11, %broadcast_in_dim3A], %get3A_1185 : memref<4x8x128xf32, #tpu.memory_space<vmem>>[vector<16xi32>, vector<16xi32>, vector<16xi32>], vector<16xf32>,
        %scan3A_1192 = arith.constant 1 : i32
        %scan3A_1193 = arith.addi %scan3A_1167, %scan3A_1192 : i32
        %broadcast_in_dim3A_1194 = vector.broadcast %scan3A_1193 : i32 to vector<16xi32>
        %add3A_1195 = arith.constant 256 : i32
        %add3A_1196 = arith.addi %add3A_1195, %scan3A_1193 : i32
        %get3A_1197 = arith.constant 0 : i32
        %get3A_1198 = arith.index_cast %get3A_1197 : i32 to index
        %get3A_1199 = arith.index_cast %add3A_1196 : i32 to index
        %get3A_1200 = arith.constant 0 : index
        %get3A_1201 = tpu.vector_load %arg6[%get3A_1198, %get3A_1199, %get3A_1200] {strides = array<i32>} : memref<2x1024x32xf32, #tpu.memory_space<vmem>>, vector<16xf32>,
        %scatter3A_1202 = arith.constant 0 : i32
        %scatter3A_1203 = arith.constant 0 : i32
        %scatter3A_1204 = arith.constant 0 : i32
        %scatter3A_1205 = arith.constant 0 : i32
        %scatter3A_1206 = tpu.memref_slice %arg7[%scatter3A_1202, %scatter3A_1203, %scatter3A_1204, %scatter3A_1205] : memref<2x4x8x128xf32, #tpu.memory_space<vmem>> -> memref<1x4x8x128xf32, #tpu.memory_space<vmem>>
        %scatter3A_1207 = tpu.memref_squeeze %scatter3A_1206 : memref<1x4x8x128xf32, #tpu.memory_space<vmem>> -> memref<4x8x128xf32, #tpu.memory_space<vmem>>
        tpu.vector_store_idx %scatter3A_1207[%shift_right_logical3A_6, %and3A_11, %broadcast_in_dim3A_1194], %get3A_1201 : memref<4x8x128xf32, #tpu.memory_space<vmem>>[vector<16xi32>, vector<16xi32>, vector<16xi32>], vector<16xf32>,
        %add3A_1208 = arith.constant 256 : i32
        %add3A_1209 = arith.addi %add3A_1208, %scan3A_1193 : i32
        %get3A_1210 = arith.constant 0 : i32
        %get3A_1211 = arith.index_cast %get3A_1210 : i32 to index
        %get3A_1212 = arith.index_cast %add3A_1209 : i32 to index
        %get3A_1213 = arith.constant 16 : index
        %get3A_1214 = tpu.vector_load %arg6[%get3A_1211, %get3A_1212, %get3A_1213] {strides = array<i32>} : memref<2x1024x32xf32, #tpu.memory_space<vmem>>, vector<16xf32>,
        %scatter3A_1215 = arith.constant 0 : i32
        %scatter3A_1216 = arith.constant 0 : i32
        %scatter3A_1217 = arith.constant 0 : i32
        %scatter3A_1218 = arith.constant 0 : i32
        %scatter3A_1219 = tpu.memref_slice %arg7[%scatter3A_1215, %scatter3A_1216, %scatter3A_1217, %scatter3A_1218] : memref<2x4x8x128xf32, #tpu.memory_space<vmem>> -> memref<1x4x8x128xf32, #tpu.memory_space<vmem>>
        %scatter3A_1220 = tpu.memref_squeeze %scatter3A_1219 : memref<1x4x8x128xf32, #tpu.memory_space<vmem>> -> memref<4x8x128xf32, #tpu.memory_space<vmem>>
        tpu.vector_store_idx %scatter3A_1220[%add3A_9, %and3A_11, %broadcast_in_dim3A_1194], %get3A_1214 : memref<4x8x128xf32, #tpu.memory_space<vmem>>[vector<16xi32>, vector<16xi32>, vector<16xi32>], vector<16xf32>,
        %scan3A_1221 = arith.constant 2 : i32
        %scan3A_1222 = arith.addi %scan3A_1167, %scan3A_1221 : i32
        %broadcast_in_dim3A_1223 = vector.broadcast %scan3A_1222 : i32 to vector<16xi32>
        %add3A_1224 = arith.constant 256 : i32
        %add3A_1225 = arith.addi %add3A_1224, %scan3A_1222 : i32
        %get3A_1226 = arith.constant 0 : i32
        %get3A_1227 = arith.index_cast %get3A_1226 : i32 to index
        %get3A_1228 = arith.index_cast %add3A_1225 : i32 to index
        %get3A_1229 = arith.constant 0 : index
        %get3A_1230 = tpu.vector_load %arg6[%get3A_1227, %get3A_1228, %get3A_1229] {strides = array<i32>} : memref<2x1024x32xf32, #tpu.memory_space<vmem>>, vector<16xf32>,
        %scatter3A_1231 = arith.constant 0 : i32
        %scatter3A_1232 = arith.constant 0 : i32
        %scatter3A_1233 = arith.constant 0 : i32
        %scatter3A_1234 = arith.constant 0 : i32
        %scatter3A_1235 = tpu.memref_slice %arg7[%scatter3A_1231, %scatter3A_1232, %scatter3A_1233, %scatter3A_1234] : memref<2x4x8x128xf32, #tpu.memory_space<vmem>> -> memref<1x4x8x128xf32, #tpu.memory_space<vmem>>
        %scatter3A_1236 = tpu.memref_squeeze %scatter3A_1235 : memref<1x4x8x128xf32, #tpu.memory_space<vmem>> -> memref<4x8x128xf32, #tpu.memory_space<vmem>>
        tpu.vector_store_idx %scatter3A_1236[%shift_right_logical3A_6, %and3A_11, %broadcast_in_dim3A_1223], %get3A_1230 : memref<4x8x128xf32, #tpu.memory_space<vmem>>[vector<16xi32>, vector<16xi32>, vector<16xi32>], vector<16xf32>,
        %add3A_1237 = arith.constant 256 : i32
        %add3A_1238 = arith.addi %add3A_1237, %scan3A_1222 : i32
        %get3A_1239 = arith.constant 0 : i32
        %get3A_1240 = arith.index_cast %get3A_1239 : i32 to index
        %get3A_1241 = arith.index_cast %add3A_1238 : i32 to index
        %get3A_1242 = arith.constant 16 : index
        %get3A_1243 = tpu.vector_load %arg6[%get3A_1240, %get3A_1241, %get3A_1242] {strides = array<i32>} : memref<2x1024x32xf32, #tpu.memory_space<vmem>>, vector<16xf32>,
        %scatter3A_1244 = arith.constant 0 : i32
        %scatter3A_1245 = arith.constant 0 : i32
        %scatter3A_1246 = arith.constant 0 : i32
        %scatter3A_1247 = arith.constant 0 : i32
        %scatter3A_1248 = tpu.memref_slice %arg7[%scatter3A_1244, %scatter3A_1245, %scatter3A_1246, %scatter3A_1247] : memref<2x4x8x128xf32, #tpu.memory_space<vmem>> -> memref<1x4x8x128xf32, #tpu.memory_space<vmem>>
        %scatter3A_1249 = tpu.memref_squeeze %scatter3A_1248 : memref<1x4x8x128xf32, #tpu.memory_space<vmem>> -> memref<4x8x128xf32, #tpu.memory_space<vmem>>
        tpu.vector_store_idx %scatter3A_1249[%add3A_9, %and3A_11, %broadcast_in_dim3A_1223], %get3A_1243 : memref<4x8x128xf32, #tpu.memory_space<vmem>>[vector<16xi32>, vector<16xi32>, vector<16xi32>], vector<16xf32>,
        %scan3A_1250 = arith.constant 3 : i32
        %scan3A_1251 = arith.addi %scan3A_1167, %scan3A_1250 : i32
        %broadcast_in_dim3A_1252 = vector.broadcast %scan3A_1251 : i32 to vector<16xi32>
        %add3A_1253 = arith.constant 256 : i32
        %add3A_1254 = arith.addi %add3A_1253, %scan3A_1251 : i32
        %get3A_1255 = arith.constant 0 : i32
        %get3A_1256 = arith.index_cast %get3A_1255 : i32 to index
        %get3A_1257 = arith.index_cast %add3A_1254 : i32 to index
        %get3A_1258 = arith.constant 0 : index
        %get3A_1259 = tpu.vector_load %arg6[%get3A_1256, %get3A_1257, %get3A_1258] {strides = array<i32>} : memref<2x1024x32xf32, #tpu.memory_space<vmem>>, vector<16xf32>,
        %scatter3A_1260 = arith.constant 0 : i32
        %scatter3A_1261 = arith.constant 0 : i32
        %scatter3A_1262 = arith.constant 0 : i32
        %scatter3A_1263 = arith.constant 0 : i32
        %scatter3A_1264 = tpu.memref_slice %arg7[%scatter3A_1260, %scatter3A_1261, %scatter3A_1262, %scatter3A_1263] : memref<2x4x8x128xf32, #tpu.memory_space<vmem>> -> memref<1x4x8x128xf32, #tpu.memory_space<vmem>>
        %scatter3A_1265 = tpu.memref_squeeze %scatter3A_1264 : memref<1x4x8x128xf32, #tpu.memory_space<vmem>> -> memref<4x8x128xf32, #tpu.memory_space<vmem>>
        tpu.vector_store_idx %scatter3A_1265[%shift_right_logical3A_6, %and3A_11, %broadcast_in_dim3A_1252], %get3A_1259 : memref<4x8x128xf32, #tpu.memory_space<vmem>>[vector<16xi32>, vector<16xi32>, vector<16xi32>], vector<16xf32>,
        %add3A_1266 = arith.constant 256 : i32
        %add3A_1267 = arith.addi %add3A_1266, %scan3A_1251 : i32
        %get3A_1268 = arith.constant 0 : i32
        %get3A_1269 = arith.index_cast %get3A_1268 : i32 to index
        %get3A_1270 = arith.index_cast %add3A_1267 : i32 to index
        %get3A_1271 = arith.constant 16 : index
        %get3A_1272 = tpu.vector_load %arg6[%get3A_1269, %get3A_1270, %get3A_1271] {strides = array<i32>} : memref<2x1024x32xf32, #tpu.memory_space<vmem>>, vector<16xf32>,
        %scatter3A_1273 = arith.constant 0 : i32
        %scatter3A_1274 = arith.constant 0 : i32
        %scatter3A_1275 = arith.constant 0 : i32
        %scatter3A_1276 = arith.constant 0 : i32
        %scatter3A_1277 = tpu.memref_slice %arg7[%scatter3A_1273, %scatter3A_1274, %scatter3A_1275, %scatter3A_1276] : memref<2x4x8x128xf32, #tpu.memory_space<vmem>> -> memref<1x4x8x128xf32, #tpu.memory_space<vmem>>
        %scatter3A_1278 = tpu.memref_squeeze %scatter3A_1277 : memref<1x4x8x128xf32, #tpu.memory_space<vmem>> -> memref<4x8x128xf32, #tpu.memory_space<vmem>>
        tpu.vector_store_idx %scatter3A_1278[%add3A_9, %and3A_11, %broadcast_in_dim3A_1252], %get3A_1272 : memref<4x8x128xf32, #tpu.memory_space<vmem>>[vector<16xi32>, vector<16xi32>, vector<16xi32>], vector<16xf32>,
      }
      %scan3A_278 = arith.constant 128 : i32
      %add3A_279 = arith.addi %mul3A_4, %add3A_267 : i32
      %jit3A_280 = arith.constant 128 : i32
      %div3A_281 = arith.divsi %add3A_279, %jit3A_280 : i32
      %sign3A_282 = arith.constant 0 : i32
      %sign3A_283 = arith.cmpi sgt, %add3A_279, %sign3A_282 : i32
      %sign3A_284 = arith.extui %sign3A_283 : i1 to i32
      %sign3A_285 = arith.constant 0 : i32
      %sign3A_286 = arith.cmpi slt, %add3A_279, %sign3A_285 : i32
      %sign3A_287 = arith.extui %sign3A_286 : i1 to i32
      %sign3A_288 = arith.subi %sign3A_284, %sign3A_287 : i32
      %sign3A_289 = arith.constant 0 : i32
      %sign3A_290 = arith.cmpi sgt, %jit3A_280, %sign3A_289 : i32
      %sign3A_291 = arith.extui %sign3A_290 : i1 to i32
      %sign3A_292 = arith.constant 0 : i32
      %sign3A_293 = arith.cmpi slt, %jit3A_280, %sign3A_292 : i32
      %sign3A_294 = arith.extui %sign3A_293 : i1 to i32
      %sign3A_295 = arith.subi %sign3A_291, %sign3A_294 : i32
      %ne3A_296 = arith.cmpi ne, %sign3A_288, %sign3A_295 : i32
      %rem3A_297 = arith.remsi %add3A_279, %jit3A_280 : i32
      %ne3A_298 = arith.constant 0 : i32
      %ne3A_299 = arith.cmpi ne, %rem3A_297, %ne3A_298 : i32
      %and3A_300 = arith.andi %ne3A_296, %ne3A_299 : i1
      %sub3A_301 = arith.constant 1 : i32
      %sub3A_302 = arith.subi %div3A_281, %sub3A_301 : i32
      %select_n3A_303 = arith.select %and3A_300, %sub3A_302, %div3A_281 : i32
      %rem3A_304 = arith.constant 128 : i32
      %rem3A_305 = arith.remsi %add3A_279, %rem3A_304 : i32
      %dma_start3A_306 = arith.constant 0 : i32
      %dma_start3A_307 = arith.constant 0 : i32
      %dma_start3A_308 = arith.constant 0 : i32
      %dma_start3A_309 = arith.constant 0 : i32
      %dma_start3A_310 = tpu.memref_slice %arg7[%dma_start3A_306, %dma_start3A_307, %dma_start3A_308, %dma_start3A_309] : memref<2x4x8x128xf32, #tpu.memory_space<vmem>> -> memref<1x4x8x128xf32, #tpu.memory_space<vmem>>
      %dma_start3A_311 = tpu.memref_squeeze %dma_start3A_310 : memref<1x4x8x128xf32, #tpu.memory_space<vmem>> -> memref<4x8x128xf32, #tpu.memory_space<vmem>>
      %dma_start3A_312 = arith.constant 0 : i32
      %dma_start3A_313 = arith.constant 0 : i32
      %dma_start3A_314 = arith.constant 0 : i32
      %dma_start3A_315 = tpu.memref_slice %arg4[%select_n3A_303, %dma_start3A_312, %rem3A_305, %dma_start3A_313, %dma_start3A_314] : memref<100x4x128x8x128xf32, #tpu.memory_space<hbm>> -> memref<1x4x1x8x128xf32, #tpu.memory_space<hbm>>
      %dma_start3A_316 = tpu.memref_squeeze %dma_start3A_315 : memref<1x4x1x8x128xf32, #tpu.memory_space<hbm>> -> memref<4x8x128xf32, #tpu.memory_space<hbm>>
      %dma_start3A_317 = arith.constant 0 : i32
      %dma_start3A_318 = arith.constant 0 : i32
      %dma_start3A_319 = arith.constant 0 : i32
      %dma_start3A_320 = tpu.memref_slice %arg4[%select_n3A_303, %dma_start3A_317, %rem3A_305, %dma_start3A_318, %dma_start3A_319] : memref<100x4x128x8x128xf32, #tpu.memory_space<hbm>> -> memref<1x4x1x8x128xf32, #tpu.memory_space<hbm>>
      %dma_start3A_321 = tpu.memref_squeeze %dma_start3A_320 : memref<1x4x1x8x128xf32, #tpu.memory_space<hbm>> -> memref<4x8x128xf32, #tpu.memory_space<hbm>>
      %dma_start3A_322 = arith.constant 0 : i32
      %dma_start3A_323 = arith.constant 0 : i32
      %dma_start3A_324 = arith.constant 0 : i32
      %dma_start3A_325 = tpu.memref_slice %arg7[%dma_start3A_306, %dma_start3A_322, %dma_start3A_323, %dma_start3A_324] : memref<2x4x8x128xf32, #tpu.memory_space<vmem>> -> memref<1x4x8x128xf32, #tpu.memory_space<vmem>>
      %dma_start3A_326 = tpu.memref_squeeze %dma_start3A_325 : memref<1x4x8x128xf32, #tpu.memory_space<vmem>> -> memref<4x8x128xf32, #tpu.memory_space<vmem>>
      tpu.enqueue_dma source(%dma_start3A_326 : memref<4x8x128xf32, #tpu.memory_space<vmem>>) target(%dma_start3A_321 : memref<4x8x128xf32, #tpu.memory_space<hbm>>) target_semaphore(%arg10 : memref<!tpu.dma_semaphore, #tpu.memory_space<semaphore_mem>>)
      %mul3A_327 = arith.constant 8 : i32
      %mul3A_328 = arith.muli %add3A_124, %mul3A_327 : i32
      %add3A_329 = arith.constant 3 : i32
      %add3A_330 = arith.addi %mul3A_328, %add3A_329 : i32
      %ge3A_331 = arith.constant 2 : i32
      %ge3A_332 = arith.cmpi sge, %add3A_330, %ge3A_331 : i32
      %convert_element_type3A_333 = arith.extui %ge3A_332 : i1 to i32
      %cond3A_334 = arith.constant 0 : i32
      %cond3A_335 = arith.cmpi ne, %convert_element_type3A_333, %cond3A_334 : i32
      scf.if %cond3A_335 {
        %add3A_1167 = arith.addi %mul3A_4, %add3A_330 : i32
        %sub3A_1168 = arith.constant 2 : i32
        %sub3A_1169 = arith.subi %add3A_1167, %sub3A_1168 : i32
        %jit3A_1170 = arith.constant 128 : i32
        %div3A_1171 = arith.divsi %sub3A_1169, %jit3A_1170 : i32
        %sign3A_1172 = arith.constant 0 : i32
        %sign3A_1173 = arith.cmpi sgt, %sub3A_1169, %sign3A_1172 : i32
        %sign3A_1174 = arith.extui %sign3A_1173 : i1 to i32
        %sign3A_1175 = arith.constant 0 : i32
        %sign3A_1176 = arith.cmpi slt, %sub3A_1169, %sign3A_1175 : i32
        %sign3A_1177 = arith.extui %sign3A_1176 : i1 to i32
        %sign3A_1178 = arith.subi %sign3A_1174, %sign3A_1177 : i32
        %sign3A_1179 = arith.constant 0 : i32
        %sign3A_1180 = arith.cmpi sgt, %jit3A_1170, %sign3A_1179 : i32
        %sign3A_1181 = arith.extui %sign3A_1180 : i1 to i32
        %sign3A_1182 = arith.constant 0 : i32
        %sign3A_1183 = arith.cmpi slt, %jit3A_1170, %sign3A_1182 : i32
        %sign3A_1184 = arith.extui %sign3A_1183 : i1 to i32
        %sign3A_1185 = arith.subi %sign3A_1181, %sign3A_1184 : i32
        %ne3A_1186 = arith.cmpi ne, %sign3A_1178, %sign3A_1185 : i32
        %rem3A_1187 = arith.remsi %sub3A_1169, %jit3A_1170 : i32
        %ne3A_1188 = arith.constant 0 : i32
        %ne3A_1189 = arith.cmpi ne, %rem3A_1187, %ne3A_1188 : i32
        %and3A_1190 = arith.andi %ne3A_1186, %ne3A_1189 : i1
        %sub3A_1191 = arith.constant 1 : i32
        %sub3A_1192 = arith.subi %div3A_1171, %sub3A_1191 : i32
        %select_n3A_1193 = arith.select %and3A_1190, %sub3A_1192, %div3A_1171 : i32
        %rem3A_1194 = arith.constant 128 : i32
        %rem3A_1195 = arith.remsi %sub3A_1169, %rem3A_1194 : i32
        %dma_wait3A_1196 = arith.constant 1 : i32
        %dma_wait3A_1197 = arith.constant 0 : i32
        %dma_wait3A_1198 = arith.constant 0 : i32
        %dma_wait3A_1199 = arith.constant 0 : i32
        %dma_wait3A_1200 = tpu.memref_slice %arg7[%dma_wait3A_1196, %dma_wait3A_1197, %dma_wait3A_1198, %dma_wait3A_1199] : memref<2x4x8x128xf32, #tpu.memory_space<vmem>> -> memref<1x4x8x128xf32, #tpu.memory_space<vmem>>
        %dma_wait3A_1201 = tpu.memref_squeeze %dma_wait3A_1200 : memref<1x4x8x128xf32, #tpu.memory_space<vmem>> -> memref<4x8x128xf32, #tpu.memory_space<vmem>>
        %dma_wait3A_1202 = arith.constant 0 : i32
        %dma_wait3A_1203 = arith.constant 0 : i32
        %dma_wait3A_1204 = arith.constant 0 : i32
        %dma_wait3A_1205 = tpu.memref_slice %arg4[%select_n3A_1193, %dma_wait3A_1202, %rem3A_1195, %dma_wait3A_1203, %dma_wait3A_1204] : memref<100x4x128x8x128xf32, #tpu.memory_space<hbm>> -> memref<1x4x1x8x128xf32, #tpu.memory_space<hbm>>
        %dma_wait3A_1206 = tpu.memref_squeeze %dma_wait3A_1205 : memref<1x4x1x8x128xf32, #tpu.memory_space<hbm>> -> memref<4x8x128xf32, #tpu.memory_space<hbm>>
        %dma_wait3A_1207 = arith.constant 0 : i32
        %dma_wait3A_1208 = arith.constant 0 : i32
        %dma_wait3A_1209 = arith.constant 0 : i32
        %dma_wait3A_1210 = tpu.memref_slice %arg4[%select_n3A_1193, %dma_wait3A_1207, %rem3A_1195, %dma_wait3A_1208, %dma_wait3A_1209] : memref<100x4x128x8x128xf32, #tpu.memory_space<hbm>> -> memref<1x4x1x8x128xf32, #tpu.memory_space<hbm>>
        %dma_wait3A_1211 = tpu.memref_squeeze %dma_wait3A_1210 : memref<1x4x1x8x128xf32, #tpu.memory_space<hbm>> -> memref<4x8x128xf32, #tpu.memory_space<hbm>>
        %dma_wait3A_1212 = arith.constant 0 : i32
        %dma_wait3A_1213 = arith.constant 0 : i32
        %dma_wait3A_1214 = arith.constant 0 : i32
        %dma_wait3A_1215 = tpu.memref_slice %arg7[%dma_wait3A_1196, %dma_wait3A_1212, %dma_wait3A_1213, %dma_wait3A_1214] : memref<2x4x8x128xf32, #tpu.memory_space<vmem>> -> memref<1x4x8x128xf32, #tpu.memory_space<vmem>>
        %dma_wait3A_1216 = tpu.memref_squeeze %dma_wait3A_1215 : memref<1x4x8x128xf32, #tpu.memory_space<vmem>> -> memref<4x8x128xf32, #tpu.memory_space<vmem>>
        tpu.wait_dma2 semaphore(%arg11 : memref<!tpu.dma_semaphore, #tpu.memory_space<semaphore_mem>>) src(%dma_wait3A_1216 : memref<4x8x128xf32, #tpu.memory_space<vmem>>) dst(%dma_wait3A_1211 : memref<4x8x128xf32, #tpu.memory_space<hbm>>)
      } else {
      }
      %scan3A_336 = arith.constant 0 : i32
      %scan3A_337 = arith.constant 0 : i32
      %scan3A_338 = arith.constant 128 : i32
      %scan3A_339 = arith.addi %scan3A_337, %scan3A_338 : i32
      %scan3A_340 = arith.constant 4 : i32
      scf.for %scan3A_1167 = %scan3A_337 to %scan3A_339 step %scan3A_340  : i32 {
        %broadcast_in_dim3A = vector.broadcast %scan3A_1167 : i32 to vector<16xi32>
        %add3A_1168 = arith.constant 384 : i32
        %add3A_1169 = arith.addi %add3A_1168, %scan3A_1167 : i32
        %get3A = arith.constant 0 : i32
        %get3A_1170 = arith.index_cast %get3A : i32 to index
        %get3A_1171 = arith.index_cast %add3A_1169 : i32 to index
        %get3A_1172 = arith.constant 0 : index
        %get3A_1173 = tpu.vector_load %arg6[%get3A_1170, %get3A_1171, %get3A_1172] {strides = array<i32>} : memref<2x1024x32xf32, #tpu.memory_space<vmem>>, vector<16xf32>,
        %scatter3A = arith.constant 1 : i32
        %scatter3A_1174 = arith.constant 0 : i32
        %scatter3A_1175 = arith.constant 0 : i32
        %scatter3A_1176 = arith.constant 0 : i32
        %scatter3A_1177 = tpu.memref_slice %arg7[%scatter3A, %scatter3A_1174, %scatter3A_1175, %scatter3A_1176] : memref<2x4x8x128xf32, #tpu.memory_space<vmem>> -> memref<1x4x8x128xf32, #tpu.memory_space<vmem>>
        %scatter3A_1178 = tpu.memref_squeeze %scatter3A_1177 : memref<1x4x8x128xf32, #tpu.memory_space<vmem>> -> memref<4x8x128xf32, #tpu.memory_space<vmem>>
        tpu.vector_store_idx %scatter3A_1178[%shift_right_logical3A_6, %and3A_11, %broadcast_in_dim3A], %get3A_1173 : memref<4x8x128xf32, #tpu.memory_space<vmem>>[vector<16xi32>, vector<16xi32>, vector<16xi32>], vector<16xf32>,
        %add3A_1179 = arith.constant 384 : i32
        %add3A_1180 = arith.addi %add3A_1179, %scan3A_1167 : i32
        %get3A_1181 = arith.constant 0 : i32
        %get3A_1182 = arith.index_cast %get3A_1181 : i32 to index
        %get3A_1183 = arith.index_cast %add3A_1180 : i32 to index
        %get3A_1184 = arith.constant 16 : index
        %get3A_1185 = tpu.vector_load %arg6[%get3A_1182, %get3A_1183, %get3A_1184] {strides = array<i32>} : memref<2x1024x32xf32, #tpu.memory_space<vmem>>, vector<16xf32>,
        %scatter3A_1186 = arith.constant 1 : i32
        %scatter3A_1187 = arith.constant 0 : i32
        %scatter3A_1188 = arith.constant 0 : i32
        %scatter3A_1189 = arith.constant 0 : i32
        %scatter3A_1190 = tpu.memref_slice %arg7[%scatter3A_1186, %scatter3A_1187, %scatter3A_1188, %scatter3A_1189] : memref<2x4x8x128xf32, #tpu.memory_space<vmem>> -> memref<1x4x8x128xf32, #tpu.memory_space<vmem>>
        %scatter3A_1191 = tpu.memref_squeeze %scatter3A_1190 : memref<1x4x8x128xf32, #tpu.memory_space<vmem>> -> memref<4x8x128xf32, #tpu.memory_space<vmem>>
        tpu.vector_store_idx %scatter3A_1191[%add3A_9, %and3A_11, %broadcast_in_dim3A], %get3A_1185 : memref<4x8x128xf32, #tpu.memory_space<vmem>>[vector<16xi32>, vector<16xi32>, vector<16xi32>], vector<16xf32>,
        %scan3A_1192 = arith.constant 1 : i32
        %scan3A_1193 = arith.addi %scan3A_1167, %scan3A_1192 : i32
        %broadcast_in_dim3A_1194 = vector.broadcast %scan3A_1193 : i32 to vector<16xi32>
        %add3A_1195 = arith.constant 384 : i32
        %add3A_1196 = arith.addi %add3A_1195, %scan3A_1193 : i32
        %get3A_1197 = arith.constant 0 : i32
        %get3A_1198 = arith.index_cast %get3A_1197 : i32 to index
        %get3A_1199 = arith.index_cast %add3A_1196 : i32 to index
        %get3A_1200 = arith.constant 0 : index
        %get3A_1201 = tpu.vector_load %arg6[%get3A_1198, %get3A_1199, %get3A_1200] {strides = array<i32>} : memref<2x1024x32xf32, #tpu.memory_space<vmem>>, vector<16xf32>,
        %scatter3A_1202 = arith.constant 1 : i32
        %scatter3A_1203 = arith.constant 0 : i32
        %scatter3A_1204 = arith.constant 0 : i32
        %scatter3A_1205 = arith.constant 0 : i32
        %scatter3A_1206 = tpu.memref_slice %arg7[%scatter3A_1202, %scatter3A_1203, %scatter3A_1204, %scatter3A_1205] : memref<2x4x8x128xf32, #tpu.memory_space<vmem>> -> memref<1x4x8x128xf32, #tpu.memory_space<vmem>>
        %scatter3A_1207 = tpu.memref_squeeze %scatter3A_1206 : memref<1x4x8x128xf32, #tpu.memory_space<vmem>> -> memref<4x8x128xf32, #tpu.memory_space<vmem>>
        tpu.vector_store_idx %scatter3A_1207[%shift_right_logical3A_6, %and3A_11, %broadcast_in_dim3A_1194], %get3A_1201 : memref<4x8x128xf32, #tpu.memory_space<vmem>>[vector<16xi32>, vector<16xi32>, vector<16xi32>], vector<16xf32>,
        %add3A_1208 = arith.constant 384 : i32
        %add3A_1209 = arith.addi %add3A_1208, %scan3A_1193 : i32
        %get3A_1210 = arith.constant 0 : i32
        %get3A_1211 = arith.index_cast %get3A_1210 : i32 to index
        %get3A_1212 = arith.index_cast %add3A_1209 : i32 to index
        %get3A_1213 = arith.constant 16 : index
        %get3A_1214 = tpu.vector_load %arg6[%get3A_1211, %get3A_1212, %get3A_1213] {strides = array<i32>} : memref<2x1024x32xf32, #tpu.memory_space<vmem>>, vector<16xf32>,
        %scatter3A_1215 = arith.constant 1 : i32
        %scatter3A_1216 = arith.constant 0 : i32
        %scatter3A_1217 = arith.constant 0 : i32
        %scatter3A_1218 = arith.constant 0 : i32
        %scatter3A_1219 = tpu.memref_slice %arg7[%scatter3A_1215, %scatter3A_1216, %scatter3A_1217, %scatter3A_1218] : memref<2x4x8x128xf32, #tpu.memory_space<vmem>> -> memref<1x4x8x128xf32, #tpu.memory_space<vmem>>
        %scatter3A_1220 = tpu.memref_squeeze %scatter3A_1219 : memref<1x4x8x128xf32, #tpu.memory_space<vmem>> -> memref<4x8x128xf32, #tpu.memory_space<vmem>>
        tpu.vector_store_idx %scatter3A_1220[%add3A_9, %and3A_11, %broadcast_in_dim3A_1194], %get3A_1214 : memref<4x8x128xf32, #tpu.memory_space<vmem>>[vector<16xi32>, vector<16xi32>, vector<16xi32>], vector<16xf32>,
        %scan3A_1221 = arith.constant 2 : i32
        %scan3A_1222 = arith.addi %scan3A_1167, %scan3A_1221 : i32
        %broadcast_in_dim3A_1223 = vector.broadcast %scan3A_1222 : i32 to vector<16xi32>
        %add3A_1224 = arith.constant 384 : i32
        %add3A_1225 = arith.addi %add3A_1224, %scan3A_1222 : i32
        %get3A_1226 = arith.constant 0 : i32
        %get3A_1227 = arith.index_cast %get3A_1226 : i32 to index
        %get3A_1228 = arith.index_cast %add3A_1225 : i32 to index
        %get3A_1229 = arith.constant 0 : index
        %get3A_1230 = tpu.vector_load %arg6[%get3A_1227, %get3A_1228, %get3A_1229] {strides = array<i32>} : memref<2x1024x32xf32, #tpu.memory_space<vmem>>, vector<16xf32>,
        %scatter3A_1231 = arith.constant 1 : i32
        %scatter3A_1232 = arith.constant 0 : i32
        %scatter3A_1233 = arith.constant 0 : i32
        %scatter3A_1234 = arith.constant 0 : i32
        %scatter3A_1235 = tpu.memref_slice %arg7[%scatter3A_1231, %scatter3A_1232, %scatter3A_1233, %scatter3A_1234] : memref<2x4x8x128xf32, #tpu.memory_space<vmem>> -> memref<1x4x8x128xf32, #tpu.memory_space<vmem>>
        %scatter3A_1236 = tpu.memref_squeeze %scatter3A_1235 : memref<1x4x8x128xf32, #tpu.memory_space<vmem>> -> memref<4x8x128xf32, #tpu.memory_space<vmem>>
        tpu.vector_store_idx %scatter3A_1236[%shift_right_logical3A_6, %and3A_11, %broadcast_in_dim3A_1223], %get3A_1230 : memref<4x8x128xf32, #tpu.memory_space<vmem>>[vector<16xi32>, vector<16xi32>, vector<16xi32>], vector<16xf32>,
        %add3A_1237 = arith.constant 384 : i32
        %add3A_1238 = arith.addi %add3A_1237, %scan3A_1222 : i32
        %get3A_1239 = arith.constant 0 : i32
        %get3A_1240 = arith.index_cast %get3A_1239 : i32 to index
        %get3A_1241 = arith.index_cast %add3A_1238 : i32 to index
        %get3A_1242 = arith.constant 16 : index
        %get3A_1243 = tpu.vector_load %arg6[%get3A_1240, %get3A_1241, %get3A_1242] {strides = array<i32>} : memref<2x1024x32xf32, #tpu.memory_space<vmem>>, vector<16xf32>,
        %scatter3A_1244 = arith.constant 1 : i32
        %scatter3A_1245 = arith.constant 0 : i32
        %scatter3A_1246 = arith.constant 0 : i32
        %scatter3A_1247 = arith.constant 0 : i32
        %scatter3A_1248 = tpu.memref_slice %arg7[%scatter3A_1244, %scatter3A_1245, %scatter3A_1246, %scatter3A_1247] : memref<2x4x8x128xf32, #tpu.memory_space<vmem>> -> memref<1x4x8x128xf32, #tpu.memory_space<vmem>>
        %scatter3A_1249 = tpu.memref_squeeze %scatter3A_1248 : memref<1x4x8x128xf32, #tpu.memory_space<vmem>> -> memref<4x8x128xf32, #tpu.memory_space<vmem>>
        tpu.vector_store_idx %scatter3A_1249[%add3A_9, %and3A_11, %broadcast_in_dim3A_1223], %get3A_1243 : memref<4x8x128xf32, #tpu.memory_space<vmem>>[vector<16xi32>, vector<16xi32>, vector<16xi32>], vector<16xf32>,
        %scan3A_1250 = arith.constant 3 : i32
        %scan3A_1251 = arith.addi %scan3A_1167, %scan3A_1250 : i32
        %broadcast_in_dim3A_1252 = vector.broadcast %scan3A_1251 : i32 to vector<16xi32>
        %add3A_1253 = arith.constant 384 : i32
        %add3A_1254 = arith.addi %add3A_1253, %scan3A_1251 : i32
        %get3A_1255 = arith.constant 0 : i32
        %get3A_1256 = arith.index_cast %get3A_1255 : i32 to index
        %get3A_1257 = arith.index_cast %add3A_1254 : i32 to index
        %get3A_1258 = arith.constant 0 : index
        %get3A_1259 = tpu.vector_load %arg6[%get3A_1256, %get3A_1257, %get3A_1258] {strides = array<i32>} : memref<2x1024x32xf32, #tpu.memory_space<vmem>>, vector<16xf32>,
        %scatter3A_1260 = arith.constant 1 : i32
        %scatter3A_1261 = arith.constant 0 : i32
        %scatter3A_1262 = arith.constant 0 : i32
        %scatter3A_1263 = arith.constant 0 : i32
        %scatter3A_1264 = tpu.memref_slice %arg7[%scatter3A_1260, %scatter3A_1261, %scatter3A_1262, %scatter3A_1263] : memref<2x4x8x128xf32, #tpu.memory_space<vmem>> -> memref<1x4x8x128xf32, #tpu.memory_space<vmem>>
        %scatter3A_1265 = tpu.memref_squeeze %scatter3A_1264 : memref<1x4x8x128xf32, #tpu.memory_space<vmem>> -> memref<4x8x128xf32, #tpu.memory_space<vmem>>
        tpu.vector_store_idx %scatter3A_1265[%shift_right_logical3A_6, %and3A_11, %broadcast_in_dim3A_1252], %get3A_1259 : memref<4x8x128xf32, #tpu.memory_space<vmem>>[vector<16xi32>, vector<16xi32>, vector<16xi32>], vector<16xf32>,
        %add3A_1266 = arith.constant 384 : i32
        %add3A_1267 = arith.addi %add3A_1266, %scan3A_1251 : i32
        %get3A_1268 = arith.constant 0 : i32
        %get3A_1269 = arith.index_cast %get3A_1268 : i32 to index
        %get3A_1270 = arith.index_cast %add3A_1267 : i32 to index
        %get3A_1271 = arith.constant 16 : index
        %get3A_1272 = tpu.vector_load %arg6[%get3A_1269, %get3A_1270, %get3A_1271] {strides = array<i32>} : memref<2x1024x32xf32, #tpu.memory_space<vmem>>, vector<16xf32>,
        %scatter3A_1273 = arith.constant 1 : i32
        %scatter3A_1274 = arith.constant 0 : i32
        %scatter3A_1275 = arith.constant 0 : i32
        %scatter3A_1276 = arith.constant 0 : i32
        %scatter3A_1277 = tpu.memref_slice %arg7[%scatter3A_1273, %scatter3A_1274, %scatter3A_1275, %scatter3A_1276] : memref<2x4x8x128xf32, #tpu.memory_space<vmem>> -> memref<1x4x8x128xf32, #tpu.memory_space<vmem>>
        %scatter3A_1278 = tpu.memref_squeeze %scatter3A_1277 : memref<1x4x8x128xf32, #tpu.memory_space<vmem>> -> memref<4x8x128xf32, #tpu.memory_space<vmem>>
        tpu.vector_store_idx %scatter3A_1278[%add3A_9, %and3A_11, %broadcast_in_dim3A_1252], %get3A_1272 : memref<4x8x128xf32, #tpu.memory_space<vmem>>[vector<16xi32>, vector<16xi32>, vector<16xi32>], vector<16xf32>,
      }
      %scan3A_341 = arith.constant 128 : i32
      %add3A_342 = arith.addi %mul3A_4, %add3A_330 : i32
      %jit3A_343 = arith.constant 128 : i32
      %div3A_344 = arith.divsi %add3A_342, %jit3A_343 : i32
      %sign3A_345 = arith.constant 0 : i32
      %sign3A_346 = arith.cmpi sgt, %add3A_342, %sign3A_345 : i32
      %sign3A_347 = arith.extui %sign3A_346 : i1 to i32
      %sign3A_348 = arith.constant 0 : i32
      %sign3A_349 = arith.cmpi slt, %add3A_342, %sign3A_348 : i32
      %sign3A_350 = arith.extui %sign3A_349 : i1 to i32
      %sign3A_351 = arith.subi %sign3A_347, %sign3A_350 : i32
      %sign3A_352 = arith.constant 0 : i32
      %sign3A_353 = arith.cmpi sgt, %jit3A_343, %sign3A_352 : i32
      %sign3A_354 = arith.extui %sign3A_353 : i1 to i32
      %sign3A_355 = arith.constant 0 : i32
      %sign3A_356 = arith.cmpi slt, %jit3A_343, %sign3A_355 : i32
      %sign3A_357 = arith.extui %sign3A_356 : i1 to i32
      %sign3A_358 = arith.subi %sign3A_354, %sign3A_357 : i32
      %ne3A_359 = arith.cmpi ne, %sign3A_351, %sign3A_358 : i32
      %rem3A_360 = arith.remsi %add3A_342, %jit3A_343 : i32
      %ne3A_361 = arith.constant 0 : i32
      %ne3A_362 = arith.cmpi ne, %rem3A_360, %ne3A_361 : i32
      %and3A_363 = arith.andi %ne3A_359, %ne3A_362 : i1
      %sub3A_364 = arith.constant 1 : i32
      %sub3A_365 = arith.subi %div3A_344, %sub3A_364 : i32
      %select_n3A_366 = arith.select %and3A_363, %sub3A_365, %div3A_344 : i32
      %rem3A_367 = arith.constant 128 : i32
      %rem3A_368 = arith.remsi %add3A_342, %rem3A_367 : i32
      %dma_start3A_369 = arith.constant 1 : i32
      %dma_start3A_370 = arith.constant 0 : i32
      %dma_start3A_371 = arith.constant 0 : i32
      %dma_start3A_372 = arith.constant 0 : i32
      %dma_start3A_373 = tpu.memref_slice %arg7[%dma_start3A_369, %dma_start3A_370, %dma_start3A_371, %dma_start3A_372] : memref<2x4x8x128xf32, #tpu.memory_space<vmem>> -> memref<1x4x8x128xf32, #tpu.memory_space<vmem>>
      %dma_start3A_374 = tpu.memref_squeeze %dma_start3A_373 : memref<1x4x8x128xf32, #tpu.memory_space<vmem>> -> memref<4x8x128xf32, #tpu.memory_space<vmem>>
      %dma_start3A_375 = arith.constant 0 : i32
      %dma_start3A_376 = arith.constant 0 : i32
      %dma_start3A_377 = arith.constant 0 : i32
      %dma_start3A_378 = tpu.memref_slice %arg4[%select_n3A_366, %dma_start3A_375, %rem3A_368, %dma_start3A_376, %dma_start3A_377] : memref<100x4x128x8x128xf32, #tpu.memory_space<hbm>> -> memref<1x4x1x8x128xf32, #tpu.memory_space<hbm>>
      %dma_start3A_379 = tpu.memref_squeeze %dma_start3A_378 : memref<1x4x1x8x128xf32, #tpu.memory_space<hbm>> -> memref<4x8x128xf32, #tpu.memory_space<hbm>>
      %dma_start3A_380 = arith.constant 0 : i32
      %dma_start3A_381 = arith.constant 0 : i32
      %dma_start3A_382 = arith.constant 0 : i32
      %dma_start3A_383 = tpu.memref_slice %arg4[%select_n3A_366, %dma_start3A_380, %rem3A_368, %dma_start3A_381, %dma_start3A_382] : memref<100x4x128x8x128xf32, #tpu.memory_space<hbm>> -> memref<1x4x1x8x128xf32, #tpu.memory_space<hbm>>
      %dma_start3A_384 = tpu.memref_squeeze %dma_start3A_383 : memref<1x4x1x8x128xf32, #tpu.memory_space<hbm>> -> memref<4x8x128xf32, #tpu.memory_space<hbm>>
      %dma_start3A_385 = arith.constant 0 : i32
      %dma_start3A_386 = arith.constant 0 : i32
      %dma_start3A_387 = arith.constant 0 : i32
      %dma_start3A_388 = tpu.memref_slice %arg7[%dma_start3A_369, %dma_start3A_385, %dma_start3A_386, %dma_start3A_387] : memref<2x4x8x128xf32, #tpu.memory_space<vmem>> -> memref<1x4x8x128xf32, #tpu.memory_space<vmem>>
      %dma_start3A_389 = tpu.memref_squeeze %dma_start3A_388 : memref<1x4x8x128xf32, #tpu.memory_space<vmem>> -> memref<4x8x128xf32, #tpu.memory_space<vmem>>
      tpu.enqueue_dma source(%dma_start3A_389 : memref<4x8x128xf32, #tpu.memory_space<vmem>>) target(%dma_start3A_384 : memref<4x8x128xf32, #tpu.memory_space<hbm>>) target_semaphore(%arg11 : memref<!tpu.dma_semaphore, #tpu.memory_space<semaphore_mem>>)
      %mul3A_390 = arith.constant 8 : i32
      %mul3A_391 = arith.muli %add3A_124, %mul3A_390 : i32
      %add3A_392 = arith.constant 4 : i32
      %add3A_393 = arith.addi %mul3A_391, %add3A_392 : i32
      %ge3A_394 = arith.constant 2 : i32
      %ge3A_395 = arith.cmpi sge, %add3A_393, %ge3A_394 : i32
      %convert_element_type3A_396 = arith.extui %ge3A_395 : i1 to i32
      %cond3A_397 = arith.constant 0 : i32
      %cond3A_398 = arith.cmpi ne, %convert_element_type3A_396, %cond3A_397 : i32
      scf.if %cond3A_398 {
        %add3A_1167 = arith.addi %mul3A_4, %add3A_393 : i32
        %sub3A_1168 = arith.constant 2 : i32
        %sub3A_1169 = arith.subi %add3A_1167, %sub3A_1168 : i32
        %jit3A_1170 = arith.constant 128 : i32
        %div3A_1171 = arith.divsi %sub3A_1169, %jit3A_1170 : i32
        %sign3A_1172 = arith.constant 0 : i32
        %sign3A_1173 = arith.cmpi sgt, %sub3A_1169, %sign3A_1172 : i32
        %sign3A_1174 = arith.extui %sign3A_1173 : i1 to i32
        %sign3A_1175 = arith.constant 0 : i32
        %sign3A_1176 = arith.cmpi slt, %sub3A_1169, %sign3A_1175 : i32
        %sign3A_1177 = arith.extui %sign3A_1176 : i1 to i32
        %sign3A_1178 = arith.subi %sign3A_1174, %sign3A_1177 : i32
        %sign3A_1179 = arith.constant 0 : i32
        %sign3A_1180 = arith.cmpi sgt, %jit3A_1170, %sign3A_1179 : i32
        %sign3A_1181 = arith.extui %sign3A_1180 : i1 to i32
        %sign3A_1182 = arith.constant 0 : i32
        %sign3A_1183 = arith.cmpi slt, %jit3A_1170, %sign3A_1182 : i32
        %sign3A_1184 = arith.extui %sign3A_1183 : i1 to i32
        %sign3A_1185 = arith.subi %sign3A_1181, %sign3A_1184 : i32
        %ne3A_1186 = arith.cmpi ne, %sign3A_1178, %sign3A_1185 : i32
        %rem3A_1187 = arith.remsi %sub3A_1169, %jit3A_1170 : i32
        %ne3A_1188 = arith.constant 0 : i32
        %ne3A_1189 = arith.cmpi ne, %rem3A_1187, %ne3A_1188 : i32
        %and3A_1190 = arith.andi %ne3A_1186, %ne3A_1189 : i1
        %sub3A_1191 = arith.constant 1 : i32
        %sub3A_1192 = arith.subi %div3A_1171, %sub3A_1191 : i32
        %select_n3A_1193 = arith.select %and3A_1190, %sub3A_1192, %div3A_1171 : i32
        %rem3A_1194 = arith.constant 128 : i32
        %rem3A_1195 = arith.remsi %sub3A_1169, %rem3A_1194 : i32
        %dma_wait3A_1196 = arith.constant 0 : i32
        %dma_wait3A_1197 = arith.constant 0 : i32
        %dma_wait3A_1198 = arith.constant 0 : i32
        %dma_wait3A_1199 = arith.constant 0 : i32
        %dma_wait3A_1200 = tpu.memref_slice %arg7[%dma_wait3A_1196, %dma_wait3A_1197, %dma_wait3A_1198, %dma_wait3A_1199] : memref<2x4x8x128xf32, #tpu.memory_space<vmem>> -> memref<1x4x8x128xf32, #tpu.memory_space<vmem>>
        %dma_wait3A_1201 = tpu.memref_squeeze %dma_wait3A_1200 : memref<1x4x8x128xf32, #tpu.memory_space<vmem>> -> memref<4x8x128xf32, #tpu.memory_space<vmem>>
        %dma_wait3A_1202 = arith.constant 0 : i32
        %dma_wait3A_1203 = arith.constant 0 : i32
        %dma_wait3A_1204 = arith.constant 0 : i32
        %dma_wait3A_1205 = tpu.memref_slice %arg4[%select_n3A_1193, %dma_wait3A_1202, %rem3A_1195, %dma_wait3A_1203, %dma_wait3A_1204] : memref<100x4x128x8x128xf32, #tpu.memory_space<hbm>> -> memref<1x4x1x8x128xf32, #tpu.memory_space<hbm>>
        %dma_wait3A_1206 = tpu.memref_squeeze %dma_wait3A_1205 : memref<1x4x1x8x128xf32, #tpu.memory_space<hbm>> -> memref<4x8x128xf32, #tpu.memory_space<hbm>>
        %dma_wait3A_1207 = arith.constant 0 : i32
        %dma_wait3A_1208 = arith.constant 0 : i32
        %dma_wait3A_1209 = arith.constant 0 : i32
        %dma_wait3A_1210 = tpu.memref_slice %arg4[%select_n3A_1193, %dma_wait3A_1207, %rem3A_1195, %dma_wait3A_1208, %dma_wait3A_1209] : memref<100x4x128x8x128xf32, #tpu.memory_space<hbm>> -> memref<1x4x1x8x128xf32, #tpu.memory_space<hbm>>
        %dma_wait3A_1211 = tpu.memref_squeeze %dma_wait3A_1210 : memref<1x4x1x8x128xf32, #tpu.memory_space<hbm>> -> memref<4x8x128xf32, #tpu.memory_space<hbm>>
        %dma_wait3A_1212 = arith.constant 0 : i32
        %dma_wait3A_1213 = arith.constant 0 : i32
        %dma_wait3A_1214 = arith.constant 0 : i32
        %dma_wait3A_1215 = tpu.memref_slice %arg7[%dma_wait3A_1196, %dma_wait3A_1212, %dma_wait3A_1213, %dma_wait3A_1214] : memref<2x4x8x128xf32, #tpu.memory_space<vmem>> -> memref<1x4x8x128xf32, #tpu.memory_space<vmem>>
        %dma_wait3A_1216 = tpu.memref_squeeze %dma_wait3A_1215 : memref<1x4x8x128xf32, #tpu.memory_space<vmem>> -> memref<4x8x128xf32, #tpu.memory_space<vmem>>
        tpu.wait_dma2 semaphore(%arg10 : memref<!tpu.dma_semaphore, #tpu.memory_space<semaphore_mem>>) src(%dma_wait3A_1216 : memref<4x8x128xf32, #tpu.memory_space<vmem>>) dst(%dma_wait3A_1211 : memref<4x8x128xf32, #tpu.memory_space<hbm>>)
      } else {
      }
      %scan3A_399 = arith.constant 0 : i32
      %scan3A_400 = arith.constant 0 : i32
      %scan3A_401 = arith.constant 128 : i32
      %scan3A_402 = arith.addi %scan3A_400, %scan3A_401 : i32
      %scan3A_403 = arith.constant 4 : i32
      scf.for %scan3A_1167 = %scan3A_400 to %scan3A_402 step %scan3A_403  : i32 {
        %broadcast_in_dim3A = vector.broadcast %scan3A_1167 : i32 to vector<16xi32>
        %add3A_1168 = arith.constant 512 : i32
        %add3A_1169 = arith.addi %add3A_1168, %scan3A_1167 : i32
        %get3A = arith.constant 0 : i32
        %get3A_1170 = arith.index_cast %get3A : i32 to index
        %get3A_1171 = arith.index_cast %add3A_1169 : i32 to index
        %get3A_1172 = arith.constant 0 : index
        %get3A_1173 = tpu.vector_load %arg6[%get3A_1170, %get3A_1171, %get3A_1172] {strides = array<i32>} : memref<2x1024x32xf32, #tpu.memory_space<vmem>>, vector<16xf32>,
        %scatter3A = arith.constant 0 : i32
        %scatter3A_1174 = arith.constant 0 : i32
        %scatter3A_1175 = arith.constant 0 : i32
        %scatter3A_1176 = arith.constant 0 : i32
        %scatter3A_1177 = tpu.memref_slice %arg7[%scatter3A, %scatter3A_1174, %scatter3A_1175, %scatter3A_1176] : memref<2x4x8x128xf32, #tpu.memory_space<vmem>> -> memref<1x4x8x128xf32, #tpu.memory_space<vmem>>
        %scatter3A_1178 = tpu.memref_squeeze %scatter3A_1177 : memref<1x4x8x128xf32, #tpu.memory_space<vmem>> -> memref<4x8x128xf32, #tpu.memory_space<vmem>>
        tpu.vector_store_idx %scatter3A_1178[%shift_right_logical3A_6, %and3A_11, %broadcast_in_dim3A], %get3A_1173 : memref<4x8x128xf32, #tpu.memory_space<vmem>>[vector<16xi32>, vector<16xi32>, vector<16xi32>], vector<16xf32>,
        %add3A_1179 = arith.constant 512 : i32
        %add3A_1180 = arith.addi %add3A_1179, %scan3A_1167 : i32
        %get3A_1181 = arith.constant 0 : i32
        %get3A_1182 = arith.index_cast %get3A_1181 : i32 to index
        %get3A_1183 = arith.index_cast %add3A_1180 : i32 to index
        %get3A_1184 = arith.constant 16 : index
        %get3A_1185 = tpu.vector_load %arg6[%get3A_1182, %get3A_1183, %get3A_1184] {strides = array<i32>} : memref<2x1024x32xf32, #tpu.memory_space<vmem>>, vector<16xf32>,
        %scatter3A_1186 = arith.constant 0 : i32
        %scatter3A_1187 = arith.constant 0 : i32
        %scatter3A_1188 = arith.constant 0 : i32
        %scatter3A_1189 = arith.constant 0 : i32
        %scatter3A_1190 = tpu.memref_slice %arg7[%scatter3A_1186, %scatter3A_1187, %scatter3A_1188, %scatter3A_1189] : memref<2x4x8x128xf32, #tpu.memory_space<vmem>> -> memref<1x4x8x128xf32, #tpu.memory_space<vmem>>
        %scatter3A_1191 = tpu.memref_squeeze %scatter3A_1190 : memref<1x4x8x128xf32, #tpu.memory_space<vmem>> -> memref<4x8x128xf32, #tpu.memory_space<vmem>>
        tpu.vector_store_idx %scatter3A_1191[%add3A_9, %and3A_11, %broadcast_in_dim3A], %get3A_1185 : memref<4x8x128xf32, #tpu.memory_space<vmem>>[vector<16xi32>, vector<16xi32>, vector<16xi32>], vector<16xf32>,
        %scan3A_1192 = arith.constant 1 : i32
        %scan3A_1193 = arith.addi %scan3A_1167, %scan3A_1192 : i32
        %broadcast_in_dim3A_1194 = vector.broadcast %scan3A_1193 : i32 to vector<16xi32>
        %add3A_1195 = arith.constant 512 : i32
        %add3A_1196 = arith.addi %add3A_1195, %scan3A_1193 : i32
        %get3A_1197 = arith.constant 0 : i32
        %get3A_1198 = arith.index_cast %get3A_1197 : i32 to index
        %get3A_1199 = arith.index_cast %add3A_1196 : i32 to index
        %get3A_1200 = arith.constant 0 : index
        %get3A_1201 = tpu.vector_load %arg6[%get3A_1198, %get3A_1199, %get3A_1200] {strides = array<i32>} : memref<2x1024x32xf32, #tpu.memory_space<vmem>>, vector<16xf32>,
        %scatter3A_1202 = arith.constant 0 : i32
        %scatter3A_1203 = arith.constant 0 : i32
        %scatter3A_1204 = arith.constant 0 : i32
        %scatter3A_1205 = arith.constant 0 : i32
        %scatter3A_1206 = tpu.memref_slice %arg7[%scatter3A_1202, %scatter3A_1203, %scatter3A_1204, %scatter3A_1205] : memref<2x4x8x128xf32, #tpu.memory_space<vmem>> -> memref<1x4x8x128xf32, #tpu.memory_space<vmem>>
        %scatter3A_1207 = tpu.memref_squeeze %scatter3A_1206 : memref<1x4x8x128xf32, #tpu.memory_space<vmem>> -> memref<4x8x128xf32, #tpu.memory_space<vmem>>
        tpu.vector_store_idx %scatter3A_1207[%shift_right_logical3A_6, %and3A_11, %broadcast_in_dim3A_1194], %get3A_1201 : memref<4x8x128xf32, #tpu.memory_space<vmem>>[vector<16xi32>, vector<16xi32>, vector<16xi32>], vector<16xf32>,
        %add3A_1208 = arith.constant 512 : i32
        %add3A_1209 = arith.addi %add3A_1208, %scan3A_1193 : i32
        %get3A_1210 = arith.constant 0 : i32
        %get3A_1211 = arith.index_cast %get3A_1210 : i32 to index
        %get3A_1212 = arith.index_cast %add3A_1209 : i32 to index
        %get3A_1213 = arith.constant 16 : index
        %get3A_1214 = tpu.vector_load %arg6[%get3A_1211, %get3A_1212, %get3A_1213] {strides = array<i32>} : memref<2x1024x32xf32, #tpu.memory_space<vmem>>, vector<16xf32>,
        %scatter3A_1215 = arith.constant 0 : i32
        %scatter3A_1216 = arith.constant 0 : i32
        %scatter3A_1217 = arith.constant 0 : i32
        %scatter3A_1218 = arith.constant 0 : i32
        %scatter3A_1219 = tpu.memref_slice %arg7[%scatter3A_1215, %scatter3A_1216, %scatter3A_1217, %scatter3A_1218] : memref<2x4x8x128xf32, #tpu.memory_space<vmem>> -> memref<1x4x8x128xf32, #tpu.memory_space<vmem>>
        %scatter3A_1220 = tpu.memref_squeeze %scatter3A_1219 : memref<1x4x8x128xf32, #tpu.memory_space<vmem>> -> memref<4x8x128xf32, #tpu.memory_space<vmem>>
        tpu.vector_store_idx %scatter3A_1220[%add3A_9, %and3A_11, %broadcast_in_dim3A_1194], %get3A_1214 : memref<4x8x128xf32, #tpu.memory_space<vmem>>[vector<16xi32>, vector<16xi32>, vector<16xi32>], vector<16xf32>,
        %scan3A_1221 = arith.constant 2 : i32
        %scan3A_1222 = arith.addi %scan3A_1167, %scan3A_1221 : i32
        %broadcast_in_dim3A_1223 = vector.broadcast %scan3A_1222 : i32 to vector<16xi32>
        %add3A_1224 = arith.constant 512 : i32
        %add3A_1225 = arith.addi %add3A_1224, %scan3A_1222 : i32
        %get3A_1226 = arith.constant 0 : i32
        %get3A_1227 = arith.index_cast %get3A_1226 : i32 to index
        %get3A_1228 = arith.index_cast %add3A_1225 : i32 to index
        %get3A_1229 = arith.constant 0 : index
        %get3A_1230 = tpu.vector_load %arg6[%get3A_1227, %get3A_1228, %get3A_1229] {strides = array<i32>} : memref<2x1024x32xf32, #tpu.memory_space<vmem>>, vector<16xf32>,
        %scatter3A_1231 = arith.constant 0 : i32
        %scatter3A_1232 = arith.constant 0 : i32
        %scatter3A_1233 = arith.constant 0 : i32
        %scatter3A_1234 = arith.constant 0 : i32
        %scatter3A_1235 = tpu.memref_slice %arg7[%scatter3A_1231, %scatter3A_1232, %scatter3A_1233, %scatter3A_1234] : memref<2x4x8x128xf32, #tpu.memory_space<vmem>> -> memref<1x4x8x128xf32, #tpu.memory_space<vmem>>
        %scatter3A_1236 = tpu.memref_squeeze %scatter3A_1235 : memref<1x4x8x128xf32, #tpu.memory_space<vmem>> -> memref<4x8x128xf32, #tpu.memory_space<vmem>>
        tpu.vector_store_idx %scatter3A_1236[%shift_right_logical3A_6, %and3A_11, %broadcast_in_dim3A_1223], %get3A_1230 : memref<4x8x128xf32, #tpu.memory_space<vmem>>[vector<16xi32>, vector<16xi32>, vector<16xi32>], vector<16xf32>,
        %add3A_1237 = arith.constant 512 : i32
        %add3A_1238 = arith.addi %add3A_1237, %scan3A_1222 : i32
        %get3A_1239 = arith.constant 0 : i32
        %get3A_1240 = arith.index_cast %get3A_1239 : i32 to index
        %get3A_1241 = arith.index_cast %add3A_1238 : i32 to index
        %get3A_1242 = arith.constant 16 : index
        %get3A_1243 = tpu.vector_load %arg6[%get3A_1240, %get3A_1241, %get3A_1242] {strides = array<i32>} : memref<2x1024x32xf32, #tpu.memory_space<vmem>>, vector<16xf32>,
        %scatter3A_1244 = arith.constant 0 : i32
        %scatter3A_1245 = arith.constant 0 : i32
        %scatter3A_1246 = arith.constant 0 : i32
        %scatter3A_1247 = arith.constant 0 : i32
        %scatter3A_1248 = tpu.memref_slice %arg7[%scatter3A_1244, %scatter3A_1245, %scatter3A_1246, %scatter3A_1247] : memref<2x4x8x128xf32, #tpu.memory_space<vmem>> -> memref<1x4x8x128xf32, #tpu.memory_space<vmem>>
        %scatter3A_1249 = tpu.memref_squeeze %scatter3A_1248 : memref<1x4x8x128xf32, #tpu.memory_space<vmem>> -> memref<4x8x128xf32, #tpu.memory_space<vmem>>
        tpu.vector_store_idx %scatter3A_1249[%add3A_9, %and3A_11, %broadcast_in_dim3A_1223], %get3A_1243 : memref<4x8x128xf32, #tpu.memory_space<vmem>>[vector<16xi32>, vector<16xi32>, vector<16xi32>], vector<16xf32>,
        %scan3A_1250 = arith.constant 3 : i32
        %scan3A_1251 = arith.addi %scan3A_1167, %scan3A_1250 : i32
        %broadcast_in_dim3A_1252 = vector.broadcast %scan3A_1251 : i32 to vector<16xi32>
        %add3A_1253 = arith.constant 512 : i32
        %add3A_1254 = arith.addi %add3A_1253, %scan3A_1251 : i32
        %get3A_1255 = arith.constant 0 : i32
        %get3A_1256 = arith.index_cast %get3A_1255 : i32 to index
        %get3A_1257 = arith.index_cast %add3A_1254 : i32 to index
        %get3A_1258 = arith.constant 0 : index
        %get3A_1259 = tpu.vector_load %arg6[%get3A_1256, %get3A_1257, %get3A_1258] {strides = array<i32>} : memref<2x1024x32xf32, #tpu.memory_space<vmem>>, vector<16xf32>,
        %scatter3A_1260 = arith.constant 0 : i32
        %scatter3A_1261 = arith.constant 0 : i32
        %scatter3A_1262 = arith.constant 0 : i32
        %scatter3A_1263 = arith.constant 0 : i32
        %scatter3A_1264 = tpu.memref_slice %arg7[%scatter3A_1260, %scatter3A_1261, %scatter3A_1262, %scatter3A_1263] : memref<2x4x8x128xf32, #tpu.memory_space<vmem>> -> memref<1x4x8x128xf32, #tpu.memory_space<vmem>>
        %scatter3A_1265 = tpu.memref_squeeze %scatter3A_1264 : memref<1x4x8x128xf32, #tpu.memory_space<vmem>> -> memref<4x8x128xf32, #tpu.memory_space<vmem>>
        tpu.vector_store_idx %scatter3A_1265[%shift_right_logical3A_6, %and3A_11, %broadcast_in_dim3A_1252], %get3A_1259 : memref<4x8x128xf32, #tpu.memory_space<vmem>>[vector<16xi32>, vector<16xi32>, vector<16xi32>], vector<16xf32>,
        %add3A_1266 = arith.constant 512 : i32
        %add3A_1267 = arith.addi %add3A_1266, %scan3A_1251 : i32
        %get3A_1268 = arith.constant 0 : i32
        %get3A_1269 = arith.index_cast %get3A_1268 : i32 to index
        %get3A_1270 = arith.index_cast %add3A_1267 : i32 to index
        %get3A_1271 = arith.constant 16 : index
        %get3A_1272 = tpu.vector_load %arg6[%get3A_1269, %get3A_1270, %get3A_1271] {strides = array<i32>} : memref<2x1024x32xf32, #tpu.memory_space<vmem>>, vector<16xf32>,
        %scatter3A_1273 = arith.constant 0 : i32
        %scatter3A_1274 = arith.constant 0 : i32
        %scatter3A_1275 = arith.constant 0 : i32
        %scatter3A_1276 = arith.constant 0 : i32
        %scatter3A_1277 = tpu.memref_slice %arg7[%scatter3A_1273, %scatter3A_1274, %scatter3A_1275, %scatter3A_1276] : memref<2x4x8x128xf32, #tpu.memory_space<vmem>> -> memref<1x4x8x128xf32, #tpu.memory_space<vmem>>
        %scatter3A_1278 = tpu.memref_squeeze %scatter3A_1277 : memref<1x4x8x128xf32, #tpu.memory_space<vmem>> -> memref<4x8x128xf32, #tpu.memory_space<vmem>>
        tpu.vector_store_idx %scatter3A_1278[%add3A_9, %and3A_11, %broadcast_in_dim3A_1252], %get3A_1272 : memref<4x8x128xf32, #tpu.memory_space<vmem>>[vector<16xi32>, vector<16xi32>, vector<16xi32>], vector<16xf32>,
      }
      %scan3A_404 = arith.constant 128 : i32
      %add3A_405 = arith.addi %mul3A_4, %add3A_393 : i32
      %jit3A_406 = arith.constant 128 : i32
      %div3A_407 = arith.divsi %add3A_405, %jit3A_406 : i32
      %sign3A_408 = arith.constant 0 : i32
      %sign3A_409 = arith.cmpi sgt, %add3A_405, %sign3A_408 : i32
      %sign3A_410 = arith.extui %sign3A_409 : i1 to i32
      %sign3A_411 = arith.constant 0 : i32
      %sign3A_412 = arith.cmpi slt, %add3A_405, %sign3A_411 : i32
      %sign3A_413 = arith.extui %sign3A_412 : i1 to i32
      %sign3A_414 = arith.subi %sign3A_410, %sign3A_413 : i32
      %sign3A_415 = arith.constant 0 : i32
      %sign3A_416 = arith.cmpi sgt, %jit3A_406, %sign3A_415 : i32
      %sign3A_417 = arith.extui %sign3A_416 : i1 to i32
      %sign3A_418 = arith.constant 0 : i32
      %sign3A_419 = arith.cmpi slt, %jit3A_406, %sign3A_418 : i32
      %sign3A_420 = arith.extui %sign3A_419 : i1 to i32
      %sign3A_421 = arith.subi %sign3A_417, %sign3A_420 : i32
      %ne3A_422 = arith.cmpi ne, %sign3A_414, %sign3A_421 : i32
      %rem3A_423 = arith.remsi %add3A_405, %jit3A_406 : i32
      %ne3A_424 = arith.constant 0 : i32
      %ne3A_425 = arith.cmpi ne, %rem3A_423, %ne3A_424 : i32
      %and3A_426 = arith.andi %ne3A_422, %ne3A_425 : i1
      %sub3A_427 = arith.constant 1 : i32
      %sub3A_428 = arith.subi %div3A_407, %sub3A_427 : i32
      %select_n3A_429 = arith.select %and3A_426, %sub3A_428, %div3A_407 : i32
      %rem3A_430 = arith.constant 128 : i32
      %rem3A_431 = arith.remsi %add3A_405, %rem3A_430 : i32
      %dma_start3A_432 = arith.constant 0 : i32
      %dma_start3A_433 = arith.constant 0 : i32
      %dma_start3A_434 = arith.constant 0 : i32
      %dma_start3A_435 = arith.constant 0 : i32
      %dma_start3A_436 = tpu.memref_slice %arg7[%dma_start3A_432, %dma_start3A_433, %dma_start3A_434, %dma_start3A_435] : memref<2x4x8x128xf32, #tpu.memory_space<vmem>> -> memref<1x4x8x128xf32, #tpu.memory_space<vmem>>
      %dma_start3A_437 = tpu.memref_squeeze %dma_start3A_436 : memref<1x4x8x128xf32, #tpu.memory_space<vmem>> -> memref<4x8x128xf32, #tpu.memory_space<vmem>>
      %dma_start3A_438 = arith.constant 0 : i32
      %dma_start3A_439 = arith.constant 0 : i32
      %dma_start3A_440 = arith.constant 0 : i32
      %dma_start3A_441 = tpu.memref_slice %arg4[%select_n3A_429, %dma_start3A_438, %rem3A_431, %dma_start3A_439, %dma_start3A_440] : memref<100x4x128x8x128xf32, #tpu.memory_space<hbm>> -> memref<1x4x1x8x128xf32, #tpu.memory_space<hbm>>
      %dma_start3A_442 = tpu.memref_squeeze %dma_start3A_441 : memref<1x4x1x8x128xf32, #tpu.memory_space<hbm>> -> memref<4x8x128xf32, #tpu.memory_space<hbm>>
      %dma_start3A_443 = arith.constant 0 : i32
      %dma_start3A_444 = arith.constant 0 : i32
      %dma_start3A_445 = arith.constant 0 : i32
      %dma_start3A_446 = tpu.memref_slice %arg4[%select_n3A_429, %dma_start3A_443, %rem3A_431, %dma_start3A_444, %dma_start3A_445] : memref<100x4x128x8x128xf32, #tpu.memory_space<hbm>> -> memref<1x4x1x8x128xf32, #tpu.memory_space<hbm>>
      %dma_start3A_447 = tpu.memref_squeeze %dma_start3A_446 : memref<1x4x1x8x128xf32, #tpu.memory_space<hbm>> -> memref<4x8x128xf32, #tpu.memory_space<hbm>>
      %dma_start3A_448 = arith.constant 0 : i32
      %dma_start3A_449 = arith.constant 0 : i32
      %dma_start3A_450 = arith.constant 0 : i32
      %dma_start3A_451 = tpu.memref_slice %arg7[%dma_start3A_432, %dma_start3A_448, %dma_start3A_449, %dma_start3A_450] : memref<2x4x8x128xf32, #tpu.memory_space<vmem>> -> memref<1x4x8x128xf32, #tpu.memory_space<vmem>>
      %dma_start3A_452 = tpu.memref_squeeze %dma_start3A_451 : memref<1x4x8x128xf32, #tpu.memory_space<vmem>> -> memref<4x8x128xf32, #tpu.memory_space<vmem>>
      tpu.enqueue_dma source(%dma_start3A_452 : memref<4x8x128xf32, #tpu.memory_space<vmem>>) target(%dma_start3A_447 : memref<4x8x128xf32, #tpu.memory_space<hbm>>) target_semaphore(%arg10 : memref<!tpu.dma_semaphore, #tpu.memory_space<semaphore_mem>>)
      %mul3A_453 = arith.constant 8 : i32
      %mul3A_454 = arith.muli %add3A_124, %mul3A_453 : i32
      %add3A_455 = arith.constant 5 : i32
      %add3A_456 = arith.addi %mul3A_454, %add3A_455 : i32
      %ge3A_457 = arith.constant 2 : i32
      %ge3A_458 = arith.cmpi sge, %add3A_456, %ge3A_457 : i32
      %convert_element_type3A_459 = arith.extui %ge3A_458 : i1 to i32
      %cond3A_460 = arith.constant 0 : i32
      %cond3A_461 = arith.cmpi ne, %convert_element_type3A_459, %cond3A_460 : i32
      scf.if %cond3A_461 {
        %add3A_1167 = arith.addi %mul3A_4, %add3A_456 : i32
        %sub3A_1168 = arith.constant 2 : i32
        %sub3A_1169 = arith.subi %add3A_1167, %sub3A_1168 : i32
        %jit3A_1170 = arith.constant 128 : i32
        %div3A_1171 = arith.divsi %sub3A_1169, %jit3A_1170 : i32
        %sign3A_1172 = arith.constant 0 : i32
        %sign3A_1173 = arith.cmpi sgt, %sub3A_1169, %sign3A_1172 : i32
        %sign3A_1174 = arith.extui %sign3A_1173 : i1 to i32
        %sign3A_1175 = arith.constant 0 : i32
        %sign3A_1176 = arith.cmpi slt, %sub3A_1169, %sign3A_1175 : i32
        %sign3A_1177 = arith.extui %sign3A_1176 : i1 to i32
        %sign3A_1178 = arith.subi %sign3A_1174, %sign3A_1177 : i32
        %sign3A_1179 = arith.constant 0 : i32
        %sign3A_1180 = arith.cmpi sgt, %jit3A_1170, %sign3A_1179 : i32
        %sign3A_1181 = arith.extui %sign3A_1180 : i1 to i32
        %sign3A_1182 = arith.constant 0 : i32
        %sign3A_1183 = arith.cmpi slt, %jit3A_1170, %sign3A_1182 : i32
        %sign3A_1184 = arith.extui %sign3A_1183 : i1 to i32
        %sign3A_1185 = arith.subi %sign3A_1181, %sign3A_1184 : i32
        %ne3A_1186 = arith.cmpi ne, %sign3A_1178, %sign3A_1185 : i32
        %rem3A_1187 = arith.remsi %sub3A_1169, %jit3A_1170 : i32
        %ne3A_1188 = arith.constant 0 : i32
        %ne3A_1189 = arith.cmpi ne, %rem3A_1187, %ne3A_1188 : i32
        %and3A_1190 = arith.andi %ne3A_1186, %ne3A_1189 : i1
        %sub3A_1191 = arith.constant 1 : i32
        %sub3A_1192 = arith.subi %div3A_1171, %sub3A_1191 : i32
        %select_n3A_1193 = arith.select %and3A_1190, %sub3A_1192, %div3A_1171 : i32
        %rem3A_1194 = arith.constant 128 : i32
        %rem3A_1195 = arith.remsi %sub3A_1169, %rem3A_1194 : i32
        %dma_wait3A_1196 = arith.constant 1 : i32
        %dma_wait3A_1197 = arith.constant 0 : i32
        %dma_wait3A_1198 = arith.constant 0 : i32
        %dma_wait3A_1199 = arith.constant 0 : i32
        %dma_wait3A_1200 = tpu.memref_slice %arg7[%dma_wait3A_1196, %dma_wait3A_1197, %dma_wait3A_1198, %dma_wait3A_1199] : memref<2x4x8x128xf32, #tpu.memory_space<vmem>> -> memref<1x4x8x128xf32, #tpu.memory_space<vmem>>
        %dma_wait3A_1201 = tpu.memref_squeeze %dma_wait3A_1200 : memref<1x4x8x128xf32, #tpu.memory_space<vmem>> -> memref<4x8x128xf32, #tpu.memory_space<vmem>>
        %dma_wait3A_1202 = arith.constant 0 : i32
        %dma_wait3A_1203 = arith.constant 0 : i32
        %dma_wait3A_1204 = arith.constant 0 : i32
        %dma_wait3A_1205 = tpu.memref_slice %arg4[%select_n3A_1193, %dma_wait3A_1202, %rem3A_1195, %dma_wait3A_1203, %dma_wait3A_1204] : memref<100x4x128x8x128xf32, #tpu.memory_space<hbm>> -> memref<1x4x1x8x128xf32, #tpu.memory_space<hbm>>
        %dma_wait3A_1206 = tpu.memref_squeeze %dma_wait3A_1205 : memref<1x4x1x8x128xf32, #tpu.memory_space<hbm>> -> memref<4x8x128xf32, #tpu.memory_space<hbm>>
        %dma_wait3A_1207 = arith.constant 0 : i32
        %dma_wait3A_1208 = arith.constant 0 : i32
        %dma_wait3A_1209 = arith.constant 0 : i32
        %dma_wait3A_1210 = tpu.memref_slice %arg4[%select_n3A_1193, %dma_wait3A_1207, %rem3A_1195, %dma_wait3A_1208, %dma_wait3A_1209] : memref<100x4x128x8x128xf32, #tpu.memory_space<hbm>> -> memref<1x4x1x8x128xf32, #tpu.memory_space<hbm>>
        %dma_wait3A_1211 = tpu.memref_squeeze %dma_wait3A_1210 : memref<1x4x1x8x128xf32, #tpu.memory_space<hbm>> -> memref<4x8x128xf32, #tpu.memory_space<hbm>>
        %dma_wait3A_1212 = arith.constant 0 : i32
        %dma_wait3A_1213 = arith.constant 0 : i32
        %dma_wait3A_1214 = arith.constant 0 : i32
        %dma_wait3A_1215 = tpu.memref_slice %arg7[%dma_wait3A_1196, %dma_wait3A_1212, %dma_wait3A_1213, %dma_wait3A_1214] : memref<2x4x8x128xf32, #tpu.memory_space<vmem>> -> memref<1x4x8x128xf32, #tpu.memory_space<vmem>>
        %dma_wait3A_1216 = tpu.memref_squeeze %dma_wait3A_1215 : memref<1x4x8x128xf32, #tpu.memory_space<vmem>> -> memref<4x8x128xf32, #tpu.memory_space<vmem>>
        tpu.wait_dma2 semaphore(%arg11 : memref<!tpu.dma_semaphore, #tpu.memory_space<semaphore_mem>>) src(%dma_wait3A_1216 : memref<4x8x128xf32, #tpu.memory_space<vmem>>) dst(%dma_wait3A_1211 : memref<4x8x128xf32, #tpu.memory_space<hbm>>)
      } else {
      }
      %scan3A_462 = arith.constant 0 : i32
      %scan3A_463 = arith.constant 0 : i32
      %scan3A_464 = arith.constant 128 : i32
      %scan3A_465 = arith.addi %scan3A_463, %scan3A_464 : i32
      %scan3A_466 = arith.constant 4 : i32
      scf.for %scan3A_1167 = %scan3A_463 to %scan3A_465 step %scan3A_466  : i32 {
        %broadcast_in_dim3A = vector.broadcast %scan3A_1167 : i32 to vector<16xi32>
        %add3A_1168 = arith.constant 640 : i32
        %add3A_1169 = arith.addi %add3A_1168, %scan3A_1167 : i32
        %get3A = arith.constant 0 : i32
        %get3A_1170 = arith.index_cast %get3A : i32 to index
        %get3A_1171 = arith.index_cast %add3A_1169 : i32 to index
        %get3A_1172 = arith.constant 0 : index
        %get3A_1173 = tpu.vector_load %arg6[%get3A_1170, %get3A_1171, %get3A_1172] {strides = array<i32>} : memref<2x1024x32xf32, #tpu.memory_space<vmem>>, vector<16xf32>,
        %scatter3A = arith.constant 1 : i32
        %scatter3A_1174 = arith.constant 0 : i32
        %scatter3A_1175 = arith.constant 0 : i32
        %scatter3A_1176 = arith.constant 0 : i32
        %scatter3A_1177 = tpu.memref_slice %arg7[%scatter3A, %scatter3A_1174, %scatter3A_1175, %scatter3A_1176] : memref<2x4x8x128xf32, #tpu.memory_space<vmem>> -> memref<1x4x8x128xf32, #tpu.memory_space<vmem>>
        %scatter3A_1178 = tpu.memref_squeeze %scatter3A_1177 : memref<1x4x8x128xf32, #tpu.memory_space<vmem>> -> memref<4x8x128xf32, #tpu.memory_space<vmem>>
        tpu.vector_store_idx %scatter3A_1178[%shift_right_logical3A_6, %and3A_11, %broadcast_in_dim3A], %get3A_1173 : memref<4x8x128xf32, #tpu.memory_space<vmem>>[vector<16xi32>, vector<16xi32>, vector<16xi32>], vector<16xf32>,
        %add3A_1179 = arith.constant 640 : i32
        %add3A_1180 = arith.addi %add3A_1179, %scan3A_1167 : i32
        %get3A_1181 = arith.constant 0 : i32
        %get3A_1182 = arith.index_cast %get3A_1181 : i32 to index
        %get3A_1183 = arith.index_cast %add3A_1180 : i32 to index
        %get3A_1184 = arith.constant 16 : index
        %get3A_1185 = tpu.vector_load %arg6[%get3A_1182, %get3A_1183, %get3A_1184] {strides = array<i32>} : memref<2x1024x32xf32, #tpu.memory_space<vmem>>, vector<16xf32>,
        %scatter3A_1186 = arith.constant 1 : i32
        %scatter3A_1187 = arith.constant 0 : i32
        %scatter3A_1188 = arith.constant 0 : i32
        %scatter3A_1189 = arith.constant 0 : i32
        %scatter3A_1190 = tpu.memref_slice %arg7[%scatter3A_1186, %scatter3A_1187, %scatter3A_1188, %scatter3A_1189] : memref<2x4x8x128xf32, #tpu.memory_space<vmem>> -> memref<1x4x8x128xf32, #tpu.memory_space<vmem>>
        %scatter3A_1191 = tpu.memref_squeeze %scatter3A_1190 : memref<1x4x8x128xf32, #tpu.memory_space<vmem>> -> memref<4x8x128xf32, #tpu.memory_space<vmem>>
        tpu.vector_store_idx %scatter3A_1191[%add3A_9, %and3A_11, %broadcast_in_dim3A], %get3A_1185 : memref<4x8x128xf32, #tpu.memory_space<vmem>>[vector<16xi32>, vector<16xi32>, vector<16xi32>], vector<16xf32>,
        %scan3A_1192 = arith.constant 1 : i32
        %scan3A_1193 = arith.addi %scan3A_1167, %scan3A_1192 : i32
        %broadcast_in_dim3A_1194 = vector.broadcast %scan3A_1193 : i32 to vector<16xi32>
        %add3A_1195 = arith.constant 640 : i32
        %add3A_1196 = arith.addi %add3A_1195, %scan3A_1193 : i32
        %get3A_1197 = arith.constant 0 : i32
        %get3A_1198 = arith.index_cast %get3A_1197 : i32 to index
        %get3A_1199 = arith.index_cast %add3A_1196 : i32 to index
        %get3A_1200 = arith.constant 0 : index
        %get3A_1201 = tpu.vector_load %arg6[%get3A_1198, %get3A_1199, %get3A_1200] {strides = array<i32>} : memref<2x1024x32xf32, #tpu.memory_space<vmem>>, vector<16xf32>,
        %scatter3A_1202 = arith.constant 1 : i32
        %scatter3A_1203 = arith.constant 0 : i32
        %scatter3A_1204 = arith.constant 0 : i32
        %scatter3A_1205 = arith.constant 0 : i32
        %scatter3A_1206 = tpu.memref_slice %arg7[%scatter3A_1202, %scatter3A_1203, %scatter3A_1204, %scatter3A_1205] : memref<2x4x8x128xf32, #tpu.memory_space<vmem>> -> memref<1x4x8x128xf32, #tpu.memory_space<vmem>>
        %scatter3A_1207 = tpu.memref_squeeze %scatter3A_1206 : memref<1x4x8x128xf32, #tpu.memory_space<vmem>> -> memref<4x8x128xf32, #tpu.memory_space<vmem>>
        tpu.vector_store_idx %scatter3A_1207[%shift_right_logical3A_6, %and3A_11, %broadcast_in_dim3A_1194], %get3A_1201 : memref<4x8x128xf32, #tpu.memory_space<vmem>>[vector<16xi32>, vector<16xi32>, vector<16xi32>], vector<16xf32>,
        %add3A_1208 = arith.constant 640 : i32
        %add3A_1209 = arith.addi %add3A_1208, %scan3A_1193 : i32
        %get3A_1210 = arith.constant 0 : i32
        %get3A_1211 = arith.index_cast %get3A_1210 : i32 to index
        %get3A_1212 = arith.index_cast %add3A_1209 : i32 to index
        %get3A_1213 = arith.constant 16 : index
        %get3A_1214 = tpu.vector_load %arg6[%get3A_1211, %get3A_1212, %get3A_1213] {strides = array<i32>} : memref<2x1024x32xf32, #tpu.memory_space<vmem>>, vector<16xf32>,
        %scatter3A_1215 = arith.constant 1 : i32
        %scatter3A_1216 = arith.constant 0 : i32
        %scatter3A_1217 = arith.constant 0 : i32
        %scatter3A_1218 = arith.constant 0 : i32
        %scatter3A_1219 = tpu.memref_slice %arg7[%scatter3A_1215, %scatter3A_1216, %scatter3A_1217, %scatter3A_1218] : memref<2x4x8x128xf32, #tpu.memory_space<vmem>> -> memref<1x4x8x128xf32, #tpu.memory_space<vmem>>
        %scatter3A_1220 = tpu.memref_squeeze %scatter3A_1219 : memref<1x4x8x128xf32, #tpu.memory_space<vmem>> -> memref<4x8x128xf32, #tpu.memory_space<vmem>>
        tpu.vector_store_idx %scatter3A_1220[%add3A_9, %and3A_11, %broadcast_in_dim3A_1194], %get3A_1214 : memref<4x8x128xf32, #tpu.memory_space<vmem>>[vector<16xi32>, vector<16xi32>, vector<16xi32>], vector<16xf32>,
        %scan3A_1221 = arith.constant 2 : i32
        %scan3A_1222 = arith.addi %scan3A_1167, %scan3A_1221 : i32
        %broadcast_in_dim3A_1223 = vector.broadcast %scan3A_1222 : i32 to vector<16xi32>
        %add3A_1224 = arith.constant 640 : i32
        %add3A_1225 = arith.addi %add3A_1224, %scan3A_1222 : i32
        %get3A_1226 = arith.constant 0 : i32
        %get3A_1227 = arith.index_cast %get3A_1226 : i32 to index
        %get3A_1228 = arith.index_cast %add3A_1225 : i32 to index
        %get3A_1229 = arith.constant 0 : index
        %get3A_1230 = tpu.vector_load %arg6[%get3A_1227, %get3A_1228, %get3A_1229] {strides = array<i32>} : memref<2x1024x32xf32, #tpu.memory_space<vmem>>, vector<16xf32>,
        %scatter3A_1231 = arith.constant 1 : i32
        %scatter3A_1232 = arith.constant 0 : i32
        %scatter3A_1233 = arith.constant 0 : i32
        %scatter3A_1234 = arith.constant 0 : i32
        %scatter3A_1235 = tpu.memref_slice %arg7[%scatter3A_1231, %scatter3A_1232, %scatter3A_1233, %scatter3A_1234] : memref<2x4x8x128xf32, #tpu.memory_space<vmem>> -> memref<1x4x8x128xf32, #tpu.memory_space<vmem>>
        %scatter3A_1236 = tpu.memref_squeeze %scatter3A_1235 : memref<1x4x8x128xf32, #tpu.memory_space<vmem>> -> memref<4x8x128xf32, #tpu.memory_space<vmem>>
        tpu.vector_store_idx %scatter3A_1236[%shift_right_logical3A_6, %and3A_11, %broadcast_in_dim3A_1223], %get3A_1230 : memref<4x8x128xf32, #tpu.memory_space<vmem>>[vector<16xi32>, vector<16xi32>, vector<16xi32>], vector<16xf32>,
        %add3A_1237 = arith.constant 640 : i32
        %add3A_1238 = arith.addi %add3A_1237, %scan3A_1222 : i32
        %get3A_1239 = arith.constant 0 : i32
        %get3A_1240 = arith.index_cast %get3A_1239 : i32 to index
        %get3A_1241 = arith.index_cast %add3A_1238 : i32 to index
        %get3A_1242 = arith.constant 16 : index
        %get3A_1243 = tpu.vector_load %arg6[%get3A_1240, %get3A_1241, %get3A_1242] {strides = array<i32>} : memref<2x1024x32xf32, #tpu.memory_space<vmem>>, vector<16xf32>,
        %scatter3A_1244 = arith.constant 1 : i32
        %scatter3A_1245 = arith.constant 0 : i32
        %scatter3A_1246 = arith.constant 0 : i32
        %scatter3A_1247 = arith.constant 0 : i32
        %scatter3A_1248 = tpu.memref_slice %arg7[%scatter3A_1244, %scatter3A_1245, %scatter3A_1246, %scatter3A_1247] : memref<2x4x8x128xf32, #tpu.memory_space<vmem>> -> memref<1x4x8x128xf32, #tpu.memory_space<vmem>>
        %scatter3A_1249 = tpu.memref_squeeze %scatter3A_1248 : memref<1x4x8x128xf32, #tpu.memory_space<vmem>> -> memref<4x8x128xf32, #tpu.memory_space<vmem>>
        tpu.vector_store_idx %scatter3A_1249[%add3A_9, %and3A_11, %broadcast_in_dim3A_1223], %get3A_1243 : memref<4x8x128xf32, #tpu.memory_space<vmem>>[vector<16xi32>, vector<16xi32>, vector<16xi32>], vector<16xf32>,
        %scan3A_1250 = arith.constant 3 : i32
        %scan3A_1251 = arith.addi %scan3A_1167, %scan3A_1250 : i32
        %broadcast_in_dim3A_1252 = vector.broadcast %scan3A_1251 : i32 to vector<16xi32>
        %add3A_1253 = arith.constant 640 : i32
        %add3A_1254 = arith.addi %add3A_1253, %scan3A_1251 : i32
        %get3A_1255 = arith.constant 0 : i32
        %get3A_1256 = arith.index_cast %get3A_1255 : i32 to index
        %get3A_1257 = arith.index_cast %add3A_1254 : i32 to index
        %get3A_1258 = arith.constant 0 : index
        %get3A_1259 = tpu.vector_load %arg6[%get3A_1256, %get3A_1257, %get3A_1258] {strides = array<i32>} : memref<2x1024x32xf32, #tpu.memory_space<vmem>>, vector<16xf32>,
        %scatter3A_1260 = arith.constant 1 : i32
        %scatter3A_1261 = arith.constant 0 : i32
        %scatter3A_1262 = arith.constant 0 : i32
        %scatter3A_1263 = arith.constant 0 : i32
        %scatter3A_1264 = tpu.memref_slice %arg7[%scatter3A_1260, %scatter3A_1261, %scatter3A_1262, %scatter3A_1263] : memref<2x4x8x128xf32, #tpu.memory_space<vmem>> -> memref<1x4x8x128xf32, #tpu.memory_space<vmem>>
        %scatter3A_1265 = tpu.memref_squeeze %scatter3A_1264 : memref<1x4x8x128xf32, #tpu.memory_space<vmem>> -> memref<4x8x128xf32, #tpu.memory_space<vmem>>
        tpu.vector_store_idx %scatter3A_1265[%shift_right_logical3A_6, %and3A_11, %broadcast_in_dim3A_1252], %get3A_1259 : memref<4x8x128xf32, #tpu.memory_space<vmem>>[vector<16xi32>, vector<16xi32>, vector<16xi32>], vector<16xf32>,
        %add3A_1266 = arith.constant 640 : i32
        %add3A_1267 = arith.addi %add3A_1266, %scan3A_1251 : i32
        %get3A_1268 = arith.constant 0 : i32
        %get3A_1269 = arith.index_cast %get3A_1268 : i32 to index
        %get3A_1270 = arith.index_cast %add3A_1267 : i32 to index
        %get3A_1271 = arith.constant 16 : index
        %get3A_1272 = tpu.vector_load %arg6[%get3A_1269, %get3A_1270, %get3A_1271] {strides = array<i32>} : memref<2x1024x32xf32, #tpu.memory_space<vmem>>, vector<16xf32>,
        %scatter3A_1273 = arith.constant 1 : i32
        %scatter3A_1274 = arith.constant 0 : i32
        %scatter3A_1275 = arith.constant 0 : i32
        %scatter3A_1276 = arith.constant 0 : i32
        %scatter3A_1277 = tpu.memref_slice %arg7[%scatter3A_1273, %scatter3A_1274, %scatter3A_1275, %scatter3A_1276] : memref<2x4x8x128xf32, #tpu.memory_space<vmem>> -> memref<1x4x8x128xf32, #tpu.memory_space<vmem>>
        %scatter3A_1278 = tpu.memref_squeeze %scatter3A_1277 : memref<1x4x8x128xf32, #tpu.memory_space<vmem>> -> memref<4x8x128xf32, #tpu.memory_space<vmem>>
        tpu.vector_store_idx %scatter3A_1278[%add3A_9, %and3A_11, %broadcast_in_dim3A_1252], %get3A_1272 : memref<4x8x128xf32, #tpu.memory_space<vmem>>[vector<16xi32>, vector<16xi32>, vector<16xi32>], vector<16xf32>,
      }
      %scan3A_467 = arith.constant 128 : i32
      %add3A_468 = arith.addi %mul3A_4, %add3A_456 : i32
      %jit3A_469 = arith.constant 128 : i32
      %div3A_470 = arith.divsi %add3A_468, %jit3A_469 : i32
      %sign3A_471 = arith.constant 0 : i32
      %sign3A_472 = arith.cmpi sgt, %add3A_468, %sign3A_471 : i32
      %sign3A_473 = arith.extui %sign3A_472 : i1 to i32
      %sign3A_474 = arith.constant 0 : i32
      %sign3A_475 = arith.cmpi slt, %add3A_468, %sign3A_474 : i32
      %sign3A_476 = arith.extui %sign3A_475 : i1 to i32
      %sign3A_477 = arith.subi %sign3A_473, %sign3A_476 : i32
      %sign3A_478 = arith.constant 0 : i32
      %sign3A_479 = arith.cmpi sgt, %jit3A_469, %sign3A_478 : i32
      %sign3A_480 = arith.extui %sign3A_479 : i1 to i32
      %sign3A_481 = arith.constant 0 : i32
      %sign3A_482 = arith.cmpi slt, %jit3A_469, %sign3A_481 : i32
      %sign3A_483 = arith.extui %sign3A_482 : i1 to i32
      %sign3A_484 = arith.subi %sign3A_480, %sign3A_483 : i32
      %ne3A_485 = arith.cmpi ne, %sign3A_477, %sign3A_484 : i32
      %rem3A_486 = arith.remsi %add3A_468, %jit3A_469 : i32
      %ne3A_487 = arith.constant 0 : i32
      %ne3A_488 = arith.cmpi ne, %rem3A_486, %ne3A_487 : i32
      %and3A_489 = arith.andi %ne3A_485, %ne3A_488 : i1
      %sub3A_490 = arith.constant 1 : i32
      %sub3A_491 = arith.subi %div3A_470, %sub3A_490 : i32
      %select_n3A_492 = arith.select %and3A_489, %sub3A_491, %div3A_470 : i32
      %rem3A_493 = arith.constant 128 : i32
      %rem3A_494 = arith.remsi %add3A_468, %rem3A_493 : i32
      %dma_start3A_495 = arith.constant 1 : i32
      %dma_start3A_496 = arith.constant 0 : i32
      %dma_start3A_497 = arith.constant 0 : i32
      %dma_start3A_498 = arith.constant 0 : i32
      %dma_start3A_499 = tpu.memref_slice %arg7[%dma_start3A_495, %dma_start3A_496, %dma_start3A_497, %dma_start3A_498] : memref<2x4x8x128xf32, #tpu.memory_space<vmem>> -> memref<1x4x8x128xf32, #tpu.memory_space<vmem>>
      %dma_start3A_500 = tpu.memref_squeeze %dma_start3A_499 : memref<1x4x8x128xf32, #tpu.memory_space<vmem>> -> memref<4x8x128xf32, #tpu.memory_space<vmem>>
      %dma_start3A_501 = arith.constant 0 : i32
      %dma_start3A_502 = arith.constant 0 : i32
      %dma_start3A_503 = arith.constant 0 : i32
      %dma_start3A_504 = tpu.memref_slice %arg4[%select_n3A_492, %dma_start3A_501, %rem3A_494, %dma_start3A_502, %dma_start3A_503] : memref<100x4x128x8x128xf32, #tpu.memory_space<hbm>> -> memref<1x4x1x8x128xf32, #tpu.memory_space<hbm>>
      %dma_start3A_505 = tpu.memref_squeeze %dma_start3A_504 : memref<1x4x1x8x128xf32, #tpu.memory_space<hbm>> -> memref<4x8x128xf32, #tpu.memory_space<hbm>>
      %dma_start3A_506 = arith.constant 0 : i32
      %dma_start3A_507 = arith.constant 0 : i32
      %dma_start3A_508 = arith.constant 0 : i32
      %dma_start3A_509 = tpu.memref_slice %arg4[%select_n3A_492, %dma_start3A_506, %rem3A_494, %dma_start3A_507, %dma_start3A_508] : memref<100x4x128x8x128xf32, #tpu.memory_space<hbm>> -> memref<1x4x1x8x128xf32, #tpu.memory_space<hbm>>
      %dma_start3A_510 = tpu.memref_squeeze %dma_start3A_509 : memref<1x4x1x8x128xf32, #tpu.memory_space<hbm>> -> memref<4x8x128xf32, #tpu.memory_space<hbm>>
      %dma_start3A_511 = arith.constant 0 : i32
      %dma_start3A_512 = arith.constant 0 : i32
      %dma_start3A_513 = arith.constant 0 : i32
      %dma_start3A_514 = tpu.memref_slice %arg7[%dma_start3A_495, %dma_start3A_511, %dma_start3A_512, %dma_start3A_513] : memref<2x4x8x128xf32, #tpu.memory_space<vmem>> -> memref<1x4x8x128xf32, #tpu.memory_space<vmem>>
      %dma_start3A_515 = tpu.memref_squeeze %dma_start3A_514 : memref<1x4x8x128xf32, #tpu.memory_space<vmem>> -> memref<4x8x128xf32, #tpu.memory_space<vmem>>
      tpu.enqueue_dma source(%dma_start3A_515 : memref<4x8x128xf32, #tpu.memory_space<vmem>>) target(%dma_start3A_510 : memref<4x8x128xf32, #tpu.memory_space<hbm>>) target_semaphore(%arg11 : memref<!tpu.dma_semaphore, #tpu.memory_space<semaphore_mem>>)
      %mul3A_516 = arith.constant 8 : i32
      %mul3A_517 = arith.muli %add3A_124, %mul3A_516 : i32
      %add3A_518 = arith.constant 6 : i32
      %add3A_519 = arith.addi %mul3A_517, %add3A_518 : i32
      %ge3A_520 = arith.constant 2 : i32
      %ge3A_521 = arith.cmpi sge, %add3A_519, %ge3A_520 : i32
      %convert_element_type3A_522 = arith.extui %ge3A_521 : i1 to i32
      %cond3A_523 = arith.constant 0 : i32
      %cond3A_524 = arith.cmpi ne, %convert_element_type3A_522, %cond3A_523 : i32
      scf.if %cond3A_524 {
        %add3A_1167 = arith.addi %mul3A_4, %add3A_519 : i32
        %sub3A_1168 = arith.constant 2 : i32
        %sub3A_1169 = arith.subi %add3A_1167, %sub3A_1168 : i32
        %jit3A_1170 = arith.constant 128 : i32
        %div3A_1171 = arith.divsi %sub3A_1169, %jit3A_1170 : i32
        %sign3A_1172 = arith.constant 0 : i32
        %sign3A_1173 = arith.cmpi sgt, %sub3A_1169, %sign3A_1172 : i32
        %sign3A_1174 = arith.extui %sign3A_1173 : i1 to i32
        %sign3A_1175 = arith.constant 0 : i32
        %sign3A_1176 = arith.cmpi slt, %sub3A_1169, %sign3A_1175 : i32
        %sign3A_1177 = arith.extui %sign3A_1176 : i1 to i32
        %sign3A_1178 = arith.subi %sign3A_1174, %sign3A_1177 : i32
        %sign3A_1179 = arith.constant 0 : i32
        %sign3A_1180 = arith.cmpi sgt, %jit3A_1170, %sign3A_1179 : i32
        %sign3A_1181 = arith.extui %sign3A_1180 : i1 to i32
        %sign3A_1182 = arith.constant 0 : i32
        %sign3A_1183 = arith.cmpi slt, %jit3A_1170, %sign3A_1182 : i32
        %sign3A_1184 = arith.extui %sign3A_1183 : i1 to i32
        %sign3A_1185 = arith.subi %sign3A_1181, %sign3A_1184 : i32
        %ne3A_1186 = arith.cmpi ne, %sign3A_1178, %sign3A_1185 : i32
        %rem3A_1187 = arith.remsi %sub3A_1169, %jit3A_1170 : i32
        %ne3A_1188 = arith.constant 0 : i32
        %ne3A_1189 = arith.cmpi ne, %rem3A_1187, %ne3A_1188 : i32
        %and3A_1190 = arith.andi %ne3A_1186, %ne3A_1189 : i1
        %sub3A_1191 = arith.constant 1 : i32
        %sub3A_1192 = arith.subi %div3A_1171, %sub3A_1191 : i32
        %select_n3A_1193 = arith.select %and3A_1190, %sub3A_1192, %div3A_1171 : i32
        %rem3A_1194 = arith.constant 128 : i32
        %rem3A_1195 = arith.remsi %sub3A_1169, %rem3A_1194 : i32
        %dma_wait3A_1196 = arith.constant 0 : i32
        %dma_wait3A_1197 = arith.constant 0 : i32
        %dma_wait3A_1198 = arith.constant 0 : i32
        %dma_wait3A_1199 = arith.constant 0 : i32
        %dma_wait3A_1200 = tpu.memref_slice %arg7[%dma_wait3A_1196, %dma_wait3A_1197, %dma_wait3A_1198, %dma_wait3A_1199] : memref<2x4x8x128xf32, #tpu.memory_space<vmem>> -> memref<1x4x8x128xf32, #tpu.memory_space<vmem>>
        %dma_wait3A_1201 = tpu.memref_squeeze %dma_wait3A_1200 : memref<1x4x8x128xf32, #tpu.memory_space<vmem>> -> memref<4x8x128xf32, #tpu.memory_space<vmem>>
        %dma_wait3A_1202 = arith.constant 0 : i32
        %dma_wait3A_1203 = arith.constant 0 : i32
        %dma_wait3A_1204 = arith.constant 0 : i32
        %dma_wait3A_1205 = tpu.memref_slice %arg4[%select_n3A_1193, %dma_wait3A_1202, %rem3A_1195, %dma_wait3A_1203, %dma_wait3A_1204] : memref<100x4x128x8x128xf32, #tpu.memory_space<hbm>> -> memref<1x4x1x8x128xf32, #tpu.memory_space<hbm>>
        %dma_wait3A_1206 = tpu.memref_squeeze %dma_wait3A_1205 : memref<1x4x1x8x128xf32, #tpu.memory_space<hbm>> -> memref<4x8x128xf32, #tpu.memory_space<hbm>>
        %dma_wait3A_1207 = arith.constant 0 : i32
        %dma_wait3A_1208 = arith.constant 0 : i32
        %dma_wait3A_1209 = arith.constant 0 : i32
        %dma_wait3A_1210 = tpu.memref_slice %arg4[%select_n3A_1193, %dma_wait3A_1207, %rem3A_1195, %dma_wait3A_1208, %dma_wait3A_1209] : memref<100x4x128x8x128xf32, #tpu.memory_space<hbm>> -> memref<1x4x1x8x128xf32, #tpu.memory_space<hbm>>
        %dma_wait3A_1211 = tpu.memref_squeeze %dma_wait3A_1210 : memref<1x4x1x8x128xf32, #tpu.memory_space<hbm>> -> memref<4x8x128xf32, #tpu.memory_space<hbm>>
        %dma_wait3A_1212 = arith.constant 0 : i32
        %dma_wait3A_1213 = arith.constant 0 : i32
        %dma_wait3A_1214 = arith.constant 0 : i32
        %dma_wait3A_1215 = tpu.memref_slice %arg7[%dma_wait3A_1196, %dma_wait3A_1212, %dma_wait3A_1213, %dma_wait3A_1214] : memref<2x4x8x128xf32, #tpu.memory_space<vmem>> -> memref<1x4x8x128xf32, #tpu.memory_space<vmem>>
        %dma_wait3A_1216 = tpu.memref_squeeze %dma_wait3A_1215 : memref<1x4x8x128xf32, #tpu.memory_space<vmem>> -> memref<4x8x128xf32, #tpu.memory_space<vmem>>
        tpu.wait_dma2 semaphore(%arg10 : memref<!tpu.dma_semaphore, #tpu.memory_space<semaphore_mem>>) src(%dma_wait3A_1216 : memref<4x8x128xf32, #tpu.memory_space<vmem>>) dst(%dma_wait3A_1211 : memref<4x8x128xf32, #tpu.memory_space<hbm>>)
      } else {
      }
      %scan3A_525 = arith.constant 0 : i32
      %scan3A_526 = arith.constant 0 : i32
      %scan3A_527 = arith.constant 128 : i32
      %scan3A_528 = arith.addi %scan3A_526, %scan3A_527 : i32
      %scan3A_529 = arith.constant 4 : i32
      scf.for %scan3A_1167 = %scan3A_526 to %scan3A_528 step %scan3A_529  : i32 {
        %broadcast_in_dim3A = vector.broadcast %scan3A_1167 : i32 to vector<16xi32>
        %add3A_1168 = arith.constant 768 : i32
        %add3A_1169 = arith.addi %add3A_1168, %scan3A_1167 : i32
        %get3A = arith.constant 0 : i32
        %get3A_1170 = arith.index_cast %get3A : i32 to index
        %get3A_1171 = arith.index_cast %add3A_1169 : i32 to index
        %get3A_1172 = arith.constant 0 : index
        %get3A_1173 = tpu.vector_load %arg6[%get3A_1170, %get3A_1171, %get3A_1172] {strides = array<i32>} : memref<2x1024x32xf32, #tpu.memory_space<vmem>>, vector<16xf32>,
        %scatter3A = arith.constant 0 : i32
        %scatter3A_1174 = arith.constant 0 : i32
        %scatter3A_1175 = arith.constant 0 : i32
        %scatter3A_1176 = arith.constant 0 : i32
        %scatter3A_1177 = tpu.memref_slice %arg7[%scatter3A, %scatter3A_1174, %scatter3A_1175, %scatter3A_1176] : memref<2x4x8x128xf32, #tpu.memory_space<vmem>> -> memref<1x4x8x128xf32, #tpu.memory_space<vmem>>
        %scatter3A_1178 = tpu.memref_squeeze %scatter3A_1177 : memref<1x4x8x128xf32, #tpu.memory_space<vmem>> -> memref<4x8x128xf32, #tpu.memory_space<vmem>>
        tpu.vector_store_idx %scatter3A_1178[%shift_right_logical3A_6, %and3A_11, %broadcast_in_dim3A], %get3A_1173 : memref<4x8x128xf32, #tpu.memory_space<vmem>>[vector<16xi32>, vector<16xi32>, vector<16xi32>], vector<16xf32>,
        %add3A_1179 = arith.constant 768 : i32
        %add3A_1180 = arith.addi %add3A_1179, %scan3A_1167 : i32
        %get3A_1181 = arith.constant 0 : i32
        %get3A_1182 = arith.index_cast %get3A_1181 : i32 to index
        %get3A_1183 = arith.index_cast %add3A_1180 : i32 to index
        %get3A_1184 = arith.constant 16 : index
        %get3A_1185 = tpu.vector_load %arg6[%get3A_1182, %get3A_1183, %get3A_1184] {strides = array<i32>} : memref<2x1024x32xf32, #tpu.memory_space<vmem>>, vector<16xf32>,
        %scatter3A_1186 = arith.constant 0 : i32
        %scatter3A_1187 = arith.constant 0 : i32
        %scatter3A_1188 = arith.constant 0 : i32
        %scatter3A_1189 = arith.constant 0 : i32
        %scatter3A_1190 = tpu.memref_slice %arg7[%scatter3A_1186, %scatter3A_1187, %scatter3A_1188, %scatter3A_1189] : memref<2x4x8x128xf32, #tpu.memory_space<vmem>> -> memref<1x4x8x128xf32, #tpu.memory_space<vmem>>
        %scatter3A_1191 = tpu.memref_squeeze %scatter3A_1190 : memref<1x4x8x128xf32, #tpu.memory_space<vmem>> -> memref<4x8x128xf32, #tpu.memory_space<vmem>>
        tpu.vector_store_idx %scatter3A_1191[%add3A_9, %and3A_11, %broadcast_in_dim3A], %get3A_1185 : memref<4x8x128xf32, #tpu.memory_space<vmem>>[vector<16xi32>, vector<16xi32>, vector<16xi32>], vector<16xf32>,
        %scan3A_1192 = arith.constant 1 : i32
        %scan3A_1193 = arith.addi %scan3A_1167, %scan3A_1192 : i32
        %broadcast_in_dim3A_1194 = vector.broadcast %scan3A_1193 : i32 to vector<16xi32>
        %add3A_1195 = arith.constant 768 : i32
        %add3A_1196 = arith.addi %add3A_1195, %scan3A_1193 : i32
        %get3A_1197 = arith.constant 0 : i32
        %get3A_1198 = arith.index_cast %get3A_1197 : i32 to index
        %get3A_1199 = arith.index_cast %add3A_1196 : i32 to index
        %get3A_1200 = arith.constant 0 : index
        %get3A_1201 = tpu.vector_load %arg6[%get3A_1198, %get3A_1199, %get3A_1200] {strides = array<i32>} : memref<2x1024x32xf32, #tpu.memory_space<vmem>>, vector<16xf32>,
        %scatter3A_1202 = arith.constant 0 : i32
        %scatter3A_1203 = arith.constant 0 : i32
        %scatter3A_1204 = arith.constant 0 : i32
        %scatter3A_1205 = arith.constant 0 : i32
        %scatter3A_1206 = tpu.memref_slice %arg7[%scatter3A_1202, %scatter3A_1203, %scatter3A_1204, %scatter3A_1205] : memref<2x4x8x128xf32, #tpu.memory_space<vmem>> -> memref<1x4x8x128xf32, #tpu.memory_space<vmem>>
        %scatter3A_1207 = tpu.memref_squeeze %scatter3A_1206 : memref<1x4x8x128xf32, #tpu.memory_space<vmem>> -> memref<4x8x128xf32, #tpu.memory_space<vmem>>
        tpu.vector_store_idx %scatter3A_1207[%shift_right_logical3A_6, %and3A_11, %broadcast_in_dim3A_1194], %get3A_1201 : memref<4x8x128xf32, #tpu.memory_space<vmem>>[vector<16xi32>, vector<16xi32>, vector<16xi32>], vector<16xf32>,
        %add3A_1208 = arith.constant 768 : i32
        %add3A_1209 = arith.addi %add3A_1208, %scan3A_1193 : i32
        %get3A_1210 = arith.constant 0 : i32
        %get3A_1211 = arith.index_cast %get3A_1210 : i32 to index
        %get3A_1212 = arith.index_cast %add3A_1209 : i32 to index
        %get3A_1213 = arith.constant 16 : index
        %get3A_1214 = tpu.vector_load %arg6[%get3A_1211, %get3A_1212, %get3A_1213] {strides = array<i32>} : memref<2x1024x32xf32, #tpu.memory_space<vmem>>, vector<16xf32>,
        %scatter3A_1215 = arith.constant 0 : i32
        %scatter3A_1216 = arith.constant 0 : i32
        %scatter3A_1217 = arith.constant 0 : i32
        %scatter3A_1218 = arith.constant 0 : i32
        %scatter3A_1219 = tpu.memref_slice %arg7[%scatter3A_1215, %scatter3A_1216, %scatter3A_1217, %scatter3A_1218] : memref<2x4x8x128xf32, #tpu.memory_space<vmem>> -> memref<1x4x8x128xf32, #tpu.memory_space<vmem>>
        %scatter3A_1220 = tpu.memref_squeeze %scatter3A_1219 : memref<1x4x8x128xf32, #tpu.memory_space<vmem>> -> memref<4x8x128xf32, #tpu.memory_space<vmem>>
        tpu.vector_store_idx %scatter3A_1220[%add3A_9, %and3A_11, %broadcast_in_dim3A_1194], %get3A_1214 : memref<4x8x128xf32, #tpu.memory_space<vmem>>[vector<16xi32>, vector<16xi32>, vector<16xi32>], vector<16xf32>,
        %scan3A_1221 = arith.constant 2 : i32
        %scan3A_1222 = arith.addi %scan3A_1167, %scan3A_1221 : i32
        %broadcast_in_dim3A_1223 = vector.broadcast %scan3A_1222 : i32 to vector<16xi32>
        %add3A_1224 = arith.constant 768 : i32
        %add3A_1225 = arith.addi %add3A_1224, %scan3A_1222 : i32
        %get3A_1226 = arith.constant 0 : i32
        %get3A_1227 = arith.index_cast %get3A_1226 : i32 to index
        %get3A_1228 = arith.index_cast %add3A_1225 : i32 to index
        %get3A_1229 = arith.constant 0 : index
        %get3A_1230 = tpu.vector_load %arg6[%get3A_1227, %get3A_1228, %get3A_1229] {strides = array<i32>} : memref<2x1024x32xf32, #tpu.memory_space<vmem>>, vector<16xf32>,
        %scatter3A_1231 = arith.constant 0 : i32
        %scatter3A_1232 = arith.constant 0 : i32
        %scatter3A_1233 = arith.constant 0 : i32
        %scatter3A_1234 = arith.constant 0 : i32
        %scatter3A_1235 = tpu.memref_slice %arg7[%scatter3A_1231, %scatter3A_1232, %scatter3A_1233, %scatter3A_1234] : memref<2x4x8x128xf32, #tpu.memory_space<vmem>> -> memref<1x4x8x128xf32, #tpu.memory_space<vmem>>
        %scatter3A_1236 = tpu.memref_squeeze %scatter3A_1235 : memref<1x4x8x128xf32, #tpu.memory_space<vmem>> -> memref<4x8x128xf32, #tpu.memory_space<vmem>>
        tpu.vector_store_idx %scatter3A_1236[%shift_right_logical3A_6, %and3A_11, %broadcast_in_dim3A_1223], %get3A_1230 : memref<4x8x128xf32, #tpu.memory_space<vmem>>[vector<16xi32>, vector<16xi32>, vector<16xi32>], vector<16xf32>,
        %add3A_1237 = arith.constant 768 : i32
        %add3A_1238 = arith.addi %add3A_1237, %scan3A_1222 : i32
        %get3A_1239 = arith.constant 0 : i32
        %get3A_1240 = arith.index_cast %get3A_1239 : i32 to index
        %get3A_1241 = arith.index_cast %add3A_1238 : i32 to index
        %get3A_1242 = arith.constant 16 : index
        %get3A_1243 = tpu.vector_load %arg6[%get3A_1240, %get3A_1241, %get3A_1242] {strides = array<i32>} : memref<2x1024x32xf32, #tpu.memory_space<vmem>>, vector<16xf32>,
        %scatter3A_1244 = arith.constant 0 : i32
        %scatter3A_1245 = arith.constant 0 : i32
        %scatter3A_1246 = arith.constant 0 : i32
        %scatter3A_1247 = arith.constant 0 : i32
        %scatter3A_1248 = tpu.memref_slice %arg7[%scatter3A_1244, %scatter3A_1245, %scatter3A_1246, %scatter3A_1247] : memref<2x4x8x128xf32, #tpu.memory_space<vmem>> -> memref<1x4x8x128xf32, #tpu.memory_space<vmem>>
        %scatter3A_1249 = tpu.memref_squeeze %scatter3A_1248 : memref<1x4x8x128xf32, #tpu.memory_space<vmem>> -> memref<4x8x128xf32, #tpu.memory_space<vmem>>
        tpu.vector_store_idx %scatter3A_1249[%add3A_9, %and3A_11, %broadcast_in_dim3A_1223], %get3A_1243 : memref<4x8x128xf32, #tpu.memory_space<vmem>>[vector<16xi32>, vector<16xi32>, vector<16xi32>], vector<16xf32>,
        %scan3A_1250 = arith.constant 3 : i32
        %scan3A_1251 = arith.addi %scan3A_1167, %scan3A_1250 : i32
        %broadcast_in_dim3A_1252 = vector.broadcast %scan3A_1251 : i32 to vector<16xi32>
        %add3A_1253 = arith.constant 768 : i32
        %add3A_1254 = arith.addi %add3A_1253, %scan3A_1251 : i32
        %get3A_1255 = arith.constant 0 : i32
        %get3A_1256 = arith.index_cast %get3A_1255 : i32 to index
        %get3A_1257 = arith.index_cast %add3A_1254 : i32 to index
        %get3A_1258 = arith.constant 0 : index
        %get3A_1259 = tpu.vector_load %arg6[%get3A_1256, %get3A_1257, %get3A_1258] {strides = array<i32>} : memref<2x1024x32xf32, #tpu.memory_space<vmem>>, vector<16xf32>,
        %scatter3A_1260 = arith.constant 0 : i32
        %scatter3A_1261 = arith.constant 0 : i32
        %scatter3A_1262 = arith.constant 0 : i32
        %scatter3A_1263 = arith.constant 0 : i32
        %scatter3A_1264 = tpu.memref_slice %arg7[%scatter3A_1260, %scatter3A_1261, %scatter3A_1262, %scatter3A_1263] : memref<2x4x8x128xf32, #tpu.memory_space<vmem>> -> memref<1x4x8x128xf32, #tpu.memory_space<vmem>>
        %scatter3A_1265 = tpu.memref_squeeze %scatter3A_1264 : memref<1x4x8x128xf32, #tpu.memory_space<vmem>> -> memref<4x8x128xf32, #tpu.memory_space<vmem>>
        tpu.vector_store_idx %scatter3A_1265[%shift_right_logical3A_6, %and3A_11, %broadcast_in_dim3A_1252], %get3A_1259 : memref<4x8x128xf32, #tpu.memory_space<vmem>>[vector<16xi32>, vector<16xi32>, vector<16xi32>], vector<16xf32>,
        %add3A_1266 = arith.constant 768 : i32
        %add3A_1267 = arith.addi %add3A_1266, %scan3A_1251 : i32
        %get3A_1268 = arith.constant 0 : i32
        %get3A_1269 = arith.index_cast %get3A_1268 : i32 to index
        %get3A_1270 = arith.index_cast %add3A_1267 : i32 to index
        %get3A_1271 = arith.constant 16 : index
        %get3A_1272 = tpu.vector_load %arg6[%get3A_1269, %get3A_1270, %get3A_1271] {strides = array<i32>} : memref<2x1024x32xf32, #tpu.memory_space<vmem>>, vector<16xf32>,
        %scatter3A_1273 = arith.constant 0 : i32
        %scatter3A_1274 = arith.constant 0 : i32
        %scatter3A_1275 = arith.constant 0 : i32
        %scatter3A_1276 = arith.constant 0 : i32
        %scatter3A_1277 = tpu.memref_slice %arg7[%scatter3A_1273, %scatter3A_1274, %scatter3A_1275, %scatter3A_1276] : memref<2x4x8x128xf32, #tpu.memory_space<vmem>> -> memref<1x4x8x128xf32, #tpu.memory_space<vmem>>
        %scatter3A_1278 = tpu.memref_squeeze %scatter3A_1277 : memref<1x4x8x128xf32, #tpu.memory_space<vmem>> -> memref<4x8x128xf32, #tpu.memory_space<vmem>>
        tpu.vector_store_idx %scatter3A_1278[%add3A_9, %and3A_11, %broadcast_in_dim3A_1252], %get3A_1272 : memref<4x8x128xf32, #tpu.memory_space<vmem>>[vector<16xi32>, vector<16xi32>, vector<16xi32>], vector<16xf32>,
      }
      %scan3A_530 = arith.constant 128 : i32
      %add3A_531 = arith.addi %mul3A_4, %add3A_519 : i32
      %jit3A_532 = arith.constant 128 : i32
      %div3A_533 = arith.divsi %add3A_531, %jit3A_532 : i32
      %sign3A_534 = arith.constant 0 : i32
      %sign3A_535 = arith.cmpi sgt, %add3A_531, %sign3A_534 : i32
      %sign3A_536 = arith.extui %sign3A_535 : i1 to i32
      %sign3A_537 = arith.constant 0 : i32
      %sign3A_538 = arith.cmpi slt, %add3A_531, %sign3A_537 : i32
      %sign3A_539 = arith.extui %sign3A_538 : i1 to i32
      %sign3A_540 = arith.subi %sign3A_536, %sign3A_539 : i32
      %sign3A_541 = arith.constant 0 : i32
      %sign3A_542 = arith.cmpi sgt, %jit3A_532, %sign3A_541 : i32
      %sign3A_543 = arith.extui %sign3A_542 : i1 to i32
      %sign3A_544 = arith.constant 0 : i32
      %sign3A_545 = arith.cmpi slt, %jit3A_532, %sign3A_544 : i32
      %sign3A_546 = arith.extui %sign3A_545 : i1 to i32
      %sign3A_547 = arith.subi %sign3A_543, %sign3A_546 : i32
      %ne3A_548 = arith.cmpi ne, %sign3A_540, %sign3A_547 : i32
      %rem3A_549 = arith.remsi %add3A_531, %jit3A_532 : i32
      %ne3A_550 = arith.constant 0 : i32
      %ne3A_551 = arith.cmpi ne, %rem3A_549, %ne3A_550 : i32
      %and3A_552 = arith.andi %ne3A_548, %ne3A_551 : i1
      %sub3A_553 = arith.constant 1 : i32
      %sub3A_554 = arith.subi %div3A_533, %sub3A_553 : i32
      %select_n3A_555 = arith.select %and3A_552, %sub3A_554, %div3A_533 : i32
      %rem3A_556 = arith.constant 128 : i32
      %rem3A_557 = arith.remsi %add3A_531, %rem3A_556 : i32
      %dma_start3A_558 = arith.constant 0 : i32
      %dma_start3A_559 = arith.constant 0 : i32
      %dma_start3A_560 = arith.constant 0 : i32
      %dma_start3A_561 = arith.constant 0 : i32
      %dma_start3A_562 = tpu.memref_slice %arg7[%dma_start3A_558, %dma_start3A_559, %dma_start3A_560, %dma_start3A_561] : memref<2x4x8x128xf32, #tpu.memory_space<vmem>> -> memref<1x4x8x128xf32, #tpu.memory_space<vmem>>
      %dma_start3A_563 = tpu.memref_squeeze %dma_start3A_562 : memref<1x4x8x128xf32, #tpu.memory_space<vmem>> -> memref<4x8x128xf32, #tpu.memory_space<vmem>>
      %dma_start3A_564 = arith.constant 0 : i32
      %dma_start3A_565 = arith.constant 0 : i32
      %dma_start3A_566 = arith.constant 0 : i32
      %dma_start3A_567 = tpu.memref_slice %arg4[%select_n3A_555, %dma_start3A_564, %rem3A_557, %dma_start3A_565, %dma_start3A_566] : memref<100x4x128x8x128xf32, #tpu.memory_space<hbm>> -> memref<1x4x1x8x128xf32, #tpu.memory_space<hbm>>
      %dma_start3A_568 = tpu.memref_squeeze %dma_start3A_567 : memref<1x4x1x8x128xf32, #tpu.memory_space<hbm>> -> memref<4x8x128xf32, #tpu.memory_space<hbm>>
      %dma_start3A_569 = arith.constant 0 : i32
      %dma_start3A_570 = arith.constant 0 : i32
      %dma_start3A_571 = arith.constant 0 : i32
      %dma_start3A_572 = tpu.memref_slice %arg4[%select_n3A_555, %dma_start3A_569, %rem3A_557, %dma_start3A_570, %dma_start3A_571] : memref<100x4x128x8x128xf32, #tpu.memory_space<hbm>> -> memref<1x4x1x8x128xf32, #tpu.memory_space<hbm>>
      %dma_start3A_573 = tpu.memref_squeeze %dma_start3A_572 : memref<1x4x1x8x128xf32, #tpu.memory_space<hbm>> -> memref<4x8x128xf32, #tpu.memory_space<hbm>>
      %dma_start3A_574 = arith.constant 0 : i32
      %dma_start3A_575 = arith.constant 0 : i32
      %dma_start3A_576 = arith.constant 0 : i32
      %dma_start3A_577 = tpu.memref_slice %arg7[%dma_start3A_558, %dma_start3A_574, %dma_start3A_575, %dma_start3A_576] : memref<2x4x8x128xf32, #tpu.memory_space<vmem>> -> memref<1x4x8x128xf32, #tpu.memory_space<vmem>>
      %dma_start3A_578 = tpu.memref_squeeze %dma_start3A_577 : memref<1x4x8x128xf32, #tpu.memory_space<vmem>> -> memref<4x8x128xf32, #tpu.memory_space<vmem>>
      tpu.enqueue_dma source(%dma_start3A_578 : memref<4x8x128xf32, #tpu.memory_space<vmem>>) target(%dma_start3A_573 : memref<4x8x128xf32, #tpu.memory_space<hbm>>) target_semaphore(%arg10 : memref<!tpu.dma_semaphore, #tpu.memory_space<semaphore_mem>>)
      %mul3A_579 = arith.constant 8 : i32
      %mul3A_580 = arith.muli %add3A_124, %mul3A_579 : i32
      %add3A_581 = arith.constant 7 : i32
      %add3A_582 = arith.addi %mul3A_580, %add3A_581 : i32
      %ge3A_583 = arith.constant 2 : i32
      %ge3A_584 = arith.cmpi sge, %add3A_582, %ge3A_583 : i32
      %convert_element_type3A_585 = arith.extui %ge3A_584 : i1 to i32
      %cond3A_586 = arith.constant 0 : i32
      %cond3A_587 = arith.cmpi ne, %convert_element_type3A_585, %cond3A_586 : i32
      scf.if %cond3A_587 {
        %add3A_1167 = arith.addi %mul3A_4, %add3A_582 : i32
        %sub3A_1168 = arith.constant 2 : i32
        %sub3A_1169 = arith.subi %add3A_1167, %sub3A_1168 : i32
        %jit3A_1170 = arith.constant 128 : i32
        %div3A_1171 = arith.divsi %sub3A_1169, %jit3A_1170 : i32
        %sign3A_1172 = arith.constant 0 : i32
        %sign3A_1173 = arith.cmpi sgt, %sub3A_1169, %sign3A_1172 : i32
        %sign3A_1174 = arith.extui %sign3A_1173 : i1 to i32
        %sign3A_1175 = arith.constant 0 : i32
        %sign3A_1176 = arith.cmpi slt, %sub3A_1169, %sign3A_1175 : i32
        %sign3A_1177 = arith.extui %sign3A_1176 : i1 to i32
        %sign3A_1178 = arith.subi %sign3A_1174, %sign3A_1177 : i32
        %sign3A_1179 = arith.constant 0 : i32
        %sign3A_1180 = arith.cmpi sgt, %jit3A_1170, %sign3A_1179 : i32
        %sign3A_1181 = arith.extui %sign3A_1180 : i1 to i32
        %sign3A_1182 = arith.constant 0 : i32
        %sign3A_1183 = arith.cmpi slt, %jit3A_1170, %sign3A_1182 : i32
        %sign3A_1184 = arith.extui %sign3A_1183 : i1 to i32
        %sign3A_1185 = arith.subi %sign3A_1181, %sign3A_1184 : i32
        %ne3A_1186 = arith.cmpi ne, %sign3A_1178, %sign3A_1185 : i32
        %rem3A_1187 = arith.remsi %sub3A_1169, %jit3A_1170 : i32
        %ne3A_1188 = arith.constant 0 : i32
        %ne3A_1189 = arith.cmpi ne, %rem3A_1187, %ne3A_1188 : i32
        %and3A_1190 = arith.andi %ne3A_1186, %ne3A_1189 : i1
        %sub3A_1191 = arith.constant 1 : i32
        %sub3A_1192 = arith.subi %div3A_1171, %sub3A_1191 : i32
        %select_n3A_1193 = arith.select %and3A_1190, %sub3A_1192, %div3A_1171 : i32
        %rem3A_1194 = arith.constant 128 : i32
        %rem3A_1195 = arith.remsi %sub3A_1169, %rem3A_1194 : i32
        %dma_wait3A_1196 = arith.constant 1 : i32
        %dma_wait3A_1197 = arith.constant 0 : i32
        %dma_wait3A_1198 = arith.constant 0 : i32
        %dma_wait3A_1199 = arith.constant 0 : i32
        %dma_wait3A_1200 = tpu.memref_slice %arg7[%dma_wait3A_1196, %dma_wait3A_1197, %dma_wait3A_1198, %dma_wait3A_1199] : memref<2x4x8x128xf32, #tpu.memory_space<vmem>> -> memref<1x4x8x128xf32, #tpu.memory_space<vmem>>
        %dma_wait3A_1201 = tpu.memref_squeeze %dma_wait3A_1200 : memref<1x4x8x128xf32, #tpu.memory_space<vmem>> -> memref<4x8x128xf32, #tpu.memory_space<vmem>>
        %dma_wait3A_1202 = arith.constant 0 : i32
        %dma_wait3A_1203 = arith.constant 0 : i32
        %dma_wait3A_1204 = arith.constant 0 : i32
        %dma_wait3A_1205 = tpu.memref_slice %arg4[%select_n3A_1193, %dma_wait3A_1202, %rem3A_1195, %dma_wait3A_1203, %dma_wait3A_1204] : memref<100x4x128x8x128xf32, #tpu.memory_space<hbm>> -> memref<1x4x1x8x128xf32, #tpu.memory_space<hbm>>
        %dma_wait3A_1206 = tpu.memref_squeeze %dma_wait3A_1205 : memref<1x4x1x8x128xf32, #tpu.memory_space<hbm>> -> memref<4x8x128xf32, #tpu.memory_space<hbm>>
        %dma_wait3A_1207 = arith.constant 0 : i32
        %dma_wait3A_1208 = arith.constant 0 : i32
        %dma_wait3A_1209 = arith.constant 0 : i32
        %dma_wait3A_1210 = tpu.memref_slice %arg4[%select_n3A_1193, %dma_wait3A_1207, %rem3A_1195, %dma_wait3A_1208, %dma_wait3A_1209] : memref<100x4x128x8x128xf32, #tpu.memory_space<hbm>> -> memref<1x4x1x8x128xf32, #tpu.memory_space<hbm>>
        %dma_wait3A_1211 = tpu.memref_squeeze %dma_wait3A_1210 : memref<1x4x1x8x128xf32, #tpu.memory_space<hbm>> -> memref<4x8x128xf32, #tpu.memory_space<hbm>>
        %dma_wait3A_1212 = arith.constant 0 : i32
        %dma_wait3A_1213 = arith.constant 0 : i32
        %dma_wait3A_1214 = arith.constant 0 : i32
        %dma_wait3A_1215 = tpu.memref_slice %arg7[%dma_wait3A_1196, %dma_wait3A_1212, %dma_wait3A_1213, %dma_wait3A_1214] : memref<2x4x8x128xf32, #tpu.memory_space<vmem>> -> memref<1x4x8x128xf32, #tpu.memory_space<vmem>>
        %dma_wait3A_1216 = tpu.memref_squeeze %dma_wait3A_1215 : memref<1x4x8x128xf32, #tpu.memory_space<vmem>> -> memref<4x8x128xf32, #tpu.memory_space<vmem>>
        tpu.wait_dma2 semaphore(%arg11 : memref<!tpu.dma_semaphore, #tpu.memory_space<semaphore_mem>>) src(%dma_wait3A_1216 : memref<4x8x128xf32, #tpu.memory_space<vmem>>) dst(%dma_wait3A_1211 : memref<4x8x128xf32, #tpu.memory_space<hbm>>)
      } else {
      }
      %scan3A_588 = arith.constant 0 : i32
      %scan3A_589 = arith.constant 0 : i32
      %scan3A_590 = arith.constant 128 : i32
      %scan3A_591 = arith.addi %scan3A_589, %scan3A_590 : i32
      %scan3A_592 = arith.constant 4 : i32
      scf.for %scan3A_1167 = %scan3A_589 to %scan3A_591 step %scan3A_592  : i32 {
        %broadcast_in_dim3A = vector.broadcast %scan3A_1167 : i32 to vector<16xi32>
        %add3A_1168 = arith.constant 896 : i32
        %add3A_1169 = arith.addi %add3A_1168, %scan3A_1167 : i32
        %get3A = arith.constant 0 : i32
        %get3A_1170 = arith.index_cast %get3A : i32 to index
        %get3A_1171 = arith.index_cast %add3A_1169 : i32 to index
        %get3A_1172 = arith.constant 0 : index
        %get3A_1173 = tpu.vector_load %arg6[%get3A_1170, %get3A_1171, %get3A_1172] {strides = array<i32>} : memref<2x1024x32xf32, #tpu.memory_space<vmem>>, vector<16xf32>,
        %scatter3A = arith.constant 1 : i32
        %scatter3A_1174 = arith.constant 0 : i32
        %scatter3A_1175 = arith.constant 0 : i32
        %scatter3A_1176 = arith.constant 0 : i32
        %scatter3A_1177 = tpu.memref_slice %arg7[%scatter3A, %scatter3A_1174, %scatter3A_1175, %scatter3A_1176] : memref<2x4x8x128xf32, #tpu.memory_space<vmem>> -> memref<1x4x8x128xf32, #tpu.memory_space<vmem>>
        %scatter3A_1178 = tpu.memref_squeeze %scatter3A_1177 : memref<1x4x8x128xf32, #tpu.memory_space<vmem>> -> memref<4x8x128xf32, #tpu.memory_space<vmem>>
        tpu.vector_store_idx %scatter3A_1178[%shift_right_logical3A_6, %and3A_11, %broadcast_in_dim3A], %get3A_1173 : memref<4x8x128xf32, #tpu.memory_space<vmem>>[vector<16xi32>, vector<16xi32>, vector<16xi32>], vector<16xf32>,
        %add3A_1179 = arith.constant 896 : i32
        %add3A_1180 = arith.addi %add3A_1179, %scan3A_1167 : i32
        %get3A_1181 = arith.constant 0 : i32
        %get3A_1182 = arith.index_cast %get3A_1181 : i32 to index
        %get3A_1183 = arith.index_cast %add3A_1180 : i32 to index
        %get3A_1184 = arith.constant 16 : index
        %get3A_1185 = tpu.vector_load %arg6[%get3A_1182, %get3A_1183, %get3A_1184] {strides = array<i32>} : memref<2x1024x32xf32, #tpu.memory_space<vmem>>, vector<16xf32>,
        %scatter3A_1186 = arith.constant 1 : i32
        %scatter3A_1187 = arith.constant 0 : i32
        %scatter3A_1188 = arith.constant 0 : i32
        %scatter3A_1189 = arith.constant 0 : i32
        %scatter3A_1190 = tpu.memref_slice %arg7[%scatter3A_1186, %scatter3A_1187, %scatter3A_1188, %scatter3A_1189] : memref<2x4x8x128xf32, #tpu.memory_space<vmem>> -> memref<1x4x8x128xf32, #tpu.memory_space<vmem>>
        %scatter3A_1191 = tpu.memref_squeeze %scatter3A_1190 : memref<1x4x8x128xf32, #tpu.memory_space<vmem>> -> memref<4x8x128xf32, #tpu.memory_space<vmem>>
        tpu.vector_store_idx %scatter3A_1191[%add3A_9, %and3A_11, %broadcast_in_dim3A], %get3A_1185 : memref<4x8x128xf32, #tpu.memory_space<vmem>>[vector<16xi32>, vector<16xi32>, vector<16xi32>], vector<16xf32>,
        %scan3A_1192 = arith.constant 1 : i32
        %scan3A_1193 = arith.addi %scan3A_1167, %scan3A_1192 : i32
        %broadcast_in_dim3A_1194 = vector.broadcast %scan3A_1193 : i32 to vector<16xi32>
        %add3A_1195 = arith.constant 896 : i32
        %add3A_1196 = arith.addi %add3A_1195, %scan3A_1193 : i32
        %get3A_1197 = arith.constant 0 : i32
        %get3A_1198 = arith.index_cast %get3A_1197 : i32 to index
        %get3A_1199 = arith.index_cast %add3A_1196 : i32 to index
        %get3A_1200 = arith.constant 0 : index
        %get3A_1201 = tpu.vector_load %arg6[%get3A_1198, %get3A_1199, %get3A_1200] {strides = array<i32>} : memref<2x1024x32xf32, #tpu.memory_space<vmem>>, vector<16xf32>,
        %scatter3A_1202 = arith.constant 1 : i32
        %scatter3A_1203 = arith.constant 0 : i32
        %scatter3A_1204 = arith.constant 0 : i32
        %scatter3A_1205 = arith.constant 0 : i32
        %scatter3A_1206 = tpu.memref_slice %arg7[%scatter3A_1202, %scatter3A_1203, %scatter3A_1204, %scatter3A_1205] : memref<2x4x8x128xf32, #tpu.memory_space<vmem>> -> memref<1x4x8x128xf32, #tpu.memory_space<vmem>>
        %scatter3A_1207 = tpu.memref_squeeze %scatter3A_1206 : memref<1x4x8x128xf32, #tpu.memory_space<vmem>> -> memref<4x8x128xf32, #tpu.memory_space<vmem>>
        tpu.vector_store_idx %scatter3A_1207[%shift_right_logical3A_6, %and3A_11, %broadcast_in_dim3A_1194], %get3A_1201 : memref<4x8x128xf32, #tpu.memory_space<vmem>>[vector<16xi32>, vector<16xi32>, vector<16xi32>], vector<16xf32>,
        %add3A_1208 = arith.constant 896 : i32
        %add3A_1209 = arith.addi %add3A_1208, %scan3A_1193 : i32
        %get3A_1210 = arith.constant 0 : i32
        %get3A_1211 = arith.index_cast %get3A_1210 : i32 to index
        %get3A_1212 = arith.index_cast %add3A_1209 : i32 to index
        %get3A_1213 = arith.constant 16 : index
        %get3A_1214 = tpu.vector_load %arg6[%get3A_1211, %get3A_1212, %get3A_1213] {strides = array<i32>} : memref<2x1024x32xf32, #tpu.memory_space<vmem>>, vector<16xf32>,
        %scatter3A_1215 = arith.constant 1 : i32
        %scatter3A_1216 = arith.constant 0 : i32
        %scatter3A_1217 = arith.constant 0 : i32
        %scatter3A_1218 = arith.constant 0 : i32
        %scatter3A_1219 = tpu.memref_slice %arg7[%scatter3A_1215, %scatter3A_1216, %scatter3A_1217, %scatter3A_1218] : memref<2x4x8x128xf32, #tpu.memory_space<vmem>> -> memref<1x4x8x128xf32, #tpu.memory_space<vmem>>
        %scatter3A_1220 = tpu.memref_squeeze %scatter3A_1219 : memref<1x4x8x128xf32, #tpu.memory_space<vmem>> -> memref<4x8x128xf32, #tpu.memory_space<vmem>>
        tpu.vector_store_idx %scatter3A_1220[%add3A_9, %and3A_11, %broadcast_in_dim3A_1194], %get3A_1214 : memref<4x8x128xf32, #tpu.memory_space<vmem>>[vector<16xi32>, vector<16xi32>, vector<16xi32>], vector<16xf32>,
        %scan3A_1221 = arith.constant 2 : i32
        %scan3A_1222 = arith.addi %scan3A_1167, %scan3A_1221 : i32
        %broadcast_in_dim3A_1223 = vector.broadcast %scan3A_1222 : i32 to vector<16xi32>
        %add3A_1224 = arith.constant 896 : i32
        %add3A_1225 = arith.addi %add3A_1224, %scan3A_1222 : i32
        %get3A_1226 = arith.constant 0 : i32
        %get3A_1227 = arith.index_cast %get3A_1226 : i32 to index
        %get3A_1228 = arith.index_cast %add3A_1225 : i32 to index
        %get3A_1229 = arith.constant 0 : index
        %get3A_1230 = tpu.vector_load %arg6[%get3A_1227, %get3A_1228, %get3A_1229] {strides = array<i32>} : memref<2x1024x32xf32, #tpu.memory_space<vmem>>, vector<16xf32>,
        %scatter3A_1231 = arith.constant 1 : i32
        %scatter3A_1232 = arith.constant 0 : i32
        %scatter3A_1233 = arith.constant 0 : i32
        %scatter3A_1234 = arith.constant 0 : i32
        %scatter3A_1235 = tpu.memref_slice %arg7[%scatter3A_1231, %scatter3A_1232, %scatter3A_1233, %scatter3A_1234] : memref<2x4x8x128xf32, #tpu.memory_space<vmem>> -> memref<1x4x8x128xf32, #tpu.memory_space<vmem>>
        %scatter3A_1236 = tpu.memref_squeeze %scatter3A_1235 : memref<1x4x8x128xf32, #tpu.memory_space<vmem>> -> memref<4x8x128xf32, #tpu.memory_space<vmem>>
        tpu.vector_store_idx %scatter3A_1236[%shift_right_logical3A_6, %and3A_11, %broadcast_in_dim3A_1223], %get3A_1230 : memref<4x8x128xf32, #tpu.memory_space<vmem>>[vector<16xi32>, vector<16xi32>, vector<16xi32>], vector<16xf32>,
        %add3A_1237 = arith.constant 896 : i32
        %add3A_1238 = arith.addi %add3A_1237, %scan3A_1222 : i32
        %get3A_1239 = arith.constant 0 : i32
        %get3A_1240 = arith.index_cast %get3A_1239 : i32 to index
        %get3A_1241 = arith.index_cast %add3A_1238 : i32 to index
        %get3A_1242 = arith.constant 16 : index
        %get3A_1243 = tpu.vector_load %arg6[%get3A_1240, %get3A_1241, %get3A_1242] {strides = array<i32>} : memref<2x1024x32xf32, #tpu.memory_space<vmem>>, vector<16xf32>,
        %scatter3A_1244 = arith.constant 1 : i32
        %scatter3A_1245 = arith.constant 0 : i32
        %scatter3A_1246 = arith.constant 0 : i32
        %scatter3A_1247 = arith.constant 0 : i32
        %scatter3A_1248 = tpu.memref_slice %arg7[%scatter3A_1244, %scatter3A_1245, %scatter3A_1246, %scatter3A_1247] : memref<2x4x8x128xf32, #tpu.memory_space<vmem>> -> memref<1x4x8x128xf32, #tpu.memory_space<vmem>>
        %scatter3A_1249 = tpu.memref_squeeze %scatter3A_1248 : memref<1x4x8x128xf32, #tpu.memory_space<vmem>> -> memref<4x8x128xf32, #tpu.memory_space<vmem>>
        tpu.vector_store_idx %scatter3A_1249[%add3A_9, %and3A_11, %broadcast_in_dim3A_1223], %get3A_1243 : memref<4x8x128xf32, #tpu.memory_space<vmem>>[vector<16xi32>, vector<16xi32>, vector<16xi32>], vector<16xf32>,
        %scan3A_1250 = arith.constant 3 : i32
        %scan3A_1251 = arith.addi %scan3A_1167, %scan3A_1250 : i32
        %broadcast_in_dim3A_1252 = vector.broadcast %scan3A_1251 : i32 to vector<16xi32>
        %add3A_1253 = arith.constant 896 : i32
        %add3A_1254 = arith.addi %add3A_1253, %scan3A_1251 : i32
        %get3A_1255 = arith.constant 0 : i32
        %get3A_1256 = arith.index_cast %get3A_1255 : i32 to index
        %get3A_1257 = arith.index_cast %add3A_1254 : i32 to index
        %get3A_1258 = arith.constant 0 : index
        %get3A_1259 = tpu.vector_load %arg6[%get3A_1256, %get3A_1257, %get3A_1258] {strides = array<i32>} : memref<2x1024x32xf32, #tpu.memory_space<vmem>>, vector<16xf32>,
        %scatter3A_1260 = arith.constant 1 : i32
        %scatter3A_1261 = arith.constant 0 : i32
        %scatter3A_1262 = arith.constant 0 : i32
        %scatter3A_1263 = arith.constant 0 : i32
        %scatter3A_1264 = tpu.memref_slice %arg7[%scatter3A_1260, %scatter3A_1261, %scatter3A_1262, %scatter3A_1263] : memref<2x4x8x128xf32, #tpu.memory_space<vmem>> -> memref<1x4x8x128xf32, #tpu.memory_space<vmem>>
        %scatter3A_1265 = tpu.memref_squeeze %scatter3A_1264 : memref<1x4x8x128xf32, #tpu.memory_space<vmem>> -> memref<4x8x128xf32, #tpu.memory_space<vmem>>
        tpu.vector_store_idx %scatter3A_1265[%shift_right_logical3A_6, %and3A_11, %broadcast_in_dim3A_1252], %get3A_1259 : memref<4x8x128xf32, #tpu.memory_space<vmem>>[vector<16xi32>, vector<16xi32>, vector<16xi32>], vector<16xf32>,
        %add3A_1266 = arith.constant 896 : i32
        %add3A_1267 = arith.addi %add3A_1266, %scan3A_1251 : i32
        %get3A_1268 = arith.constant 0 : i32
        %get3A_1269 = arith.index_cast %get3A_1268 : i32 to index
        %get3A_1270 = arith.index_cast %add3A_1267 : i32 to index
        %get3A_1271 = arith.constant 16 : index
        %get3A_1272 = tpu.vector_load %arg6[%get3A_1269, %get3A_1270, %get3A_1271] {strides = array<i32>} : memref<2x1024x32xf32, #tpu.memory_space<vmem>>, vector<16xf32>,
        %scatter3A_1273 = arith.constant 1 : i32
        %scatter3A_1274 = arith.constant 0 : i32
        %scatter3A_1275 = arith.constant 0 : i32
        %scatter3A_1276 = arith.constant 0 : i32
        %scatter3A_1277 = tpu.memref_slice %arg7[%scatter3A_1273, %scatter3A_1274, %scatter3A_1275, %scatter3A_1276] : memref<2x4x8x128xf32, #tpu.memory_space<vmem>> -> memref<1x4x8x128xf32, #tpu.memory_space<vmem>>
        %scatter3A_1278 = tpu.memref_squeeze %scatter3A_1277 : memref<1x4x8x128xf32, #tpu.memory_space<vmem>> -> memref<4x8x128xf32, #tpu.memory_space<vmem>>
        tpu.vector_store_idx %scatter3A_1278[%add3A_9, %and3A_11, %broadcast_in_dim3A_1252], %get3A_1272 : memref<4x8x128xf32, #tpu.memory_space<vmem>>[vector<16xi32>, vector<16xi32>, vector<16xi32>], vector<16xf32>,
      }
      %scan3A_593 = arith.constant 128 : i32
      %add3A_594 = arith.addi %mul3A_4, %add3A_582 : i32
      %jit3A_595 = arith.constant 128 : i32
      %div3A_596 = arith.divsi %add3A_594, %jit3A_595 : i32
      %sign3A_597 = arith.constant 0 : i32
      %sign3A_598 = arith.cmpi sgt, %add3A_594, %sign3A_597 : i32
      %sign3A_599 = arith.extui %sign3A_598 : i1 to i32
      %sign3A_600 = arith.constant 0 : i32
      %sign3A_601 = arith.cmpi slt, %add3A_594, %sign3A_600 : i32
      %sign3A_602 = arith.extui %sign3A_601 : i1 to i32
      %sign3A_603 = arith.subi %sign3A_599, %sign3A_602 : i32
      %sign3A_604 = arith.constant 0 : i32
      %sign3A_605 = arith.cmpi sgt, %jit3A_595, %sign3A_604 : i32
      %sign3A_606 = arith.extui %sign3A_605 : i1 to i32
      %sign3A_607 = arith.constant 0 : i32
      %sign3A_608 = arith.cmpi slt, %jit3A_595, %sign3A_607 : i32
      %sign3A_609 = arith.extui %sign3A_608 : i1 to i32
      %sign3A_610 = arith.subi %sign3A_606, %sign3A_609 : i32
      %ne3A_611 = arith.cmpi ne, %sign3A_603, %sign3A_610 : i32
      %rem3A_612 = arith.remsi %add3A_594, %jit3A_595 : i32
      %ne3A_613 = arith.constant 0 : i32
      %ne3A_614 = arith.cmpi ne, %rem3A_612, %ne3A_613 : i32
      %and3A_615 = arith.andi %ne3A_611, %ne3A_614 : i1
      %sub3A_616 = arith.constant 1 : i32
      %sub3A_617 = arith.subi %div3A_596, %sub3A_616 : i32
      %select_n3A_618 = arith.select %and3A_615, %sub3A_617, %div3A_596 : i32
      %rem3A_619 = arith.constant 128 : i32
      %rem3A_620 = arith.remsi %add3A_594, %rem3A_619 : i32
      %dma_start3A_621 = arith.constant 1 : i32
      %dma_start3A_622 = arith.constant 0 : i32
      %dma_start3A_623 = arith.constant 0 : i32
      %dma_start3A_624 = arith.constant 0 : i32
      %dma_start3A_625 = tpu.memref_slice %arg7[%dma_start3A_621, %dma_start3A_622, %dma_start3A_623, %dma_start3A_624] : memref<2x4x8x128xf32, #tpu.memory_space<vmem>> -> memref<1x4x8x128xf32, #tpu.memory_space<vmem>>
      %dma_start3A_626 = tpu.memref_squeeze %dma_start3A_625 : memref<1x4x8x128xf32, #tpu.memory_space<vmem>> -> memref<4x8x128xf32, #tpu.memory_space<vmem>>
      %dma_start3A_627 = arith.constant 0 : i32
      %dma_start3A_628 = arith.constant 0 : i32
      %dma_start3A_629 = arith.constant 0 : i32
      %dma_start3A_630 = tpu.memref_slice %arg4[%select_n3A_618, %dma_start3A_627, %rem3A_620, %dma_start3A_628, %dma_start3A_629] : memref<100x4x128x8x128xf32, #tpu.memory_space<hbm>> -> memref<1x4x1x8x128xf32, #tpu.memory_space<hbm>>
      %dma_start3A_631 = tpu.memref_squeeze %dma_start3A_630 : memref<1x4x1x8x128xf32, #tpu.memory_space<hbm>> -> memref<4x8x128xf32, #tpu.memory_space<hbm>>
      %dma_start3A_632 = arith.constant 0 : i32
      %dma_start3A_633 = arith.constant 0 : i32
      %dma_start3A_634 = arith.constant 0 : i32
      %dma_start3A_635 = tpu.memref_slice %arg4[%select_n3A_618, %dma_start3A_632, %rem3A_620, %dma_start3A_633, %dma_start3A_634] : memref<100x4x128x8x128xf32, #tpu.memory_space<hbm>> -> memref<1x4x1x8x128xf32, #tpu.memory_space<hbm>>
      %dma_start3A_636 = tpu.memref_squeeze %dma_start3A_635 : memref<1x4x1x8x128xf32, #tpu.memory_space<hbm>> -> memref<4x8x128xf32, #tpu.memory_space<hbm>>
      %dma_start3A_637 = arith.constant 0 : i32
      %dma_start3A_638 = arith.constant 0 : i32
      %dma_start3A_639 = arith.constant 0 : i32
      %dma_start3A_640 = tpu.memref_slice %arg7[%dma_start3A_621, %dma_start3A_637, %dma_start3A_638, %dma_start3A_639] : memref<2x4x8x128xf32, #tpu.memory_space<vmem>> -> memref<1x4x8x128xf32, #tpu.memory_space<vmem>>
      %dma_start3A_641 = tpu.memref_squeeze %dma_start3A_640 : memref<1x4x8x128xf32, #tpu.memory_space<vmem>> -> memref<4x8x128xf32, #tpu.memory_space<vmem>>
      tpu.enqueue_dma source(%dma_start3A_641 : memref<4x8x128xf32, #tpu.memory_space<vmem>>) target(%dma_start3A_636 : memref<4x8x128xf32, #tpu.memory_space<hbm>>) target_semaphore(%arg11 : memref<!tpu.dma_semaphore, #tpu.memory_space<semaphore_mem>>)
      %mul3A_642 = arith.constant 2 : i32
      %mul3A_643 = arith.muli %scan3A_120, %mul3A_642 : i32
      %add3A_644 = arith.constant 1 : i32
      %add3A_645 = arith.addi %mul3A_643, %add3A_644 : i32
      %dma_wait3A_646 = arith.constant 1 : i32
      %dma_wait3A_647 = arith.constant 0 : i32
      %dma_wait3A_648 = arith.constant 0 : i32
      %dma_wait3A_649 = tpu.memref_slice %arg6[%dma_wait3A_646, %dma_wait3A_647, %dma_wait3A_648] : memref<2x1024x32xf32, #tpu.memory_space<vmem>> -> memref<1x1024x32xf32, #tpu.memory_space<vmem>>
      %dma_wait3A_650 = tpu.memref_squeeze %dma_wait3A_649 : memref<1x1024x32xf32, #tpu.memory_space<vmem>> -> memref<1024x32xf32, #tpu.memory_space<vmem>>
      %dma_wait3A_651 = arith.constant 0 : i32
      %dma_wait3A_652 = tpu.memref_slice %arg5[%dma_wait3A_651] : memref<51200xi32, #tpu.memory_space<vmem>> -> memref<1024xi32, #tpu.memory_space<vmem>>
      %dma_wait3A_653 = arith.constant 0 : i32
      %dma_wait3A_654 = arith.constant 0 : i32
      %dma_wait3A_655 = tpu.memref_slice %arg3[%dma_wait3A_653, %dma_wait3A_654] : memref<1000000x32xf32, #tpu.memory_space<hbm>> -> memref<1000000x32xf32, #tpu.memory_space<hbm>>
      tpu.wait_indirect_dma semaphore(%arg9 : memref<!tpu.dma_semaphore, #tpu.memory_space<semaphore_mem>>) src(%dma_wait3A_655 : memref<1000000x32xf32, #tpu.memory_space<hbm>>) dst(%dma_wait3A_650 : memref<1024x32xf32, #tpu.memory_space<vmem>>)
      %add3A_656 = arith.constant 1 : i32
      %add3A_657 = arith.addi %add3A_645, %add3A_656 : i32
      %lt3A_658 = arith.constant 50 : i32
      %lt3A_659 = arith.cmpi slt, %add3A_657, %lt3A_658 : i32
      %convert_element_type3A_660 = arith.extui %lt3A_659 : i1 to i32
      %cond3A_661 = arith.constant 0 : i32
      %cond3A_662 = arith.cmpi ne, %convert_element_type3A_660, %cond3A_661 : i32
      scf.if %cond3A_662 {
        %add3A_1167 = arith.constant 1 : i32
        %add3A_1168 = arith.addi %add3A_645, %add3A_1167 : i32
        %mul3A_1169 = arith.constant 1024 : i32
        %mul3A_1170 = arith.muli %add3A_1168, %mul3A_1169 : i32
        %dma_start3A_1171 = arith.constant 0 : i32
        %dma_start3A_1172 = arith.constant 0 : i32
        %dma_start3A_1173 = arith.constant 0 : i32
        %dma_start3A_1174 = tpu.memref_slice %arg6[%dma_start3A_1171, %dma_start3A_1172, %dma_start3A_1173] : memref<2x1024x32xf32, #tpu.memory_space<vmem>> -> memref<1x1024x32xf32, #tpu.memory_space<vmem>>
        %dma_start3A_1175 = tpu.memref_squeeze %dma_start3A_1174 : memref<1x1024x32xf32, #tpu.memory_space<vmem>> -> memref<1024x32xf32, #tpu.memory_space<vmem>>
        %dma_start3A_1176 = tpu.memref_slice %arg5[%mul3A_1170] : memref<51200xi32, #tpu.memory_space<vmem>> -> memref<1024xi32, #tpu.memory_space<vmem>>
        %dma_start3A_1177 = arith.constant 0 : i32
        %dma_start3A_1178 = arith.constant 0 : i32
        %dma_start3A_1179 = tpu.memref_slice %arg3[%dma_start3A_1177, %dma_start3A_1178] : memref<1000000x32xf32, #tpu.memory_space<hbm>> -> memref<1000000x32xf32, #tpu.memory_space<hbm>>
        tpu.enqueue_indirect_dma source(%dma_start3A_1179 : memref<1000000x32xf32, #tpu.memory_space<hbm>>) target(%dma_start3A_1175 : memref<1024x32xf32, #tpu.memory_space<vmem>>) offsets(%dma_start3A_1176 : memref<1024xi32, #tpu.memory_space<vmem>>) semaphore(%arg8 : memref<!tpu.dma_semaphore, #tpu.memory_space<semaphore_mem>>)
      } else {
      }
      %mul3A_663 = arith.constant 8 : i32
      %mul3A_664 = arith.muli %add3A_645, %mul3A_663 : i32
      %add3A_665 = arith.constant 0 : i32
      %add3A_666 = arith.addi %mul3A_664, %add3A_665 : i32
      %ge3A_667 = arith.constant 2 : i32
      %ge3A_668 = arith.cmpi sge, %add3A_666, %ge3A_667 : i32
      %convert_element_type3A_669 = arith.extui %ge3A_668 : i1 to i32
      %cond3A_670 = arith.constant 0 : i32
      %cond3A_671 = arith.cmpi ne, %convert_element_type3A_669, %cond3A_670 : i32
      scf.if %cond3A_671 {
        %add3A_1167 = arith.addi %mul3A_4, %add3A_666 : i32
        %sub3A_1168 = arith.constant 2 : i32
        %sub3A_1169 = arith.subi %add3A_1167, %sub3A_1168 : i32
        %jit3A_1170 = arith.constant 128 : i32
        %div3A_1171 = arith.divsi %sub3A_1169, %jit3A_1170 : i32
        %sign3A_1172 = arith.constant 0 : i32
        %sign3A_1173 = arith.cmpi sgt, %sub3A_1169, %sign3A_1172 : i32
        %sign3A_1174 = arith.extui %sign3A_1173 : i1 to i32
        %sign3A_1175 = arith.constant 0 : i32
        %sign3A_1176 = arith.cmpi slt, %sub3A_1169, %sign3A_1175 : i32
        %sign3A_1177 = arith.extui %sign3A_1176 : i1 to i32
        %sign3A_1178 = arith.subi %sign3A_1174, %sign3A_1177 : i32
        %sign3A_1179 = arith.constant 0 : i32
        %sign3A_1180 = arith.cmpi sgt, %jit3A_1170, %sign3A_1179 : i32
        %sign3A_1181 = arith.extui %sign3A_1180 : i1 to i32
        %sign3A_1182 = arith.constant 0 : i32
        %sign3A_1183 = arith.cmpi slt, %jit3A_1170, %sign3A_1182 : i32
        %sign3A_1184 = arith.extui %sign3A_1183 : i1 to i32
        %sign3A_1185 = arith.subi %sign3A_1181, %sign3A_1184 : i32
        %ne3A_1186 = arith.cmpi ne, %sign3A_1178, %sign3A_1185 : i32
        %rem3A_1187 = arith.remsi %sub3A_1169, %jit3A_1170 : i32
        %ne3A_1188 = arith.constant 0 : i32
        %ne3A_1189 = arith.cmpi ne, %rem3A_1187, %ne3A_1188 : i32
        %and3A_1190 = arith.andi %ne3A_1186, %ne3A_1189 : i1
        %sub3A_1191 = arith.constant 1 : i32
        %sub3A_1192 = arith.subi %div3A_1171, %sub3A_1191 : i32
        %select_n3A_1193 = arith.select %and3A_1190, %sub3A_1192, %div3A_1171 : i32
        %rem3A_1194 = arith.constant 128 : i32
        %rem3A_1195 = arith.remsi %sub3A_1169, %rem3A_1194 : i32
        %dma_wait3A_1196 = arith.constant 0 : i32
        %dma_wait3A_1197 = arith.constant 0 : i32
        %dma_wait3A_1198 = arith.constant 0 : i32
        %dma_wait3A_1199 = arith.constant 0 : i32
        %dma_wait3A_1200 = tpu.memref_slice %arg7[%dma_wait3A_1196, %dma_wait3A_1197, %dma_wait3A_1198, %dma_wait3A_1199] : memref<2x4x8x128xf32, #tpu.memory_space<vmem>> -> memref<1x4x8x128xf32, #tpu.memory_space<vmem>>
        %dma_wait3A_1201 = tpu.memref_squeeze %dma_wait3A_1200 : memref<1x4x8x128xf32, #tpu.memory_space<vmem>> -> memref<4x8x128xf32, #tpu.memory_space<vmem>>
        %dma_wait3A_1202 = arith.constant 0 : i32
        %dma_wait3A_1203 = arith.constant 0 : i32
        %dma_wait3A_1204 = arith.constant 0 : i32
        %dma_wait3A_1205 = tpu.memref_slice %arg4[%select_n3A_1193, %dma_wait3A_1202, %rem3A_1195, %dma_wait3A_1203, %dma_wait3A_1204] : memref<100x4x128x8x128xf32, #tpu.memory_space<hbm>> -> memref<1x4x1x8x128xf32, #tpu.memory_space<hbm>>
        %dma_wait3A_1206 = tpu.memref_squeeze %dma_wait3A_1205 : memref<1x4x1x8x128xf32, #tpu.memory_space<hbm>> -> memref<4x8x128xf32, #tpu.memory_space<hbm>>
        %dma_wait3A_1207 = arith.constant 0 : i32
        %dma_wait3A_1208 = arith.constant 0 : i32
        %dma_wait3A_1209 = arith.constant 0 : i32
        %dma_wait3A_1210 = tpu.memref_slice %arg4[%select_n3A_1193, %dma_wait3A_1207, %rem3A_1195, %dma_wait3A_1208, %dma_wait3A_1209] : memref<100x4x128x8x128xf32, #tpu.memory_space<hbm>> -> memref<1x4x1x8x128xf32, #tpu.memory_space<hbm>>
        %dma_wait3A_1211 = tpu.memref_squeeze %dma_wait3A_1210 : memref<1x4x1x8x128xf32, #tpu.memory_space<hbm>> -> memref<4x8x128xf32, #tpu.memory_space<hbm>>
        %dma_wait3A_1212 = arith.constant 0 : i32
        %dma_wait3A_1213 = arith.constant 0 : i32
        %dma_wait3A_1214 = arith.constant 0 : i32
        %dma_wait3A_1215 = tpu.memref_slice %arg7[%dma_wait3A_1196, %dma_wait3A_1212, %dma_wait3A_1213, %dma_wait3A_1214] : memref<2x4x8x128xf32, #tpu.memory_space<vmem>> -> memref<1x4x8x128xf32, #tpu.memory_space<vmem>>
        %dma_wait3A_1216 = tpu.memref_squeeze %dma_wait3A_1215 : memref<1x4x8x128xf32, #tpu.memory_space<vmem>> -> memref<4x8x128xf32, #tpu.memory_space<vmem>>
        tpu.wait_dma2 semaphore(%arg10 : memref<!tpu.dma_semaphore, #tpu.memory_space<semaphore_mem>>) src(%dma_wait3A_1216 : memref<4x8x128xf32, #tpu.memory_space<vmem>>) dst(%dma_wait3A_1211 : memref<4x8x128xf32, #tpu.memory_space<hbm>>)
      } else {
      }
      %scan3A_672 = arith.constant 0 : i32
      %scan3A_673 = arith.constant 0 : i32
      %scan3A_674 = arith.constant 128 : i32
      %scan3A_675 = arith.addi %scan3A_673, %scan3A_674 : i32
      %scan3A_676 = arith.constant 4 : i32
      scf.for %scan3A_1167 = %scan3A_673 to %scan3A_675 step %scan3A_676  : i32 {
        %broadcast_in_dim3A = vector.broadcast %scan3A_1167 : i32 to vector<16xi32>
        %add3A_1168 = arith.constant 0 : i32
        %add3A_1169 = arith.addi %add3A_1168, %scan3A_1167 : i32
        %get3A = arith.constant 1 : i32
        %get3A_1170 = arith.index_cast %get3A : i32 to index
        %get3A_1171 = arith.index_cast %add3A_1169 : i32 to index
        %get3A_1172 = arith.constant 0 : index
        %get3A_1173 = tpu.vector_load %arg6[%get3A_1170, %get3A_1171, %get3A_1172] {strides = array<i32>} : memref<2x1024x32xf32, #tpu.memory_space<vmem>>, vector<16xf32>,
        %scatter3A = arith.constant 0 : i32
        %scatter3A_1174 = arith.constant 0 : i32
        %scatter3A_1175 = arith.constant 0 : i32
        %scatter3A_1176 = arith.constant 0 : i32
        %scatter3A_1177 = tpu.memref_slice %arg7[%scatter3A, %scatter3A_1174, %scatter3A_1175, %scatter3A_1176] : memref<2x4x8x128xf32, #tpu.memory_space<vmem>> -> memref<1x4x8x128xf32, #tpu.memory_space<vmem>>
        %scatter3A_1178 = tpu.memref_squeeze %scatter3A_1177 : memref<1x4x8x128xf32, #tpu.memory_space<vmem>> -> memref<4x8x128xf32, #tpu.memory_space<vmem>>
        tpu.vector_store_idx %scatter3A_1178[%shift_right_logical3A_6, %and3A_11, %broadcast_in_dim3A], %get3A_1173 : memref<4x8x128xf32, #tpu.memory_space<vmem>>[vector<16xi32>, vector<16xi32>, vector<16xi32>], vector<16xf32>,
        %add3A_1179 = arith.constant 0 : i32
        %add3A_1180 = arith.addi %add3A_1179, %scan3A_1167 : i32
        %get3A_1181 = arith.constant 1 : i32
        %get3A_1182 = arith.index_cast %get3A_1181 : i32 to index
        %get3A_1183 = arith.index_cast %add3A_1180 : i32 to index
        %get3A_1184 = arith.constant 16 : index
        %get3A_1185 = tpu.vector_load %arg6[%get3A_1182, %get3A_1183, %get3A_1184] {strides = array<i32>} : memref<2x1024x32xf32, #tpu.memory_space<vmem>>, vector<16xf32>,
        %scatter3A_1186 = arith.constant 0 : i32
        %scatter3A_1187 = arith.constant 0 : i32
        %scatter3A_1188 = arith.constant 0 : i32
        %scatter3A_1189 = arith.constant 0 : i32
        %scatter3A_1190 = tpu.memref_slice %arg7[%scatter3A_1186, %scatter3A_1187, %scatter3A_1188, %scatter3A_1189] : memref<2x4x8x128xf32, #tpu.memory_space<vmem>> -> memref<1x4x8x128xf32, #tpu.memory_space<vmem>>
        %scatter3A_1191 = tpu.memref_squeeze %scatter3A_1190 : memref<1x4x8x128xf32, #tpu.memory_space<vmem>> -> memref<4x8x128xf32, #tpu.memory_space<vmem>>
        tpu.vector_store_idx %scatter3A_1191[%add3A_9, %and3A_11, %broadcast_in_dim3A], %get3A_1185 : memref<4x8x128xf32, #tpu.memory_space<vmem>>[vector<16xi32>, vector<16xi32>, vector<16xi32>], vector<16xf32>,
        %scan3A_1192 = arith.constant 1 : i32
        %scan3A_1193 = arith.addi %scan3A_1167, %scan3A_1192 : i32
        %broadcast_in_dim3A_1194 = vector.broadcast %scan3A_1193 : i32 to vector<16xi32>
        %add3A_1195 = arith.constant 0 : i32
        %add3A_1196 = arith.addi %add3A_1195, %scan3A_1193 : i32
        %get3A_1197 = arith.constant 1 : i32
        %get3A_1198 = arith.index_cast %get3A_1197 : i32 to index
        %get3A_1199 = arith.index_cast %add3A_1196 : i32 to index
        %get3A_1200 = arith.constant 0 : index
        %get3A_1201 = tpu.vector_load %arg6[%get3A_1198, %get3A_1199, %get3A_1200] {strides = array<i32>} : memref<2x1024x32xf32, #tpu.memory_space<vmem>>, vector<16xf32>,
        %scatter3A_1202 = arith.constant 0 : i32
        %scatter3A_1203 = arith.constant 0 : i32
        %scatter3A_1204 = arith.constant 0 : i32
        %scatter3A_1205 = arith.constant 0 : i32
        %scatter3A_1206 = tpu.memref_slice %arg7[%scatter3A_1202, %scatter3A_1203, %scatter3A_1204, %scatter3A_1205] : memref<2x4x8x128xf32, #tpu.memory_space<vmem>> -> memref<1x4x8x128xf32, #tpu.memory_space<vmem>>
        %scatter3A_1207 = tpu.memref_squeeze %scatter3A_1206 : memref<1x4x8x128xf32, #tpu.memory_space<vmem>> -> memref<4x8x128xf32, #tpu.memory_space<vmem>>
        tpu.vector_store_idx %scatter3A_1207[%shift_right_logical3A_6, %and3A_11, %broadcast_in_dim3A_1194], %get3A_1201 : memref<4x8x128xf32, #tpu.memory_space<vmem>>[vector<16xi32>, vector<16xi32>, vector<16xi32>], vector<16xf32>,
        %add3A_1208 = arith.constant 0 : i32
        %add3A_1209 = arith.addi %add3A_1208, %scan3A_1193 : i32
        %get3A_1210 = arith.constant 1 : i32
        %get3A_1211 = arith.index_cast %get3A_1210 : i32 to index
        %get3A_1212 = arith.index_cast %add3A_1209 : i32 to index
        %get3A_1213 = arith.constant 16 : index
        %get3A_1214 = tpu.vector_load %arg6[%get3A_1211, %get3A_1212, %get3A_1213] {strides = array<i32>} : memref<2x1024x32xf32, #tpu.memory_space<vmem>>, vector<16xf32>,
        %scatter3A_1215 = arith.constant 0 : i32
        %scatter3A_1216 = arith.constant 0 : i32
        %scatter3A_1217 = arith.constant 0 : i32
        %scatter3A_1218 = arith.constant 0 : i32
        %scatter3A_1219 = tpu.memref_slice %arg7[%scatter3A_1215, %scatter3A_1216, %scatter3A_1217, %scatter3A_1218] : memref<2x4x8x128xf32, #tpu.memory_space<vmem>> -> memref<1x4x8x128xf32, #tpu.memory_space<vmem>>
        %scatter3A_1220 = tpu.memref_squeeze %scatter3A_1219 : memref<1x4x8x128xf32, #tpu.memory_space<vmem>> -> memref<4x8x128xf32, #tpu.memory_space<vmem>>
        tpu.vector_store_idx %scatter3A_1220[%add3A_9, %and3A_11, %broadcast_in_dim3A_1194], %get3A_1214 : memref<4x8x128xf32, #tpu.memory_space<vmem>>[vector<16xi32>, vector<16xi32>, vector<16xi32>], vector<16xf32>,
        %scan3A_1221 = arith.constant 2 : i32
        %scan3A_1222 = arith.addi %scan3A_1167, %scan3A_1221 : i32
        %broadcast_in_dim3A_1223 = vector.broadcast %scan3A_1222 : i32 to vector<16xi32>
        %add3A_1224 = arith.constant 0 : i32
        %add3A_1225 = arith.addi %add3A_1224, %scan3A_1222 : i32
        %get3A_1226 = arith.constant 1 : i32
        %get3A_1227 = arith.index_cast %get3A_1226 : i32 to index
        %get3A_1228 = arith.index_cast %add3A_1225 : i32 to index
        %get3A_1229 = arith.constant 0 : index
        %get3A_1230 = tpu.vector_load %arg6[%get3A_1227, %get3A_1228, %get3A_1229] {strides = array<i32>} : memref<2x1024x32xf32, #tpu.memory_space<vmem>>, vector<16xf32>,
        %scatter3A_1231 = arith.constant 0 : i32
        %scatter3A_1232 = arith.constant 0 : i32
        %scatter3A_1233 = arith.constant 0 : i32
        %scatter3A_1234 = arith.constant 0 : i32
        %scatter3A_1235 = tpu.memref_slice %arg7[%scatter3A_1231, %scatter3A_1232, %scatter3A_1233, %scatter3A_1234] : memref<2x4x8x128xf32, #tpu.memory_space<vmem>> -> memref<1x4x8x128xf32, #tpu.memory_space<vmem>>
        %scatter3A_1236 = tpu.memref_squeeze %scatter3A_1235 : memref<1x4x8x128xf32, #tpu.memory_space<vmem>> -> memref<4x8x128xf32, #tpu.memory_space<vmem>>
        tpu.vector_store_idx %scatter3A_1236[%shift_right_logical3A_6, %and3A_11, %broadcast_in_dim3A_1223], %get3A_1230 : memref<4x8x128xf32, #tpu.memory_space<vmem>>[vector<16xi32>, vector<16xi32>, vector<16xi32>], vector<16xf32>,
        %add3A_1237 = arith.constant 0 : i32
        %add3A_1238 = arith.addi %add3A_1237, %scan3A_1222 : i32
        %get3A_1239 = arith.constant 1 : i32
        %get3A_1240 = arith.index_cast %get3A_1239 : i32 to index
        %get3A_1241 = arith.index_cast %add3A_1238 : i32 to index
        %get3A_1242 = arith.constant 16 : index
        %get3A_1243 = tpu.vector_load %arg6[%get3A_1240, %get3A_1241, %get3A_1242] {strides = array<i32>} : memref<2x1024x32xf32, #tpu.memory_space<vmem>>, vector<16xf32>,
        %scatter3A_1244 = arith.constant 0 : i32
        %scatter3A_1245 = arith.constant 0 : i32
        %scatter3A_1246 = arith.constant 0 : i32
        %scatter3A_1247 = arith.constant 0 : i32
        %scatter3A_1248 = tpu.memref_slice %arg7[%scatter3A_1244, %scatter3A_1245, %scatter3A_1246, %scatter3A_1247] : memref<2x4x8x128xf32, #tpu.memory_space<vmem>> -> memref<1x4x8x128xf32, #tpu.memory_space<vmem>>
        %scatter3A_1249 = tpu.memref_squeeze %scatter3A_1248 : memref<1x4x8x128xf32, #tpu.memory_space<vmem>> -> memref<4x8x128xf32, #tpu.memory_space<vmem>>
        tpu.vector_store_idx %scatter3A_1249[%add3A_9, %and3A_11, %broadcast_in_dim3A_1223], %get3A_1243 : memref<4x8x128xf32, #tpu.memory_space<vmem>>[vector<16xi32>, vector<16xi32>, vector<16xi32>], vector<16xf32>,
        %scan3A_1250 = arith.constant 3 : i32
        %scan3A_1251 = arith.addi %scan3A_1167, %scan3A_1250 : i32
        %broadcast_in_dim3A_1252 = vector.broadcast %scan3A_1251 : i32 to vector<16xi32>
        %add3A_1253 = arith.constant 0 : i32
        %add3A_1254 = arith.addi %add3A_1253, %scan3A_1251 : i32
        %get3A_1255 = arith.constant 1 : i32
        %get3A_1256 = arith.index_cast %get3A_1255 : i32 to index
        %get3A_1257 = arith.index_cast %add3A_1254 : i32 to index
        %get3A_1258 = arith.constant 0 : index
        %get3A_1259 = tpu.vector_load %arg6[%get3A_1256, %get3A_1257, %get3A_1258] {strides = array<i32>} : memref<2x1024x32xf32, #tpu.memory_space<vmem>>, vector<16xf32>,
        %scatter3A_1260 = arith.constant 0 : i32
        %scatter3A_1261 = arith.constant 0 : i32
        %scatter3A_1262 = arith.constant 0 : i32
        %scatter3A_1263 = arith.constant 0 : i32
        %scatter3A_1264 = tpu.memref_slice %arg7[%scatter3A_1260, %scatter3A_1261, %scatter3A_1262, %scatter3A_1263] : memref<2x4x8x128xf32, #tpu.memory_space<vmem>> -> memref<1x4x8x128xf32, #tpu.memory_space<vmem>>
        %scatter3A_1265 = tpu.memref_squeeze %scatter3A_1264 : memref<1x4x8x128xf32, #tpu.memory_space<vmem>> -> memref<4x8x128xf32, #tpu.memory_space<vmem>>
        tpu.vector_store_idx %scatter3A_1265[%shift_right_logical3A_6, %and3A_11, %broadcast_in_dim3A_1252], %get3A_1259 : memref<4x8x128xf32, #tpu.memory_space<vmem>>[vector<16xi32>, vector<16xi32>, vector<16xi32>], vector<16xf32>,
        %add3A_1266 = arith.constant 0 : i32
        %add3A_1267 = arith.addi %add3A_1266, %scan3A_1251 : i32
        %get3A_1268 = arith.constant 1 : i32
        %get3A_1269 = arith.index_cast %get3A_1268 : i32 to index
        %get3A_1270 = arith.index_cast %add3A_1267 : i32 to index
        %get3A_1271 = arith.constant 16 : index
        %get3A_1272 = tpu.vector_load %arg6[%get3A_1269, %get3A_1270, %get3A_1271] {strides = array<i32>} : memref<2x1024x32xf32, #tpu.memory_space<vmem>>, vector<16xf32>,
        %scatter3A_1273 = arith.constant 0 : i32
        %scatter3A_1274 = arith.constant 0 : i32
        %scatter3A_1275 = arith.constant 0 : i32
        %scatter3A_1276 = arith.constant 0 : i32
        %scatter3A_1277 = tpu.memref_slice %arg7[%scatter3A_1273, %scatter3A_1274, %scatter3A_1275, %scatter3A_1276] : memref<2x4x8x128xf32, #tpu.memory_space<vmem>> -> memref<1x4x8x128xf32, #tpu.memory_space<vmem>>
        %scatter3A_1278 = tpu.memref_squeeze %scatter3A_1277 : memref<1x4x8x128xf32, #tpu.memory_space<vmem>> -> memref<4x8x128xf32, #tpu.memory_space<vmem>>
        tpu.vector_store_idx %scatter3A_1278[%add3A_9, %and3A_11, %broadcast_in_dim3A_1252], %get3A_1272 : memref<4x8x128xf32, #tpu.memory_space<vmem>>[vector<16xi32>, vector<16xi32>, vector<16xi32>], vector<16xf32>,
      }
      %scan3A_677 = arith.constant 128 : i32
      %add3A_678 = arith.addi %mul3A_4, %add3A_666 : i32
      %jit3A_679 = arith.constant 128 : i32
      %div3A_680 = arith.divsi %add3A_678, %jit3A_679 : i32
      %sign3A_681 = arith.constant 0 : i32
      %sign3A_682 = arith.cmpi sgt, %add3A_678, %sign3A_681 : i32
      %sign3A_683 = arith.extui %sign3A_682 : i1 to i32
      %sign3A_684 = arith.constant 0 : i32
      %sign3A_685 = arith.cmpi slt, %add3A_678, %sign3A_684 : i32
      %sign3A_686 = arith.extui %sign3A_685 : i1 to i32
      %sign3A_687 = arith.subi %sign3A_683, %sign3A_686 : i32
      %sign3A_688 = arith.constant 0 : i32
      %sign3A_689 = arith.cmpi sgt, %jit3A_679, %sign3A_688 : i32
      %sign3A_690 = arith.extui %sign3A_689 : i1 to i32
      %sign3A_691 = arith.constant 0 : i32
      %sign3A_692 = arith.cmpi slt, %jit3A_679, %sign3A_691 : i32
      %sign3A_693 = arith.extui %sign3A_692 : i1 to i32
      %sign3A_694 = arith.subi %sign3A_690, %sign3A_693 : i32
      %ne3A_695 = arith.cmpi ne, %sign3A_687, %sign3A_694 : i32
      %rem3A_696 = arith.remsi %add3A_678, %jit3A_679 : i32
      %ne3A_697 = arith.constant 0 : i32
      %ne3A_698 = arith.cmpi ne, %rem3A_696, %ne3A_697 : i32
      %and3A_699 = arith.andi %ne3A_695, %ne3A_698 : i1
      %sub3A_700 = arith.constant 1 : i32
      %sub3A_701 = arith.subi %div3A_680, %sub3A_700 : i32
      %select_n3A_702 = arith.select %and3A_699, %sub3A_701, %div3A_680 : i32
      %rem3A_703 = arith.constant 128 : i32
      %rem3A_704 = arith.remsi %add3A_678, %rem3A_703 : i32
      %dma_start3A_705 = arith.constant 0 : i32
      %dma_start3A_706 = arith.constant 0 : i32
      %dma_start3A_707 = arith.constant 0 : i32
      %dma_start3A_708 = arith.constant 0 : i32
      %dma_start3A_709 = tpu.memref_slice %arg7[%dma_start3A_705, %dma_start3A_706, %dma_start3A_707, %dma_start3A_708] : memref<2x4x8x128xf32, #tpu.memory_space<vmem>> -> memref<1x4x8x128xf32, #tpu.memory_space<vmem>>
      %dma_start3A_710 = tpu.memref_squeeze %dma_start3A_709 : memref<1x4x8x128xf32, #tpu.memory_space<vmem>> -> memref<4x8x128xf32, #tpu.memory_space<vmem>>
      %dma_start3A_711 = arith.constant 0 : i32
      %dma_start3A_712 = arith.constant 0 : i32
      %dma_start3A_713 = arith.constant 0 : i32
      %dma_start3A_714 = tpu.memref_slice %arg4[%select_n3A_702, %dma_start3A_711, %rem3A_704, %dma_start3A_712, %dma_start3A_713] : memref<100x4x128x8x128xf32, #tpu.memory_space<hbm>> -> memref<1x4x1x8x128xf32, #tpu.memory_space<hbm>>
      %dma_start3A_715 = tpu.memref_squeeze %dma_start3A_714 : memref<1x4x1x8x128xf32, #tpu.memory_space<hbm>> -> memref<4x8x128xf32, #tpu.memory_space<hbm>>
      %dma_start3A_716 = arith.constant 0 : i32
      %dma_start3A_717 = arith.constant 0 : i32
      %dma_start3A_718 = arith.constant 0 : i32
      %dma_start3A_719 = tpu.memref_slice %arg4[%select_n3A_702, %dma_start3A_716, %rem3A_704, %dma_start3A_717, %dma_start3A_718] : memref<100x4x128x8x128xf32, #tpu.memory_space<hbm>> -> memref<1x4x1x8x128xf32, #tpu.memory_space<hbm>>
      %dma_start3A_720 = tpu.memref_squeeze %dma_start3A_719 : memref<1x4x1x8x128xf32, #tpu.memory_space<hbm>> -> memref<4x8x128xf32, #tpu.memory_space<hbm>>
      %dma_start3A_721 = arith.constant 0 : i32
      %dma_start3A_722 = arith.constant 0 : i32
      %dma_start3A_723 = arith.constant 0 : i32
      %dma_start3A_724 = tpu.memref_slice %arg7[%dma_start3A_705, %dma_start3A_721, %dma_start3A_722, %dma_start3A_723] : memref<2x4x8x128xf32, #tpu.memory_space<vmem>> -> memref<1x4x8x128xf32, #tpu.memory_space<vmem>>
      %dma_start3A_725 = tpu.memref_squeeze %dma_start3A_724 : memref<1x4x8x128xf32, #tpu.memory_space<vmem>> -> memref<4x8x128xf32, #tpu.memory_space<vmem>>
      tpu.enqueue_dma source(%dma_start3A_725 : memref<4x8x128xf32, #tpu.memory_space<vmem>>) target(%dma_start3A_720 : memref<4x8x128xf32, #tpu.memory_space<hbm>>) target_semaphore(%arg10 : memref<!tpu.dma_semaphore, #tpu.memory_space<semaphore_mem>>)
      %mul3A_726 = arith.constant 8 : i32
      %mul3A_727 = arith.muli %add3A_645, %mul3A_726 : i32
      %add3A_728 = arith.constant 1 : i32
      %add3A_729 = arith.addi %mul3A_727, %add3A_728 : i32
      %ge3A_730 = arith.constant 2 : i32
      %ge3A_731 = arith.cmpi sge, %add3A_729, %ge3A_730 : i32
      %convert_element_type3A_732 = arith.extui %ge3A_731 : i1 to i32
      %cond3A_733 = arith.constant 0 : i32
      %cond3A_734 = arith.cmpi ne, %convert_element_type3A_732, %cond3A_733 : i32
      scf.if %cond3A_734 {
        %add3A_1167 = arith.addi %mul3A_4, %add3A_729 : i32
        %sub3A_1168 = arith.constant 2 : i32
        %sub3A_1169 = arith.subi %add3A_1167, %sub3A_1168 : i32
        %jit3A_1170 = arith.constant 128 : i32
        %div3A_1171 = arith.divsi %sub3A_1169, %jit3A_1170 : i32
        %sign3A_1172 = arith.constant 0 : i32
        %sign3A_1173 = arith.cmpi sgt, %sub3A_1169, %sign3A_1172 : i32
        %sign3A_1174 = arith.extui %sign3A_1173 : i1 to i32
        %sign3A_1175 = arith.constant 0 : i32
        %sign3A_1176 = arith.cmpi slt, %sub3A_1169, %sign3A_1175 : i32
        %sign3A_1177 = arith.extui %sign3A_1176 : i1 to i32
        %sign3A_1178 = arith.subi %sign3A_1174, %sign3A_1177 : i32
        %sign3A_1179 = arith.constant 0 : i32
        %sign3A_1180 = arith.cmpi sgt, %jit3A_1170, %sign3A_1179 : i32
        %sign3A_1181 = arith.extui %sign3A_1180 : i1 to i32
        %sign3A_1182 = arith.constant 0 : i32
        %sign3A_1183 = arith.cmpi slt, %jit3A_1170, %sign3A_1182 : i32
        %sign3A_1184 = arith.extui %sign3A_1183 : i1 to i32
        %sign3A_1185 = arith.subi %sign3A_1181, %sign3A_1184 : i32
        %ne3A_1186 = arith.cmpi ne, %sign3A_1178, %sign3A_1185 : i32
        %rem3A_1187 = arith.remsi %sub3A_1169, %jit3A_1170 : i32
        %ne3A_1188 = arith.constant 0 : i32
        %ne3A_1189 = arith.cmpi ne, %rem3A_1187, %ne3A_1188 : i32
        %and3A_1190 = arith.andi %ne3A_1186, %ne3A_1189 : i1
        %sub3A_1191 = arith.constant 1 : i32
        %sub3A_1192 = arith.subi %div3A_1171, %sub3A_1191 : i32
        %select_n3A_1193 = arith.select %and3A_1190, %sub3A_1192, %div3A_1171 : i32
        %rem3A_1194 = arith.constant 128 : i32
        %rem3A_1195 = arith.remsi %sub3A_1169, %rem3A_1194 : i32
        %dma_wait3A_1196 = arith.constant 1 : i32
        %dma_wait3A_1197 = arith.constant 0 : i32
        %dma_wait3A_1198 = arith.constant 0 : i32
        %dma_wait3A_1199 = arith.constant 0 : i32
        %dma_wait3A_1200 = tpu.memref_slice %arg7[%dma_wait3A_1196, %dma_wait3A_1197, %dma_wait3A_1198, %dma_wait3A_1199] : memref<2x4x8x128xf32, #tpu.memory_space<vmem>> -> memref<1x4x8x128xf32, #tpu.memory_space<vmem>>
        %dma_wait3A_1201 = tpu.memref_squeeze %dma_wait3A_1200 : memref<1x4x8x128xf32, #tpu.memory_space<vmem>> -> memref<4x8x128xf32, #tpu.memory_space<vmem>>
        %dma_wait3A_1202 = arith.constant 0 : i32
        %dma_wait3A_1203 = arith.constant 0 : i32
        %dma_wait3A_1204 = arith.constant 0 : i32
        %dma_wait3A_1205 = tpu.memref_slice %arg4[%select_n3A_1193, %dma_wait3A_1202, %rem3A_1195, %dma_wait3A_1203, %dma_wait3A_1204] : memref<100x4x128x8x128xf32, #tpu.memory_space<hbm>> -> memref<1x4x1x8x128xf32, #tpu.memory_space<hbm>>
        %dma_wait3A_1206 = tpu.memref_squeeze %dma_wait3A_1205 : memref<1x4x1x8x128xf32, #tpu.memory_space<hbm>> -> memref<4x8x128xf32, #tpu.memory_space<hbm>>
        %dma_wait3A_1207 = arith.constant 0 : i32
        %dma_wait3A_1208 = arith.constant 0 : i32
        %dma_wait3A_1209 = arith.constant 0 : i32
        %dma_wait3A_1210 = tpu.memref_slice %arg4[%select_n3A_1193, %dma_wait3A_1207, %rem3A_1195, %dma_wait3A_1208, %dma_wait3A_1209] : memref<100x4x128x8x128xf32, #tpu.memory_space<hbm>> -> memref<1x4x1x8x128xf32, #tpu.memory_space<hbm>>
        %dma_wait3A_1211 = tpu.memref_squeeze %dma_wait3A_1210 : memref<1x4x1x8x128xf32, #tpu.memory_space<hbm>> -> memref<4x8x128xf32, #tpu.memory_space<hbm>>
        %dma_wait3A_1212 = arith.constant 0 : i32
        %dma_wait3A_1213 = arith.constant 0 : i32
        %dma_wait3A_1214 = arith.constant 0 : i32
        %dma_wait3A_1215 = tpu.memref_slice %arg7[%dma_wait3A_1196, %dma_wait3A_1212, %dma_wait3A_1213, %dma_wait3A_1214] : memref<2x4x8x128xf32, #tpu.memory_space<vmem>> -> memref<1x4x8x128xf32, #tpu.memory_space<vmem>>
        %dma_wait3A_1216 = tpu.memref_squeeze %dma_wait3A_1215 : memref<1x4x8x128xf32, #tpu.memory_space<vmem>> -> memref<4x8x128xf32, #tpu.memory_space<vmem>>
        tpu.wait_dma2 semaphore(%arg11 : memref<!tpu.dma_semaphore, #tpu.memory_space<semaphore_mem>>) src(%dma_wait3A_1216 : memref<4x8x128xf32, #tpu.memory_space<vmem>>) dst(%dma_wait3A_1211 : memref<4x8x128xf32, #tpu.memory_space<hbm>>)
      } else {
      }
      %scan3A_735 = arith.constant 0 : i32
      %scan3A_736 = arith.constant 0 : i32
      %scan3A_737 = arith.constant 128 : i32
      %scan3A_738 = arith.addi %scan3A_736, %scan3A_737 : i32
      %scan3A_739 = arith.constant 4 : i32
      scf.for %scan3A_1167 = %scan3A_736 to %scan3A_738 step %scan3A_739  : i32 {
        %broadcast_in_dim3A = vector.broadcast %scan3A_1167 : i32 to vector<16xi32>
        %add3A_1168 = arith.constant 128 : i32
        %add3A_1169 = arith.addi %add3A_1168, %scan3A_1167 : i32
        %get3A = arith.constant 1 : i32
        %get3A_1170 = arith.index_cast %get3A : i32 to index
        %get3A_1171 = arith.index_cast %add3A_1169 : i32 to index
        %get3A_1172 = arith.constant 0 : index
        %get3A_1173 = tpu.vector_load %arg6[%get3A_1170, %get3A_1171, %get3A_1172] {strides = array<i32>} : memref<2x1024x32xf32, #tpu.memory_space<vmem>>, vector<16xf32>,
        %scatter3A = arith.constant 1 : i32
        %scatter3A_1174 = arith.constant 0 : i32
        %scatter3A_1175 = arith.constant 0 : i32
        %scatter3A_1176 = arith.constant 0 : i32
        %scatter3A_1177 = tpu.memref_slice %arg7[%scatter3A, %scatter3A_1174, %scatter3A_1175, %scatter3A_1176] : memref<2x4x8x128xf32, #tpu.memory_space<vmem>> -> memref<1x4x8x128xf32, #tpu.memory_space<vmem>>
        %scatter3A_1178 = tpu.memref_squeeze %scatter3A_1177 : memref<1x4x8x128xf32, #tpu.memory_space<vmem>> -> memref<4x8x128xf32, #tpu.memory_space<vmem>>
        tpu.vector_store_idx %scatter3A_1178[%shift_right_logical3A_6, %and3A_11, %broadcast_in_dim3A], %get3A_1173 : memref<4x8x128xf32, #tpu.memory_space<vmem>>[vector<16xi32>, vector<16xi32>, vector<16xi32>], vector<16xf32>,
        %add3A_1179 = arith.constant 128 : i32
        %add3A_1180 = arith.addi %add3A_1179, %scan3A_1167 : i32
        %get3A_1181 = arith.constant 1 : i32
        %get3A_1182 = arith.index_cast %get3A_1181 : i32 to index
        %get3A_1183 = arith.index_cast %add3A_1180 : i32 to index
        %get3A_1184 = arith.constant 16 : index
        %get3A_1185 = tpu.vector_load %arg6[%get3A_1182, %get3A_1183, %get3A_1184] {strides = array<i32>} : memref<2x1024x32xf32, #tpu.memory_space<vmem>>, vector<16xf32>,
        %scatter3A_1186 = arith.constant 1 : i32
        %scatter3A_1187 = arith.constant 0 : i32
        %scatter3A_1188 = arith.constant 0 : i32
        %scatter3A_1189 = arith.constant 0 : i32
        %scatter3A_1190 = tpu.memref_slice %arg7[%scatter3A_1186, %scatter3A_1187, %scatter3A_1188, %scatter3A_1189] : memref<2x4x8x128xf32, #tpu.memory_space<vmem>> -> memref<1x4x8x128xf32, #tpu.memory_space<vmem>>
        %scatter3A_1191 = tpu.memref_squeeze %scatter3A_1190 : memref<1x4x8x128xf32, #tpu.memory_space<vmem>> -> memref<4x8x128xf32, #tpu.memory_space<vmem>>
        tpu.vector_store_idx %scatter3A_1191[%add3A_9, %and3A_11, %broadcast_in_dim3A], %get3A_1185 : memref<4x8x128xf32, #tpu.memory_space<vmem>>[vector<16xi32>, vector<16xi32>, vector<16xi32>], vector<16xf32>,
        %scan3A_1192 = arith.constant 1 : i32
        %scan3A_1193 = arith.addi %scan3A_1167, %scan3A_1192 : i32
        %broadcast_in_dim3A_1194 = vector.broadcast %scan3A_1193 : i32 to vector<16xi32>
        %add3A_1195 = arith.constant 128 : i32
        %add3A_1196 = arith.addi %add3A_1195, %scan3A_1193 : i32
        %get3A_1197 = arith.constant 1 : i32
        %get3A_1198 = arith.index_cast %get3A_1197 : i32 to index
        %get3A_1199 = arith.index_cast %add3A_1196 : i32 to index
        %get3A_1200 = arith.constant 0 : index
        %get3A_1201 = tpu.vector_load %arg6[%get3A_1198, %get3A_1199, %get3A_1200] {strides = array<i32>} : memref<2x1024x32xf32, #tpu.memory_space<vmem>>, vector<16xf32>,
        %scatter3A_1202 = arith.constant 1 : i32
        %scatter3A_1203 = arith.constant 0 : i32
        %scatter3A_1204 = arith.constant 0 : i32
        %scatter3A_1205 = arith.constant 0 : i32
        %scatter3A_1206 = tpu.memref_slice %arg7[%scatter3A_1202, %scatter3A_1203, %scatter3A_1204, %scatter3A_1205] : memref<2x4x8x128xf32, #tpu.memory_space<vmem>> -> memref<1x4x8x128xf32, #tpu.memory_space<vmem>>
        %scatter3A_1207 = tpu.memref_squeeze %scatter3A_1206 : memref<1x4x8x128xf32, #tpu.memory_space<vmem>> -> memref<4x8x128xf32, #tpu.memory_space<vmem>>
        tpu.vector_store_idx %scatter3A_1207[%shift_right_logical3A_6, %and3A_11, %broadcast_in_dim3A_1194], %get3A_1201 : memref<4x8x128xf32, #tpu.memory_space<vmem>>[vector<16xi32>, vector<16xi32>, vector<16xi32>], vector<16xf32>,
        %add3A_1208 = arith.constant 128 : i32
        %add3A_1209 = arith.addi %add3A_1208, %scan3A_1193 : i32
        %get3A_1210 = arith.constant 1 : i32
        %get3A_1211 = arith.index_cast %get3A_1210 : i32 to index
        %get3A_1212 = arith.index_cast %add3A_1209 : i32 to index
        %get3A_1213 = arith.constant 16 : index
        %get3A_1214 = tpu.vector_load %arg6[%get3A_1211, %get3A_1212, %get3A_1213] {strides = array<i32>} : memref<2x1024x32xf32, #tpu.memory_space<vmem>>, vector<16xf32>,
        %scatter3A_1215 = arith.constant 1 : i32
        %scatter3A_1216 = arith.constant 0 : i32
        %scatter3A_1217 = arith.constant 0 : i32
        %scatter3A_1218 = arith.constant 0 : i32
        %scatter3A_1219 = tpu.memref_slice %arg7[%scatter3A_1215, %scatter3A_1216, %scatter3A_1217, %scatter3A_1218] : memref<2x4x8x128xf32, #tpu.memory_space<vmem>> -> memref<1x4x8x128xf32, #tpu.memory_space<vmem>>
        %scatter3A_1220 = tpu.memref_squeeze %scatter3A_1219 : memref<1x4x8x128xf32, #tpu.memory_space<vmem>> -> memref<4x8x128xf32, #tpu.memory_space<vmem>>
        tpu.vector_store_idx %scatter3A_1220[%add3A_9, %and3A_11, %broadcast_in_dim3A_1194], %get3A_1214 : memref<4x8x128xf32, #tpu.memory_space<vmem>>[vector<16xi32>, vector<16xi32>, vector<16xi32>], vector<16xf32>,
        %scan3A_1221 = arith.constant 2 : i32
        %scan3A_1222 = arith.addi %scan3A_1167, %scan3A_1221 : i32
        %broadcast_in_dim3A_1223 = vector.broadcast %scan3A_1222 : i32 to vector<16xi32>
        %add3A_1224 = arith.constant 128 : i32
        %add3A_1225 = arith.addi %add3A_1224, %scan3A_1222 : i32
        %get3A_1226 = arith.constant 1 : i32
        %get3A_1227 = arith.index_cast %get3A_1226 : i32 to index
        %get3A_1228 = arith.index_cast %add3A_1225 : i32 to index
        %get3A_1229 = arith.constant 0 : index
        %get3A_1230 = tpu.vector_load %arg6[%get3A_1227, %get3A_1228, %get3A_1229] {strides = array<i32>} : memref<2x1024x32xf32, #tpu.memory_space<vmem>>, vector<16xf32>,
        %scatter3A_1231 = arith.constant 1 : i32
        %scatter3A_1232 = arith.constant 0 : i32
        %scatter3A_1233 = arith.constant 0 : i32
        %scatter3A_1234 = arith.constant 0 : i32
        %scatter3A_1235 = tpu.memref_slice %arg7[%scatter3A_1231, %scatter3A_1232, %scatter3A_1233, %scatter3A_1234] : memref<2x4x8x128xf32, #tpu.memory_space<vmem>> -> memref<1x4x8x128xf32, #tpu.memory_space<vmem>>
        %scatter3A_1236 = tpu.memref_squeeze %scatter3A_1235 : memref<1x4x8x128xf32, #tpu.memory_space<vmem>> -> memref<4x8x128xf32, #tpu.memory_space<vmem>>
        tpu.vector_store_idx %scatter3A_1236[%shift_right_logical3A_6, %and3A_11, %broadcast_in_dim3A_1223], %get3A_1230 : memref<4x8x128xf32, #tpu.memory_space<vmem>>[vector<16xi32>, vector<16xi32>, vector<16xi32>], vector<16xf32>,
        %add3A_1237 = arith.constant 128 : i32
        %add3A_1238 = arith.addi %add3A_1237, %scan3A_1222 : i32
        %get3A_1239 = arith.constant 1 : i32
        %get3A_1240 = arith.index_cast %get3A_1239 : i32 to index
        %get3A_1241 = arith.index_cast %add3A_1238 : i32 to index
        %get3A_1242 = arith.constant 16 : index
        %get3A_1243 = tpu.vector_load %arg6[%get3A_1240, %get3A_1241, %get3A_1242] {strides = array<i32>} : memref<2x1024x32xf32, #tpu.memory_space<vmem>>, vector<16xf32>,
        %scatter3A_1244 = arith.constant 1 : i32
        %scatter3A_1245 = arith.constant 0 : i32
        %scatter3A_1246 = arith.constant 0 : i32
        %scatter3A_1247 = arith.constant 0 : i32
        %scatter3A_1248 = tpu.memref_slice %arg7[%scatter3A_1244, %scatter3A_1245, %scatter3A_1246, %scatter3A_1247] : memref<2x4x8x128xf32, #tpu.memory_space<vmem>> -> memref<1x4x8x128xf32, #tpu.memory_space<vmem>>
        %scatter3A_1249 = tpu.memref_squeeze %scatter3A_1248 : memref<1x4x8x128xf32, #tpu.memory_space<vmem>> -> memref<4x8x128xf32, #tpu.memory_space<vmem>>
        tpu.vector_store_idx %scatter3A_1249[%add3A_9, %and3A_11, %broadcast_in_dim3A_1223], %get3A_1243 : memref<4x8x128xf32, #tpu.memory_space<vmem>>[vector<16xi32>, vector<16xi32>, vector<16xi32>], vector<16xf32>,
        %scan3A_1250 = arith.constant 3 : i32
        %scan3A_1251 = arith.addi %scan3A_1167, %scan3A_1250 : i32
        %broadcast_in_dim3A_1252 = vector.broadcast %scan3A_1251 : i32 to vector<16xi32>
        %add3A_1253 = arith.constant 128 : i32
        %add3A_1254 = arith.addi %add3A_1253, %scan3A_1251 : i32
        %get3A_1255 = arith.constant 1 : i32
        %get3A_1256 = arith.index_cast %get3A_1255 : i32 to index
        %get3A_1257 = arith.index_cast %add3A_1254 : i32 to index
        %get3A_1258 = arith.constant 0 : index
        %get3A_1259 = tpu.vector_load %arg6[%get3A_1256, %get3A_1257, %get3A_1258] {strides = array<i32>} : memref<2x1024x32xf32, #tpu.memory_space<vmem>>, vector<16xf32>,
        %scatter3A_1260 = arith.constant 1 : i32
        %scatter3A_1261 = arith.constant 0 : i32
        %scatter3A_1262 = arith.constant 0 : i32
        %scatter3A_1263 = arith.constant 0 : i32
        %scatter3A_1264 = tpu.memref_slice %arg7[%scatter3A_1260, %scatter3A_1261, %scatter3A_1262, %scatter3A_1263] : memref<2x4x8x128xf32, #tpu.memory_space<vmem>> -> memref<1x4x8x128xf32, #tpu.memory_space<vmem>>
        %scatter3A_1265 = tpu.memref_squeeze %scatter3A_1264 : memref<1x4x8x128xf32, #tpu.memory_space<vmem>> -> memref<4x8x128xf32, #tpu.memory_space<vmem>>
        tpu.vector_store_idx %scatter3A_1265[%shift_right_logical3A_6, %and3A_11, %broadcast_in_dim3A_1252], %get3A_1259 : memref<4x8x128xf32, #tpu.memory_space<vmem>>[vector<16xi32>, vector<16xi32>, vector<16xi32>], vector<16xf32>,
        %add3A_1266 = arith.constant 128 : i32
        %add3A_1267 = arith.addi %add3A_1266, %scan3A_1251 : i32
        %get3A_1268 = arith.constant 1 : i32
        %get3A_1269 = arith.index_cast %get3A_1268 : i32 to index
        %get3A_1270 = arith.index_cast %add3A_1267 : i32 to index
        %get3A_1271 = arith.constant 16 : index
        %get3A_1272 = tpu.vector_load %arg6[%get3A_1269, %get3A_1270, %get3A_1271] {strides = array<i32>} : memref<2x1024x32xf32, #tpu.memory_space<vmem>>, vector<16xf32>,
        %scatter3A_1273 = arith.constant 1 : i32
        %scatter3A_1274 = arith.constant 0 : i32
        %scatter3A_1275 = arith.constant 0 : i32
        %scatter3A_1276 = arith.constant 0 : i32
        %scatter3A_1277 = tpu.memref_slice %arg7[%scatter3A_1273, %scatter3A_1274, %scatter3A_1275, %scatter3A_1276] : memref<2x4x8x128xf32, #tpu.memory_space<vmem>> -> memref<1x4x8x128xf32, #tpu.memory_space<vmem>>
        %scatter3A_1278 = tpu.memref_squeeze %scatter3A_1277 : memref<1x4x8x128xf32, #tpu.memory_space<vmem>> -> memref<4x8x128xf32, #tpu.memory_space<vmem>>
        tpu.vector_store_idx %scatter3A_1278[%add3A_9, %and3A_11, %broadcast_in_dim3A_1252], %get3A_1272 : memref<4x8x128xf32, #tpu.memory_space<vmem>>[vector<16xi32>, vector<16xi32>, vector<16xi32>], vector<16xf32>,
      }
      %scan3A_740 = arith.constant 128 : i32
      %add3A_741 = arith.addi %mul3A_4, %add3A_729 : i32
      %jit3A_742 = arith.constant 128 : i32
      %div3A_743 = arith.divsi %add3A_741, %jit3A_742 : i32
      %sign3A_744 = arith.constant 0 : i32
      %sign3A_745 = arith.cmpi sgt, %add3A_741, %sign3A_744 : i32
      %sign3A_746 = arith.extui %sign3A_745 : i1 to i32
      %sign3A_747 = arith.constant 0 : i32
      %sign3A_748 = arith.cmpi slt, %add3A_741, %sign3A_747 : i32
      %sign3A_749 = arith.extui %sign3A_748 : i1 to i32
      %sign3A_750 = arith.subi %sign3A_746, %sign3A_749 : i32
      %sign3A_751 = arith.constant 0 : i32
      %sign3A_752 = arith.cmpi sgt, %jit3A_742, %sign3A_751 : i32
      %sign3A_753 = arith.extui %sign3A_752 : i1 to i32
      %sign3A_754 = arith.constant 0 : i32
      %sign3A_755 = arith.cmpi slt, %jit3A_742, %sign3A_754 : i32
      %sign3A_756 = arith.extui %sign3A_755 : i1 to i32
      %sign3A_757 = arith.subi %sign3A_753, %sign3A_756 : i32
      %ne3A_758 = arith.cmpi ne, %sign3A_750, %sign3A_757 : i32
      %rem3A_759 = arith.remsi %add3A_741, %jit3A_742 : i32
      %ne3A_760 = arith.constant 0 : i32
      %ne3A_761 = arith.cmpi ne, %rem3A_759, %ne3A_760 : i32
      %and3A_762 = arith.andi %ne3A_758, %ne3A_761 : i1
      %sub3A_763 = arith.constant 1 : i32
      %sub3A_764 = arith.subi %div3A_743, %sub3A_763 : i32
      %select_n3A_765 = arith.select %and3A_762, %sub3A_764, %div3A_743 : i32
      %rem3A_766 = arith.constant 128 : i32
      %rem3A_767 = arith.remsi %add3A_741, %rem3A_766 : i32
      %dma_start3A_768 = arith.constant 1 : i32
      %dma_start3A_769 = arith.constant 0 : i32
      %dma_start3A_770 = arith.constant 0 : i32
      %dma_start3A_771 = arith.constant 0 : i32
      %dma_start3A_772 = tpu.memref_slice %arg7[%dma_start3A_768, %dma_start3A_769, %dma_start3A_770, %dma_start3A_771] : memref<2x4x8x128xf32, #tpu.memory_space<vmem>> -> memref<1x4x8x128xf32, #tpu.memory_space<vmem>>
      %dma_start3A_773 = tpu.memref_squeeze %dma_start3A_772 : memref<1x4x8x128xf32, #tpu.memory_space<vmem>> -> memref<4x8x128xf32, #tpu.memory_space<vmem>>
      %dma_start3A_774 = arith.constant 0 : i32
      %dma_start3A_775 = arith.constant 0 : i32
      %dma_start3A_776 = arith.constant 0 : i32
      %dma_start3A_777 = tpu.memref_slice %arg4[%select_n3A_765, %dma_start3A_774, %rem3A_767, %dma_start3A_775, %dma_start3A_776] : memref<100x4x128x8x128xf32, #tpu.memory_space<hbm>> -> memref<1x4x1x8x128xf32, #tpu.memory_space<hbm>>
      %dma_start3A_778 = tpu.memref_squeeze %dma_start3A_777 : memref<1x4x1x8x128xf32, #tpu.memory_space<hbm>> -> memref<4x8x128xf32, #tpu.memory_space<hbm>>
      %dma_start3A_779 = arith.constant 0 : i32
      %dma_start3A_780 = arith.constant 0 : i32
      %dma_start3A_781 = arith.constant 0 : i32
      %dma_start3A_782 = tpu.memref_slice %arg4[%select_n3A_765, %dma_start3A_779, %rem3A_767, %dma_start3A_780, %dma_start3A_781] : memref<100x4x128x8x128xf32, #tpu.memory_space<hbm>> -> memref<1x4x1x8x128xf32, #tpu.memory_space<hbm>>
      %dma_start3A_783 = tpu.memref_squeeze %dma_start3A_782 : memref<1x4x1x8x128xf32, #tpu.memory_space<hbm>> -> memref<4x8x128xf32, #tpu.memory_space<hbm>>
      %dma_start3A_784 = arith.constant 0 : i32
      %dma_start3A_785 = arith.constant 0 : i32
      %dma_start3A_786 = arith.constant 0 : i32
      %dma_start3A_787 = tpu.memref_slice %arg7[%dma_start3A_768, %dma_start3A_784, %dma_start3A_785, %dma_start3A_786] : memref<2x4x8x128xf32, #tpu.memory_space<vmem>> -> memref<1x4x8x128xf32, #tpu.memory_space<vmem>>
      %dma_start3A_788 = tpu.memref_squeeze %dma_start3A_787 : memref<1x4x8x128xf32, #tpu.memory_space<vmem>> -> memref<4x8x128xf32, #tpu.memory_space<vmem>>
      tpu.enqueue_dma source(%dma_start3A_788 : memref<4x8x128xf32, #tpu.memory_space<vmem>>) target(%dma_start3A_783 : memref<4x8x128xf32, #tpu.memory_space<hbm>>) target_semaphore(%arg11 : memref<!tpu.dma_semaphore, #tpu.memory_space<semaphore_mem>>)
      %mul3A_789 = arith.constant 8 : i32
      %mul3A_790 = arith.muli %add3A_645, %mul3A_789 : i32
      %add3A_791 = arith.constant 2 : i32
      %add3A_792 = arith.addi %mul3A_790, %add3A_791 : i32
      %ge3A_793 = arith.constant 2 : i32
      %ge3A_794 = arith.cmpi sge, %add3A_792, %ge3A_793 : i32
      %convert_element_type3A_795 = arith.extui %ge3A_794 : i1 to i32
      %cond3A_796 = arith.constant 0 : i32
      %cond3A_797 = arith.cmpi ne, %convert_element_type3A_795, %cond3A_796 : i32
      scf.if %cond3A_797 {
        %add3A_1167 = arith.addi %mul3A_4, %add3A_792 : i32
        %sub3A_1168 = arith.constant 2 : i32
        %sub3A_1169 = arith.subi %add3A_1167, %sub3A_1168 : i32
        %jit3A_1170 = arith.constant 128 : i32
        %div3A_1171 = arith.divsi %sub3A_1169, %jit3A_1170 : i32
        %sign3A_1172 = arith.constant 0 : i32
        %sign3A_1173 = arith.cmpi sgt, %sub3A_1169, %sign3A_1172 : i32
        %sign3A_1174 = arith.extui %sign3A_1173 : i1 to i32
        %sign3A_1175 = arith.constant 0 : i32
        %sign3A_1176 = arith.cmpi slt, %sub3A_1169, %sign3A_1175 : i32
        %sign3A_1177 = arith.extui %sign3A_1176 : i1 to i32
        %sign3A_1178 = arith.subi %sign3A_1174, %sign3A_1177 : i32
        %sign3A_1179 = arith.constant 0 : i32
        %sign3A_1180 = arith.cmpi sgt, %jit3A_1170, %sign3A_1179 : i32
        %sign3A_1181 = arith.extui %sign3A_1180 : i1 to i32
        %sign3A_1182 = arith.constant 0 : i32
        %sign3A_1183 = arith.cmpi slt, %jit3A_1170, %sign3A_1182 : i32
        %sign3A_1184 = arith.extui %sign3A_1183 : i1 to i32
        %sign3A_1185 = arith.subi %sign3A_1181, %sign3A_1184 : i32
        %ne3A_1186 = arith.cmpi ne, %sign3A_1178, %sign3A_1185 : i32
        %rem3A_1187 = arith.remsi %sub3A_1169, %jit3A_1170 : i32
        %ne3A_1188 = arith.constant 0 : i32
        %ne3A_1189 = arith.cmpi ne, %rem3A_1187, %ne3A_1188 : i32
        %and3A_1190 = arith.andi %ne3A_1186, %ne3A_1189 : i1
        %sub3A_1191 = arith.constant 1 : i32
        %sub3A_1192 = arith.subi %div3A_1171, %sub3A_1191 : i32
        %select_n3A_1193 = arith.select %and3A_1190, %sub3A_1192, %div3A_1171 : i32
        %rem3A_1194 = arith.constant 128 : i32
        %rem3A_1195 = arith.remsi %sub3A_1169, %rem3A_1194 : i32
        %dma_wait3A_1196 = arith.constant 0 : i32
        %dma_wait3A_1197 = arith.constant 0 : i32
        %dma_wait3A_1198 = arith.constant 0 : i32
        %dma_wait3A_1199 = arith.constant 0 : i32
        %dma_wait3A_1200 = tpu.memref_slice %arg7[%dma_wait3A_1196, %dma_wait3A_1197, %dma_wait3A_1198, %dma_wait3A_1199] : memref<2x4x8x128xf32, #tpu.memory_space<vmem>> -> memref<1x4x8x128xf32, #tpu.memory_space<vmem>>
        %dma_wait3A_1201 = tpu.memref_squeeze %dma_wait3A_1200 : memref<1x4x8x128xf32, #tpu.memory_space<vmem>> -> memref<4x8x128xf32, #tpu.memory_space<vmem>>
        %dma_wait3A_1202 = arith.constant 0 : i32
        %dma_wait3A_1203 = arith.constant 0 : i32
        %dma_wait3A_1204 = arith.constant 0 : i32
        %dma_wait3A_1205 = tpu.memref_slice %arg4[%select_n3A_1193, %dma_wait3A_1202, %rem3A_1195, %dma_wait3A_1203, %dma_wait3A_1204] : memref<100x4x128x8x128xf32, #tpu.memory_space<hbm>> -> memref<1x4x1x8x128xf32, #tpu.memory_space<hbm>>
        %dma_wait3A_1206 = tpu.memref_squeeze %dma_wait3A_1205 : memref<1x4x1x8x128xf32, #tpu.memory_space<hbm>> -> memref<4x8x128xf32, #tpu.memory_space<hbm>>
        %dma_wait3A_1207 = arith.constant 0 : i32
        %dma_wait3A_1208 = arith.constant 0 : i32
        %dma_wait3A_1209 = arith.constant 0 : i32
        %dma_wait3A_1210 = tpu.memref_slice %arg4[%select_n3A_1193, %dma_wait3A_1207, %rem3A_1195, %dma_wait3A_1208, %dma_wait3A_1209] : memref<100x4x128x8x128xf32, #tpu.memory_space<hbm>> -> memref<1x4x1x8x128xf32, #tpu.memory_space<hbm>>
        %dma_wait3A_1211 = tpu.memref_squeeze %dma_wait3A_1210 : memref<1x4x1x8x128xf32, #tpu.memory_space<hbm>> -> memref<4x8x128xf32, #tpu.memory_space<hbm>>
        %dma_wait3A_1212 = arith.constant 0 : i32
        %dma_wait3A_1213 = arith.constant 0 : i32
        %dma_wait3A_1214 = arith.constant 0 : i32
        %dma_wait3A_1215 = tpu.memref_slice %arg7[%dma_wait3A_1196, %dma_wait3A_1212, %dma_wait3A_1213, %dma_wait3A_1214] : memref<2x4x8x128xf32, #tpu.memory_space<vmem>> -> memref<1x4x8x128xf32, #tpu.memory_space<vmem>>
        %dma_wait3A_1216 = tpu.memref_squeeze %dma_wait3A_1215 : memref<1x4x8x128xf32, #tpu.memory_space<vmem>> -> memref<4x8x128xf32, #tpu.memory_space<vmem>>
        tpu.wait_dma2 semaphore(%arg10 : memref<!tpu.dma_semaphore, #tpu.memory_space<semaphore_mem>>) src(%dma_wait3A_1216 : memref<4x8x128xf32, #tpu.memory_space<vmem>>) dst(%dma_wait3A_1211 : memref<4x8x128xf32, #tpu.memory_space<hbm>>)
      } else {
      }
      %scan3A_798 = arith.constant 0 : i32
      %scan3A_799 = arith.constant 0 : i32
      %scan3A_800 = arith.constant 128 : i32
      %scan3A_801 = arith.addi %scan3A_799, %scan3A_800 : i32
      %scan3A_802 = arith.constant 4 : i32
      scf.for %scan3A_1167 = %scan3A_799 to %scan3A_801 step %scan3A_802  : i32 {
        %broadcast_in_dim3A = vector.broadcast %scan3A_1167 : i32 to vector<16xi32>
        %add3A_1168 = arith.constant 256 : i32
        %add3A_1169 = arith.addi %add3A_1168, %scan3A_1167 : i32
        %get3A = arith.constant 1 : i32
        %get3A_1170 = arith.index_cast %get3A : i32 to index
        %get3A_1171 = arith.index_cast %add3A_1169 : i32 to index
        %get3A_1172 = arith.constant 0 : index
        %get3A_1173 = tpu.vector_load %arg6[%get3A_1170, %get3A_1171, %get3A_1172] {strides = array<i32>} : memref<2x1024x32xf32, #tpu.memory_space<vmem>>, vector<16xf32>,
        %scatter3A = arith.constant 0 : i32
        %scatter3A_1174 = arith.constant 0 : i32
        %scatter3A_1175 = arith.constant 0 : i32
        %scatter3A_1176 = arith.constant 0 : i32
        %scatter3A_1177 = tpu.memref_slice %arg7[%scatter3A, %scatter3A_1174, %scatter3A_1175, %scatter3A_1176] : memref<2x4x8x128xf32, #tpu.memory_space<vmem>> -> memref<1x4x8x128xf32, #tpu.memory_space<vmem>>
        %scatter3A_1178 = tpu.memref_squeeze %scatter3A_1177 : memref<1x4x8x128xf32, #tpu.memory_space<vmem>> -> memref<4x8x128xf32, #tpu.memory_space<vmem>>
        tpu.vector_store_idx %scatter3A_1178[%shift_right_logical3A_6, %and3A_11, %broadcast_in_dim3A], %get3A_1173 : memref<4x8x128xf32, #tpu.memory_space<vmem>>[vector<16xi32>, vector<16xi32>, vector<16xi32>], vector<16xf32>,
        %add3A_1179 = arith.constant 256 : i32
        %add3A_1180 = arith.addi %add3A_1179, %scan3A_1167 : i32
        %get3A_1181 = arith.constant 1 : i32
        %get3A_1182 = arith.index_cast %get3A_1181 : i32 to index
        %get3A_1183 = arith.index_cast %add3A_1180 : i32 to index
        %get3A_1184 = arith.constant 16 : index
        %get3A_1185 = tpu.vector_load %arg6[%get3A_1182, %get3A_1183, %get3A_1184] {strides = array<i32>} : memref<2x1024x32xf32, #tpu.memory_space<vmem>>, vector<16xf32>,
        %scatter3A_1186 = arith.constant 0 : i32
        %scatter3A_1187 = arith.constant 0 : i32
        %scatter3A_1188 = arith.constant 0 : i32
        %scatter3A_1189 = arith.constant 0 : i32
        %scatter3A_1190 = tpu.memref_slice %arg7[%scatter3A_1186, %scatter3A_1187, %scatter3A_1188, %scatter3A_1189] : memref<2x4x8x128xf32, #tpu.memory_space<vmem>> -> memref<1x4x8x128xf32, #tpu.memory_space<vmem>>
        %scatter3A_1191 = tpu.memref_squeeze %scatter3A_1190 : memref<1x4x8x128xf32, #tpu.memory_space<vmem>> -> memref<4x8x128xf32, #tpu.memory_space<vmem>>
        tpu.vector_store_idx %scatter3A_1191[%add3A_9, %and3A_11, %broadcast_in_dim3A], %get3A_1185 : memref<4x8x128xf32, #tpu.memory_space<vmem>>[vector<16xi32>, vector<16xi32>, vector<16xi32>], vector<16xf32>,
        %scan3A_1192 = arith.constant 1 : i32
        %scan3A_1193 = arith.addi %scan3A_1167, %scan3A_1192 : i32
        %broadcast_in_dim3A_1194 = vector.broadcast %scan3A_1193 : i32 to vector<16xi32>
        %add3A_1195 = arith.constant 256 : i32
        %add3A_1196 = arith.addi %add3A_1195, %scan3A_1193 : i32
        %get3A_1197 = arith.constant 1 : i32
        %get3A_1198 = arith.index_cast %get3A_1197 : i32 to index
        %get3A_1199 = arith.index_cast %add3A_1196 : i32 to index
        %get3A_1200 = arith.constant 0 : index
        %get3A_1201 = tpu.vector_load %arg6[%get3A_1198, %get3A_1199, %get3A_1200] {strides = array<i32>} : memref<2x1024x32xf32, #tpu.memory_space<vmem>>, vector<16xf32>,
        %scatter3A_1202 = arith.constant 0 : i32
        %scatter3A_1203 = arith.constant 0 : i32
        %scatter3A_1204 = arith.constant 0 : i32
        %scatter3A_1205 = arith.constant 0 : i32
        %scatter3A_1206 = tpu.memref_slice %arg7[%scatter3A_1202, %scatter3A_1203, %scatter3A_1204, %scatter3A_1205] : memref<2x4x8x128xf32, #tpu.memory_space<vmem>> -> memref<1x4x8x128xf32, #tpu.memory_space<vmem>>
        %scatter3A_1207 = tpu.memref_squeeze %scatter3A_1206 : memref<1x4x8x128xf32, #tpu.memory_space<vmem>> -> memref<4x8x128xf32, #tpu.memory_space<vmem>>
        tpu.vector_store_idx %scatter3A_1207[%shift_right_logical3A_6, %and3A_11, %broadcast_in_dim3A_1194], %get3A_1201 : memref<4x8x128xf32, #tpu.memory_space<vmem>>[vector<16xi32>, vector<16xi32>, vector<16xi32>], vector<16xf32>,
        %add3A_1208 = arith.constant 256 : i32
        %add3A_1209 = arith.addi %add3A_1208, %scan3A_1193 : i32
        %get3A_1210 = arith.constant 1 : i32
        %get3A_1211 = arith.index_cast %get3A_1210 : i32 to index
        %get3A_1212 = arith.index_cast %add3A_1209 : i32 to index
        %get3A_1213 = arith.constant 16 : index
        %get3A_1214 = tpu.vector_load %arg6[%get3A_1211, %get3A_1212, %get3A_1213] {strides = array<i32>} : memref<2x1024x32xf32, #tpu.memory_space<vmem>>, vector<16xf32>,
        %scatter3A_1215 = arith.constant 0 : i32
        %scatter3A_1216 = arith.constant 0 : i32
        %scatter3A_1217 = arith.constant 0 : i32
        %scatter3A_1218 = arith.constant 0 : i32
        %scatter3A_1219 = tpu.memref_slice %arg7[%scatter3A_1215, %scatter3A_1216, %scatter3A_1217, %scatter3A_1218] : memref<2x4x8x128xf32, #tpu.memory_space<vmem>> -> memref<1x4x8x128xf32, #tpu.memory_space<vmem>>
        %scatter3A_1220 = tpu.memref_squeeze %scatter3A_1219 : memref<1x4x8x128xf32, #tpu.memory_space<vmem>> -> memref<4x8x128xf32, #tpu.memory_space<vmem>>
        tpu.vector_store_idx %scatter3A_1220[%add3A_9, %and3A_11, %broadcast_in_dim3A_1194], %get3A_1214 : memref<4x8x128xf32, #tpu.memory_space<vmem>>[vector<16xi32>, vector<16xi32>, vector<16xi32>], vector<16xf32>,
        %scan3A_1221 = arith.constant 2 : i32
        %scan3A_1222 = arith.addi %scan3A_1167, %scan3A_1221 : i32
        %broadcast_in_dim3A_1223 = vector.broadcast %scan3A_1222 : i32 to vector<16xi32>
        %add3A_1224 = arith.constant 256 : i32
        %add3A_1225 = arith.addi %add3A_1224, %scan3A_1222 : i32
        %get3A_1226 = arith.constant 1 : i32
        %get3A_1227 = arith.index_cast %get3A_1226 : i32 to index
        %get3A_1228 = arith.index_cast %add3A_1225 : i32 to index
        %get3A_1229 = arith.constant 0 : index
        %get3A_1230 = tpu.vector_load %arg6[%get3A_1227, %get3A_1228, %get3A_1229] {strides = array<i32>} : memref<2x1024x32xf32, #tpu.memory_space<vmem>>, vector<16xf32>,
        %scatter3A_1231 = arith.constant 0 : i32
        %scatter3A_1232 = arith.constant 0 : i32
        %scatter3A_1233 = arith.constant 0 : i32
        %scatter3A_1234 = arith.constant 0 : i32
        %scatter3A_1235 = tpu.memref_slice %arg7[%scatter3A_1231, %scatter3A_1232, %scatter3A_1233, %scatter3A_1234] : memref<2x4x8x128xf32, #tpu.memory_space<vmem>> -> memref<1x4x8x128xf32, #tpu.memory_space<vmem>>
        %scatter3A_1236 = tpu.memref_squeeze %scatter3A_1235 : memref<1x4x8x128xf32, #tpu.memory_space<vmem>> -> memref<4x8x128xf32, #tpu.memory_space<vmem>>
        tpu.vector_store_idx %scatter3A_1236[%shift_right_logical3A_6, %and3A_11, %broadcast_in_dim3A_1223], %get3A_1230 : memref<4x8x128xf32, #tpu.memory_space<vmem>>[vector<16xi32>, vector<16xi32>, vector<16xi32>], vector<16xf32>,
        %add3A_1237 = arith.constant 256 : i32
        %add3A_1238 = arith.addi %add3A_1237, %scan3A_1222 : i32
        %get3A_1239 = arith.constant 1 : i32
        %get3A_1240 = arith.index_cast %get3A_1239 : i32 to index
        %get3A_1241 = arith.index_cast %add3A_1238 : i32 to index
        %get3A_1242 = arith.constant 16 : index
        %get3A_1243 = tpu.vector_load %arg6[%get3A_1240, %get3A_1241, %get3A_1242] {strides = array<i32>} : memref<2x1024x32xf32, #tpu.memory_space<vmem>>, vector<16xf32>,
        %scatter3A_1244 = arith.constant 0 : i32
        %scatter3A_1245 = arith.constant 0 : i32
        %scatter3A_1246 = arith.constant 0 : i32
        %scatter3A_1247 = arith.constant 0 : i32
        %scatter3A_1248 = tpu.memref_slice %arg7[%scatter3A_1244, %scatter3A_1245, %scatter3A_1246, %scatter3A_1247] : memref<2x4x8x128xf32, #tpu.memory_space<vmem>> -> memref<1x4x8x128xf32, #tpu.memory_space<vmem>>
        %scatter3A_1249 = tpu.memref_squeeze %scatter3A_1248 : memref<1x4x8x128xf32, #tpu.memory_space<vmem>> -> memref<4x8x128xf32, #tpu.memory_space<vmem>>
        tpu.vector_store_idx %scatter3A_1249[%add3A_9, %and3A_11, %broadcast_in_dim3A_1223], %get3A_1243 : memref<4x8x128xf32, #tpu.memory_space<vmem>>[vector<16xi32>, vector<16xi32>, vector<16xi32>], vector<16xf32>,
        %scan3A_1250 = arith.constant 3 : i32
        %scan3A_1251 = arith.addi %scan3A_1167, %scan3A_1250 : i32
        %broadcast_in_dim3A_1252 = vector.broadcast %scan3A_1251 : i32 to vector<16xi32>
        %add3A_1253 = arith.constant 256 : i32
        %add3A_1254 = arith.addi %add3A_1253, %scan3A_1251 : i32
        %get3A_1255 = arith.constant 1 : i32
        %get3A_1256 = arith.index_cast %get3A_1255 : i32 to index
        %get3A_1257 = arith.index_cast %add3A_1254 : i32 to index
        %get3A_1258 = arith.constant 0 : index
        %get3A_1259 = tpu.vector_load %arg6[%get3A_1256, %get3A_1257, %get3A_1258] {strides = array<i32>} : memref<2x1024x32xf32, #tpu.memory_space<vmem>>, vector<16xf32>,
        %scatter3A_1260 = arith.constant 0 : i32
        %scatter3A_1261 = arith.constant 0 : i32
        %scatter3A_1262 = arith.constant 0 : i32
        %scatter3A_1263 = arith.constant 0 : i32
        %scatter3A_1264 = tpu.memref_slice %arg7[%scatter3A_1260, %scatter3A_1261, %scatter3A_1262, %scatter3A_1263] : memref<2x4x8x128xf32, #tpu.memory_space<vmem>> -> memref<1x4x8x128xf32, #tpu.memory_space<vmem>>
        %scatter3A_1265 = tpu.memref_squeeze %scatter3A_1264 : memref<1x4x8x128xf32, #tpu.memory_space<vmem>> -> memref<4x8x128xf32, #tpu.memory_space<vmem>>
        tpu.vector_store_idx %scatter3A_1265[%shift_right_logical3A_6, %and3A_11, %broadcast_in_dim3A_1252], %get3A_1259 : memref<4x8x128xf32, #tpu.memory_space<vmem>>[vector<16xi32>, vector<16xi32>, vector<16xi32>], vector<16xf32>,
        %add3A_1266 = arith.constant 256 : i32
        %add3A_1267 = arith.addi %add3A_1266, %scan3A_1251 : i32
        %get3A_1268 = arith.constant 1 : i32
        %get3A_1269 = arith.index_cast %get3A_1268 : i32 to index
        %get3A_1270 = arith.index_cast %add3A_1267 : i32 to index
        %get3A_1271 = arith.constant 16 : index
        %get3A_1272 = tpu.vector_load %arg6[%get3A_1269, %get3A_1270, %get3A_1271] {strides = array<i32>} : memref<2x1024x32xf32, #tpu.memory_space<vmem>>, vector<16xf32>,
        %scatter3A_1273 = arith.constant 0 : i32
        %scatter3A_1274 = arith.constant 0 : i32
        %scatter3A_1275 = arith.constant 0 : i32
        %scatter3A_1276 = arith.constant 0 : i32
        %scatter3A_1277 = tpu.memref_slice %arg7[%scatter3A_1273, %scatter3A_1274, %scatter3A_1275, %scatter3A_1276] : memref<2x4x8x128xf32, #tpu.memory_space<vmem>> -> memref<1x4x8x128xf32, #tpu.memory_space<vmem>>
        %scatter3A_1278 = tpu.memref_squeeze %scatter3A_1277 : memref<1x4x8x128xf32, #tpu.memory_space<vmem>> -> memref<4x8x128xf32, #tpu.memory_space<vmem>>
        tpu.vector_store_idx %scatter3A_1278[%add3A_9, %and3A_11, %broadcast_in_dim3A_1252], %get3A_1272 : memref<4x8x128xf32, #tpu.memory_space<vmem>>[vector<16xi32>, vector<16xi32>, vector<16xi32>], vector<16xf32>,
      }
      %scan3A_803 = arith.constant 128 : i32
      %add3A_804 = arith.addi %mul3A_4, %add3A_792 : i32
      %jit3A_805 = arith.constant 128 : i32
      %div3A_806 = arith.divsi %add3A_804, %jit3A_805 : i32
      %sign3A_807 = arith.constant 0 : i32
      %sign3A_808 = arith.cmpi sgt, %add3A_804, %sign3A_807 : i32
      %sign3A_809 = arith.extui %sign3A_808 : i1 to i32
      %sign3A_810 = arith.constant 0 : i32
      %sign3A_811 = arith.cmpi slt, %add3A_804, %sign3A_810 : i32
      %sign3A_812 = arith.extui %sign3A_811 : i1 to i32
      %sign3A_813 = arith.subi %sign3A_809, %sign3A_812 : i32
      %sign3A_814 = arith.constant 0 : i32
      %sign3A_815 = arith.cmpi sgt, %jit3A_805, %sign3A_814 : i32
      %sign3A_816 = arith.extui %sign3A_815 : i1 to i32
      %sign3A_817 = arith.constant 0 : i32
      %sign3A_818 = arith.cmpi slt, %jit3A_805, %sign3A_817 : i32
      %sign3A_819 = arith.extui %sign3A_818 : i1 to i32
      %sign3A_820 = arith.subi %sign3A_816, %sign3A_819 : i32
      %ne3A_821 = arith.cmpi ne, %sign3A_813, %sign3A_820 : i32
      %rem3A_822 = arith.remsi %add3A_804, %jit3A_805 : i32
      %ne3A_823 = arith.constant 0 : i32
      %ne3A_824 = arith.cmpi ne, %rem3A_822, %ne3A_823 : i32
      %and3A_825 = arith.andi %ne3A_821, %ne3A_824 : i1
      %sub3A_826 = arith.constant 1 : i32
      %sub3A_827 = arith.subi %div3A_806, %sub3A_826 : i32
      %select_n3A_828 = arith.select %and3A_825, %sub3A_827, %div3A_806 : i32
      %rem3A_829 = arith.constant 128 : i32
      %rem3A_830 = arith.remsi %add3A_804, %rem3A_829 : i32
      %dma_start3A_831 = arith.constant 0 : i32
      %dma_start3A_832 = arith.constant 0 : i32
      %dma_start3A_833 = arith.constant 0 : i32
      %dma_start3A_834 = arith.constant 0 : i32
      %dma_start3A_835 = tpu.memref_slice %arg7[%dma_start3A_831, %dma_start3A_832, %dma_start3A_833, %dma_start3A_834] : memref<2x4x8x128xf32, #tpu.memory_space<vmem>> -> memref<1x4x8x128xf32, #tpu.memory_space<vmem>>
      %dma_start3A_836 = tpu.memref_squeeze %dma_start3A_835 : memref<1x4x8x128xf32, #tpu.memory_space<vmem>> -> memref<4x8x128xf32, #tpu.memory_space<vmem>>
      %dma_start3A_837 = arith.constant 0 : i32
      %dma_start3A_838 = arith.constant 0 : i32
      %dma_start3A_839 = arith.constant 0 : i32
      %dma_start3A_840 = tpu.memref_slice %arg4[%select_n3A_828, %dma_start3A_837, %rem3A_830, %dma_start3A_838, %dma_start3A_839] : memref<100x4x128x8x128xf32, #tpu.memory_space<hbm>> -> memref<1x4x1x8x128xf32, #tpu.memory_space<hbm>>
      %dma_start3A_841 = tpu.memref_squeeze %dma_start3A_840 : memref<1x4x1x8x128xf32, #tpu.memory_space<hbm>> -> memref<4x8x128xf32, #tpu.memory_space<hbm>>
      %dma_start3A_842 = arith.constant 0 : i32
      %dma_start3A_843 = arith.constant 0 : i32
      %dma_start3A_844 = arith.constant 0 : i32
      %dma_start3A_845 = tpu.memref_slice %arg4[%select_n3A_828, %dma_start3A_842, %rem3A_830, %dma_start3A_843, %dma_start3A_844] : memref<100x4x128x8x128xf32, #tpu.memory_space<hbm>> -> memref<1x4x1x8x128xf32, #tpu.memory_space<hbm>>
      %dma_start3A_846 = tpu.memref_squeeze %dma_start3A_845 : memref<1x4x1x8x128xf32, #tpu.memory_space<hbm>> -> memref<4x8x128xf32, #tpu.memory_space<hbm>>
      %dma_start3A_847 = arith.constant 0 : i32
      %dma_start3A_848 = arith.constant 0 : i32
      %dma_start3A_849 = arith.constant 0 : i32
      %dma_start3A_850 = tpu.memref_slice %arg7[%dma_start3A_831, %dma_start3A_847, %dma_start3A_848, %dma_start3A_849] : memref<2x4x8x128xf32, #tpu.memory_space<vmem>> -> memref<1x4x8x128xf32, #tpu.memory_space<vmem>>
      %dma_start3A_851 = tpu.memref_squeeze %dma_start3A_850 : memref<1x4x8x128xf32, #tpu.memory_space<vmem>> -> memref<4x8x128xf32, #tpu.memory_space<vmem>>
      tpu.enqueue_dma source(%dma_start3A_851 : memref<4x8x128xf32, #tpu.memory_space<vmem>>) target(%dma_start3A_846 : memref<4x8x128xf32, #tpu.memory_space<hbm>>) target_semaphore(%arg10 : memref<!tpu.dma_semaphore, #tpu.memory_space<semaphore_mem>>)
      %mul3A_852 = arith.constant 8 : i32
      %mul3A_853 = arith.muli %add3A_645, %mul3A_852 : i32
      %add3A_854 = arith.constant 3 : i32
      %add3A_855 = arith.addi %mul3A_853, %add3A_854 : i32
      %ge3A_856 = arith.constant 2 : i32
      %ge3A_857 = arith.cmpi sge, %add3A_855, %ge3A_856 : i32
      %convert_element_type3A_858 = arith.extui %ge3A_857 : i1 to i32
      %cond3A_859 = arith.constant 0 : i32
      %cond3A_860 = arith.cmpi ne, %convert_element_type3A_858, %cond3A_859 : i32
      scf.if %cond3A_860 {
        %add3A_1167 = arith.addi %mul3A_4, %add3A_855 : i32
        %sub3A_1168 = arith.constant 2 : i32
        %sub3A_1169 = arith.subi %add3A_1167, %sub3A_1168 : i32
        %jit3A_1170 = arith.constant 128 : i32
        %div3A_1171 = arith.divsi %sub3A_1169, %jit3A_1170 : i32
        %sign3A_1172 = arith.constant 0 : i32
        %sign3A_1173 = arith.cmpi sgt, %sub3A_1169, %sign3A_1172 : i32
        %sign3A_1174 = arith.extui %sign3A_1173 : i1 to i32
        %sign3A_1175 = arith.constant 0 : i32
        %sign3A_1176 = arith.cmpi slt, %sub3A_1169, %sign3A_1175 : i32
        %sign3A_1177 = arith.extui %sign3A_1176 : i1 to i32
        %sign3A_1178 = arith.subi %sign3A_1174, %sign3A_1177 : i32
        %sign3A_1179 = arith.constant 0 : i32
        %sign3A_1180 = arith.cmpi sgt, %jit3A_1170, %sign3A_1179 : i32
        %sign3A_1181 = arith.extui %sign3A_1180 : i1 to i32
        %sign3A_1182 = arith.constant 0 : i32
        %sign3A_1183 = arith.cmpi slt, %jit3A_1170, %sign3A_1182 : i32
        %sign3A_1184 = arith.extui %sign3A_1183 : i1 to i32
        %sign3A_1185 = arith.subi %sign3A_1181, %sign3A_1184 : i32
        %ne3A_1186 = arith.cmpi ne, %sign3A_1178, %sign3A_1185 : i32
        %rem3A_1187 = arith.remsi %sub3A_1169, %jit3A_1170 : i32
        %ne3A_1188 = arith.constant 0 : i32
        %ne3A_1189 = arith.cmpi ne, %rem3A_1187, %ne3A_1188 : i32
        %and3A_1190 = arith.andi %ne3A_1186, %ne3A_1189 : i1
        %sub3A_1191 = arith.constant 1 : i32
        %sub3A_1192 = arith.subi %div3A_1171, %sub3A_1191 : i32
        %select_n3A_1193 = arith.select %and3A_1190, %sub3A_1192, %div3A_1171 : i32
        %rem3A_1194 = arith.constant 128 : i32
        %rem3A_1195 = arith.remsi %sub3A_1169, %rem3A_1194 : i32
        %dma_wait3A_1196 = arith.constant 1 : i32
        %dma_wait3A_1197 = arith.constant 0 : i32
        %dma_wait3A_1198 = arith.constant 0 : i32
        %dma_wait3A_1199 = arith.constant 0 : i32
        %dma_wait3A_1200 = tpu.memref_slice %arg7[%dma_wait3A_1196, %dma_wait3A_1197, %dma_wait3A_1198, %dma_wait3A_1199] : memref<2x4x8x128xf32, #tpu.memory_space<vmem>> -> memref<1x4x8x128xf32, #tpu.memory_space<vmem>>
        %dma_wait3A_1201 = tpu.memref_squeeze %dma_wait3A_1200 : memref<1x4x8x128xf32, #tpu.memory_space<vmem>> -> memref<4x8x128xf32, #tpu.memory_space<vmem>>
        %dma_wait3A_1202 = arith.constant 0 : i32
        %dma_wait3A_1203 = arith.constant 0 : i32
        %dma_wait3A_1204 = arith.constant 0 : i32
        %dma_wait3A_1205 = tpu.memref_slice %arg4[%select_n3A_1193, %dma_wait3A_1202, %rem3A_1195, %dma_wait3A_1203, %dma_wait3A_1204] : memref<100x4x128x8x128xf32, #tpu.memory_space<hbm>> -> memref<1x4x1x8x128xf32, #tpu.memory_space<hbm>>
        %dma_wait3A_1206 = tpu.memref_squeeze %dma_wait3A_1205 : memref<1x4x1x8x128xf32, #tpu.memory_space<hbm>> -> memref<4x8x128xf32, #tpu.memory_space<hbm>>
        %dma_wait3A_1207 = arith.constant 0 : i32
        %dma_wait3A_1208 = arith.constant 0 : i32
        %dma_wait3A_1209 = arith.constant 0 : i32
        %dma_wait3A_1210 = tpu.memref_slice %arg4[%select_n3A_1193, %dma_wait3A_1207, %rem3A_1195, %dma_wait3A_1208, %dma_wait3A_1209] : memref<100x4x128x8x128xf32, #tpu.memory_space<hbm>> -> memref<1x4x1x8x128xf32, #tpu.memory_space<hbm>>
        %dma_wait3A_1211 = tpu.memref_squeeze %dma_wait3A_1210 : memref<1x4x1x8x128xf32, #tpu.memory_space<hbm>> -> memref<4x8x128xf32, #tpu.memory_space<hbm>>
        %dma_wait3A_1212 = arith.constant 0 : i32
        %dma_wait3A_1213 = arith.constant 0 : i32
        %dma_wait3A_1214 = arith.constant 0 : i32
        %dma_wait3A_1215 = tpu.memref_slice %arg7[%dma_wait3A_1196, %dma_wait3A_1212, %dma_wait3A_1213, %dma_wait3A_1214] : memref<2x4x8x128xf32, #tpu.memory_space<vmem>> -> memref<1x4x8x128xf32, #tpu.memory_space<vmem>>
        %dma_wait3A_1216 = tpu.memref_squeeze %dma_wait3A_1215 : memref<1x4x8x128xf32, #tpu.memory_space<vmem>> -> memref<4x8x128xf32, #tpu.memory_space<vmem>>
        tpu.wait_dma2 semaphore(%arg11 : memref<!tpu.dma_semaphore, #tpu.memory_space<semaphore_mem>>) src(%dma_wait3A_1216 : memref<4x8x128xf32, #tpu.memory_space<vmem>>) dst(%dma_wait3A_1211 : memref<4x8x128xf32, #tpu.memory_space<hbm>>)
      } else {
      }
      %scan3A_861 = arith.constant 0 : i32
      %scan3A_862 = arith.constant 0 : i32
      %scan3A_863 = arith.constant 128 : i32
      %scan3A_864 = arith.addi %scan3A_862, %scan3A_863 : i32
      %scan3A_865 = arith.constant 4 : i32
      scf.for %scan3A_1167 = %scan3A_862 to %scan3A_864 step %scan3A_865  : i32 {
        %broadcast_in_dim3A = vector.broadcast %scan3A_1167 : i32 to vector<16xi32>
        %add3A_1168 = arith.constant 384 : i32
        %add3A_1169 = arith.addi %add3A_1168, %scan3A_1167 : i32
        %get3A = arith.constant 1 : i32
        %get3A_1170 = arith.index_cast %get3A : i32 to index
        %get3A_1171 = arith.index_cast %add3A_1169 : i32 to index
        %get3A_1172 = arith.constant 0 : index
        %get3A_1173 = tpu.vector_load %arg6[%get3A_1170, %get3A_1171, %get3A_1172] {strides = array<i32>} : memref<2x1024x32xf32, #tpu.memory_space<vmem>>, vector<16xf32>,
        %scatter3A = arith.constant 1 : i32
        %scatter3A_1174 = arith.constant 0 : i32
        %scatter3A_1175 = arith.constant 0 : i32
        %scatter3A_1176 = arith.constant 0 : i32
        %scatter3A_1177 = tpu.memref_slice %arg7[%scatter3A, %scatter3A_1174, %scatter3A_1175, %scatter3A_1176] : memref<2x4x8x128xf32, #tpu.memory_space<vmem>> -> memref<1x4x8x128xf32, #tpu.memory_space<vmem>>
        %scatter3A_1178 = tpu.memref_squeeze %scatter3A_1177 : memref<1x4x8x128xf32, #tpu.memory_space<vmem>> -> memref<4x8x128xf32, #tpu.memory_space<vmem>>
        tpu.vector_store_idx %scatter3A_1178[%shift_right_logical3A_6, %and3A_11, %broadcast_in_dim3A], %get3A_1173 : memref<4x8x128xf32, #tpu.memory_space<vmem>>[vector<16xi32>, vector<16xi32>, vector<16xi32>], vector<16xf32>,
        %add3A_1179 = arith.constant 384 : i32
        %add3A_1180 = arith.addi %add3A_1179, %scan3A_1167 : i32
        %get3A_1181 = arith.constant 1 : i32
        %get3A_1182 = arith.index_cast %get3A_1181 : i32 to index
        %get3A_1183 = arith.index_cast %add3A_1180 : i32 to index
        %get3A_1184 = arith.constant 16 : index
        %get3A_1185 = tpu.vector_load %arg6[%get3A_1182, %get3A_1183, %get3A_1184] {strides = array<i32>} : memref<2x1024x32xf32, #tpu.memory_space<vmem>>, vector<16xf32>,
        %scatter3A_1186 = arith.constant 1 : i32
        %scatter3A_1187 = arith.constant 0 : i32
        %scatter3A_1188 = arith.constant 0 : i32
        %scatter3A_1189 = arith.constant 0 : i32
        %scatter3A_1190 = tpu.memref_slice %arg7[%scatter3A_1186, %scatter3A_1187, %scatter3A_1188, %scatter3A_1189] : memref<2x4x8x128xf32, #tpu.memory_space<vmem>> -> memref<1x4x8x128xf32, #tpu.memory_space<vmem>>
        %scatter3A_1191 = tpu.memref_squeeze %scatter3A_1190 : memref<1x4x8x128xf32, #tpu.memory_space<vmem>> -> memref<4x8x128xf32, #tpu.memory_space<vmem>>
        tpu.vector_store_idx %scatter3A_1191[%add3A_9, %and3A_11, %broadcast_in_dim3A], %get3A_1185 : memref<4x8x128xf32, #tpu.memory_space<vmem>>[vector<16xi32>, vector<16xi32>, vector<16xi32>], vector<16xf32>,
        %scan3A_1192 = arith.constant 1 : i32
        %scan3A_1193 = arith.addi %scan3A_1167, %scan3A_1192 : i32
        %broadcast_in_dim3A_1194 = vector.broadcast %scan3A_1193 : i32 to vector<16xi32>
        %add3A_1195 = arith.constant 384 : i32
        %add3A_1196 = arith.addi %add3A_1195, %scan3A_1193 : i32
        %get3A_1197 = arith.constant 1 : i32
        %get3A_1198 = arith.index_cast %get3A_1197 : i32 to index
        %get3A_1199 = arith.index_cast %add3A_1196 : i32 to index
        %get3A_1200 = arith.constant 0 : index
        %get3A_1201 = tpu.vector_load %arg6[%get3A_1198, %get3A_1199, %get3A_1200] {strides = array<i32>} : memref<2x1024x32xf32, #tpu.memory_space<vmem>>, vector<16xf32>,
        %scatter3A_1202 = arith.constant 1 : i32
        %scatter3A_1203 = arith.constant 0 : i32
        %scatter3A_1204 = arith.constant 0 : i32
        %scatter3A_1205 = arith.constant 0 : i32
        %scatter3A_1206 = tpu.memref_slice %arg7[%scatter3A_1202, %scatter3A_1203, %scatter3A_1204, %scatter3A_1205] : memref<2x4x8x128xf32, #tpu.memory_space<vmem>> -> memref<1x4x8x128xf32, #tpu.memory_space<vmem>>
        %scatter3A_1207 = tpu.memref_squeeze %scatter3A_1206 : memref<1x4x8x128xf32, #tpu.memory_space<vmem>> -> memref<4x8x128xf32, #tpu.memory_space<vmem>>
        tpu.vector_store_idx %scatter3A_1207[%shift_right_logical3A_6, %and3A_11, %broadcast_in_dim3A_1194], %get3A_1201 : memref<4x8x128xf32, #tpu.memory_space<vmem>>[vector<16xi32>, vector<16xi32>, vector<16xi32>], vector<16xf32>,
        %add3A_1208 = arith.constant 384 : i32
        %add3A_1209 = arith.addi %add3A_1208, %scan3A_1193 : i32
        %get3A_1210 = arith.constant 1 : i32
        %get3A_1211 = arith.index_cast %get3A_1210 : i32 to index
        %get3A_1212 = arith.index_cast %add3A_1209 : i32 to index
        %get3A_1213 = arith.constant 16 : index
        %get3A_1214 = tpu.vector_load %arg6[%get3A_1211, %get3A_1212, %get3A_1213] {strides = array<i32>} : memref<2x1024x32xf32, #tpu.memory_space<vmem>>, vector<16xf32>,
        %scatter3A_1215 = arith.constant 1 : i32
        %scatter3A_1216 = arith.constant 0 : i32
        %scatter3A_1217 = arith.constant 0 : i32
        %scatter3A_1218 = arith.constant 0 : i32
        %scatter3A_1219 = tpu.memref_slice %arg7[%scatter3A_1215, %scatter3A_1216, %scatter3A_1217, %scatter3A_1218] : memref<2x4x8x128xf32, #tpu.memory_space<vmem>> -> memref<1x4x8x128xf32, #tpu.memory_space<vmem>>
        %scatter3A_1220 = tpu.memref_squeeze %scatter3A_1219 : memref<1x4x8x128xf32, #tpu.memory_space<vmem>> -> memref<4x8x128xf32, #tpu.memory_space<vmem>>
        tpu.vector_store_idx %scatter3A_1220[%add3A_9, %and3A_11, %broadcast_in_dim3A_1194], %get3A_1214 : memref<4x8x128xf32, #tpu.memory_space<vmem>>[vector<16xi32>, vector<16xi32>, vector<16xi32>], vector<16xf32>,
        %scan3A_1221 = arith.constant 2 : i32
        %scan3A_1222 = arith.addi %scan3A_1167, %scan3A_1221 : i32
        %broadcast_in_dim3A_1223 = vector.broadcast %scan3A_1222 : i32 to vector<16xi32>
        %add3A_1224 = arith.constant 384 : i32
        %add3A_1225 = arith.addi %add3A_1224, %scan3A_1222 : i32
        %get3A_1226 = arith.constant 1 : i32
        %get3A_1227 = arith.index_cast %get3A_1226 : i32 to index
        %get3A_1228 = arith.index_cast %add3A_1225 : i32 to index
        %get3A_1229 = arith.constant 0 : index
        %get3A_1230 = tpu.vector_load %arg6[%get3A_1227, %get3A_1228, %get3A_1229] {strides = array<i32>} : memref<2x1024x32xf32, #tpu.memory_space<vmem>>, vector<16xf32>,
        %scatter3A_1231 = arith.constant 1 : i32
        %scatter3A_1232 = arith.constant 0 : i32
        %scatter3A_1233 = arith.constant 0 : i32
        %scatter3A_1234 = arith.constant 0 : i32
        %scatter3A_1235 = tpu.memref_slice %arg7[%scatter3A_1231, %scatter3A_1232, %scatter3A_1233, %scatter3A_1234] : memref<2x4x8x128xf32, #tpu.memory_space<vmem>> -> memref<1x4x8x128xf32, #tpu.memory_space<vmem>>
        %scatter3A_1236 = tpu.memref_squeeze %scatter3A_1235 : memref<1x4x8x128xf32, #tpu.memory_space<vmem>> -> memref<4x8x128xf32, #tpu.memory_space<vmem>>
        tpu.vector_store_idx %scatter3A_1236[%shift_right_logical3A_6, %and3A_11, %broadcast_in_dim3A_1223], %get3A_1230 : memref<4x8x128xf32, #tpu.memory_space<vmem>>[vector<16xi32>, vector<16xi32>, vector<16xi32>], vector<16xf32>,
        %add3A_1237 = arith.constant 384 : i32
        %add3A_1238 = arith.addi %add3A_1237, %scan3A_1222 : i32
        %get3A_1239 = arith.constant 1 : i32
        %get3A_1240 = arith.index_cast %get3A_1239 : i32 to index
        %get3A_1241 = arith.index_cast %add3A_1238 : i32 to index
        %get3A_1242 = arith.constant 16 : index
        %get3A_1243 = tpu.vector_load %arg6[%get3A_1240, %get3A_1241, %get3A_1242] {strides = array<i32>} : memref<2x1024x32xf32, #tpu.memory_space<vmem>>, vector<16xf32>,
        %scatter3A_1244 = arith.constant 1 : i32
        %scatter3A_1245 = arith.constant 0 : i32
        %scatter3A_1246 = arith.constant 0 : i32
        %scatter3A_1247 = arith.constant 0 : i32
        %scatter3A_1248 = tpu.memref_slice %arg7[%scatter3A_1244, %scatter3A_1245, %scatter3A_1246, %scatter3A_1247] : memref<2x4x8x128xf32, #tpu.memory_space<vmem>> -> memref<1x4x8x128xf32, #tpu.memory_space<vmem>>
        %scatter3A_1249 = tpu.memref_squeeze %scatter3A_1248 : memref<1x4x8x128xf32, #tpu.memory_space<vmem>> -> memref<4x8x128xf32, #tpu.memory_space<vmem>>
        tpu.vector_store_idx %scatter3A_1249[%add3A_9, %and3A_11, %broadcast_in_dim3A_1223], %get3A_1243 : memref<4x8x128xf32, #tpu.memory_space<vmem>>[vector<16xi32>, vector<16xi32>, vector<16xi32>], vector<16xf32>,
        %scan3A_1250 = arith.constant 3 : i32
        %scan3A_1251 = arith.addi %scan3A_1167, %scan3A_1250 : i32
        %broadcast_in_dim3A_1252 = vector.broadcast %scan3A_1251 : i32 to vector<16xi32>
        %add3A_1253 = arith.constant 384 : i32
        %add3A_1254 = arith.addi %add3A_1253, %scan3A_1251 : i32
        %get3A_1255 = arith.constant 1 : i32
        %get3A_1256 = arith.index_cast %get3A_1255 : i32 to index
        %get3A_1257 = arith.index_cast %add3A_1254 : i32 to index
        %get3A_1258 = arith.constant 0 : index
        %get3A_1259 = tpu.vector_load %arg6[%get3A_1256, %get3A_1257, %get3A_1258] {strides = array<i32>} : memref<2x1024x32xf32, #tpu.memory_space<vmem>>, vector<16xf32>,
        %scatter3A_1260 = arith.constant 1 : i32
        %scatter3A_1261 = arith.constant 0 : i32
        %scatter3A_1262 = arith.constant 0 : i32
        %scatter3A_1263 = arith.constant 0 : i32
        %scatter3A_1264 = tpu.memref_slice %arg7[%scatter3A_1260, %scatter3A_1261, %scatter3A_1262, %scatter3A_1263] : memref<2x4x8x128xf32, #tpu.memory_space<vmem>> -> memref<1x4x8x128xf32, #tpu.memory_space<vmem>>
        %scatter3A_1265 = tpu.memref_squeeze %scatter3A_1264 : memref<1x4x8x128xf32, #tpu.memory_space<vmem>> -> memref<4x8x128xf32, #tpu.memory_space<vmem>>
        tpu.vector_store_idx %scatter3A_1265[%shift_right_logical3A_6, %and3A_11, %broadcast_in_dim3A_1252], %get3A_1259 : memref<4x8x128xf32, #tpu.memory_space<vmem>>[vector<16xi32>, vector<16xi32>, vector<16xi32>], vector<16xf32>,
        %add3A_1266 = arith.constant 384 : i32
        %add3A_1267 = arith.addi %add3A_1266, %scan3A_1251 : i32
        %get3A_1268 = arith.constant 1 : i32
        %get3A_1269 = arith.index_cast %get3A_1268 : i32 to index
        %get3A_1270 = arith.index_cast %add3A_1267 : i32 to index
        %get3A_1271 = arith.constant 16 : index
        %get3A_1272 = tpu.vector_load %arg6[%get3A_1269, %get3A_1270, %get3A_1271] {strides = array<i32>} : memref<2x1024x32xf32, #tpu.memory_space<vmem>>, vector<16xf32>,
        %scatter3A_1273 = arith.constant 1 : i32
        %scatter3A_1274 = arith.constant 0 : i32
        %scatter3A_1275 = arith.constant 0 : i32
        %scatter3A_1276 = arith.constant 0 : i32
        %scatter3A_1277 = tpu.memref_slice %arg7[%scatter3A_1273, %scatter3A_1274, %scatter3A_1275, %scatter3A_1276] : memref<2x4x8x128xf32, #tpu.memory_space<vmem>> -> memref<1x4x8x128xf32, #tpu.memory_space<vmem>>
        %scatter3A_1278 = tpu.memref_squeeze %scatter3A_1277 : memref<1x4x8x128xf32, #tpu.memory_space<vmem>> -> memref<4x8x128xf32, #tpu.memory_space<vmem>>
        tpu.vector_store_idx %scatter3A_1278[%add3A_9, %and3A_11, %broadcast_in_dim3A_1252], %get3A_1272 : memref<4x8x128xf32, #tpu.memory_space<vmem>>[vector<16xi32>, vector<16xi32>, vector<16xi32>], vector<16xf32>,
      }
      %scan3A_866 = arith.constant 128 : i32
      %add3A_867 = arith.addi %mul3A_4, %add3A_855 : i32
      %jit3A_868 = arith.constant 128 : i32
      %div3A_869 = arith.divsi %add3A_867, %jit3A_868 : i32
      %sign3A_870 = arith.constant 0 : i32
      %sign3A_871 = arith.cmpi sgt, %add3A_867, %sign3A_870 : i32
      %sign3A_872 = arith.extui %sign3A_871 : i1 to i32
      %sign3A_873 = arith.constant 0 : i32
      %sign3A_874 = arith.cmpi slt, %add3A_867, %sign3A_873 : i32
      %sign3A_875 = arith.extui %sign3A_874 : i1 to i32
      %sign3A_876 = arith.subi %sign3A_872, %sign3A_875 : i32
      %sign3A_877 = arith.constant 0 : i32
      %sign3A_878 = arith.cmpi sgt, %jit3A_868, %sign3A_877 : i32
      %sign3A_879 = arith.extui %sign3A_878 : i1 to i32
      %sign3A_880 = arith.constant 0 : i32
      %sign3A_881 = arith.cmpi slt, %jit3A_868, %sign3A_880 : i32
      %sign3A_882 = arith.extui %sign3A_881 : i1 to i32
      %sign3A_883 = arith.subi %sign3A_879, %sign3A_882 : i32
      %ne3A_884 = arith.cmpi ne, %sign3A_876, %sign3A_883 : i32
      %rem3A_885 = arith.remsi %add3A_867, %jit3A_868 : i32
      %ne3A_886 = arith.constant 0 : i32
      %ne3A_887 = arith.cmpi ne, %rem3A_885, %ne3A_886 : i32
      %and3A_888 = arith.andi %ne3A_884, %ne3A_887 : i1
      %sub3A_889 = arith.constant 1 : i32
      %sub3A_890 = arith.subi %div3A_869, %sub3A_889 : i32
      %select_n3A_891 = arith.select %and3A_888, %sub3A_890, %div3A_869 : i32
      %rem3A_892 = arith.constant 128 : i32
      %rem3A_893 = arith.remsi %add3A_867, %rem3A_892 : i32
      %dma_start3A_894 = arith.constant 1 : i32
      %dma_start3A_895 = arith.constant 0 : i32
      %dma_start3A_896 = arith.constant 0 : i32
      %dma_start3A_897 = arith.constant 0 : i32
      %dma_start3A_898 = tpu.memref_slice %arg7[%dma_start3A_894, %dma_start3A_895, %dma_start3A_896, %dma_start3A_897] : memref<2x4x8x128xf32, #tpu.memory_space<vmem>> -> memref<1x4x8x128xf32, #tpu.memory_space<vmem>>
      %dma_start3A_899 = tpu.memref_squeeze %dma_start3A_898 : memref<1x4x8x128xf32, #tpu.memory_space<vmem>> -> memref<4x8x128xf32, #tpu.memory_space<vmem>>
      %dma_start3A_900 = arith.constant 0 : i32
      %dma_start3A_901 = arith.constant 0 : i32
      %dma_start3A_902 = arith.constant 0 : i32
      %dma_start3A_903 = tpu.memref_slice %arg4[%select_n3A_891, %dma_start3A_900, %rem3A_893, %dma_start3A_901, %dma_start3A_902] : memref<100x4x128x8x128xf32, #tpu.memory_space<hbm>> -> memref<1x4x1x8x128xf32, #tpu.memory_space<hbm>>
      %dma_start3A_904 = tpu.memref_squeeze %dma_start3A_903 : memref<1x4x1x8x128xf32, #tpu.memory_space<hbm>> -> memref<4x8x128xf32, #tpu.memory_space<hbm>>
      %dma_start3A_905 = arith.constant 0 : i32
      %dma_start3A_906 = arith.constant 0 : i32
      %dma_start3A_907 = arith.constant 0 : i32
      %dma_start3A_908 = tpu.memref_slice %arg4[%select_n3A_891, %dma_start3A_905, %rem3A_893, %dma_start3A_906, %dma_start3A_907] : memref<100x4x128x8x128xf32, #tpu.memory_space<hbm>> -> memref<1x4x1x8x128xf32, #tpu.memory_space<hbm>>
      %dma_start3A_909 = tpu.memref_squeeze %dma_start3A_908 : memref<1x4x1x8x128xf32, #tpu.memory_space<hbm>> -> memref<4x8x128xf32, #tpu.memory_space<hbm>>
      %dma_start3A_910 = arith.constant 0 : i32
      %dma_start3A_911 = arith.constant 0 : i32
      %dma_start3A_912 = arith.constant 0 : i32
      %dma_start3A_913 = tpu.memref_slice %arg7[%dma_start3A_894, %dma_start3A_910, %dma_start3A_911, %dma_start3A_912] : memref<2x4x8x128xf32, #tpu.memory_space<vmem>> -> memref<1x4x8x128xf32, #tpu.memory_space<vmem>>
      %dma_start3A_914 = tpu.memref_squeeze %dma_start3A_913 : memref<1x4x8x128xf32, #tpu.memory_space<vmem>> -> memref<4x8x128xf32, #tpu.memory_space<vmem>>
      tpu.enqueue_dma source(%dma_start3A_914 : memref<4x8x128xf32, #tpu.memory_space<vmem>>) target(%dma_start3A_909 : memref<4x8x128xf32, #tpu.memory_space<hbm>>) target_semaphore(%arg11 : memref<!tpu.dma_semaphore, #tpu.memory_space<semaphore_mem>>)
      %mul3A_915 = arith.constant 8 : i32
      %mul3A_916 = arith.muli %add3A_645, %mul3A_915 : i32
      %add3A_917 = arith.constant 4 : i32
      %add3A_918 = arith.addi %mul3A_916, %add3A_917 : i32
      %ge3A_919 = arith.constant 2 : i32
      %ge3A_920 = arith.cmpi sge, %add3A_918, %ge3A_919 : i32
      %convert_element_type3A_921 = arith.extui %ge3A_920 : i1 to i32
      %cond3A_922 = arith.constant 0 : i32
      %cond3A_923 = arith.cmpi ne, %convert_element_type3A_921, %cond3A_922 : i32
      scf.if %cond3A_923 {
        %add3A_1167 = arith.addi %mul3A_4, %add3A_918 : i32
        %sub3A_1168 = arith.constant 2 : i32
        %sub3A_1169 = arith.subi %add3A_1167, %sub3A_1168 : i32
        %jit3A_1170 = arith.constant 128 : i32
        %div3A_1171 = arith.divsi %sub3A_1169, %jit3A_1170 : i32
        %sign3A_1172 = arith.constant 0 : i32
        %sign3A_1173 = arith.cmpi sgt, %sub3A_1169, %sign3A_1172 : i32
        %sign3A_1174 = arith.extui %sign3A_1173 : i1 to i32
        %sign3A_1175 = arith.constant 0 : i32
        %sign3A_1176 = arith.cmpi slt, %sub3A_1169, %sign3A_1175 : i32
        %sign3A_1177 = arith.extui %sign3A_1176 : i1 to i32
        %sign3A_1178 = arith.subi %sign3A_1174, %sign3A_1177 : i32
        %sign3A_1179 = arith.constant 0 : i32
        %sign3A_1180 = arith.cmpi sgt, %jit3A_1170, %sign3A_1179 : i32
        %sign3A_1181 = arith.extui %sign3A_1180 : i1 to i32
        %sign3A_1182 = arith.constant 0 : i32
        %sign3A_1183 = arith.cmpi slt, %jit3A_1170, %sign3A_1182 : i32
        %sign3A_1184 = arith.extui %sign3A_1183 : i1 to i32
        %sign3A_1185 = arith.subi %sign3A_1181, %sign3A_1184 : i32
        %ne3A_1186 = arith.cmpi ne, %sign3A_1178, %sign3A_1185 : i32
        %rem3A_1187 = arith.remsi %sub3A_1169, %jit3A_1170 : i32
        %ne3A_1188 = arith.constant 0 : i32
        %ne3A_1189 = arith.cmpi ne, %rem3A_1187, %ne3A_1188 : i32
        %and3A_1190 = arith.andi %ne3A_1186, %ne3A_1189 : i1
        %sub3A_1191 = arith.constant 1 : i32
        %sub3A_1192 = arith.subi %div3A_1171, %sub3A_1191 : i32
        %select_n3A_1193 = arith.select %and3A_1190, %sub3A_1192, %div3A_1171 : i32
        %rem3A_1194 = arith.constant 128 : i32
        %rem3A_1195 = arith.remsi %sub3A_1169, %rem3A_1194 : i32
        %dma_wait3A_1196 = arith.constant 0 : i32
        %dma_wait3A_1197 = arith.constant 0 : i32
        %dma_wait3A_1198 = arith.constant 0 : i32
        %dma_wait3A_1199 = arith.constant 0 : i32
        %dma_wait3A_1200 = tpu.memref_slice %arg7[%dma_wait3A_1196, %dma_wait3A_1197, %dma_wait3A_1198, %dma_wait3A_1199] : memref<2x4x8x128xf32, #tpu.memory_space<vmem>> -> memref<1x4x8x128xf32, #tpu.memory_space<vmem>>
        %dma_wait3A_1201 = tpu.memref_squeeze %dma_wait3A_1200 : memref<1x4x8x128xf32, #tpu.memory_space<vmem>> -> memref<4x8x128xf32, #tpu.memory_space<vmem>>
        %dma_wait3A_1202 = arith.constant 0 : i32
        %dma_wait3A_1203 = arith.constant 0 : i32
        %dma_wait3A_1204 = arith.constant 0 : i32
        %dma_wait3A_1205 = tpu.memref_slice %arg4[%select_n3A_1193, %dma_wait3A_1202, %rem3A_1195, %dma_wait3A_1203, %dma_wait3A_1204] : memref<100x4x128x8x128xf32, #tpu.memory_space<hbm>> -> memref<1x4x1x8x128xf32, #tpu.memory_space<hbm>>
        %dma_wait3A_1206 = tpu.memref_squeeze %dma_wait3A_1205 : memref<1x4x1x8x128xf32, #tpu.memory_space<hbm>> -> memref<4x8x128xf32, #tpu.memory_space<hbm>>
        %dma_wait3A_1207 = arith.constant 0 : i32
        %dma_wait3A_1208 = arith.constant 0 : i32
        %dma_wait3A_1209 = arith.constant 0 : i32
        %dma_wait3A_1210 = tpu.memref_slice %arg4[%select_n3A_1193, %dma_wait3A_1207, %rem3A_1195, %dma_wait3A_1208, %dma_wait3A_1209] : memref<100x4x128x8x128xf32, #tpu.memory_space<hbm>> -> memref<1x4x1x8x128xf32, #tpu.memory_space<hbm>>
        %dma_wait3A_1211 = tpu.memref_squeeze %dma_wait3A_1210 : memref<1x4x1x8x128xf32, #tpu.memory_space<hbm>> -> memref<4x8x128xf32, #tpu.memory_space<hbm>>
        %dma_wait3A_1212 = arith.constant 0 : i32
        %dma_wait3A_1213 = arith.constant 0 : i32
        %dma_wait3A_1214 = arith.constant 0 : i32
        %dma_wait3A_1215 = tpu.memref_slice %arg7[%dma_wait3A_1196, %dma_wait3A_1212, %dma_wait3A_1213, %dma_wait3A_1214] : memref<2x4x8x128xf32, #tpu.memory_space<vmem>> -> memref<1x4x8x128xf32, #tpu.memory_space<vmem>>
        %dma_wait3A_1216 = tpu.memref_squeeze %dma_wait3A_1215 : memref<1x4x8x128xf32, #tpu.memory_space<vmem>> -> memref<4x8x128xf32, #tpu.memory_space<vmem>>
        tpu.wait_dma2 semaphore(%arg10 : memref<!tpu.dma_semaphore, #tpu.memory_space<semaphore_mem>>) src(%dma_wait3A_1216 : memref<4x8x128xf32, #tpu.memory_space<vmem>>) dst(%dma_wait3A_1211 : memref<4x8x128xf32, #tpu.memory_space<hbm>>)
      } else {
      }
      %scan3A_924 = arith.constant 0 : i32
      %scan3A_925 = arith.constant 0 : i32
      %scan3A_926 = arith.constant 128 : i32
      %scan3A_927 = arith.addi %scan3A_925, %scan3A_926 : i32
      %scan3A_928 = arith.constant 4 : i32
      scf.for %scan3A_1167 = %scan3A_925 to %scan3A_927 step %scan3A_928  : i32 {
        %broadcast_in_dim3A = vector.broadcast %scan3A_1167 : i32 to vector<16xi32>
        %add3A_1168 = arith.constant 512 : i32
        %add3A_1169 = arith.addi %add3A_1168, %scan3A_1167 : i32
        %get3A = arith.constant 1 : i32
        %get3A_1170 = arith.index_cast %get3A : i32 to index
        %get3A_1171 = arith.index_cast %add3A_1169 : i32 to index
        %get3A_1172 = arith.constant 0 : index
        %get3A_1173 = tpu.vector_load %arg6[%get3A_1170, %get3A_1171, %get3A_1172] {strides = array<i32>} : memref<2x1024x32xf32, #tpu.memory_space<vmem>>, vector<16xf32>,
        %scatter3A = arith.constant 0 : i32
        %scatter3A_1174 = arith.constant 0 : i32
        %scatter3A_1175 = arith.constant 0 : i32
        %scatter3A_1176 = arith.constant 0 : i32
        %scatter3A_1177 = tpu.memref_slice %arg7[%scatter3A, %scatter3A_1174, %scatter3A_1175, %scatter3A_1176] : memref<2x4x8x128xf32, #tpu.memory_space<vmem>> -> memref<1x4x8x128xf32, #tpu.memory_space<vmem>>
        %scatter3A_1178 = tpu.memref_squeeze %scatter3A_1177 : memref<1x4x8x128xf32, #tpu.memory_space<vmem>> -> memref<4x8x128xf32, #tpu.memory_space<vmem>>
        tpu.vector_store_idx %scatter3A_1178[%shift_right_logical3A_6, %and3A_11, %broadcast_in_dim3A], %get3A_1173 : memref<4x8x128xf32, #tpu.memory_space<vmem>>[vector<16xi32>, vector<16xi32>, vector<16xi32>], vector<16xf32>,
        %add3A_1179 = arith.constant 512 : i32
        %add3A_1180 = arith.addi %add3A_1179, %scan3A_1167 : i32
        %get3A_1181 = arith.constant 1 : i32
        %get3A_1182 = arith.index_cast %get3A_1181 : i32 to index
        %get3A_1183 = arith.index_cast %add3A_1180 : i32 to index
        %get3A_1184 = arith.constant 16 : index
        %get3A_1185 = tpu.vector_load %arg6[%get3A_1182, %get3A_1183, %get3A_1184] {strides = array<i32>} : memref<2x1024x32xf32, #tpu.memory_space<vmem>>, vector<16xf32>,
        %scatter3A_1186 = arith.constant 0 : i32
        %scatter3A_1187 = arith.constant 0 : i32
        %scatter3A_1188 = arith.constant 0 : i32
        %scatter3A_1189 = arith.constant 0 : i32
        %scatter3A_1190 = tpu.memref_slice %arg7[%scatter3A_1186, %scatter3A_1187, %scatter3A_1188, %scatter3A_1189] : memref<2x4x8x128xf32, #tpu.memory_space<vmem>> -> memref<1x4x8x128xf32, #tpu.memory_space<vmem>>
        %scatter3A_1191 = tpu.memref_squeeze %scatter3A_1190 : memref<1x4x8x128xf32, #tpu.memory_space<vmem>> -> memref<4x8x128xf32, #tpu.memory_space<vmem>>
        tpu.vector_store_idx %scatter3A_1191[%add3A_9, %and3A_11, %broadcast_in_dim3A], %get3A_1185 : memref<4x8x128xf32, #tpu.memory_space<vmem>>[vector<16xi32>, vector<16xi32>, vector<16xi32>], vector<16xf32>,
        %scan3A_1192 = arith.constant 1 : i32
        %scan3A_1193 = arith.addi %scan3A_1167, %scan3A_1192 : i32
        %broadcast_in_dim3A_1194 = vector.broadcast %scan3A_1193 : i32 to vector<16xi32>
        %add3A_1195 = arith.constant 512 : i32
        %add3A_1196 = arith.addi %add3A_1195, %scan3A_1193 : i32
        %get3A_1197 = arith.constant 1 : i32
        %get3A_1198 = arith.index_cast %get3A_1197 : i32 to index
        %get3A_1199 = arith.index_cast %add3A_1196 : i32 to index
        %get3A_1200 = arith.constant 0 : index
        %get3A_1201 = tpu.vector_load %arg6[%get3A_1198, %get3A_1199, %get3A_1200] {strides = array<i32>} : memref<2x1024x32xf32, #tpu.memory_space<vmem>>, vector<16xf32>,
        %scatter3A_1202 = arith.constant 0 : i32
        %scatter3A_1203 = arith.constant 0 : i32
        %scatter3A_1204 = arith.constant 0 : i32
        %scatter3A_1205 = arith.constant 0 : i32
        %scatter3A_1206 = tpu.memref_slice %arg7[%scatter3A_1202, %scatter3A_1203, %scatter3A_1204, %scatter3A_1205] : memref<2x4x8x128xf32, #tpu.memory_space<vmem>> -> memref<1x4x8x128xf32, #tpu.memory_space<vmem>>
        %scatter3A_1207 = tpu.memref_squeeze %scatter3A_1206 : memref<1x4x8x128xf32, #tpu.memory_space<vmem>> -> memref<4x8x128xf32, #tpu.memory_space<vmem>>
        tpu.vector_store_idx %scatter3A_1207[%shift_right_logical3A_6, %and3A_11, %broadcast_in_dim3A_1194], %get3A_1201 : memref<4x8x128xf32, #tpu.memory_space<vmem>>[vector<16xi32>, vector<16xi32>, vector<16xi32>], vector<16xf32>,
        %add3A_1208 = arith.constant 512 : i32
        %add3A_1209 = arith.addi %add3A_1208, %scan3A_1193 : i32
        %get3A_1210 = arith.constant 1 : i32
        %get3A_1211 = arith.index_cast %get3A_1210 : i32 to index
        %get3A_1212 = arith.index_cast %add3A_1209 : i32 to index
        %get3A_1213 = arith.constant 16 : index
        %get3A_1214 = tpu.vector_load %arg6[%get3A_1211, %get3A_1212, %get3A_1213] {strides = array<i32>} : memref<2x1024x32xf32, #tpu.memory_space<vmem>>, vector<16xf32>,
        %scatter3A_1215 = arith.constant 0 : i32
        %scatter3A_1216 = arith.constant 0 : i32
        %scatter3A_1217 = arith.constant 0 : i32
        %scatter3A_1218 = arith.constant 0 : i32
        %scatter3A_1219 = tpu.memref_slice %arg7[%scatter3A_1215, %scatter3A_1216, %scatter3A_1217, %scatter3A_1218] : memref<2x4x8x128xf32, #tpu.memory_space<vmem>> -> memref<1x4x8x128xf32, #tpu.memory_space<vmem>>
        %scatter3A_1220 = tpu.memref_squeeze %scatter3A_1219 : memref<1x4x8x128xf32, #tpu.memory_space<vmem>> -> memref<4x8x128xf32, #tpu.memory_space<vmem>>
        tpu.vector_store_idx %scatter3A_1220[%add3A_9, %and3A_11, %broadcast_in_dim3A_1194], %get3A_1214 : memref<4x8x128xf32, #tpu.memory_space<vmem>>[vector<16xi32>, vector<16xi32>, vector<16xi32>], vector<16xf32>,
        %scan3A_1221 = arith.constant 2 : i32
        %scan3A_1222 = arith.addi %scan3A_1167, %scan3A_1221 : i32
        %broadcast_in_dim3A_1223 = vector.broadcast %scan3A_1222 : i32 to vector<16xi32>
        %add3A_1224 = arith.constant 512 : i32
        %add3A_1225 = arith.addi %add3A_1224, %scan3A_1222 : i32
        %get3A_1226 = arith.constant 1 : i32
        %get3A_1227 = arith.index_cast %get3A_1226 : i32 to index
        %get3A_1228 = arith.index_cast %add3A_1225 : i32 to index
        %get3A_1229 = arith.constant 0 : index
        %get3A_1230 = tpu.vector_load %arg6[%get3A_1227, %get3A_1228, %get3A_1229] {strides = array<i32>} : memref<2x1024x32xf32, #tpu.memory_space<vmem>>, vector<16xf32>,
        %scatter3A_1231 = arith.constant 0 : i32
        %scatter3A_1232 = arith.constant 0 : i32
        %scatter3A_1233 = arith.constant 0 : i32
        %scatter3A_1234 = arith.constant 0 : i32
        %scatter3A_1235 = tpu.memref_slice %arg7[%scatter3A_1231, %scatter3A_1232, %scatter3A_1233, %scatter3A_1234] : memref<2x4x8x128xf32, #tpu.memory_space<vmem>> -> memref<1x4x8x128xf32, #tpu.memory_space<vmem>>
        %scatter3A_1236 = tpu.memref_squeeze %scatter3A_1235 : memref<1x4x8x128xf32, #tpu.memory_space<vmem>> -> memref<4x8x128xf32, #tpu.memory_space<vmem>>
        tpu.vector_store_idx %scatter3A_1236[%shift_right_logical3A_6, %and3A_11, %broadcast_in_dim3A_1223], %get3A_1230 : memref<4x8x128xf32, #tpu.memory_space<vmem>>[vector<16xi32>, vector<16xi32>, vector<16xi32>], vector<16xf32>,
        %add3A_1237 = arith.constant 512 : i32
        %add3A_1238 = arith.addi %add3A_1237, %scan3A_1222 : i32
        %get3A_1239 = arith.constant 1 : i32
        %get3A_1240 = arith.index_cast %get3A_1239 : i32 to index
        %get3A_1241 = arith.index_cast %add3A_1238 : i32 to index
        %get3A_1242 = arith.constant 16 : index
        %get3A_1243 = tpu.vector_load %arg6[%get3A_1240, %get3A_1241, %get3A_1242] {strides = array<i32>} : memref<2x1024x32xf32, #tpu.memory_space<vmem>>, vector<16xf32>,
        %scatter3A_1244 = arith.constant 0 : i32
        %scatter3A_1245 = arith.constant 0 : i32
        %scatter3A_1246 = arith.constant 0 : i32
        %scatter3A_1247 = arith.constant 0 : i32
        %scatter3A_1248 = tpu.memref_slice %arg7[%scatter3A_1244, %scatter3A_1245, %scatter3A_1246, %scatter3A_1247] : memref<2x4x8x128xf32, #tpu.memory_space<vmem>> -> memref<1x4x8x128xf32, #tpu.memory_space<vmem>>
        %scatter3A_1249 = tpu.memref_squeeze %scatter3A_1248 : memref<1x4x8x128xf32, #tpu.memory_space<vmem>> -> memref<4x8x128xf32, #tpu.memory_space<vmem>>
        tpu.vector_store_idx %scatter3A_1249[%add3A_9, %and3A_11, %broadcast_in_dim3A_1223], %get3A_1243 : memref<4x8x128xf32, #tpu.memory_space<vmem>>[vector<16xi32>, vector<16xi32>, vector<16xi32>], vector<16xf32>,
        %scan3A_1250 = arith.constant 3 : i32
        %scan3A_1251 = arith.addi %scan3A_1167, %scan3A_1250 : i32
        %broadcast_in_dim3A_1252 = vector.broadcast %scan3A_1251 : i32 to vector<16xi32>
        %add3A_1253 = arith.constant 512 : i32
        %add3A_1254 = arith.addi %add3A_1253, %scan3A_1251 : i32
        %get3A_1255 = arith.constant 1 : i32
        %get3A_1256 = arith.index_cast %get3A_1255 : i32 to index
        %get3A_1257 = arith.index_cast %add3A_1254 : i32 to index
        %get3A_1258 = arith.constant 0 : index
        %get3A_1259 = tpu.vector_load %arg6[%get3A_1256, %get3A_1257, %get3A_1258] {strides = array<i32>} : memref<2x1024x32xf32, #tpu.memory_space<vmem>>, vector<16xf32>,
        %scatter3A_1260 = arith.constant 0 : i32
        %scatter3A_1261 = arith.constant 0 : i32
        %scatter3A_1262 = arith.constant 0 : i32
        %scatter3A_1263 = arith.constant 0 : i32
        %scatter3A_1264 = tpu.memref_slice %arg7[%scatter3A_1260, %scatter3A_1261, %scatter3A_1262, %scatter3A_1263] : memref<2x4x8x128xf32, #tpu.memory_space<vmem>> -> memref<1x4x8x128xf32, #tpu.memory_space<vmem>>
        %scatter3A_1265 = tpu.memref_squeeze %scatter3A_1264 : memref<1x4x8x128xf32, #tpu.memory_space<vmem>> -> memref<4x8x128xf32, #tpu.memory_space<vmem>>
        tpu.vector_store_idx %scatter3A_1265[%shift_right_logical3A_6, %and3A_11, %broadcast_in_dim3A_1252], %get3A_1259 : memref<4x8x128xf32, #tpu.memory_space<vmem>>[vector<16xi32>, vector<16xi32>, vector<16xi32>], vector<16xf32>,
        %add3A_1266 = arith.constant 512 : i32
        %add3A_1267 = arith.addi %add3A_1266, %scan3A_1251 : i32
        %get3A_1268 = arith.constant 1 : i32
        %get3A_1269 = arith.index_cast %get3A_1268 : i32 to index
        %get3A_1270 = arith.index_cast %add3A_1267 : i32 to index
        %get3A_1271 = arith.constant 16 : index
        %get3A_1272 = tpu.vector_load %arg6[%get3A_1269, %get3A_1270, %get3A_1271] {strides = array<i32>} : memref<2x1024x32xf32, #tpu.memory_space<vmem>>, vector<16xf32>,
        %scatter3A_1273 = arith.constant 0 : i32
        %scatter3A_1274 = arith.constant 0 : i32
        %scatter3A_1275 = arith.constant 0 : i32
        %scatter3A_1276 = arith.constant 0 : i32
        %scatter3A_1277 = tpu.memref_slice %arg7[%scatter3A_1273, %scatter3A_1274, %scatter3A_1275, %scatter3A_1276] : memref<2x4x8x128xf32, #tpu.memory_space<vmem>> -> memref<1x4x8x128xf32, #tpu.memory_space<vmem>>
        %scatter3A_1278 = tpu.memref_squeeze %scatter3A_1277 : memref<1x4x8x128xf32, #tpu.memory_space<vmem>> -> memref<4x8x128xf32, #tpu.memory_space<vmem>>
        tpu.vector_store_idx %scatter3A_1278[%add3A_9, %and3A_11, %broadcast_in_dim3A_1252], %get3A_1272 : memref<4x8x128xf32, #tpu.memory_space<vmem>>[vector<16xi32>, vector<16xi32>, vector<16xi32>], vector<16xf32>,
      }
      %scan3A_929 = arith.constant 128 : i32
      %add3A_930 = arith.addi %mul3A_4, %add3A_918 : i32
      %jit3A_931 = arith.constant 128 : i32
      %div3A_932 = arith.divsi %add3A_930, %jit3A_931 : i32
      %sign3A_933 = arith.constant 0 : i32
      %sign3A_934 = arith.cmpi sgt, %add3A_930, %sign3A_933 : i32
      %sign3A_935 = arith.extui %sign3A_934 : i1 to i32
      %sign3A_936 = arith.constant 0 : i32
      %sign3A_937 = arith.cmpi slt, %add3A_930, %sign3A_936 : i32
      %sign3A_938 = arith.extui %sign3A_937 : i1 to i32
      %sign3A_939 = arith.subi %sign3A_935, %sign3A_938 : i32
      %sign3A_940 = arith.constant 0 : i32
      %sign3A_941 = arith.cmpi sgt, %jit3A_931, %sign3A_940 : i32
      %sign3A_942 = arith.extui %sign3A_941 : i1 to i32
      %sign3A_943 = arith.constant 0 : i32
      %sign3A_944 = arith.cmpi slt, %jit3A_931, %sign3A_943 : i32
      %sign3A_945 = arith.extui %sign3A_944 : i1 to i32
      %sign3A_946 = arith.subi %sign3A_942, %sign3A_945 : i32
      %ne3A_947 = arith.cmpi ne, %sign3A_939, %sign3A_946 : i32
      %rem3A_948 = arith.remsi %add3A_930, %jit3A_931 : i32
      %ne3A_949 = arith.constant 0 : i32
      %ne3A_950 = arith.cmpi ne, %rem3A_948, %ne3A_949 : i32
      %and3A_951 = arith.andi %ne3A_947, %ne3A_950 : i1
      %sub3A_952 = arith.constant 1 : i32
      %sub3A_953 = arith.subi %div3A_932, %sub3A_952 : i32
      %select_n3A_954 = arith.select %and3A_951, %sub3A_953, %div3A_932 : i32
      %rem3A_955 = arith.constant 128 : i32
      %rem3A_956 = arith.remsi %add3A_930, %rem3A_955 : i32
      %dma_start3A_957 = arith.constant 0 : i32
      %dma_start3A_958 = arith.constant 0 : i32
      %dma_start3A_959 = arith.constant 0 : i32
      %dma_start3A_960 = arith.constant 0 : i32
      %dma_start3A_961 = tpu.memref_slice %arg7[%dma_start3A_957, %dma_start3A_958, %dma_start3A_959, %dma_start3A_960] : memref<2x4x8x128xf32, #tpu.memory_space<vmem>> -> memref<1x4x8x128xf32, #tpu.memory_space<vmem>>
      %dma_start3A_962 = tpu.memref_squeeze %dma_start3A_961 : memref<1x4x8x128xf32, #tpu.memory_space<vmem>> -> memref<4x8x128xf32, #tpu.memory_space<vmem>>
      %dma_start3A_963 = arith.constant 0 : i32
      %dma_start3A_964 = arith.constant 0 : i32
      %dma_start3A_965 = arith.constant 0 : i32
      %dma_start3A_966 = tpu.memref_slice %arg4[%select_n3A_954, %dma_start3A_963, %rem3A_956, %dma_start3A_964, %dma_start3A_965] : memref<100x4x128x8x128xf32, #tpu.memory_space<hbm>> -> memref<1x4x1x8x128xf32, #tpu.memory_space<hbm>>
      %dma_start3A_967 = tpu.memref_squeeze %dma_start3A_966 : memref<1x4x1x8x128xf32, #tpu.memory_space<hbm>> -> memref<4x8x128xf32, #tpu.memory_space<hbm>>
      %dma_start3A_968 = arith.constant 0 : i32
      %dma_start3A_969 = arith.constant 0 : i32
      %dma_start3A_970 = arith.constant 0 : i32
      %dma_start3A_971 = tpu.memref_slice %arg4[%select_n3A_954, %dma_start3A_968, %rem3A_956, %dma_start3A_969, %dma_start3A_970] : memref<100x4x128x8x128xf32, #tpu.memory_space<hbm>> -> memref<1x4x1x8x128xf32, #tpu.memory_space<hbm>>
      %dma_start3A_972 = tpu.memref_squeeze %dma_start3A_971 : memref<1x4x1x8x128xf32, #tpu.memory_space<hbm>> -> memref<4x8x128xf32, #tpu.memory_space<hbm>>
      %dma_start3A_973 = arith.constant 0 : i32
      %dma_start3A_974 = arith.constant 0 : i32
      %dma_start3A_975 = arith.constant 0 : i32
      %dma_start3A_976 = tpu.memref_slice %arg7[%dma_start3A_957, %dma_start3A_973, %dma_start3A_974, %dma_start3A_975] : memref<2x4x8x128xf32, #tpu.memory_space<vmem>> -> memref<1x4x8x128xf32, #tpu.memory_space<vmem>>
      %dma_start3A_977 = tpu.memref_squeeze %dma_start3A_976 : memref<1x4x8x128xf32, #tpu.memory_space<vmem>> -> memref<4x8x128xf32, #tpu.memory_space<vmem>>
      tpu.enqueue_dma source(%dma_start3A_977 : memref<4x8x128xf32, #tpu.memory_space<vmem>>) target(%dma_start3A_972 : memref<4x8x128xf32, #tpu.memory_space<hbm>>) target_semaphore(%arg10 : memref<!tpu.dma_semaphore, #tpu.memory_space<semaphore_mem>>)
      %mul3A_978 = arith.constant 8 : i32
      %mul3A_979 = arith.muli %add3A_645, %mul3A_978 : i32
      %add3A_980 = arith.constant 5 : i32
      %add3A_981 = arith.addi %mul3A_979, %add3A_980 : i32
      %ge3A_982 = arith.constant 2 : i32
      %ge3A_983 = arith.cmpi sge, %add3A_981, %ge3A_982 : i32
      %convert_element_type3A_984 = arith.extui %ge3A_983 : i1 to i32
      %cond3A_985 = arith.constant 0 : i32
      %cond3A_986 = arith.cmpi ne, %convert_element_type3A_984, %cond3A_985 : i32
      scf.if %cond3A_986 {
        %add3A_1167 = arith.addi %mul3A_4, %add3A_981 : i32
        %sub3A_1168 = arith.constant 2 : i32
        %sub3A_1169 = arith.subi %add3A_1167, %sub3A_1168 : i32
        %jit3A_1170 = arith.constant 128 : i32
        %div3A_1171 = arith.divsi %sub3A_1169, %jit3A_1170 : i32
        %sign3A_1172 = arith.constant 0 : i32
        %sign3A_1173 = arith.cmpi sgt, %sub3A_1169, %sign3A_1172 : i32
        %sign3A_1174 = arith.extui %sign3A_1173 : i1 to i32
        %sign3A_1175 = arith.constant 0 : i32
        %sign3A_1176 = arith.cmpi slt, %sub3A_1169, %sign3A_1175 : i32
        %sign3A_1177 = arith.extui %sign3A_1176 : i1 to i32
        %sign3A_1178 = arith.subi %sign3A_1174, %sign3A_1177 : i32
        %sign3A_1179 = arith.constant 0 : i32
        %sign3A_1180 = arith.cmpi sgt, %jit3A_1170, %sign3A_1179 : i32
        %sign3A_1181 = arith.extui %sign3A_1180 : i1 to i32
        %sign3A_1182 = arith.constant 0 : i32
        %sign3A_1183 = arith.cmpi slt, %jit3A_1170, %sign3A_1182 : i32
        %sign3A_1184 = arith.extui %sign3A_1183 : i1 to i32
        %sign3A_1185 = arith.subi %sign3A_1181, %sign3A_1184 : i32
        %ne3A_1186 = arith.cmpi ne, %sign3A_1178, %sign3A_1185 : i32
        %rem3A_1187 = arith.remsi %sub3A_1169, %jit3A_1170 : i32
        %ne3A_1188 = arith.constant 0 : i32
        %ne3A_1189 = arith.cmpi ne, %rem3A_1187, %ne3A_1188 : i32
        %and3A_1190 = arith.andi %ne3A_1186, %ne3A_1189 : i1
        %sub3A_1191 = arith.constant 1 : i32
        %sub3A_1192 = arith.subi %div3A_1171, %sub3A_1191 : i32
        %select_n3A_1193 = arith.select %and3A_1190, %sub3A_1192, %div3A_1171 : i32
        %rem3A_1194 = arith.constant 128 : i32
        %rem3A_1195 = arith.remsi %sub3A_1169, %rem3A_1194 : i32
        %dma_wait3A_1196 = arith.constant 1 : i32
        %dma_wait3A_1197 = arith.constant 0 : i32
        %dma_wait3A_1198 = arith.constant 0 : i32
        %dma_wait3A_1199 = arith.constant 0 : i32
        %dma_wait3A_1200 = tpu.memref_slice %arg7[%dma_wait3A_1196, %dma_wait3A_1197, %dma_wait3A_1198, %dma_wait3A_1199] : memref<2x4x8x128xf32, #tpu.memory_space<vmem>> -> memref<1x4x8x128xf32, #tpu.memory_space<vmem>>
        %dma_wait3A_1201 = tpu.memref_squeeze %dma_wait3A_1200 : memref<1x4x8x128xf32, #tpu.memory_space<vmem>> -> memref<4x8x128xf32, #tpu.memory_space<vmem>>
        %dma_wait3A_1202 = arith.constant 0 : i32
        %dma_wait3A_1203 = arith.constant 0 : i32
        %dma_wait3A_1204 = arith.constant 0 : i32
        %dma_wait3A_1205 = tpu.memref_slice %arg4[%select_n3A_1193, %dma_wait3A_1202, %rem3A_1195, %dma_wait3A_1203, %dma_wait3A_1204] : memref<100x4x128x8x128xf32, #tpu.memory_space<hbm>> -> memref<1x4x1x8x128xf32, #tpu.memory_space<hbm>>
        %dma_wait3A_1206 = tpu.memref_squeeze %dma_wait3A_1205 : memref<1x4x1x8x128xf32, #tpu.memory_space<hbm>> -> memref<4x8x128xf32, #tpu.memory_space<hbm>>
        %dma_wait3A_1207 = arith.constant 0 : i32
        %dma_wait3A_1208 = arith.constant 0 : i32
        %dma_wait3A_1209 = arith.constant 0 : i32
        %dma_wait3A_1210 = tpu.memref_slice %arg4[%select_n3A_1193, %dma_wait3A_1207, %rem3A_1195, %dma_wait3A_1208, %dma_wait3A_1209] : memref<100x4x128x8x128xf32, #tpu.memory_space<hbm>> -> memref<1x4x1x8x128xf32, #tpu.memory_space<hbm>>
        %dma_wait3A_1211 = tpu.memref_squeeze %dma_wait3A_1210 : memref<1x4x1x8x128xf32, #tpu.memory_space<hbm>> -> memref<4x8x128xf32, #tpu.memory_space<hbm>>
        %dma_wait3A_1212 = arith.constant 0 : i32
        %dma_wait3A_1213 = arith.constant 0 : i32
        %dma_wait3A_1214 = arith.constant 0 : i32
        %dma_wait3A_1215 = tpu.memref_slice %arg7[%dma_wait3A_1196, %dma_wait3A_1212, %dma_wait3A_1213, %dma_wait3A_1214] : memref<2x4x8x128xf32, #tpu.memory_space<vmem>> -> memref<1x4x8x128xf32, #tpu.memory_space<vmem>>
        %dma_wait3A_1216 = tpu.memref_squeeze %dma_wait3A_1215 : memref<1x4x8x128xf32, #tpu.memory_space<vmem>> -> memref<4x8x128xf32, #tpu.memory_space<vmem>>
        tpu.wait_dma2 semaphore(%arg11 : memref<!tpu.dma_semaphore, #tpu.memory_space<semaphore_mem>>) src(%dma_wait3A_1216 : memref<4x8x128xf32, #tpu.memory_space<vmem>>) dst(%dma_wait3A_1211 : memref<4x8x128xf32, #tpu.memory_space<hbm>>)
      } else {
      }
      %scan3A_987 = arith.constant 0 : i32
      %scan3A_988 = arith.constant 0 : i32
      %scan3A_989 = arith.constant 128 : i32
      %scan3A_990 = arith.addi %scan3A_988, %scan3A_989 : i32
      %scan3A_991 = arith.constant 4 : i32
      scf.for %scan3A_1167 = %scan3A_988 to %scan3A_990 step %scan3A_991  : i32 {
        %broadcast_in_dim3A = vector.broadcast %scan3A_1167 : i32 to vector<16xi32>
        %add3A_1168 = arith.constant 640 : i32
        %add3A_1169 = arith.addi %add3A_1168, %scan3A_1167 : i32
        %get3A = arith.constant 1 : i32
        %get3A_1170 = arith.index_cast %get3A : i32 to index
        %get3A_1171 = arith.index_cast %add3A_1169 : i32 to index
        %get3A_1172 = arith.constant 0 : index
        %get3A_1173 = tpu.vector_load %arg6[%get3A_1170, %get3A_1171, %get3A_1172] {strides = array<i32>} : memref<2x1024x32xf32, #tpu.memory_space<vmem>>, vector<16xf32>,
        %scatter3A = arith.constant 1 : i32
        %scatter3A_1174 = arith.constant 0 : i32
        %scatter3A_1175 = arith.constant 0 : i32
        %scatter3A_1176 = arith.constant 0 : i32
        %scatter3A_1177 = tpu.memref_slice %arg7[%scatter3A, %scatter3A_1174, %scatter3A_1175, %scatter3A_1176] : memref<2x4x8x128xf32, #tpu.memory_space<vmem>> -> memref<1x4x8x128xf32, #tpu.memory_space<vmem>>
        %scatter3A_1178 = tpu.memref_squeeze %scatter3A_1177 : memref<1x4x8x128xf32, #tpu.memory_space<vmem>> -> memref<4x8x128xf32, #tpu.memory_space<vmem>>
        tpu.vector_store_idx %scatter3A_1178[%shift_right_logical3A_6, %and3A_11, %broadcast_in_dim3A], %get3A_1173 : memref<4x8x128xf32, #tpu.memory_space<vmem>>[vector<16xi32>, vector<16xi32>, vector<16xi32>], vector<16xf32>,
        %add3A_1179 = arith.constant 640 : i32
        %add3A_1180 = arith.addi %add3A_1179, %scan3A_1167 : i32
        %get3A_1181 = arith.constant 1 : i32
        %get3A_1182 = arith.index_cast %get3A_1181 : i32 to index
        %get3A_1183 = arith.index_cast %add3A_1180 : i32 to index
        %get3A_1184 = arith.constant 16 : index
        %get3A_1185 = tpu.vector_load %arg6[%get3A_1182, %get3A_1183, %get3A_1184] {strides = array<i32>} : memref<2x1024x32xf32, #tpu.memory_space<vmem>>, vector<16xf32>,
        %scatter3A_1186 = arith.constant 1 : i32
        %scatter3A_1187 = arith.constant 0 : i32
        %scatter3A_1188 = arith.constant 0 : i32
        %scatter3A_1189 = arith.constant 0 : i32
        %scatter3A_1190 = tpu.memref_slice %arg7[%scatter3A_1186, %scatter3A_1187, %scatter3A_1188, %scatter3A_1189] : memref<2x4x8x128xf32, #tpu.memory_space<vmem>> -> memref<1x4x8x128xf32, #tpu.memory_space<vmem>>
        %scatter3A_1191 = tpu.memref_squeeze %scatter3A_1190 : memref<1x4x8x128xf32, #tpu.memory_space<vmem>> -> memref<4x8x128xf32, #tpu.memory_space<vmem>>
        tpu.vector_store_idx %scatter3A_1191[%add3A_9, %and3A_11, %broadcast_in_dim3A], %get3A_1185 : memref<4x8x128xf32, #tpu.memory_space<vmem>>[vector<16xi32>, vector<16xi32>, vector<16xi32>], vector<16xf32>,
        %scan3A_1192 = arith.constant 1 : i32
        %scan3A_1193 = arith.addi %scan3A_1167, %scan3A_1192 : i32
        %broadcast_in_dim3A_1194 = vector.broadcast %scan3A_1193 : i32 to vector<16xi32>
        %add3A_1195 = arith.constant 640 : i32
        %add3A_1196 = arith.addi %add3A_1195, %scan3A_1193 : i32
        %get3A_1197 = arith.constant 1 : i32
        %get3A_1198 = arith.index_cast %get3A_1197 : i32 to index
        %get3A_1199 = arith.index_cast %add3A_1196 : i32 to index
        %get3A_1200 = arith.constant 0 : index
        %get3A_1201 = tpu.vector_load %arg6[%get3A_1198, %get3A_1199, %get3A_1200] {strides = array<i32>} : memref<2x1024x32xf32, #tpu.memory_space<vmem>>, vector<16xf32>,
        %scatter3A_1202 = arith.constant 1 : i32
        %scatter3A_1203 = arith.constant 0 : i32
        %scatter3A_1204 = arith.constant 0 : i32
        %scatter3A_1205 = arith.constant 0 : i32
        %scatter3A_1206 = tpu.memref_slice %arg7[%scatter3A_1202, %scatter3A_1203, %scatter3A_1204, %scatter3A_1205] : memref<2x4x8x128xf32, #tpu.memory_space<vmem>> -> memref<1x4x8x128xf32, #tpu.memory_space<vmem>>
        %scatter3A_1207 = tpu.memref_squeeze %scatter3A_1206 : memref<1x4x8x128xf32, #tpu.memory_space<vmem>> -> memref<4x8x128xf32, #tpu.memory_space<vmem>>
        tpu.vector_store_idx %scatter3A_1207[%shift_right_logical3A_6, %and3A_11, %broadcast_in_dim3A_1194], %get3A_1201 : memref<4x8x128xf32, #tpu.memory_space<vmem>>[vector<16xi32>, vector<16xi32>, vector<16xi32>], vector<16xf32>,
        %add3A_1208 = arith.constant 640 : i32
        %add3A_1209 = arith.addi %add3A_1208, %scan3A_1193 : i32
        %get3A_1210 = arith.constant 1 : i32
        %get3A_1211 = arith.index_cast %get3A_1210 : i32 to index
        %get3A_1212 = arith.index_cast %add3A_1209 : i32 to index
        %get3A_1213 = arith.constant 16 : index
        %get3A_1214 = tpu.vector_load %arg6[%get3A_1211, %get3A_1212, %get3A_1213] {strides = array<i32>} : memref<2x1024x32xf32, #tpu.memory_space<vmem>>, vector<16xf32>,
        %scatter3A_1215 = arith.constant 1 : i32
        %scatter3A_1216 = arith.constant 0 : i32
        %scatter3A_1217 = arith.constant 0 : i32
        %scatter3A_1218 = arith.constant 0 : i32
        %scatter3A_1219 = tpu.memref_slice %arg7[%scatter3A_1215, %scatter3A_1216, %scatter3A_1217, %scatter3A_1218] : memref<2x4x8x128xf32, #tpu.memory_space<vmem>> -> memref<1x4x8x128xf32, #tpu.memory_space<vmem>>
        %scatter3A_1220 = tpu.memref_squeeze %scatter3A_1219 : memref<1x4x8x128xf32, #tpu.memory_space<vmem>> -> memref<4x8x128xf32, #tpu.memory_space<vmem>>
        tpu.vector_store_idx %scatter3A_1220[%add3A_9, %and3A_11, %broadcast_in_dim3A_1194], %get3A_1214 : memref<4x8x128xf32, #tpu.memory_space<vmem>>[vector<16xi32>, vector<16xi32>, vector<16xi32>], vector<16xf32>,
        %scan3A_1221 = arith.constant 2 : i32
        %scan3A_1222 = arith.addi %scan3A_1167, %scan3A_1221 : i32
        %broadcast_in_dim3A_1223 = vector.broadcast %scan3A_1222 : i32 to vector<16xi32>
        %add3A_1224 = arith.constant 640 : i32
        %add3A_1225 = arith.addi %add3A_1224, %scan3A_1222 : i32
        %get3A_1226 = arith.constant 1 : i32
        %get3A_1227 = arith.index_cast %get3A_1226 : i32 to index
        %get3A_1228 = arith.index_cast %add3A_1225 : i32 to index
        %get3A_1229 = arith.constant 0 : index
        %get3A_1230 = tpu.vector_load %arg6[%get3A_1227, %get3A_1228, %get3A_1229] {strides = array<i32>} : memref<2x1024x32xf32, #tpu.memory_space<vmem>>, vector<16xf32>,
        %scatter3A_1231 = arith.constant 1 : i32
        %scatter3A_1232 = arith.constant 0 : i32
        %scatter3A_1233 = arith.constant 0 : i32
        %scatter3A_1234 = arith.constant 0 : i32
        %scatter3A_1235 = tpu.memref_slice %arg7[%scatter3A_1231, %scatter3A_1232, %scatter3A_1233, %scatter3A_1234] : memref<2x4x8x128xf32, #tpu.memory_space<vmem>> -> memref<1x4x8x128xf32, #tpu.memory_space<vmem>>
        %scatter3A_1236 = tpu.memref_squeeze %scatter3A_1235 : memref<1x4x8x128xf32, #tpu.memory_space<vmem>> -> memref<4x8x128xf32, #tpu.memory_space<vmem>>
        tpu.vector_store_idx %scatter3A_1236[%shift_right_logical3A_6, %and3A_11, %broadcast_in_dim3A_1223], %get3A_1230 : memref<4x8x128xf32, #tpu.memory_space<vmem>>[vector<16xi32>, vector<16xi32>, vector<16xi32>], vector<16xf32>,
        %add3A_1237 = arith.constant 640 : i32
        %add3A_1238 = arith.addi %add3A_1237, %scan3A_1222 : i32
        %get3A_1239 = arith.constant 1 : i32
        %get3A_1240 = arith.index_cast %get3A_1239 : i32 to index
        %get3A_1241 = arith.index_cast %add3A_1238 : i32 to index
        %get3A_1242 = arith.constant 16 : index
        %get3A_1243 = tpu.vector_load %arg6[%get3A_1240, %get3A_1241, %get3A_1242] {strides = array<i32>} : memref<2x1024x32xf32, #tpu.memory_space<vmem>>, vector<16xf32>,
        %scatter3A_1244 = arith.constant 1 : i32
        %scatter3A_1245 = arith.constant 0 : i32
        %scatter3A_1246 = arith.constant 0 : i32
        %scatter3A_1247 = arith.constant 0 : i32
        %scatter3A_1248 = tpu.memref_slice %arg7[%scatter3A_1244, %scatter3A_1245, %scatter3A_1246, %scatter3A_1247] : memref<2x4x8x128xf32, #tpu.memory_space<vmem>> -> memref<1x4x8x128xf32, #tpu.memory_space<vmem>>
        %scatter3A_1249 = tpu.memref_squeeze %scatter3A_1248 : memref<1x4x8x128xf32, #tpu.memory_space<vmem>> -> memref<4x8x128xf32, #tpu.memory_space<vmem>>
        tpu.vector_store_idx %scatter3A_1249[%add3A_9, %and3A_11, %broadcast_in_dim3A_1223], %get3A_1243 : memref<4x8x128xf32, #tpu.memory_space<vmem>>[vector<16xi32>, vector<16xi32>, vector<16xi32>], vector<16xf32>,
        %scan3A_1250 = arith.constant 3 : i32
        %scan3A_1251 = arith.addi %scan3A_1167, %scan3A_1250 : i32
        %broadcast_in_dim3A_1252 = vector.broadcast %scan3A_1251 : i32 to vector<16xi32>
        %add3A_1253 = arith.constant 640 : i32
        %add3A_1254 = arith.addi %add3A_1253, %scan3A_1251 : i32
        %get3A_1255 = arith.constant 1 : i32
        %get3A_1256 = arith.index_cast %get3A_1255 : i32 to index
        %get3A_1257 = arith.index_cast %add3A_1254 : i32 to index
        %get3A_1258 = arith.constant 0 : index
        %get3A_1259 = tpu.vector_load %arg6[%get3A_1256, %get3A_1257, %get3A_1258] {strides = array<i32>} : memref<2x1024x32xf32, #tpu.memory_space<vmem>>, vector<16xf32>,
        %scatter3A_1260 = arith.constant 1 : i32
        %scatter3A_1261 = arith.constant 0 : i32
        %scatter3A_1262 = arith.constant 0 : i32
        %scatter3A_1263 = arith.constant 0 : i32
        %scatter3A_1264 = tpu.memref_slice %arg7[%scatter3A_1260, %scatter3A_1261, %scatter3A_1262, %scatter3A_1263] : memref<2x4x8x128xf32, #tpu.memory_space<vmem>> -> memref<1x4x8x128xf32, #tpu.memory_space<vmem>>
        %scatter3A_1265 = tpu.memref_squeeze %scatter3A_1264 : memref<1x4x8x128xf32, #tpu.memory_space<vmem>> -> memref<4x8x128xf32, #tpu.memory_space<vmem>>
        tpu.vector_store_idx %scatter3A_1265[%shift_right_logical3A_6, %and3A_11, %broadcast_in_dim3A_1252], %get3A_1259 : memref<4x8x128xf32, #tpu.memory_space<vmem>>[vector<16xi32>, vector<16xi32>, vector<16xi32>], vector<16xf32>,
        %add3A_1266 = arith.constant 640 : i32
        %add3A_1267 = arith.addi %add3A_1266, %scan3A_1251 : i32
        %get3A_1268 = arith.constant 1 : i32
        %get3A_1269 = arith.index_cast %get3A_1268 : i32 to index
        %get3A_1270 = arith.index_cast %add3A_1267 : i32 to index
        %get3A_1271 = arith.constant 16 : index
        %get3A_1272 = tpu.vector_load %arg6[%get3A_1269, %get3A_1270, %get3A_1271] {strides = array<i32>} : memref<2x1024x32xf32, #tpu.memory_space<vmem>>, vector<16xf32>,
        %scatter3A_1273 = arith.constant 1 : i32
        %scatter3A_1274 = arith.constant 0 : i32
        %scatter3A_1275 = arith.constant 0 : i32
        %scatter3A_1276 = arith.constant 0 : i32
        %scatter3A_1277 = tpu.memref_slice %arg7[%scatter3A_1273, %scatter3A_1274, %scatter3A_1275, %scatter3A_1276] : memref<2x4x8x128xf32, #tpu.memory_space<vmem>> -> memref<1x4x8x128xf32, #tpu.memory_space<vmem>>
        %scatter3A_1278 = tpu.memref_squeeze %scatter3A_1277 : memref<1x4x8x128xf32, #tpu.memory_space<vmem>> -> memref<4x8x128xf32, #tpu.memory_space<vmem>>
        tpu.vector_store_idx %scatter3A_1278[%add3A_9, %and3A_11, %broadcast_in_dim3A_1252], %get3A_1272 : memref<4x8x128xf32, #tpu.memory_space<vmem>>[vector<16xi32>, vector<16xi32>, vector<16xi32>], vector<16xf32>,
      }
      %scan3A_992 = arith.constant 128 : i32
      %add3A_993 = arith.addi %mul3A_4, %add3A_981 : i32
      %jit3A_994 = arith.constant 128 : i32
      %div3A_995 = arith.divsi %add3A_993, %jit3A_994 : i32
      %sign3A_996 = arith.constant 0 : i32
      %sign3A_997 = arith.cmpi sgt, %add3A_993, %sign3A_996 : i32
      %sign3A_998 = arith.extui %sign3A_997 : i1 to i32
      %sign3A_999 = arith.constant 0 : i32
      %sign3A_1000 = arith.cmpi slt, %add3A_993, %sign3A_999 : i32
      %sign3A_1001 = arith.extui %sign3A_1000 : i1 to i32
      %sign3A_1002 = arith.subi %sign3A_998, %sign3A_1001 : i32
      %sign3A_1003 = arith.constant 0 : i32
      %sign3A_1004 = arith.cmpi sgt, %jit3A_994, %sign3A_1003 : i32
      %sign3A_1005 = arith.extui %sign3A_1004 : i1 to i32
      %sign3A_1006 = arith.constant 0 : i32
      %sign3A_1007 = arith.cmpi slt, %jit3A_994, %sign3A_1006 : i32
      %sign3A_1008 = arith.extui %sign3A_1007 : i1 to i32
      %sign3A_1009 = arith.subi %sign3A_1005, %sign3A_1008 : i32
      %ne3A_1010 = arith.cmpi ne, %sign3A_1002, %sign3A_1009 : i32
      %rem3A_1011 = arith.remsi %add3A_993, %jit3A_994 : i32
      %ne3A_1012 = arith.constant 0 : i32
      %ne3A_1013 = arith.cmpi ne, %rem3A_1011, %ne3A_1012 : i32
      %and3A_1014 = arith.andi %ne3A_1010, %ne3A_1013 : i1
      %sub3A_1015 = arith.constant 1 : i32
      %sub3A_1016 = arith.subi %div3A_995, %sub3A_1015 : i32
      %select_n3A_1017 = arith.select %and3A_1014, %sub3A_1016, %div3A_995 : i32
      %rem3A_1018 = arith.constant 128 : i32
      %rem3A_1019 = arith.remsi %add3A_993, %rem3A_1018 : i32
      %dma_start3A_1020 = arith.constant 1 : i32
      %dma_start3A_1021 = arith.constant 0 : i32
      %dma_start3A_1022 = arith.constant 0 : i32
      %dma_start3A_1023 = arith.constant 0 : i32
      %dma_start3A_1024 = tpu.memref_slice %arg7[%dma_start3A_1020, %dma_start3A_1021, %dma_start3A_1022, %dma_start3A_1023] : memref<2x4x8x128xf32, #tpu.memory_space<vmem>> -> memref<1x4x8x128xf32, #tpu.memory_space<vmem>>
      %dma_start3A_1025 = tpu.memref_squeeze %dma_start3A_1024 : memref<1x4x8x128xf32, #tpu.memory_space<vmem>> -> memref<4x8x128xf32, #tpu.memory_space<vmem>>
      %dma_start3A_1026 = arith.constant 0 : i32
      %dma_start3A_1027 = arith.constant 0 : i32
      %dma_start3A_1028 = arith.constant 0 : i32
      %dma_start3A_1029 = tpu.memref_slice %arg4[%select_n3A_1017, %dma_start3A_1026, %rem3A_1019, %dma_start3A_1027, %dma_start3A_1028] : memref<100x4x128x8x128xf32, #tpu.memory_space<hbm>> -> memref<1x4x1x8x128xf32, #tpu.memory_space<hbm>>
      %dma_start3A_1030 = tpu.memref_squeeze %dma_start3A_1029 : memref<1x4x1x8x128xf32, #tpu.memory_space<hbm>> -> memref<4x8x128xf32, #tpu.memory_space<hbm>>
      %dma_start3A_1031 = arith.constant 0 : i32
      %dma_start3A_1032 = arith.constant 0 : i32
      %dma_start3A_1033 = arith.constant 0 : i32
      %dma_start3A_1034 = tpu.memref_slice %arg4[%select_n3A_1017, %dma_start3A_1031, %rem3A_1019, %dma_start3A_1032, %dma_start3A_1033] : memref<100x4x128x8x128xf32, #tpu.memory_space<hbm>> -> memref<1x4x1x8x128xf32, #tpu.memory_space<hbm>>
      %dma_start3A_1035 = tpu.memref_squeeze %dma_start3A_1034 : memref<1x4x1x8x128xf32, #tpu.memory_space<hbm>> -> memref<4x8x128xf32, #tpu.memory_space<hbm>>
      %dma_start3A_1036 = arith.constant 0 : i32
      %dma_start3A_1037 = arith.constant 0 : i32
      %dma_start3A_1038 = arith.constant 0 : i32
      %dma_start3A_1039 = tpu.memref_slice %arg7[%dma_start3A_1020, %dma_start3A_1036, %dma_start3A_1037, %dma_start3A_1038] : memref<2x4x8x128xf32, #tpu.memory_space<vmem>> -> memref<1x4x8x128xf32, #tpu.memory_space<vmem>>
      %dma_start3A_1040 = tpu.memref_squeeze %dma_start3A_1039 : memref<1x4x8x128xf32, #tpu.memory_space<vmem>> -> memref<4x8x128xf32, #tpu.memory_space<vmem>>
      tpu.enqueue_dma source(%dma_start3A_1040 : memref<4x8x128xf32, #tpu.memory_space<vmem>>) target(%dma_start3A_1035 : memref<4x8x128xf32, #tpu.memory_space<hbm>>) target_semaphore(%arg11 : memref<!tpu.dma_semaphore, #tpu.memory_space<semaphore_mem>>)
      %mul3A_1041 = arith.constant 8 : i32
      %mul3A_1042 = arith.muli %add3A_645, %mul3A_1041 : i32
      %add3A_1043 = arith.constant 6 : i32
      %add3A_1044 = arith.addi %mul3A_1042, %add3A_1043 : i32
      %ge3A_1045 = arith.constant 2 : i32
      %ge3A_1046 = arith.cmpi sge, %add3A_1044, %ge3A_1045 : i32
      %convert_element_type3A_1047 = arith.extui %ge3A_1046 : i1 to i32
      %cond3A_1048 = arith.constant 0 : i32
      %cond3A_1049 = arith.cmpi ne, %convert_element_type3A_1047, %cond3A_1048 : i32
      scf.if %cond3A_1049 {
        %add3A_1167 = arith.addi %mul3A_4, %add3A_1044 : i32
        %sub3A_1168 = arith.constant 2 : i32
        %sub3A_1169 = arith.subi %add3A_1167, %sub3A_1168 : i32
        %jit3A_1170 = arith.constant 128 : i32
        %div3A_1171 = arith.divsi %sub3A_1169, %jit3A_1170 : i32
        %sign3A_1172 = arith.constant 0 : i32
        %sign3A_1173 = arith.cmpi sgt, %sub3A_1169, %sign3A_1172 : i32
        %sign3A_1174 = arith.extui %sign3A_1173 : i1 to i32
        %sign3A_1175 = arith.constant 0 : i32
        %sign3A_1176 = arith.cmpi slt, %sub3A_1169, %sign3A_1175 : i32
        %sign3A_1177 = arith.extui %sign3A_1176 : i1 to i32
        %sign3A_1178 = arith.subi %sign3A_1174, %sign3A_1177 : i32
        %sign3A_1179 = arith.constant 0 : i32
        %sign3A_1180 = arith.cmpi sgt, %jit3A_1170, %sign3A_1179 : i32
        %sign3A_1181 = arith.extui %sign3A_1180 : i1 to i32
        %sign3A_1182 = arith.constant 0 : i32
        %sign3A_1183 = arith.cmpi slt, %jit3A_1170, %sign3A_1182 : i32
        %sign3A_1184 = arith.extui %sign3A_1183 : i1 to i32
        %sign3A_1185 = arith.subi %sign3A_1181, %sign3A_1184 : i32
        %ne3A_1186 = arith.cmpi ne, %sign3A_1178, %sign3A_1185 : i32
        %rem3A_1187 = arith.remsi %sub3A_1169, %jit3A_1170 : i32
        %ne3A_1188 = arith.constant 0 : i32
        %ne3A_1189 = arith.cmpi ne, %rem3A_1187, %ne3A_1188 : i32
        %and3A_1190 = arith.andi %ne3A_1186, %ne3A_1189 : i1
        %sub3A_1191 = arith.constant 1 : i32
        %sub3A_1192 = arith.subi %div3A_1171, %sub3A_1191 : i32
        %select_n3A_1193 = arith.select %and3A_1190, %sub3A_1192, %div3A_1171 : i32
        %rem3A_1194 = arith.constant 128 : i32
        %rem3A_1195 = arith.remsi %sub3A_1169, %rem3A_1194 : i32
        %dma_wait3A_1196 = arith.constant 0 : i32
        %dma_wait3A_1197 = arith.constant 0 : i32
        %dma_wait3A_1198 = arith.constant 0 : i32
        %dma_wait3A_1199 = arith.constant 0 : i32
        %dma_wait3A_1200 = tpu.memref_slice %arg7[%dma_wait3A_1196, %dma_wait3A_1197, %dma_wait3A_1198, %dma_wait3A_1199] : memref<2x4x8x128xf32, #tpu.memory_space<vmem>> -> memref<1x4x8x128xf32, #tpu.memory_space<vmem>>
        %dma_wait3A_1201 = tpu.memref_squeeze %dma_wait3A_1200 : memref<1x4x8x128xf32, #tpu.memory_space<vmem>> -> memref<4x8x128xf32, #tpu.memory_space<vmem>>
        %dma_wait3A_1202 = arith.constant 0 : i32
        %dma_wait3A_1203 = arith.constant 0 : i32
        %dma_wait3A_1204 = arith.constant 0 : i32
        %dma_wait3A_1205 = tpu.memref_slice %arg4[%select_n3A_1193, %dma_wait3A_1202, %rem3A_1195, %dma_wait3A_1203, %dma_wait3A_1204] : memref<100x4x128x8x128xf32, #tpu.memory_space<hbm>> -> memref<1x4x1x8x128xf32, #tpu.memory_space<hbm>>
        %dma_wait3A_1206 = tpu.memref_squeeze %dma_wait3A_1205 : memref<1x4x1x8x128xf32, #tpu.memory_space<hbm>> -> memref<4x8x128xf32, #tpu.memory_space<hbm>>
        %dma_wait3A_1207 = arith.constant 0 : i32
        %dma_wait3A_1208 = arith.constant 0 : i32
        %dma_wait3A_1209 = arith.constant 0 : i32
        %dma_wait3A_1210 = tpu.memref_slice %arg4[%select_n3A_1193, %dma_wait3A_1207, %rem3A_1195, %dma_wait3A_1208, %dma_wait3A_1209] : memref<100x4x128x8x128xf32, #tpu.memory_space<hbm>> -> memref<1x4x1x8x128xf32, #tpu.memory_space<hbm>>
        %dma_wait3A_1211 = tpu.memref_squeeze %dma_wait3A_1210 : memref<1x4x1x8x128xf32, #tpu.memory_space<hbm>> -> memref<4x8x128xf32, #tpu.memory_space<hbm>>
        %dma_wait3A_1212 = arith.constant 0 : i32
        %dma_wait3A_1213 = arith.constant 0 : i32
        %dma_wait3A_1214 = arith.constant 0 : i32
        %dma_wait3A_1215 = tpu.memref_slice %arg7[%dma_wait3A_1196, %dma_wait3A_1212, %dma_wait3A_1213, %dma_wait3A_1214] : memref<2x4x8x128xf32, #tpu.memory_space<vmem>> -> memref<1x4x8x128xf32, #tpu.memory_space<vmem>>
        %dma_wait3A_1216 = tpu.memref_squeeze %dma_wait3A_1215 : memref<1x4x8x128xf32, #tpu.memory_space<vmem>> -> memref<4x8x128xf32, #tpu.memory_space<vmem>>
        tpu.wait_dma2 semaphore(%arg10 : memref<!tpu.dma_semaphore, #tpu.memory_space<semaphore_mem>>) src(%dma_wait3A_1216 : memref<4x8x128xf32, #tpu.memory_space<vmem>>) dst(%dma_wait3A_1211 : memref<4x8x128xf32, #tpu.memory_space<hbm>>)
      } else {
      }
      %scan3A_1050 = arith.constant 0 : i32
      %scan3A_1051 = arith.constant 0 : i32
      %scan3A_1052 = arith.constant 128 : i32
      %scan3A_1053 = arith.addi %scan3A_1051, %scan3A_1052 : i32
      %scan3A_1054 = arith.constant 4 : i32
      scf.for %scan3A_1167 = %scan3A_1051 to %scan3A_1053 step %scan3A_1054  : i32 {
        %broadcast_in_dim3A = vector.broadcast %scan3A_1167 : i32 to vector<16xi32>
        %add3A_1168 = arith.constant 768 : i32
        %add3A_1169 = arith.addi %add3A_1168, %scan3A_1167 : i32
        %get3A = arith.constant 1 : i32
        %get3A_1170 = arith.index_cast %get3A : i32 to index
        %get3A_1171 = arith.index_cast %add3A_1169 : i32 to index
        %get3A_1172 = arith.constant 0 : index
        %get3A_1173 = tpu.vector_load %arg6[%get3A_1170, %get3A_1171, %get3A_1172] {strides = array<i32>} : memref<2x1024x32xf32, #tpu.memory_space<vmem>>, vector<16xf32>,
        %scatter3A = arith.constant 0 : i32
        %scatter3A_1174 = arith.constant 0 : i32
        %scatter3A_1175 = arith.constant 0 : i32
        %scatter3A_1176 = arith.constant 0 : i32
        %scatter3A_1177 = tpu.memref_slice %arg7[%scatter3A, %scatter3A_1174, %scatter3A_1175, %scatter3A_1176] : memref<2x4x8x128xf32, #tpu.memory_space<vmem>> -> memref<1x4x8x128xf32, #tpu.memory_space<vmem>>
        %scatter3A_1178 = tpu.memref_squeeze %scatter3A_1177 : memref<1x4x8x128xf32, #tpu.memory_space<vmem>> -> memref<4x8x128xf32, #tpu.memory_space<vmem>>
        tpu.vector_store_idx %scatter3A_1178[%shift_right_logical3A_6, %and3A_11, %broadcast_in_dim3A], %get3A_1173 : memref<4x8x128xf32, #tpu.memory_space<vmem>>[vector<16xi32>, vector<16xi32>, vector<16xi32>], vector<16xf32>,
        %add3A_1179 = arith.constant 768 : i32
        %add3A_1180 = arith.addi %add3A_1179, %scan3A_1167 : i32
        %get3A_1181 = arith.constant 1 : i32
        %get3A_1182 = arith.index_cast %get3A_1181 : i32 to index
        %get3A_1183 = arith.index_cast %add3A_1180 : i32 to index
        %get3A_1184 = arith.constant 16 : index
        %get3A_1185 = tpu.vector_load %arg6[%get3A_1182, %get3A_1183, %get3A_1184] {strides = array<i32>} : memref<2x1024x32xf32, #tpu.memory_space<vmem>>, vector<16xf32>,
        %scatter3A_1186 = arith.constant 0 : i32
        %scatter3A_1187 = arith.constant 0 : i32
        %scatter3A_1188 = arith.constant 0 : i32
        %scatter3A_1189 = arith.constant 0 : i32
        %scatter3A_1190 = tpu.memref_slice %arg7[%scatter3A_1186, %scatter3A_1187, %scatter3A_1188, %scatter3A_1189] : memref<2x4x8x128xf32, #tpu.memory_space<vmem>> -> memref<1x4x8x128xf32, #tpu.memory_space<vmem>>
        %scatter3A_1191 = tpu.memref_squeeze %scatter3A_1190 : memref<1x4x8x128xf32, #tpu.memory_space<vmem>> -> memref<4x8x128xf32, #tpu.memory_space<vmem>>
        tpu.vector_store_idx %scatter3A_1191[%add3A_9, %and3A_11, %broadcast_in_dim3A], %get3A_1185 : memref<4x8x128xf32, #tpu.memory_space<vmem>>[vector<16xi32>, vector<16xi32>, vector<16xi32>], vector<16xf32>,
        %scan3A_1192 = arith.constant 1 : i32
        %scan3A_1193 = arith.addi %scan3A_1167, %scan3A_1192 : i32
        %broadcast_in_dim3A_1194 = vector.broadcast %scan3A_1193 : i32 to vector<16xi32>
        %add3A_1195 = arith.constant 768 : i32
        %add3A_1196 = arith.addi %add3A_1195, %scan3A_1193 : i32
        %get3A_1197 = arith.constant 1 : i32
        %get3A_1198 = arith.index_cast %get3A_1197 : i32 to index
        %get3A_1199 = arith.index_cast %add3A_1196 : i32 to index
        %get3A_1200 = arith.constant 0 : index
        %get3A_1201 = tpu.vector_load %arg6[%get3A_1198, %get3A_1199, %get3A_1200] {strides = array<i32>} : memref<2x1024x32xf32, #tpu.memory_space<vmem>>, vector<16xf32>,
        %scatter3A_1202 = arith.constant 0 : i32
        %scatter3A_1203 = arith.constant 0 : i32
        %scatter3A_1204 = arith.constant 0 : i32
        %scatter3A_1205 = arith.constant 0 : i32
        %scatter3A_1206 = tpu.memref_slice %arg7[%scatter3A_1202, %scatter3A_1203, %scatter3A_1204, %scatter3A_1205] : memref<2x4x8x128xf32, #tpu.memory_space<vmem>> -> memref<1x4x8x128xf32, #tpu.memory_space<vmem>>
        %scatter3A_1207 = tpu.memref_squeeze %scatter3A_1206 : memref<1x4x8x128xf32, #tpu.memory_space<vmem>> -> memref<4x8x128xf32, #tpu.memory_space<vmem>>
        tpu.vector_store_idx %scatter3A_1207[%shift_right_logical3A_6, %and3A_11, %broadcast_in_dim3A_1194], %get3A_1201 : memref<4x8x128xf32, #tpu.memory_space<vmem>>[vector<16xi32>, vector<16xi32>, vector<16xi32>], vector<16xf32>,
        %add3A_1208 = arith.constant 768 : i32
        %add3A_1209 = arith.addi %add3A_1208, %scan3A_1193 : i32
        %get3A_1210 = arith.constant 1 : i32
        %get3A_1211 = arith.index_cast %get3A_1210 : i32 to index
        %get3A_1212 = arith.index_cast %add3A_1209 : i32 to index
        %get3A_1213 = arith.constant 16 : index
        %get3A_1214 = tpu.vector_load %arg6[%get3A_1211, %get3A_1212, %get3A_1213] {strides = array<i32>} : memref<2x1024x32xf32, #tpu.memory_space<vmem>>, vector<16xf32>,
        %scatter3A_1215 = arith.constant 0 : i32
        %scatter3A_1216 = arith.constant 0 : i32
        %scatter3A_1217 = arith.constant 0 : i32
        %scatter3A_1218 = arith.constant 0 : i32
        %scatter3A_1219 = tpu.memref_slice %arg7[%scatter3A_1215, %scatter3A_1216, %scatter3A_1217, %scatter3A_1218] : memref<2x4x8x128xf32, #tpu.memory_space<vmem>> -> memref<1x4x8x128xf32, #tpu.memory_space<vmem>>
        %scatter3A_1220 = tpu.memref_squeeze %scatter3A_1219 : memref<1x4x8x128xf32, #tpu.memory_space<vmem>> -> memref<4x8x128xf32, #tpu.memory_space<vmem>>
        tpu.vector_store_idx %scatter3A_1220[%add3A_9, %and3A_11, %broadcast_in_dim3A_1194], %get3A_1214 : memref<4x8x128xf32, #tpu.memory_space<vmem>>[vector<16xi32>, vector<16xi32>, vector<16xi32>], vector<16xf32>,
        %scan3A_1221 = arith.constant 2 : i32
        %scan3A_1222 = arith.addi %scan3A_1167, %scan3A_1221 : i32
        %broadcast_in_dim3A_1223 = vector.broadcast %scan3A_1222 : i32 to vector<16xi32>
        %add3A_1224 = arith.constant 768 : i32
        %add3A_1225 = arith.addi %add3A_1224, %scan3A_1222 : i32
        %get3A_1226 = arith.constant 1 : i32
        %get3A_1227 = arith.index_cast %get3A_1226 : i32 to index
        %get3A_1228 = arith.index_cast %add3A_1225 : i32 to index
        %get3A_1229 = arith.constant 0 : index
        %get3A_1230 = tpu.vector_load %arg6[%get3A_1227, %get3A_1228, %get3A_1229] {strides = array<i32>} : memref<2x1024x32xf32, #tpu.memory_space<vmem>>, vector<16xf32>,
        %scatter3A_1231 = arith.constant 0 : i32
        %scatter3A_1232 = arith.constant 0 : i32
        %scatter3A_1233 = arith.constant 0 : i32
        %scatter3A_1234 = arith.constant 0 : i32
        %scatter3A_1235 = tpu.memref_slice %arg7[%scatter3A_1231, %scatter3A_1232, %scatter3A_1233, %scatter3A_1234] : memref<2x4x8x128xf32, #tpu.memory_space<vmem>> -> memref<1x4x8x128xf32, #tpu.memory_space<vmem>>
        %scatter3A_1236 = tpu.memref_squeeze %scatter3A_1235 : memref<1x4x8x128xf32, #tpu.memory_space<vmem>> -> memref<4x8x128xf32, #tpu.memory_space<vmem>>
        tpu.vector_store_idx %scatter3A_1236[%shift_right_logical3A_6, %and3A_11, %broadcast_in_dim3A_1223], %get3A_1230 : memref<4x8x128xf32, #tpu.memory_space<vmem>>[vector<16xi32>, vector<16xi32>, vector<16xi32>], vector<16xf32>,
        %add3A_1237 = arith.constant 768 : i32
        %add3A_1238 = arith.addi %add3A_1237, %scan3A_1222 : i32
        %get3A_1239 = arith.constant 1 : i32
        %get3A_1240 = arith.index_cast %get3A_1239 : i32 to index
        %get3A_1241 = arith.index_cast %add3A_1238 : i32 to index
        %get3A_1242 = arith.constant 16 : index
        %get3A_1243 = tpu.vector_load %arg6[%get3A_1240, %get3A_1241, %get3A_1242] {strides = array<i32>} : memref<2x1024x32xf32, #tpu.memory_space<vmem>>, vector<16xf32>,
        %scatter3A_1244 = arith.constant 0 : i32
        %scatter3A_1245 = arith.constant 0 : i32
        %scatter3A_1246 = arith.constant 0 : i32
        %scatter3A_1247 = arith.constant 0 : i32
        %scatter3A_1248 = tpu.memref_slice %arg7[%scatter3A_1244, %scatter3A_1245, %scatter3A_1246, %scatter3A_1247] : memref<2x4x8x128xf32, #tpu.memory_space<vmem>> -> memref<1x4x8x128xf32, #tpu.memory_space<vmem>>
        %scatter3A_1249 = tpu.memref_squeeze %scatter3A_1248 : memref<1x4x8x128xf32, #tpu.memory_space<vmem>> -> memref<4x8x128xf32, #tpu.memory_space<vmem>>
        tpu.vector_store_idx %scatter3A_1249[%add3A_9, %and3A_11, %broadcast_in_dim3A_1223], %get3A_1243 : memref<4x8x128xf32, #tpu.memory_space<vmem>>[vector<16xi32>, vector<16xi32>, vector<16xi32>], vector<16xf32>,
        %scan3A_1250 = arith.constant 3 : i32
        %scan3A_1251 = arith.addi %scan3A_1167, %scan3A_1250 : i32
        %broadcast_in_dim3A_1252 = vector.broadcast %scan3A_1251 : i32 to vector<16xi32>
        %add3A_1253 = arith.constant 768 : i32
        %add3A_1254 = arith.addi %add3A_1253, %scan3A_1251 : i32
        %get3A_1255 = arith.constant 1 : i32
        %get3A_1256 = arith.index_cast %get3A_1255 : i32 to index
        %get3A_1257 = arith.index_cast %add3A_1254 : i32 to index
        %get3A_1258 = arith.constant 0 : index
        %get3A_1259 = tpu.vector_load %arg6[%get3A_1256, %get3A_1257, %get3A_1258] {strides = array<i32>} : memref<2x1024x32xf32, #tpu.memory_space<vmem>>, vector<16xf32>,
        %scatter3A_1260 = arith.constant 0 : i32
        %scatter3A_1261 = arith.constant 0 : i32
        %scatter3A_1262 = arith.constant 0 : i32
        %scatter3A_1263 = arith.constant 0 : i32
        %scatter3A_1264 = tpu.memref_slice %arg7[%scatter3A_1260, %scatter3A_1261, %scatter3A_1262, %scatter3A_1263] : memref<2x4x8x128xf32, #tpu.memory_space<vmem>> -> memref<1x4x8x128xf32, #tpu.memory_space<vmem>>
        %scatter3A_1265 = tpu.memref_squeeze %scatter3A_1264 : memref<1x4x8x128xf32, #tpu.memory_space<vmem>> -> memref<4x8x128xf32, #tpu.memory_space<vmem>>
        tpu.vector_store_idx %scatter3A_1265[%shift_right_logical3A_6, %and3A_11, %broadcast_in_dim3A_1252], %get3A_1259 : memref<4x8x128xf32, #tpu.memory_space<vmem>>[vector<16xi32>, vector<16xi32>, vector<16xi32>], vector<16xf32>,
        %add3A_1266 = arith.constant 768 : i32
        %add3A_1267 = arith.addi %add3A_1266, %scan3A_1251 : i32
        %get3A_1268 = arith.constant 1 : i32
        %get3A_1269 = arith.index_cast %get3A_1268 : i32 to index
        %get3A_1270 = arith.index_cast %add3A_1267 : i32 to index
        %get3A_1271 = arith.constant 16 : index
        %get3A_1272 = tpu.vector_load %arg6[%get3A_1269, %get3A_1270, %get3A_1271] {strides = array<i32>} : memref<2x1024x32xf32, #tpu.memory_space<vmem>>, vector<16xf32>,
        %scatter3A_1273 = arith.constant 0 : i32
        %scatter3A_1274 = arith.constant 0 : i32
        %scatter3A_1275 = arith.constant 0 : i32
        %scatter3A_1276 = arith.constant 0 : i32
        %scatter3A_1277 = tpu.memref_slice %arg7[%scatter3A_1273, %scatter3A_1274, %scatter3A_1275, %scatter3A_1276] : memref<2x4x8x128xf32, #tpu.memory_space<vmem>> -> memref<1x4x8x128xf32, #tpu.memory_space<vmem>>
        %scatter3A_1278 = tpu.memref_squeeze %scatter3A_1277 : memref<1x4x8x128xf32, #tpu.memory_space<vmem>> -> memref<4x8x128xf32, #tpu.memory_space<vmem>>
        tpu.vector_store_idx %scatter3A_1278[%add3A_9, %and3A_11, %broadcast_in_dim3A_1252], %get3A_1272 : memref<4x8x128xf32, #tpu.memory_space<vmem>>[vector<16xi32>, vector<16xi32>, vector<16xi32>], vector<16xf32>,
      }
      %scan3A_1055 = arith.constant 128 : i32
      %add3A_1056 = arith.addi %mul3A_4, %add3A_1044 : i32
      %jit3A_1057 = arith.constant 128 : i32
      %div3A_1058 = arith.divsi %add3A_1056, %jit3A_1057 : i32
      %sign3A_1059 = arith.constant 0 : i32
      %sign3A_1060 = arith.cmpi sgt, %add3A_1056, %sign3A_1059 : i32
      %sign3A_1061 = arith.extui %sign3A_1060 : i1 to i32
      %sign3A_1062 = arith.constant 0 : i32
      %sign3A_1063 = arith.cmpi slt, %add3A_1056, %sign3A_1062 : i32
      %sign3A_1064 = arith.extui %sign3A_1063 : i1 to i32
      %sign3A_1065 = arith.subi %sign3A_1061, %sign3A_1064 : i32
      %sign3A_1066 = arith.constant 0 : i32
      %sign3A_1067 = arith.cmpi sgt, %jit3A_1057, %sign3A_1066 : i32
      %sign3A_1068 = arith.extui %sign3A_1067 : i1 to i32
      %sign3A_1069 = arith.constant 0 : i32
      %sign3A_1070 = arith.cmpi slt, %jit3A_1057, %sign3A_1069 : i32
      %sign3A_1071 = arith.extui %sign3A_1070 : i1 to i32
      %sign3A_1072 = arith.subi %sign3A_1068, %sign3A_1071 : i32
      %ne3A_1073 = arith.cmpi ne, %sign3A_1065, %sign3A_1072 : i32
      %rem3A_1074 = arith.remsi %add3A_1056, %jit3A_1057 : i32
      %ne3A_1075 = arith.constant 0 : i32
      %ne3A_1076 = arith.cmpi ne, %rem3A_1074, %ne3A_1075 : i32
      %and3A_1077 = arith.andi %ne3A_1073, %ne3A_1076 : i1
      %sub3A_1078 = arith.constant 1 : i32
      %sub3A_1079 = arith.subi %div3A_1058, %sub3A_1078 : i32
      %select_n3A_1080 = arith.select %and3A_1077, %sub3A_1079, %div3A_1058 : i32
      %rem3A_1081 = arith.constant 128 : i32
      %rem3A_1082 = arith.remsi %add3A_1056, %rem3A_1081 : i32
      %dma_start3A_1083 = arith.constant 0 : i32
      %dma_start3A_1084 = arith.constant 0 : i32
      %dma_start3A_1085 = arith.constant 0 : i32
      %dma_start3A_1086 = arith.constant 0 : i32
      %dma_start3A_1087 = tpu.memref_slice %arg7[%dma_start3A_1083, %dma_start3A_1084, %dma_start3A_1085, %dma_start3A_1086] : memref<2x4x8x128xf32, #tpu.memory_space<vmem>> -> memref<1x4x8x128xf32, #tpu.memory_space<vmem>>
      %dma_start3A_1088 = tpu.memref_squeeze %dma_start3A_1087 : memref<1x4x8x128xf32, #tpu.memory_space<vmem>> -> memref<4x8x128xf32, #tpu.memory_space<vmem>>
      %dma_start3A_1089 = arith.constant 0 : i32
      %dma_start3A_1090 = arith.constant 0 : i32
      %dma_start3A_1091 = arith.constant 0 : i32
      %dma_start3A_1092 = tpu.memref_slice %arg4[%select_n3A_1080, %dma_start3A_1089, %rem3A_1082, %dma_start3A_1090, %dma_start3A_1091] : memref<100x4x128x8x128xf32, #tpu.memory_space<hbm>> -> memref<1x4x1x8x128xf32, #tpu.memory_space<hbm>>
      %dma_start3A_1093 = tpu.memref_squeeze %dma_start3A_1092 : memref<1x4x1x8x128xf32, #tpu.memory_space<hbm>> -> memref<4x8x128xf32, #tpu.memory_space<hbm>>
      %dma_start3A_1094 = arith.constant 0 : i32
      %dma_start3A_1095 = arith.constant 0 : i32
      %dma_start3A_1096 = arith.constant 0 : i32
      %dma_start3A_1097 = tpu.memref_slice %arg4[%select_n3A_1080, %dma_start3A_1094, %rem3A_1082, %dma_start3A_1095, %dma_start3A_1096] : memref<100x4x128x8x128xf32, #tpu.memory_space<hbm>> -> memref<1x4x1x8x128xf32, #tpu.memory_space<hbm>>
      %dma_start3A_1098 = tpu.memref_squeeze %dma_start3A_1097 : memref<1x4x1x8x128xf32, #tpu.memory_space<hbm>> -> memref<4x8x128xf32, #tpu.memory_space<hbm>>
      %dma_start3A_1099 = arith.constant 0 : i32
      %dma_start3A_1100 = arith.constant 0 : i32
      %dma_start3A_1101 = arith.constant 0 : i32
      %dma_start3A_1102 = tpu.memref_slice %arg7[%dma_start3A_1083, %dma_start3A_1099, %dma_start3A_1100, %dma_start3A_1101] : memref<2x4x8x128xf32, #tpu.memory_space<vmem>> -> memref<1x4x8x128xf32, #tpu.memory_space<vmem>>
      %dma_start3A_1103 = tpu.memref_squeeze %dma_start3A_1102 : memref<1x4x8x128xf32, #tpu.memory_space<vmem>> -> memref<4x8x128xf32, #tpu.memory_space<vmem>>
      tpu.enqueue_dma source(%dma_start3A_1103 : memref<4x8x128xf32, #tpu.memory_space<vmem>>) target(%dma_start3A_1098 : memref<4x8x128xf32, #tpu.memory_space<hbm>>) target_semaphore(%arg10 : memref<!tpu.dma_semaphore, #tpu.memory_space<semaphore_mem>>)
      %mul3A_1104 = arith.constant 8 : i32
      %mul3A_1105 = arith.muli %add3A_645, %mul3A_1104 : i32
      %add3A_1106 = arith.constant 7 : i32
      %add3A_1107 = arith.addi %mul3A_1105, %add3A_1106 : i32
      %ge3A_1108 = arith.constant 2 : i32
      %ge3A_1109 = arith.cmpi sge, %add3A_1107, %ge3A_1108 : i32
      %convert_element_type3A_1110 = arith.extui %ge3A_1109 : i1 to i32
      %cond3A_1111 = arith.constant 0 : i32
      %cond3A_1112 = arith.cmpi ne, %convert_element_type3A_1110, %cond3A_1111 : i32
      scf.if %cond3A_1112 {
        %add3A_1167 = arith.addi %mul3A_4, %add3A_1107 : i32
        %sub3A_1168 = arith.constant 2 : i32
        %sub3A_1169 = arith.subi %add3A_1167, %sub3A_1168 : i32
        %jit3A_1170 = arith.constant 128 : i32
        %div3A_1171 = arith.divsi %sub3A_1169, %jit3A_1170 : i32
        %sign3A_1172 = arith.constant 0 : i32
        %sign3A_1173 = arith.cmpi sgt, %sub3A_1169, %sign3A_1172 : i32
        %sign3A_1174 = arith.extui %sign3A_1173 : i1 to i32
        %sign3A_1175 = arith.constant 0 : i32
        %sign3A_1176 = arith.cmpi slt, %sub3A_1169, %sign3A_1175 : i32
        %sign3A_1177 = arith.extui %sign3A_1176 : i1 to i32
        %sign3A_1178 = arith.subi %sign3A_1174, %sign3A_1177 : i32
        %sign3A_1179 = arith.constant 0 : i32
        %sign3A_1180 = arith.cmpi sgt, %jit3A_1170, %sign3A_1179 : i32
        %sign3A_1181 = arith.extui %sign3A_1180 : i1 to i32
        %sign3A_1182 = arith.constant 0 : i32
        %sign3A_1183 = arith.cmpi slt, %jit3A_1170, %sign3A_1182 : i32
        %sign3A_1184 = arith.extui %sign3A_1183 : i1 to i32
        %sign3A_1185 = arith.subi %sign3A_1181, %sign3A_1184 : i32
        %ne3A_1186 = arith.cmpi ne, %sign3A_1178, %sign3A_1185 : i32
        %rem3A_1187 = arith.remsi %sub3A_1169, %jit3A_1170 : i32
        %ne3A_1188 = arith.constant 0 : i32
        %ne3A_1189 = arith.cmpi ne, %rem3A_1187, %ne3A_1188 : i32
        %and3A_1190 = arith.andi %ne3A_1186, %ne3A_1189 : i1
        %sub3A_1191 = arith.constant 1 : i32
        %sub3A_1192 = arith.subi %div3A_1171, %sub3A_1191 : i32
        %select_n3A_1193 = arith.select %and3A_1190, %sub3A_1192, %div3A_1171 : i32
        %rem3A_1194 = arith.constant 128 : i32
        %rem3A_1195 = arith.remsi %sub3A_1169, %rem3A_1194 : i32
        %dma_wait3A_1196 = arith.constant 1 : i32
        %dma_wait3A_1197 = arith.constant 0 : i32
        %dma_wait3A_1198 = arith.constant 0 : i32
        %dma_wait3A_1199 = arith.constant 0 : i32
        %dma_wait3A_1200 = tpu.memref_slice %arg7[%dma_wait3A_1196, %dma_wait3A_1197, %dma_wait3A_1198, %dma_wait3A_1199] : memref<2x4x8x128xf32, #tpu.memory_space<vmem>> -> memref<1x4x8x128xf32, #tpu.memory_space<vmem>>
        %dma_wait3A_1201 = tpu.memref_squeeze %dma_wait3A_1200 : memref<1x4x8x128xf32, #tpu.memory_space<vmem>> -> memref<4x8x128xf32, #tpu.memory_space<vmem>>
        %dma_wait3A_1202 = arith.constant 0 : i32
        %dma_wait3A_1203 = arith.constant 0 : i32
        %dma_wait3A_1204 = arith.constant 0 : i32
        %dma_wait3A_1205 = tpu.memref_slice %arg4[%select_n3A_1193, %dma_wait3A_1202, %rem3A_1195, %dma_wait3A_1203, %dma_wait3A_1204] : memref<100x4x128x8x128xf32, #tpu.memory_space<hbm>> -> memref<1x4x1x8x128xf32, #tpu.memory_space<hbm>>
        %dma_wait3A_1206 = tpu.memref_squeeze %dma_wait3A_1205 : memref<1x4x1x8x128xf32, #tpu.memory_space<hbm>> -> memref<4x8x128xf32, #tpu.memory_space<hbm>>
        %dma_wait3A_1207 = arith.constant 0 : i32
        %dma_wait3A_1208 = arith.constant 0 : i32
        %dma_wait3A_1209 = arith.constant 0 : i32
        %dma_wait3A_1210 = tpu.memref_slice %arg4[%select_n3A_1193, %dma_wait3A_1207, %rem3A_1195, %dma_wait3A_1208, %dma_wait3A_1209] : memref<100x4x128x8x128xf32, #tpu.memory_space<hbm>> -> memref<1x4x1x8x128xf32, #tpu.memory_space<hbm>>
        %dma_wait3A_1211 = tpu.memref_squeeze %dma_wait3A_1210 : memref<1x4x1x8x128xf32, #tpu.memory_space<hbm>> -> memref<4x8x128xf32, #tpu.memory_space<hbm>>
        %dma_wait3A_1212 = arith.constant 0 : i32
        %dma_wait3A_1213 = arith.constant 0 : i32
        %dma_wait3A_1214 = arith.constant 0 : i32
        %dma_wait3A_1215 = tpu.memref_slice %arg7[%dma_wait3A_1196, %dma_wait3A_1212, %dma_wait3A_1213, %dma_wait3A_1214] : memref<2x4x8x128xf32, #tpu.memory_space<vmem>> -> memref<1x4x8x128xf32, #tpu.memory_space<vmem>>
        %dma_wait3A_1216 = tpu.memref_squeeze %dma_wait3A_1215 : memref<1x4x8x128xf32, #tpu.memory_space<vmem>> -> memref<4x8x128xf32, #tpu.memory_space<vmem>>
        tpu.wait_dma2 semaphore(%arg11 : memref<!tpu.dma_semaphore, #tpu.memory_space<semaphore_mem>>) src(%dma_wait3A_1216 : memref<4x8x128xf32, #tpu.memory_space<vmem>>) dst(%dma_wait3A_1211 : memref<4x8x128xf32, #tpu.memory_space<hbm>>)
      } else {
      }
      %scan3A_1113 = arith.constant 0 : i32
      %scan3A_1114 = arith.constant 0 : i32
      %scan3A_1115 = arith.constant 128 : i32
      %scan3A_1116 = arith.addi %scan3A_1114, %scan3A_1115 : i32
      %scan3A_1117 = arith.constant 4 : i32
      scf.for %scan3A_1167 = %scan3A_1114 to %scan3A_1116 step %scan3A_1117  : i32 {
        %broadcast_in_dim3A = vector.broadcast %scan3A_1167 : i32 to vector<16xi32>
        %add3A_1168 = arith.constant 896 : i32
        %add3A_1169 = arith.addi %add3A_1168, %scan3A_1167 : i32
        %get3A = arith.constant 1 : i32
        %get3A_1170 = arith.index_cast %get3A : i32 to index
        %get3A_1171 = arith.index_cast %add3A_1169 : i32 to index
        %get3A_1172 = arith.constant 0 : index
        %get3A_1173 = tpu.vector_load %arg6[%get3A_1170, %get3A_1171, %get3A_1172] {strides = array<i32>} : memref<2x1024x32xf32, #tpu.memory_space<vmem>>, vector<16xf32>,
        %scatter3A = arith.constant 1 : i32
        %scatter3A_1174 = arith.constant 0 : i32
        %scatter3A_1175 = arith.constant 0 : i32
        %scatter3A_1176 = arith.constant 0 : i32
        %scatter3A_1177 = tpu.memref_slice %arg7[%scatter3A, %scatter3A_1174, %scatter3A_1175, %scatter3A_1176] : memref<2x4x8x128xf32, #tpu.memory_space<vmem>> -> memref<1x4x8x128xf32, #tpu.memory_space<vmem>>
        %scatter3A_1178 = tpu.memref_squeeze %scatter3A_1177 : memref<1x4x8x128xf32, #tpu.memory_space<vmem>> -> memref<4x8x128xf32, #tpu.memory_space<vmem>>
        tpu.vector_store_idx %scatter3A_1178[%shift_right_logical3A_6, %and3A_11, %broadcast_in_dim3A], %get3A_1173 : memref<4x8x128xf32, #tpu.memory_space<vmem>>[vector<16xi32>, vector<16xi32>, vector<16xi32>], vector<16xf32>,
        %add3A_1179 = arith.constant 896 : i32
        %add3A_1180 = arith.addi %add3A_1179, %scan3A_1167 : i32
        %get3A_1181 = arith.constant 1 : i32
        %get3A_1182 = arith.index_cast %get3A_1181 : i32 to index
        %get3A_1183 = arith.index_cast %add3A_1180 : i32 to index
        %get3A_1184 = arith.constant 16 : index
        %get3A_1185 = tpu.vector_load %arg6[%get3A_1182, %get3A_1183, %get3A_1184] {strides = array<i32>} : memref<2x1024x32xf32, #tpu.memory_space<vmem>>, vector<16xf32>,
        %scatter3A_1186 = arith.constant 1 : i32
        %scatter3A_1187 = arith.constant 0 : i32
        %scatter3A_1188 = arith.constant 0 : i32
        %scatter3A_1189 = arith.constant 0 : i32
        %scatter3A_1190 = tpu.memref_slice %arg7[%scatter3A_1186, %scatter3A_1187, %scatter3A_1188, %scatter3A_1189] : memref<2x4x8x128xf32, #tpu.memory_space<vmem>> -> memref<1x4x8x128xf32, #tpu.memory_space<vmem>>
        %scatter3A_1191 = tpu.memref_squeeze %scatter3A_1190 : memref<1x4x8x128xf32, #tpu.memory_space<vmem>> -> memref<4x8x128xf32, #tpu.memory_space<vmem>>
        tpu.vector_store_idx %scatter3A_1191[%add3A_9, %and3A_11, %broadcast_in_dim3A], %get3A_1185 : memref<4x8x128xf32, #tpu.memory_space<vmem>>[vector<16xi32>, vector<16xi32>, vector<16xi32>], vector<16xf32>,
        %scan3A_1192 = arith.constant 1 : i32
        %scan3A_1193 = arith.addi %scan3A_1167, %scan3A_1192 : i32
        %broadcast_in_dim3A_1194 = vector.broadcast %scan3A_1193 : i32 to vector<16xi32>
        %add3A_1195 = arith.constant 896 : i32
        %add3A_1196 = arith.addi %add3A_1195, %scan3A_1193 : i32
        %get3A_1197 = arith.constant 1 : i32
        %get3A_1198 = arith.index_cast %get3A_1197 : i32 to index
        %get3A_1199 = arith.index_cast %add3A_1196 : i32 to index
        %get3A_1200 = arith.constant 0 : index
        %get3A_1201 = tpu.vector_load %arg6[%get3A_1198, %get3A_1199, %get3A_1200] {strides = array<i32>} : memref<2x1024x32xf32, #tpu.memory_space<vmem>>, vector<16xf32>,
        %scatter3A_1202 = arith.constant 1 : i32
        %scatter3A_1203 = arith.constant 0 : i32
        %scatter3A_1204 = arith.constant 0 : i32
        %scatter3A_1205 = arith.constant 0 : i32
        %scatter3A_1206 = tpu.memref_slice %arg7[%scatter3A_1202, %scatter3A_1203, %scatter3A_1204, %scatter3A_1205] : memref<2x4x8x128xf32, #tpu.memory_space<vmem>> -> memref<1x4x8x128xf32, #tpu.memory_space<vmem>>
        %scatter3A_1207 = tpu.memref_squeeze %scatter3A_1206 : memref<1x4x8x128xf32, #tpu.memory_space<vmem>> -> memref<4x8x128xf32, #tpu.memory_space<vmem>>
        tpu.vector_store_idx %scatter3A_1207[%shift_right_logical3A_6, %and3A_11, %broadcast_in_dim3A_1194], %get3A_1201 : memref<4x8x128xf32, #tpu.memory_space<vmem>>[vector<16xi32>, vector<16xi32>, vector<16xi32>], vector<16xf32>,
        %add3A_1208 = arith.constant 896 : i32
        %add3A_1209 = arith.addi %add3A_1208, %scan3A_1193 : i32
        %get3A_1210 = arith.constant 1 : i32
        %get3A_1211 = arith.index_cast %get3A_1210 : i32 to index
        %get3A_1212 = arith.index_cast %add3A_1209 : i32 to index
        %get3A_1213 = arith.constant 16 : index
        %get3A_1214 = tpu.vector_load %arg6[%get3A_1211, %get3A_1212, %get3A_1213] {strides = array<i32>} : memref<2x1024x32xf32, #tpu.memory_space<vmem>>, vector<16xf32>,
        %scatter3A_1215 = arith.constant 1 : i32
        %scatter3A_1216 = arith.constant 0 : i32
        %scatter3A_1217 = arith.constant 0 : i32
        %scatter3A_1218 = arith.constant 0 : i32
        %scatter3A_1219 = tpu.memref_slice %arg7[%scatter3A_1215, %scatter3A_1216, %scatter3A_1217, %scatter3A_1218] : memref<2x4x8x128xf32, #tpu.memory_space<vmem>> -> memref<1x4x8x128xf32, #tpu.memory_space<vmem>>
        %scatter3A_1220 = tpu.memref_squeeze %scatter3A_1219 : memref<1x4x8x128xf32, #tpu.memory_space<vmem>> -> memref<4x8x128xf32, #tpu.memory_space<vmem>>
        tpu.vector_store_idx %scatter3A_1220[%add3A_9, %and3A_11, %broadcast_in_dim3A_1194], %get3A_1214 : memref<4x8x128xf32, #tpu.memory_space<vmem>>[vector<16xi32>, vector<16xi32>, vector<16xi32>], vector<16xf32>,
        %scan3A_1221 = arith.constant 2 : i32
        %scan3A_1222 = arith.addi %scan3A_1167, %scan3A_1221 : i32
        %broadcast_in_dim3A_1223 = vector.broadcast %scan3A_1222 : i32 to vector<16xi32>
        %add3A_1224 = arith.constant 896 : i32
        %add3A_1225 = arith.addi %add3A_1224, %scan3A_1222 : i32
        %get3A_1226 = arith.constant 1 : i32
        %get3A_1227 = arith.index_cast %get3A_1226 : i32 to index
        %get3A_1228 = arith.index_cast %add3A_1225 : i32 to index
        %get3A_1229 = arith.constant 0 : index
        %get3A_1230 = tpu.vector_load %arg6[%get3A_1227, %get3A_1228, %get3A_1229] {strides = array<i32>} : memref<2x1024x32xf32, #tpu.memory_space<vmem>>, vector<16xf32>,
        %scatter3A_1231 = arith.constant 1 : i32
        %scatter3A_1232 = arith.constant 0 : i32
        %scatter3A_1233 = arith.constant 0 : i32
        %scatter3A_1234 = arith.constant 0 : i32
        %scatter3A_1235 = tpu.memref_slice %arg7[%scatter3A_1231, %scatter3A_1232, %scatter3A_1233, %scatter3A_1234] : memref<2x4x8x128xf32, #tpu.memory_space<vmem>> -> memref<1x4x8x128xf32, #tpu.memory_space<vmem>>
        %scatter3A_1236 = tpu.memref_squeeze %scatter3A_1235 : memref<1x4x8x128xf32, #tpu.memory_space<vmem>> -> memref<4x8x128xf32, #tpu.memory_space<vmem>>
        tpu.vector_store_idx %scatter3A_1236[%shift_right_logical3A_6, %and3A_11, %broadcast_in_dim3A_1223], %get3A_1230 : memref<4x8x128xf32, #tpu.memory_space<vmem>>[vector<16xi32>, vector<16xi32>, vector<16xi32>], vector<16xf32>,
        %add3A_1237 = arith.constant 896 : i32
        %add3A_1238 = arith.addi %add3A_1237, %scan3A_1222 : i32
        %get3A_1239 = arith.constant 1 : i32
        %get3A_1240 = arith.index_cast %get3A_1239 : i32 to index
        %get3A_1241 = arith.index_cast %add3A_1238 : i32 to index
        %get3A_1242 = arith.constant 16 : index
        %get3A_1243 = tpu.vector_load %arg6[%get3A_1240, %get3A_1241, %get3A_1242] {strides = array<i32>} : memref<2x1024x32xf32, #tpu.memory_space<vmem>>, vector<16xf32>,
        %scatter3A_1244 = arith.constant 1 : i32
        %scatter3A_1245 = arith.constant 0 : i32
        %scatter3A_1246 = arith.constant 0 : i32
        %scatter3A_1247 = arith.constant 0 : i32
        %scatter3A_1248 = tpu.memref_slice %arg7[%scatter3A_1244, %scatter3A_1245, %scatter3A_1246, %scatter3A_1247] : memref<2x4x8x128xf32, #tpu.memory_space<vmem>> -> memref<1x4x8x128xf32, #tpu.memory_space<vmem>>
        %scatter3A_1249 = tpu.memref_squeeze %scatter3A_1248 : memref<1x4x8x128xf32, #tpu.memory_space<vmem>> -> memref<4x8x128xf32, #tpu.memory_space<vmem>>
        tpu.vector_store_idx %scatter3A_1249[%add3A_9, %and3A_11, %broadcast_in_dim3A_1223], %get3A_1243 : memref<4x8x128xf32, #tpu.memory_space<vmem>>[vector<16xi32>, vector<16xi32>, vector<16xi32>], vector<16xf32>,
        %scan3A_1250 = arith.constant 3 : i32
        %scan3A_1251 = arith.addi %scan3A_1167, %scan3A_1250 : i32
        %broadcast_in_dim3A_1252 = vector.broadcast %scan3A_1251 : i32 to vector<16xi32>
        %add3A_1253 = arith.constant 896 : i32
        %add3A_1254 = arith.addi %add3A_1253, %scan3A_1251 : i32
        %get3A_1255 = arith.constant 1 : i32
        %get3A_1256 = arith.index_cast %get3A_1255 : i32 to index
        %get3A_1257 = arith.index_cast %add3A_1254 : i32 to index
        %get3A_1258 = arith.constant 0 : index
        %get3A_1259 = tpu.vector_load %arg6[%get3A_1256, %get3A_1257, %get3A_1258] {strides = array<i32>} : memref<2x1024x32xf32, #tpu.memory_space<vmem>>, vector<16xf32>,
        %scatter3A_1260 = arith.constant 1 : i32
        %scatter3A_1261 = arith.constant 0 : i32
        %scatter3A_1262 = arith.constant 0 : i32
        %scatter3A_1263 = arith.constant 0 : i32
        %scatter3A_1264 = tpu.memref_slice %arg7[%scatter3A_1260, %scatter3A_1261, %scatter3A_1262, %scatter3A_1263] : memref<2x4x8x128xf32, #tpu.memory_space<vmem>> -> memref<1x4x8x128xf32, #tpu.memory_space<vmem>>
        %scatter3A_1265 = tpu.memref_squeeze %scatter3A_1264 : memref<1x4x8x128xf32, #tpu.memory_space<vmem>> -> memref<4x8x128xf32, #tpu.memory_space<vmem>>
        tpu.vector_store_idx %scatter3A_1265[%shift_right_logical3A_6, %and3A_11, %broadcast_in_dim3A_1252], %get3A_1259 : memref<4x8x128xf32, #tpu.memory_space<vmem>>[vector<16xi32>, vector<16xi32>, vector<16xi32>], vector<16xf32>,
        %add3A_1266 = arith.constant 896 : i32
        %add3A_1267 = arith.addi %add3A_1266, %scan3A_1251 : i32
        %get3A_1268 = arith.constant 1 : i32
        %get3A_1269 = arith.index_cast %get3A_1268 : i32 to index
        %get3A_1270 = arith.index_cast %add3A_1267 : i32 to index
        %get3A_1271 = arith.constant 16 : index
        %get3A_1272 = tpu.vector_load %arg6[%get3A_1269, %get3A_1270, %get3A_1271] {strides = array<i32>} : memref<2x1024x32xf32, #tpu.memory_space<vmem>>, vector<16xf32>,
        %scatter3A_1273 = arith.constant 1 : i32
        %scatter3A_1274 = arith.constant 0 : i32
        %scatter3A_1275 = arith.constant 0 : i32
        %scatter3A_1276 = arith.constant 0 : i32
        %scatter3A_1277 = tpu.memref_slice %arg7[%scatter3A_1273, %scatter3A_1274, %scatter3A_1275, %scatter3A_1276] : memref<2x4x8x128xf32, #tpu.memory_space<vmem>> -> memref<1x4x8x128xf32, #tpu.memory_space<vmem>>
        %scatter3A_1278 = tpu.memref_squeeze %scatter3A_1277 : memref<1x4x8x128xf32, #tpu.memory_space<vmem>> -> memref<4x8x128xf32, #tpu.memory_space<vmem>>
        tpu.vector_store_idx %scatter3A_1278[%add3A_9, %and3A_11, %broadcast_in_dim3A_1252], %get3A_1272 : memref<4x8x128xf32, #tpu.memory_space<vmem>>[vector<16xi32>, vector<16xi32>, vector<16xi32>], vector<16xf32>,
      }
      %scan3A_1118 = arith.constant 128 : i32
      %add3A_1119 = arith.addi %mul3A_4, %add3A_1107 : i32
      %jit3A_1120 = arith.constant 128 : i32
      %div3A_1121 = arith.divsi %add3A_1119, %jit3A_1120 : i32
      %sign3A_1122 = arith.constant 0 : i32
      %sign3A_1123 = arith.cmpi sgt, %add3A_1119, %sign3A_1122 : i32
      %sign3A_1124 = arith.extui %sign3A_1123 : i1 to i32
      %sign3A_1125 = arith.constant 0 : i32
      %sign3A_1126 = arith.cmpi slt, %add3A_1119, %sign3A_1125 : i32
      %sign3A_1127 = arith.extui %sign3A_1126 : i1 to i32
      %sign3A_1128 = arith.subi %sign3A_1124, %sign3A_1127 : i32
      %sign3A_1129 = arith.constant 0 : i32
      %sign3A_1130 = arith.cmpi sgt, %jit3A_1120, %sign3A_1129 : i32
      %sign3A_1131 = arith.extui %sign3A_1130 : i1 to i32
      %sign3A_1132 = arith.constant 0 : i32
      %sign3A_1133 = arith.cmpi slt, %jit3A_1120, %sign3A_1132 : i32
      %sign3A_1134 = arith.extui %sign3A_1133 : i1 to i32
      %sign3A_1135 = arith.subi %sign3A_1131, %sign3A_1134 : i32
      %ne3A_1136 = arith.cmpi ne, %sign3A_1128, %sign3A_1135 : i32
      %rem3A_1137 = arith.remsi %add3A_1119, %jit3A_1120 : i32
      %ne3A_1138 = arith.constant 0 : i32
      %ne3A_1139 = arith.cmpi ne, %rem3A_1137, %ne3A_1138 : i32
      %and3A_1140 = arith.andi %ne3A_1136, %ne3A_1139 : i1
      %sub3A_1141 = arith.constant 1 : i32
      %sub3A_1142 = arith.subi %div3A_1121, %sub3A_1141 : i32
      %select_n3A_1143 = arith.select %and3A_1140, %sub3A_1142, %div3A_1121 : i32
      %rem3A_1144 = arith.constant 128 : i32
      %rem3A_1145 = arith.remsi %add3A_1119, %rem3A_1144 : i32
      %dma_start3A_1146 = arith.constant 1 : i32
      %dma_start3A_1147 = arith.constant 0 : i32
      %dma_start3A_1148 = arith.constant 0 : i32
      %dma_start3A_1149 = arith.constant 0 : i32
      %dma_start3A_1150 = tpu.memref_slice %arg7[%dma_start3A_1146, %dma_start3A_1147, %dma_start3A_1148, %dma_start3A_1149] : memref<2x4x8x128xf32, #tpu.memory_space<vmem>> -> memref<1x4x8x128xf32, #tpu.memory_space<vmem>>
      %dma_start3A_1151 = tpu.memref_squeeze %dma_start3A_1150 : memref<1x4x8x128xf32, #tpu.memory_space<vmem>> -> memref<4x8x128xf32, #tpu.memory_space<vmem>>
      %dma_start3A_1152 = arith.constant 0 : i32
      %dma_start3A_1153 = arith.constant 0 : i32
      %dma_start3A_1154 = arith.constant 0 : i32
      %dma_start3A_1155 = tpu.memref_slice %arg4[%select_n3A_1143, %dma_start3A_1152, %rem3A_1145, %dma_start3A_1153, %dma_start3A_1154] : memref<100x4x128x8x128xf32, #tpu.memory_space<hbm>> -> memref<1x4x1x8x128xf32, #tpu.memory_space<hbm>>
      %dma_start3A_1156 = tpu.memref_squeeze %dma_start3A_1155 : memref<1x4x1x8x128xf32, #tpu.memory_space<hbm>> -> memref<4x8x128xf32, #tpu.memory_space<hbm>>
      %dma_start3A_1157 = arith.constant 0 : i32
      %dma_start3A_1158 = arith.constant 0 : i32
      %dma_start3A_1159 = arith.constant 0 : i32
      %dma_start3A_1160 = tpu.memref_slice %arg4[%select_n3A_1143, %dma_start3A_1157, %rem3A_1145, %dma_start3A_1158, %dma_start3A_1159] : memref<100x4x128x8x128xf32, #tpu.memory_space<hbm>> -> memref<1x4x1x8x128xf32, #tpu.memory_space<hbm>>
      %dma_start3A_1161 = tpu.memref_squeeze %dma_start3A_1160 : memref<1x4x1x8x128xf32, #tpu.memory_space<hbm>> -> memref<4x8x128xf32, #tpu.memory_space<hbm>>
      %dma_start3A_1162 = arith.constant 0 : i32
      %dma_start3A_1163 = arith.constant 0 : i32
      %dma_start3A_1164 = arith.constant 0 : i32
      %dma_start3A_1165 = tpu.memref_slice %arg7[%dma_start3A_1146, %dma_start3A_1162, %dma_start3A_1163, %dma_start3A_1164] : memref<2x4x8x128xf32, #tpu.memory_space<vmem>> -> memref<1x4x8x128xf32, #tpu.memory_space<vmem>>
      %dma_start3A_1166 = tpu.memref_squeeze %dma_start3A_1165 : memref<1x4x8x128xf32, #tpu.memory_space<vmem>> -> memref<4x8x128xf32, #tpu.memory_space<vmem>>
      tpu.enqueue_dma source(%dma_start3A_1166 : memref<4x8x128xf32, #tpu.memory_space<vmem>>) target(%dma_start3A_1161 : memref<4x8x128xf32, #tpu.memory_space<hbm>>) target_semaphore(%arg11 : memref<!tpu.dma_semaphore, #tpu.memory_space<semaphore_mem>>)
    }
    %scan3A_25 = arith.constant 25 : i32
    %add3A_26 = arith.constant 400 : i32
    %add3A_27 = arith.addi %mul3A_4, %add3A_26 : i32
    %sub3A = arith.constant 2 : i32
    %sub3A_28 = arith.subi %add3A_27, %sub3A : i32
    %jit3A = arith.constant 128 : i32
    %div3A = arith.divsi %sub3A_28, %jit3A : i32
    %sign3A = arith.constant 0 : i32
    %sign3A_29 = arith.cmpi sgt, %sub3A_28, %sign3A : i32
    %sign3A_30 = arith.extui %sign3A_29 : i1 to i32
    %sign3A_31 = arith.constant 0 : i32
    %sign3A_32 = arith.cmpi slt, %sub3A_28, %sign3A_31 : i32
    %sign3A_33 = arith.extui %sign3A_32 : i1 to i32
    %sign3A_34 = arith.subi %sign3A_30, %sign3A_33 : i32
    %sign3A_35 = arith.constant 0 : i32
    %sign3A_36 = arith.cmpi sgt, %jit3A, %sign3A_35 : i32
    %sign3A_37 = arith.extui %sign3A_36 : i1 to i32
    %sign3A_38 = arith.constant 0 : i32
    %sign3A_39 = arith.cmpi slt, %jit3A, %sign3A_38 : i32
    %sign3A_40 = arith.extui %sign3A_39 : i1 to i32
    %sign3A_41 = arith.subi %sign3A_37, %sign3A_40 : i32
    %ne3A = arith.cmpi ne, %sign3A_34, %sign3A_41 : i32
    %rem3A = arith.remsi %sub3A_28, %jit3A : i32
    %ne3A_42 = arith.constant 0 : i32
    %ne3A_43 = arith.cmpi ne, %rem3A, %ne3A_42 : i32
    %and3A_44 = arith.andi %ne3A, %ne3A_43 : i1
    %sub3A_45 = arith.constant 1 : i32
    %sub3A_46 = arith.subi %div3A, %sub3A_45 : i32
    %select_n3A = arith.select %and3A_44, %sub3A_46, %div3A : i32
    %rem3A_47 = arith.constant 128 : i32
    %rem3A_48 = arith.remsi %sub3A_28, %rem3A_47 : i32
    %dma_wait3A = arith.constant 0 : i32
    %dma_wait3A_49 = arith.constant 0 : i32
    %dma_wait3A_50 = arith.constant 0 : i32
    %dma_wait3A_51 = arith.constant 0 : i32
    %dma_wait3A_52 = tpu.memref_slice %arg7[%dma_wait3A, %dma_wait3A_49, %dma_wait3A_50, %dma_wait3A_51] : memref<2x4x8x128xf32, #tpu.memory_space<vmem>> -> memref<1x4x8x128xf32, #tpu.memory_space<vmem>>
    %dma_wait3A_53 = tpu.memref_squeeze %dma_wait3A_52 : memref<1x4x8x128xf32, #tpu.memory_space<vmem>> -> memref<4x8x128xf32, #tpu.memory_space<vmem>>
    %dma_wait3A_54 = arith.constant 0 : i32
    %dma_wait3A_55 = arith.constant 0 : i32
    %dma_wait3A_56 = arith.constant 0 : i32
    %dma_wait3A_57 = tpu.memref_slice %arg4[%select_n3A, %dma_wait3A_54, %rem3A_48, %dma_wait3A_55, %dma_wait3A_56] : memref<100x4x128x8x128xf32, #tpu.memory_space<hbm>> -> memref<1x4x1x8x128xf32, #tpu.memory_space<hbm>>
    %dma_wait3A_58 = tpu.memref_squeeze %dma_wait3A_57 : memref<1x4x1x8x128xf32, #tpu.memory_space<hbm>> -> memref<4x8x128xf32, #tpu.memory_space<hbm>>
    %dma_wait3A_59 = arith.constant 0 : i32
    %dma_wait3A_60 = arith.constant 0 : i32
    %dma_wait3A_61 = arith.constant 0 : i32
    %dma_wait3A_62 = tpu.memref_slice %arg4[%select_n3A, %dma_wait3A_59, %rem3A_48, %dma_wait3A_60, %dma_wait3A_61] : memref<100x4x128x8x128xf32, #tpu.memory_space<hbm>> -> memref<1x4x1x8x128xf32, #tpu.memory_space<hbm>>
    %dma_wait3A_63 = tpu.memref_squeeze %dma_wait3A_62 : memref<1x4x1x8x128xf32, #tpu.memory_space<hbm>> -> memref<4x8x128xf32, #tpu.memory_space<hbm>>
    %dma_wait3A_64 = arith.constant 0 : i32
    %dma_wait3A_65 = arith.constant 0 : i32
    %dma_wait3A_66 = arith.constant 0 : i32
    %dma_wait3A_67 = tpu.memref_slice %arg7[%dma_wait3A, %dma_wait3A_64, %dma_wait3A_65, %dma_wait3A_66] : memref<2x4x8x128xf32, #tpu.memory_space<vmem>> -> memref<1x4x8x128xf32, #tpu.memory_space<vmem>>
    %dma_wait3A_68 = tpu.memref_squeeze %dma_wait3A_67 : memref<1x4x8x128xf32, #tpu.memory_space<vmem>> -> memref<4x8x128xf32, #tpu.memory_space<vmem>>
    tpu.wait_dma2 semaphore(%arg10 : memref<!tpu.dma_semaphore, #tpu.memory_space<semaphore_mem>>) src(%dma_wait3A_68 : memref<4x8x128xf32, #tpu.memory_space<vmem>>) dst(%dma_wait3A_63 : memref<4x8x128xf32, #tpu.memory_space<hbm>>)
    %add3A_69 = arith.constant 400 : i32
    %add3A_70 = arith.addi %mul3A_4, %add3A_69 : i32
    %sub3A_71 = arith.constant 1 : i32
    %sub3A_72 = arith.subi %add3A_70, %sub3A_71 : i32
    %jit3A_73 = arith.constant 128 : i32
    %div3A_74 = arith.divsi %sub3A_72, %jit3A_73 : i32
    %sign3A_75 = arith.constant 0 : i32
    %sign3A_76 = arith.cmpi sgt, %sub3A_72, %sign3A_75 : i32
    %sign3A_77 = arith.extui %sign3A_76 : i1 to i32
    %sign3A_78 = arith.constant 0 : i32
    %sign3A_79 = arith.cmpi slt, %sub3A_72, %sign3A_78 : i32
    %sign3A_80 = arith.extui %sign3A_79 : i1 to i32
    %sign3A_81 = arith.subi %sign3A_77, %sign3A_80 : i32
    %sign3A_82 = arith.constant 0 : i32
    %sign3A_83 = arith.cmpi sgt, %jit3A_73, %sign3A_82 : i32
    %sign3A_84 = arith.extui %sign3A_83 : i1 to i32
    %sign3A_85 = arith.constant 0 : i32
    %sign3A_86 = arith.cmpi slt, %jit3A_73, %sign3A_85 : i32
    %sign3A_87 = arith.extui %sign3A_86 : i1 to i32
    %sign3A_88 = arith.subi %sign3A_84, %sign3A_87 : i32
    %ne3A_89 = arith.cmpi ne, %sign3A_81, %sign3A_88 : i32
    %rem3A_90 = arith.remsi %sub3A_72, %jit3A_73 : i32
    %ne3A_91 = arith.constant 0 : i32
    %ne3A_92 = arith.cmpi ne, %rem3A_90, %ne3A_91 : i32
    %and3A_93 = arith.andi %ne3A_89, %ne3A_92 : i1
    %sub3A_94 = arith.constant 1 : i32
    %sub3A_95 = arith.subi %div3A_74, %sub3A_94 : i32
    %select_n3A_96 = arith.select %and3A_93, %sub3A_95, %div3A_74 : i32
    %rem3A_97 = arith.constant 128 : i32
    %rem3A_98 = arith.remsi %sub3A_72, %rem3A_97 : i32
    %dma_wait3A_99 = arith.constant 1 : i32
    %dma_wait3A_100 = arith.constant 0 : i32
    %dma_wait3A_101 = arith.constant 0 : i32
    %dma_wait3A_102 = arith.constant 0 : i32
    %dma_wait3A_103 = tpu.memref_slice %arg7[%dma_wait3A_99, %dma_wait3A_100, %dma_wait3A_101, %dma_wait3A_102] : memref<2x4x8x128xf32, #tpu.memory_space<vmem>> -> memref<1x4x8x128xf32, #tpu.memory_space<vmem>>
    %dma_wait3A_104 = tpu.memref_squeeze %dma_wait3A_103 : memref<1x4x8x128xf32, #tpu.memory_space<vmem>> -> memref<4x8x128xf32, #tpu.memory_space<vmem>>
    %dma_wait3A_105 = arith.constant 0 : i32
    %dma_wait3A_106 = arith.constant 0 : i32
    %dma_wait3A_107 = arith.constant 0 : i32
    %dma_wait3A_108 = tpu.memref_slice %arg4[%select_n3A_96, %dma_wait3A_105, %rem3A_98, %dma_wait3A_106, %dma_wait3A_107] : memref<100x4x128x8x128xf32, #tpu.memory_space<hbm>> -> memref<1x4x1x8x128xf32, #tpu.memory_space<hbm>>
    %dma_wait3A_109 = tpu.memref_squeeze %dma_wait3A_108 : memref<1x4x1x8x128xf32, #tpu.memory_space<hbm>> -> memref<4x8x128xf32, #tpu.memory_space<hbm>>
    %dma_wait3A_110 = arith.constant 0 : i32
    %dma_wait3A_111 = arith.constant 0 : i32
    %dma_wait3A_112 = arith.constant 0 : i32
    %dma_wait3A_113 = tpu.memref_slice %arg4[%select_n3A_96, %dma_wait3A_110, %rem3A_98, %dma_wait3A_111, %dma_wait3A_112] : memref<100x4x128x8x128xf32, #tpu.memory_space<hbm>> -> memref<1x4x1x8x128xf32, #tpu.memory_space<hbm>>
    %dma_wait3A_114 = tpu.memref_squeeze %dma_wait3A_113 : memref<1x4x1x8x128xf32, #tpu.memory_space<hbm>> -> memref<4x8x128xf32, #tpu.memory_space<hbm>>
    %dma_wait3A_115 = arith.constant 0 : i32
    %dma_wait3A_116 = arith.constant 0 : i32
    %dma_wait3A_117 = arith.constant 0 : i32
    %dma_wait3A_118 = tpu.memref_slice %arg7[%dma_wait3A_99, %dma_wait3A_115, %dma_wait3A_116, %dma_wait3A_117] : memref<2x4x8x128xf32, #tpu.memory_space<vmem>> -> memref<1x4x8x128xf32, #tpu.memory_space<vmem>>
    %dma_wait3A_119 = tpu.memref_squeeze %dma_wait3A_118 : memref<1x4x8x128xf32, #tpu.memory_space<vmem>> -> memref<4x8x128xf32, #tpu.memory_space<vmem>>
    tpu.wait_dma2 semaphore(%arg11 : memref<!tpu.dma_semaphore, #tpu.memory_space<semaphore_mem>>) src(%dma_wait3A_119 : memref<4x8x128xf32, #tpu.memory_space<vmem>>) dst(%dma_wait3A_114 : memref<4x8x128xf32, #tpu.memory_space<hbm>>)
    return
  }
}

</mosaic_0001>

<sc_bundles>
// kernel: kernel.3.cloned.1.call-start
scs
__scs_entry_jumppad:
0x0: {  	(pc) =	sbr.rel $0x88, $3  }
0x1: {  	(tag) =	ssettag $0x0;
	lr =	simm.s32 $0x1  }
0x2: {  	[smem:$0x3F9F] =	sst lr;
	_ =	strace $0xD0000000  }
0x3: {  	_ = 	snop  }
0x4: {  	_ = 	snop  }
0x5: {  	_ = 	snop  }
0x6: {  	_ = 	snop  }
0x7: {  	_ = 	snop  }
__scs_overlays_trampoline_lowered:
0x8: {  	[smem:$0x3FAE] =	sst s0  }
0x9: {  	[smem:$0x3FAF] =	sst s1  }
0xa: {  	[smem:$0x3FB0] =	sst s2  }
0xb: {  	[smem:$0x3FB1] =	sst s3  }
0xc: {  	[smem:$0x3FB2] =	sst s4  }
0xd: {  	[smem:$0x3FB3] =	sst s5  }
0xe: {  	[smem:$0x3FB4] =	sst s6  }
0xf: {  	[smem:$0x3FB5] =	sst s7  }
0x10: {  	[smem:$0x3FB6] =	sst s8  }
0x11: {  	[smem:$0x3FB7] =	sst s9;
	s0 =	simm.s32 @!p0 $0x0  }
0x12: {  	s1 =	sld [smem:$0x3F9D];
	s0 =	simm.s32 @p0 $0x1  }
0x13: {  	[smem:$0x3FB8] =	sst s0;
	s0 =	simm.s32 @!p1 $0x0  }
0x14: {  	s2 =	sld [smem:$0x3F9C];
	s0 =	simm.s32 @p1 $0x1  }
0x15: {  	[smem:$0x3FB9] =	sst s0;
	s0 =	simm.s32 @!p2 $0x0  }
0x16: {  	s3 =	sld [smem:$0x3FDB];
	s0 =	simm.s32 @p2 $0x1  }
0x17: {  	s4 =	simm.s32 $0x1BF5;
	[smem:$0x3FBB] =	sst s0  }
0x18: {  	s0 =	sld [smem:$0x3F9E];
	_ =	swait.ge [sflag:s4], $0x0  }
0x19: {  	s7 =	sld [smem:$0x3F9F]  }
0x1a: {  	s8 =	sadd.s32 $0xFFFFE003, lr  }
0x1b: {  	s9 =	sadd.s32 $0xFFFFFEF7, lr;
	s5 =	simm.s32 $0xFFFFFFFF;
	p2 =	slt.u32 s8, $0xFFFFF086  }
0x1c: {  	p1 =	slt.u32 s9, $0xF7A;
	s5 =	simm.s32 @!p2 $0x0  }
0x1d: {  	s5 =	simm.s32 @p1 $0x1;
	p0 =	seq.s32 s7, s2  }
0x1e: {  	s7 =	smul.u32 @!p0 $0xF7A, s2;
	p2 =	seq.s32 @!p0 s5, $0x0  }
0x1f: {  	s9 =	smul.u32 $0xF7A, s1;
	s8 =	simm.s32 @!p0 $0x1BF5;
	p2 =	por !p2, p0  }
0x20: {  	[sflag:s8] =	ssyncset.s32 @!p0 $0xFFFFF086;
	s6 =	sadd.s32 @!p0 s3, s7;
	s7 =	simm.s32 @!p0 $0x108  }
0x21: {  	s3 =	sadd.s32 s3, s9;
	s6 =	sadd.s32 @!p0 $0x88, s6;
	s7 =	simm.s32 @p2 $0x1082  }
0x22: {  	[simem:s7], [sflag:s8] =	dma.local @!p0 [hbm:s6], $0xF7A  }
0x23: {  	s9 =	sor.u32 $0xD0000000, s2;
	s6 =	simm.s32 $0x108;
	_ =	swait.ge @!p0 [sflag:s8], $0x0  }
0x24: {  	s3 =	sadd.s32 $0x88, s3;
	s6 =	simm.s32 @!p1 $0x1082;
	[sflag:s4] =	ssyncset.s32 $0xFFFFF086  }
0x25: {  	[simem:s6], [sflag:s4] =	dma.local [hbm:s3], $0xF7A  }
0x26: {  	[smem:$0x3F9F] =	sst s1;
	(tag) =	ssettag s2;
	_ =	strace s9  }
0x27: {  	s1 =	sld [smem:$0x3FAF]  }
0x28: {  	s2 =	sld [smem:$0x3FB0]  }
0x29: {  	s4 =	sld [smem:$0x3FB2]  }
0x2a: {  	p0 =	seq.s32 s5, $0x0;
	s5 =	sld [smem:$0x3FB3]  }
0x2b: {  	s6 =	sld [smem:$0x3FB4]  }
0x2c: {  	s7 =	sld [smem:$0x3FB5]  }
0x2d: {  	s3 =	simm.s32 $0x108;
	s8 =	sld [smem:$0x3FB6]  }
0x2e: {  	s3 =	simm.s32 @!p0 $0x1082;
	s9 =	sld [smem:$0x3FB7]  }
0x2f: {  	lr =	sadd.s32 s0, s3;
	s0 =	sld [smem:$0x3FAE]  }
0x30: {  	s3 =	sld [smem:$0x3FB1]  }
0x31: {  	[smem:$0x3FBA] =	sst s10  }
0x32: {  	s10 =	sld [smem:$0x3FB8];
	_ =	sdelay $0x3  }
0x33: {  	p0 =	seq.s32 s10, $0x1;
	s10 =	sld [smem:$0x3FBA];
	_ =	sdelay $0x3  }
0x34: {  	[smem:$0x3FBA] =	sst s10  }
0x35: {  	s10 =	sld [smem:$0x3FB9];
	_ =	sdelay $0x3  }
0x36: {  	p1 =	seq.s32 s10, $0x1;
	s10 =	sld [smem:$0x3FBA];
	_ =	sdelay $0x3  }
0x37: {  	[smem:$0x3FBA] =	sst s10  }
0x38: {  	s10 =	sld [smem:$0x3FBB]  }
0x39: {  	_ = 	snop;
	(pc) =	sbr.ind lr, $3  }
0x3a: {  	_ = 	snop  }
0x3b: {  	_ = 	snop  }
0x3c: {  	p2 =	seq.s32 s10, $0x1;
	s10 =	sld [smem:$0x3FBA]  }
0x3d: {  	_ =	shalt  }
0x3e: {  	_ =	shalt  }
0x3f: {  	_ =	shalt  }
0x40: {  	_ =	shalt  }
0x41: {  	_ =	shalt  }
0x42: {  	_ =	shalt  }
0x43: {  	_ =	shalt  }
0x44: {  	_ =	shalt  }
0x45: {  	_ =	shalt  }
0x46: {  	_ =	shalt  }
0x47: {  	_ =	shalt  }
0x48: {  	_ =	shalt  }
0x49: {  	_ =	shalt  }
0x4a: {  	_ =	shalt  }
0x4b: {  	_ =	shalt  }
0x4c: {  	_ =	shalt  }
0x4d: {  	_ =	shalt  }
0x4e: {  	_ =	shalt  }
0x4f: {  	_ =	shalt  }
0x50: {  	_ =	shalt  }
0x51: {  	_ =	shalt  }
0x52: {  	_ =	shalt  }
0x53: {  	_ =	shalt  }
0x54: {  	_ =	shalt  }
0x55: {  	_ =	shalt  }
0x56: {  	_ =	shalt  }
0x57: {  	_ =	shalt  }
0x58: {  	_ =	shalt  }
0x59: {  	_ =	shalt  }
0x5a: {  	_ =	shalt  }
0x5b: {  	_ =	shalt  }
0x5c: {  	_ =	shalt  }
0x5d: {  	_ =	shalt  }
0x5e: {  	_ =	shalt  }
0x5f: {  	_ =	shalt  }
0x60: {  	_ =	shalt  }
0x61: {  	_ =	shalt  }
0x62: {  	_ =	shalt  }
0x63: {  	_ =	shalt  }
0x64: {  	_ =	shalt  }
0x65: {  	_ =	shalt  }
0x66: {  	_ =	shalt  }
0x67: {  	_ =	shalt  }
0x68: {  	_ =	shalt  }
0x69: {  	_ =	shalt  }
0x6a: {  	_ =	shalt  }
0x6b: {  	_ =	shalt  }
0x6c: {  	_ =	shalt  }
0x6d: {  	_ =	shalt  }
0x6e: {  	_ =	shalt  }
0x6f: {  	_ =	shalt  }
0x70: {  	_ =	shalt  }
0x71: {  	_ =	shalt  }
0x72: {  	_ =	shalt  }
0x73: {  	_ =	shalt  }
0x74: {  	_ =	shalt  }
0x75: {  	_ =	shalt  }
0x76: {  	_ =	shalt  }
0x77: {  	_ =	shalt  }
0x78: {  	_ =	shalt  }
0x79: {  	_ =	shalt  }
0x7a: {  	_ =	shalt  }
0x7b: {  	_ =	shalt  }
0x7c: {  	_ =	shalt  }
0x7d: {  	_ =	shalt  }
0x7e: {  	_ =	shalt  }
0x7f: {  	_ =	shalt  }
0x80: {  	_ =	shalt  }
0x81: {  	_ =	shalt  }
0x82: {  	_ =	shalt  }
0x83: {  	_ =	shalt  }
0x84: {  	_ =	shalt  }
0x85: {  	_ =	shalt  }
0x86: {  	_ =	shalt  }
0x87: {  	_ =	shalt  }
.Lfunc_end0:
.L_simem_size_0:
called_computation_lowered:
.L_overlay_start_0:
0x88: {  	s2 =	sld [smem:$0x3FD9]  }
0x89: {  	s3 =	sld [smem:$0x3FFE];
	_ =	sdelay $0x1  }
0x8a: {  	s1 =	srdreg.scid  }
0x8b: {  	s0 =	sand.u32 $0x1, s1  }
0x8c: {  	s17 =	sshll.u32 s0, $0xA;
	s2 =	sadd.s32 s3, s2  }
0x8d: {  	s2 =	sadd.s32 s2, s17  }
0x8e: {  	[smem:$0x3FC6] =	sst s2  }
0x8f: {  	_ = 	snop  }
0x90: {  	s2 =	sld [smem:$0x3FD0];
	(tm) =	ssettm $0x1  }
0x91: {  	s18 =	sld [smem:$0x3FFB];
	_ =	sdelay $0x3  }
0x92: {  	_ =	strace s18  }
0x93: {  	s3 =	sld [smem:$0x3FFC];
	_ =	sdelay $0x3  }
0x94: {  	_ =	strace s3  }
0x95: {  	s3 =	sld [smem:$0x3FFD];
	_ =	sdelay $0x3  }
0x96: {  	_ =	strace s3  }
0x97: {  	_ =	strace $0x8FFFFFFF  }
0x98: {  	s19 =	sld [smem:$0x3FDB];
	_ =	sdelay $0x1  }
0x99: {  	s4 =	simm.s32 $_scs_section_size  }
0x9a: {  	s5 =	simm.s32 $_size__tile_overlayer_lowered;
	s6 =	simm.s32 $_tile_overlayer_lowered  }
0x9b: {  	s22 =	simm.s32 $0x1BFF;
	s21 =	sshll.u32 s6, $0x1;
	s3 =	sadd.s32 s4, s19  }
0x9c: {  	s7 =	simm.s32 $0x0;
	s20 =	sshll.u32 s5, $0x1;
	s5 =	sadd.s32 s21, s3  }
0x9d: {  	[timem:s7], [sflag:s22] =	dma.local [hbm:s5], s20  }
0x9e: {  	_ =	swait.ge [sflag:s22], s20  }
0x9f: {  	s4 =	ssub.s32 $0x0, s20;
	[sflag:s22] =	ssyncset.done $0x0  }
0xa0: {  	[sflag:s22] =	ssyncadd.s32 s4;
	_ =	sdelay $0x1  }
0xa1: {  	s23 =	simm.s32 $0x1B8B  }
0xa2: {  	_ =	swait.ge [sflag:s23], $0x1  }
0xa3: {  	[sflag:s23] =	ssyncset.done $0x0  }
0xa4: {  	s25 =	simm.s32 $0x1B8E;
	s24 =	sld [smem:$0x3FFE];
	[sflag:s23] =	ssyncadd.s32 $0xFFFFFFFF  }
0xa5: {  	s26 =	simm.s32 $execute0_lowered;
	[smem:$0x3FD2] =	sst s25  }
0xa6: {  	s5 =	sshll.u32 s26, $0x1;
	_ =	strace $0x80000046;
	[dreg:$0x1] =	wrdreg $0xFFFFFFFF  }
0xa7: {  	s28 =	simm.s32 $_size_execute0_lowered;
	s3 =	sadd.s32 s3, s5;
	[dreg:$0x0] =	wrdreg $0x0  }
0xa8: {  	s5 =	sshll.u32 s28, $0x1;
	[dreg:$0x2] =	wrdreg s3  }
0xa9: {  	[dreg:$0x3] =	wrdreg s5  }
0xaa: {  	[dreg:$0x4] =	wrdreg $0xC0  }
0xab: {  	_ =	task [dreg:s7], $0x5FFFF  }
0xac: {  	[dreg:$0x1] =	wrdreg $0xFFFFFFFF  }
0xad: {  	[dreg:$0x0] =	wrdreg $0x60  }
0xae: {  	[dreg:$0x2] =	wrdreg s24  }
0xaf: {  	[dreg:$0x3] =	wrdreg s2  }
0xb0: {  	[dreg:$0x4] =	wrdreg $0x9  }
0xb1: {  	_ =	task.clear_ibuf [dreg:s7], $0x5FFFF;
	_ =	strace $0x90000046  }
0xb2: {  	s29 =	simm.s32 $0x9;
	_ =	strace $0x80000048  }
0xb3: {  	_ =	swait.ge [sflag:s29], $0x1  }
0xb4: {  	[sflag:s29] =	ssyncadd.s32 $0xFFFFFFFF  }
0xb5: {  	_ =	strace $0x90000048  }
0xb6: {  	_ =	sfence  }
0xb7: {  	s30 =	sld [smem:$0x0];
	_ =	sdelay $0x2  }
0xb8: {  	s31 =	sshll.u32 s1, $0xD;
	s1 =	sshrl.u32 s1, $0x2  }
0xb9: {  	s3 =	sand.u32 $0x4000, s31;
	s1 =	sadd.s32 s1, s30  }
0xba: {  	s0 =	sor.u32 s3, s0;
	s1 =	sshll.u32 s1, $0x11  }
0xbb: {  	s0 =	sor.u32 s1, s0  }
0xbc: {  	s0 =	sadd.s32 $0x8F2B, s0  }
0xbd: {  	[sflag:s0] =	ssyncadd.remote.s32 $0x1  }
0xbe: {  	_ =	sfence.sel $0xFFFF  }
0xbf: {  	[dreg:$0x0] =	wrdreg $0xFFFFFFFF;
	(pc) =	sbr.abs _section_cstart, $3  }
0xc0: {  	[dreg:$0x1] =	wrdreg $0xFFFFFFFF  }
0xc1: {  	_ =	task.clear_ibuf [dreg:s7], $0x2FFFF;
	_ =	strace $0x9FFFFFFF  }
0xc2: {  	(tm) =	ssettm $0x7FFFFFFF  }
0xc3: {  	_ =	shalt  }
tec
execute0_lowered:
.L_overlay_start_1:
0x0: {  	(tag) =	ssettag $0x1  }
0x1: {  	s4 =	rddreg [dreg:$0x0];
	s1 =	srdreg.scid  }
0x2: {  	s0 =	stileid.u32;
	s2 =	rddreg [dreg:$0x1];
	s3 =	simm.s32 $0x0  }
0x3: {  	s9 =	simm.s32 $0x400;
	s10 =	simm.s32 $0xC800;
	s11 =	simm.s32 $0x1  }
0x4: {  	s12 =	simm.s32 $0x14800;
	s13 =	simm.s32 $0x1C800;
	s14 =	simm.s32 $0x20000  }
0x5: {  	s15 =	simm.s32 $0x1D800;
	s16 =	simm.s32 $0x3;
	s17 =	simm.s32 $0x4  }
0x6: {  	s18 =	simm.s32 $0x2;
	s5 =	sand.u32 $0x1, s1;
	s6 =	sshll.u32 s0, $0x1  }
0x7: {  	s19 =	simm.s32 $0x0;
	s6 =	sor.u32 s5, s6;
	s5 =	ssub.s32 $0x2, s5  }
0x8: {  	v0 =	vlaneseq.u32;
	[smem:$0x7FF] =	sst s3;
	s7 =	smul.u32 $0x1900, s6;
	s8 =	sshrl.u32 s5, $0x1  }
0x9: {  	s1 =	rddreg [dreg:$0x2];
	v0 =	vmul.u32 $0x80, v0;
	_ =	strace $0x80000047;
	s8 =	ssub.s32 s5, s8  }
0xa: {  	s5 =	smul.u32 $0x190, s6;
	s7 =	sadd.s32 s7, s4;
	s4 =	sadd.s32 $0xF42A00, s4  }
0xb: {  	v1 =	vor.u32 $0x800, v0;
	s6 =	sadd.s32 $0x600, s7;
	s7 =	smax.u32 s8, $0x1;
	s8 =	simm.s32 $0x5  }
.LBB2_1:
0xc: {  	[tilespmem:s3], [sflag:$0x5] =	stream.linear.gather [hbm4b:s6+s3], $0xC800, $0x38;
	[tilespmem:$0x1E800] =	vst v63  }
0xd: {  	_ =	swait.ge [sflag:s8], $0xC800  }
0xe: {  	[sflag:s8] =	ssyncset.done $0x0  }
0xf: {  	s20 =	simm.s32 $0x0;
	[sflag:s8] =	ssyncadd.s32 $0xFFFF3800  }
0x10: {  	[tilespmem:s10], [sflag:$0x1] =	stream.indirect.gather [hbm4b:s4+s9], $0x20, s3, s9, $0xb8;
	[tilespmem:$0x1E800] =	vst v63  }
.LBB2_2:
0x11: {  	_ =	swait.ge [sflag:s11], $0x8000;
	s21 =	sshllo.u32 s20, $0x1;
	p0 =	seq.s32 s20, $0x0  }
0x12: {  	s28 =	simm.s32 $0x0;
	[sflag:s11] =	ssyncset.done $0x0;
	s22 =	sshll.u32 s21, $0xA  }
0x13: {  	s23 =	simm.s32 @!p0 $0x3;
	[sflag:s11] =	ssyncadd.s32 $0xFFFF8000;
	s22 =	sand.u32 $0x3FFFFC00, s22  }
0x14: {  	v2 =	vmov s28;
	[tilespmem:s12], [sflag:$0x2] =	stream.indirect.gather [hbm4b:s4+s9], $0x20, s22, s9, $0xb8;
	[tilespmem:$0x1E800] =	vst v63  }
0x15: {  	v2 =	vand.u32 $0x7C, v2;
	_ =	swait.ge @!p0 [sflag:s23], $0x1000  }
0x16: {  	v2 =	vbroadcast v2, $0x0;
	[sflag:s23] =	ssyncset.done @!p0 $0x0  }
0x17: {  	[sflag:s23] =	ssyncadd.s32 @!p0 $0xFFFFF000;
	s23 =	simm.s32 $0xC840  }
0x18: {  	v4 =	vor.u32 v0, v2;
	v3 =	vld [tilespmem:s23+$0xFFFFFFC0];
	_ =	sdelay $0x4  }
0x19: {  	[tilespmem:v4+s13+$0x0] =	vst.idx.msk $0xffff, v3  }
0x1a: {  	v2 =	vor.u32 v1, v2;
	v3 =	vld [tilespmem:s23+$0xFFFFFFD0]  }
0x1b: {  	s29 =	simm.s32 $0x1  }
0x1c: {  	v4 =	vmov s29  }
0x1d: {  	v4 =	vand.u32 $0x7D, v4  }
0x1e: {  	v4 =	vbroadcast v4, $0x0  }
0x1f: {  	[tilespmem:v2+s13+$0x0] =	vst.idx.msk $0xffff, v3  }
0x20: {  	v3 =	vor.u32 v0, v4;
	v2 =	vld [tilespmem:s23+$0xFFFFFFE0];
	_ =	sdelay $0x4  }
0x21: {  	[tilespmem:v3+s13+$0x0] =	vst.idx.msk $0xffff, v2  }
0x22: {  	v3 =	vor.u32 v1, v4;
	v2 =	vld [tilespmem:s23+$0xFFFFFFF0]  }
0x23: {  	s30 =	simm.s32 $0x2  }
0x24: {  	v4 =	vmov s30  }
0x25: {  	v4 =	vand.u32 $0x7E, v4  }
0x26: {  	v4 =	vbroadcast v4, $0x0  }
0x27: {  	[tilespmem:v3+s13+$0x0] =	vst.idx.msk $0xffff, v2  }
0x28: {  	v3 =	vor.u32 v0, v4;
	v2 =	vld [tilespmem:s23+$0x0];
	_ =	sdelay $0x4  }
0x29: {  	[tilespmem:v3+s13+$0x0] =	vst.idx.msk $0xffff, v2  }
0x2a: {  	v3 =	vor.u32 v1, v4;
	v2 =	vld [tilespmem:s23+$0x10]  }
0x2b: {  	s31 =	simm.s32 $0x3  }
0x2c: {  	v4 =	vmov s31  }
0x2d: {  	v4 =	vand.u32 $0x7F, v4  }
0x2e: {  	v4 =	vbroadcast v4, $0x0  }
0x2f: {  	[tilespmem:v3+s13+$0x0] =	vst.idx.msk $0xffff, v2  }
0x30: {  	v3 =	vor.u32 v0, v4;
	v2 =	vld [tilespmem:s23+$0x20];
	_ =	sdelay $0x4  }
0x31: {  	[tilespmem:v3+s13+$0x0] =	vst.idx.msk $0xffff, v2  }
0x32: {  	v3 =	vor.u32 v1, v4;
	v2 =	vld [tilespmem:s23+$0x30]  }
0x33: {  	s24 =	simm.s32 $0x4  }
0x34: {  	s25 =	simm.s32 $0x8;
	s22 =	sshll.u32 s20, $0x4;
	v4 =	vmov s24  }
.LBB2_3:
0x35: {  	p1 =	slt.u32 s25, $0x7C;
	v4 =	vand.u32 $0x7C, v4  }
0x36: {  	v4 =	vbroadcast v4, $0x0  }
0x37: {  	s23 =	sadd.s32 $0x80, s23;
	[tilespmem:v3+s13+$0x0] =	vst.idx.msk $0xffff, v2  }
0x38: {  	v2 =	vld [tilespmem:s23+$0xFFFFFFC0];
	v3 =	vor.u32 v0, v4;
	_ =	sdelay $0x4  }
0x39: {  	[tilespmem:v3+s13+$0x0] =	vst.idx.msk $0xffff, v2  }
0x3a: {  	v3 =	vor.u32 v1, v4;
	v2 =	vld [tilespmem:s23+$0xFFFFFFD0]  }
0x3b: {  	s26 =	sadd.s32 $0x1, s24  }
0x3c: {  	v4 =	vmov s26  }
0x3d: {  	v4 =	vand.u32 $0x7D, v4  }
0x3e: {  	v4 =	vbroadcast v4, $0x0  }
0x3f: {  	[tilespmem:v3+s13+$0x0] =	vst.idx.msk $0xffff, v2  }
0x40: {  	v3 =	vor.u32 v0, v4;
	v2 =	vld [tilespmem:s23+$0xFFFFFFE0];
	_ =	sdelay $0x4  }
0x41: {  	[tilespmem:v3+s13+$0x0] =	vst.idx.msk $0xffff, v2  }
0x42: {  	v3 =	vor.u32 v1, v4;
	v2 =	vld [tilespmem:s23+$0xFFFFFFF0]  }
0x43: {  	s26 =	sadd.s32 $0x2, s24  }
0x44: {  	v4 =	vmov s26  }
0x45: {  	v4 =	vand.u32 $0x7E, v4  }
0x46: {  	v4 =	vbroadcast v4, $0x0  }
0x47: {  	[tilespmem:v3+s13+$0x0] =	vst.idx.msk $0xffff, v2  }
0x48: {  	v3 =	vor.u32 v0, v4;
	v2 =	vld [tilespmem:s23+$0x0];
	_ =	sdelay $0x4  }
0x49: {  	[tilespmem:v3+s13+$0x0] =	vst.idx.msk $0xffff, v2  }
0x4a: {  	v3 =	vor.u32 v1, v4;
	v2 =	vld [tilespmem:s23+$0x10]  }
0x4b: {  	s26 =	sadd.s32 $0x3, s24;
	s24 =	smov.u32 s25  }
0x4c: {  	v4 =	vmov s26  }
0x4d: {  	v4 =	vand.u32 $0x7F, v4  }
0x4e: {  	v4 =	vbroadcast v4, $0x0  }
0x4f: {  	[tilespmem:v3+s13+$0x0] =	vst.idx.msk $0xffff, v2  }
0x50: {  	v3 =	vor.u32 v0, v4;
	v2 =	vld [tilespmem:s23+$0x20];
	_ =	sdelay $0x3  }
.Ltmp0:
0x51: {  	(pc) =	sbr.rel @p1 .LBB2_3-.Ltmp0, $3  }
0x52: {  	[tilespmem:v3+s13+$0x0] =	vst.idx.msk $0xffff, v2  }
0x53: {  	v3 =	vor.u32 v1, v4;
	v2 =	vld [tilespmem:s23+$0x30];
	_ =	sdelay $0x1  }
0x54: {  	s25 =	sadd.s32 $0x4, s25;
	v4 =	vmov s24  }
0x55: {  	_ =	sdelay $0x1  }
0x56: {  	v4 =	vand.u32 $0x7C, v4  }
0x57: {  	v4 =	vbroadcast v4, $0x0  }
0x58: {  	s23 =	sadd.s32 $0x80, s23;
	[tilespmem:v3+s13+$0x0] =	vst.idx.msk $0xffff, v2  }
0x59: {  	v2 =	vld [tilespmem:s23+$0xFFFFFFC0];
	v3 =	vor.u32 v0, v4;
	_ =	sdelay $0x4  }
0x5a: {  	[tilespmem:v3+s13+$0x0] =	vst.idx.msk $0xffff, v2  }
0x5b: {  	v3 =	vor.u32 v1, v4;
	v2 =	vld [tilespmem:s23+$0xFFFFFFD0]  }
0x5c: {  	s25 =	sadd.s32 $0x1, s24  }
0x5d: {  	v4 =	vmov s25  }
0x5e: {  	v4 =	vand.u32 $0x7D, v4  }
0x5f: {  	v4 =	vbroadcast v4, $0x0  }
0x60: {  	[tilespmem:v3+s13+$0x0] =	vst.idx.msk $0xffff, v2  }
0x61: {  	v3 =	vor.u32 v0, v4;
	v2 =	vld [tilespmem:s23+$0xFFFFFFE0];
	_ =	sdelay $0x4  }
0x62: {  	[tilespmem:v3+s13+$0x0] =	vst.idx.msk $0xffff, v2  }
0x63: {  	v3 =	vor.u32 v1, v4;
	v2 =	vld [tilespmem:s23+$0xFFFFFFF0]  }
0x64: {  	s30 =	sadd.s32 $0x2, s24  }
0x65: {  	v4 =	vmov s30  }
0x66: {  	v4 =	vand.u32 $0x7E, v4  }
0x67: {  	v4 =	vbroadcast v4, $0x0  }
0x68: {  	[tilespmem:v3+s13+$0x0] =	vst.idx.msk $0xffff, v2  }
0x69: {  	v3 =	vor.u32 v0, v4;
	v2 =	vld [tilespmem:s23+$0x0];
	_ =	sdelay $0x4  }
0x6a: {  	[tilespmem:v3+s13+$0x0] =	vst.idx.msk $0xffff, v2  }
0x6b: {  	v3 =	vor.u32 v1, v4;
	v2 =	vld [tilespmem:s23+$0x10]  }
0x6c: {  	s31 =	sadd.s32 $0x3, s24  }
0x6d: {  	v4 =	vmov s31  }
0x6e: {  	v4 =	vand.u32 $0x7F, v4  }
0x6f: {  	v4 =	vbroadcast v4, $0x0  }
0x70: {  	[tilespmem:v3+s13+$0x0] =	vst.idx.msk $0xffff, v2  }
0x71: {  	v3 =	vor.u32 v0, v4;
	v2 =	vld [tilespmem:s23+$0x20];
	_ =	sdelay $0x4  }
0x72: {  	[tilespmem:v3+s13+$0x0] =	vst.idx.msk $0xffff, v2  }
0x73: {  	v3 =	vor.u32 v1, v4;
	v2 =	vld [tilespmem:s23+$0x30]  }
0x74: {  	s25 =	sadd.s32 s5, s22  }
0x75: {  	s26 =	sshll.u32 s25, $0x7  }
0x76: {  	s24 =	sand.u32 $0x3800, s26;
	s23 =	sshll.u32 s25, $0x9  }
0x77: {  	s24 =	sadd.s32 s2, s24;
	s23 =	sand.u32 $0xFFF0000, s23  }
0x78: {  	s28 =	simm.s32 $0x0;
	s23 =	sadd.s32 s23, s24;
	s24 =	simm.s32 @!p0 $0x4;
	[tilespmem:v3+s13+$0x0] =	vst.idx.msk $0xffff, v2  }
0x79: {  	v2 =	vmov s28;
	[hbm4b:s23+s9] =	stream.strided.scatter [tilespmem:s13], [sflag:$0x3], $0x1000, s14, s9, $0x38;
	[tilespmem:$0x1E800] =	vst v63  }
0x7a: {  	v2 =	vand.u32 $0x7C, v2;
	_ =	swait.ge @!p0 [sflag:s24], $0x1000  }
0x7b: {  	v2 =	vbroadcast v2, $0x0;
	[sflag:s24] =	ssyncset.done @!p0 $0x0  }
0x7c: {  	[sflag:s24] =	ssyncadd.s32 @!p0 $0xFFFFF000;
	s24 =	simm.s32 $0xD870  }
0x7d: {  	v4 =	vor.u32 v0, v2;
	v3 =	vld [tilespmem:s24+$0xFFFFFF90];
	_ =	sdelay $0x4  }
0x7e: {  	[tilespmem:v4+s15+$0x0] =	vst.idx.msk $0xffff, v3  }
0x7f: {  	v2 =	vor.u32 v1, v2;
	v3 =	vld [tilespmem:s24+$0xFFFFFFA0]  }
0x80: {  	s29 =	simm.s32 $0x1  }
0x81: {  	v4 =	vmov s29  }
0x82: {  	v4 =	vand.u32 $0x7D, v4  }
0x83: {  	v4 =	vbroadcast v4, $0x0  }
0x84: {  	[tilespmem:v2+s15+$0x0] =	vst.idx.msk $0xffff, v3  }
0x85: {  	v3 =	vor.u32 v0, v4;
	v2 =	vld [tilespmem:s24+$0xFFFFFFB0];
	_ =	sdelay $0x4  }
0x86: {  	[tilespmem:v3+s15+$0x0] =	vst.idx.msk $0xffff, v2  }
0x87: {  	v3 =	vor.u32 v1, v4;
	v2 =	vld [tilespmem:s24+$0xFFFFFFC0]  }
0x88: {  	s30 =	simm.s32 $0x2  }
0x89: {  	v4 =	vmov s30  }
0x8a: {  	v4 =	vand.u32 $0x7E, v4  }
0x8b: {  	v4 =	vbroadcast v4, $0x0  }
0x8c: {  	[tilespmem:v3+s15+$0x0] =	vst.idx.msk $0xffff, v2  }
0x8d: {  	v3 =	vor.u32 v0, v4;
	v2 =	vld [tilespmem:s24+$0xFFFFFFD0];
	_ =	sdelay $0x4  }
0x8e: {  	[tilespmem:v3+s15+$0x0] =	vst.idx.msk $0xffff, v2  }
0x8f: {  	v3 =	vor.u32 v1, v4;
	v2 =	vld [tilespmem:s24+$0xFFFFFFE0]  }
0x90: {  	s31 =	simm.s32 $0x3  }
0x91: {  	v4 =	vmov s31  }
0x92: {  	v4 =	vand.u32 $0x7F, v4  }
0x93: {  	v4 =	vbroadcast v4, $0x0  }
0x94: {  	[tilespmem:v3+s15+$0x0] =	vst.idx.msk $0xffff, v2  }
0x95: {  	v3 =	vor.u32 v0, v4;
	v2 =	vld [tilespmem:s24+$0xFFFFFFF0];
	_ =	sdelay $0x4  }
0x96: {  	[tilespmem:v3+s15+$0x0] =	vst.idx.msk $0xffff, v2  }
0x97: {  	v3 =	vor.u32 v1, v4;
	v2 =	vld [tilespmem:s24+$0x0]  }
0x98: {  	s25 =	simm.s32 $0x4  }
0x99: {  	s26 =	simm.s32 $0x8;
	s23 =	sor.u32 $0x1, s22;
	v4 =	vmov s25  }
.LBB2_5:
0x9a: {  	p0 =	slt.u32 s26, $0x7C;
	v4 =	vand.u32 $0x7C, v4  }
0x9b: {  	v4 =	vbroadcast v4, $0x0  }
0x9c: {  	s24 =	sadd.s32 $0x80, s24;
	[tilespmem:v3+s15+$0x0] =	vst.idx.msk $0xffff, v2  }
0x9d: {  	v2 =	vld [tilespmem:s24+$0xFFFFFF90];
	v3 =	vor.u32 v0, v4;
	_ =	sdelay $0x4  }
0x9e: {  	[tilespmem:v3+s15+$0x0] =	vst.idx.msk $0xffff, v2  }
0x9f: {  	v3 =	vor.u32 v1, v4;
	v2 =	vld [tilespmem:s24+$0xFFFFFFA0]  }
0xa0: {  	s28 =	sadd.s32 $0x1, s25  }
0xa1: {  	v4 =	vmov s28  }
0xa2: {  	v4 =	vand.u32 $0x7D, v4  }
0xa3: {  	v4 =	vbroadcast v4, $0x0  }
0xa4: {  	[tilespmem:v3+s15+$0x0] =	vst.idx.msk $0xffff, v2  }
0xa5: {  	v3 =	vor.u32 v0, v4;
	v2 =	vld [tilespmem:s24+$0xFFFFFFB0];
	_ =	sdelay $0x4  }
0xa6: {  	[tilespmem:v3+s15+$0x0] =	vst.idx.msk $0xffff, v2  }
0xa7: {  	v3 =	vor.u32 v1, v4;
	v2 =	vld [tilespmem:s24+$0xFFFFFFC0]  }
0xa8: {  	s28 =	sadd.s32 $0x2, s25  }
0xa9: {  	v4 =	vmov s28  }
0xaa: {  	v4 =	vand.u32 $0x7E, v4  }
0xab: {  	v4 =	vbroadcast v4, $0x0  }
0xac: {  	[tilespmem:v3+s15+$0x0] =	vst.idx.msk $0xffff, v2  }
0xad: {  	v3 =	vor.u32 v0, v4;
	v2 =	vld [tilespmem:s24+$0xFFFFFFD0];
	_ =	sdelay $0x4  }
0xae: {  	[tilespmem:v3+s15+$0x0] =	vst.idx.msk $0xffff, v2  }
0xaf: {  	v3 =	vor.u32 v1, v4;
	v2 =	vld [tilespmem:s24+$0xFFFFFFE0]  }
0xb0: {  	s28 =	sadd.s32 $0x3, s25;
	s25 =	smov.u32 s26  }
0xb1: {  	v4 =	vmov s28  }
0xb2: {  	v4 =	vand.u32 $0x7F, v4  }
0xb3: {  	v4 =	vbroadcast v4, $0x0  }
0xb4: {  	[tilespmem:v3+s15+$0x0] =	vst.idx.msk $0xffff, v2  }
0xb5: {  	v3 =	vor.u32 v0, v4;
	v2 =	vld [tilespmem:s24+$0xFFFFFFF0];
	_ =	sdelay $0x3  }
.Ltmp1:
0xb6: {  	(pc) =	sbr.rel @p0 .LBB2_5-.Ltmp1, $3  }
0xb7: {  	[tilespmem:v3+s15+$0x0] =	vst.idx.msk $0xffff, v2  }
0xb8: {  	v3 =	vor.u32 v1, v4;
	v2 =	vld [tilespmem:s24+$0x0];
	_ =	sdelay $0x1  }
0xb9: {  	s26 =	sadd.s32 $0x4, s26;
	v4 =	vmov s25  }
0xba: {  	_ =	sdelay $0x1  }
0xbb: {  	v4 =	vand.u32 $0x7C, v4  }
0xbc: {  	v4 =	vbroadcast v4, $0x0  }
0xbd: {  	s24 =	sadd.s32 $0x80, s24;
	[tilespmem:v3+s15+$0x0] =	vst.idx.msk $0xffff, v2  }
0xbe: {  	v2 =	vld [tilespmem:s24+$0xFFFFFF90];
	v3 =	vor.u32 v0, v4;
	_ =	sdelay $0x4  }
0xbf: {  	[tilespmem:v3+s15+$0x0] =	vst.idx.msk $0xffff, v2  }
0xc0: {  	v3 =	vor.u32 v1, v4;
	v2 =	vld [tilespmem:s24+$0xFFFFFFA0]  }
0xc1: {  	s26 =	sadd.s32 $0x1, s25  }
0xc2: {  	v4 =	vmov s26  }
0xc3: {  	v4 =	vand.u32 $0x7D, v4  }
0xc4: {  	v4 =	vbroadcast v4, $0x0  }
0xc5: {  	[tilespmem:v3+s15+$0x0] =	vst.idx.msk $0xffff, v2  }
0xc6: {  	v3 =	vor.u32 v0, v4;
	v2 =	vld [tilespmem:s24+$0xFFFFFFB0];
	_ =	sdelay $0x4  }
0xc7: {  	[tilespmem:v3+s15+$0x0] =	vst.idx.msk $0xffff, v2  }
0xc8: {  	v3 =	vor.u32 v1, v4;
	v2 =	vld [tilespmem:s24+$0xFFFFFFC0]  }
0xc9: {  	s30 =	sadd.s32 $0x2, s25  }
0xca: {  	v4 =	vmov s30  }
0xcb: {  	v4 =	vand.u32 $0x7E, v4  }
0xcc: {  	v4 =	vbroadcast v4, $0x0  }
0xcd: {  	[tilespmem:v3+s15+$0x0] =	vst.idx.msk $0xffff, v2  }
0xce: {  	v3 =	vor.u32 v0, v4;
	v2 =	vld [tilespmem:s24+$0xFFFFFFD0];
	_ =	sdelay $0x4  }
0xcf: {  	[tilespmem:v3+s15+$0x0] =	vst.idx.msk $0xffff, v2  }
0xd0: {  	v3 =	vor.u32 v1, v4;
	v2 =	vld [tilespmem:s24+$0xFFFFFFE0]  }
0xd1: {  	s31 =	sadd.s32 $0x3, s25  }
0xd2: {  	v4 =	vmov s31  }
0xd3: {  	v4 =	vand.u32 $0x7F, v4  }
0xd4: {  	v4 =	vbroadcast v4, $0x0  }
0xd5: {  	[tilespmem:v3+s15+$0x0] =	vst.idx.msk $0xffff, v2  }
0xd6: {  	v3 =	vor.u32 v0, v4;
	v2 =	vld [tilespmem:s24+$0xFFFFFFF0];
	_ =	sdelay $0x4  }
0xd7: {  	[tilespmem:v3+s15+$0x0] =	vst.idx.msk $0xffff, v2  }
0xd8: {  	v3 =	vor.u32 v1, v4;
	v2 =	vld [tilespmem:s24+$0x0]  }
0xd9: {  	s23 =	sadd.s32 s5, s23  }
0xda: {  	s26 =	sshll.u32 s23, $0x7  }
0xdb: {  	s23 =	sshll.u32 s23, $0x9;
	s24 =	sand.u32 $0x3880, s26  }
0xdc: {  	s23 =	sand.u32 $0xFFF0000, s23;
	s24 =	sadd.s32 s2, s24  }
0xdd: {  	s28 =	simm.s32 $0x0;
	s23 =	sadd.s32 s23, s24;
	[tilespmem:v3+s15+$0x0] =	vst.idx.msk $0xffff, v2  }
0xde: {  	v2 =	vmov s28;
	[hbm4b:s23+s9] =	stream.strided.scatter [tilespmem:s15], [sflag:$0x4], $0x1000, s14, s9, $0x38;
	[tilespmem:$0x1E800] =	vst v63  }
0xdf: {  	v2 =	vand.u32 $0x7C, v2;
	_ =	swait.ge [sflag:s16], $0x1000  }
0xe0: {  	v2 =	vbroadcast v2, $0x0;
	[sflag:s16] =	ssyncset.done $0x0  }
0xe1: {  	s23 =	simm.s32 $0xE870;
	[sflag:s16] =	ssyncadd.s32 $0xFFFFF000  }
0xe2: {  	v4 =	vor.u32 v0, v2;
	v3 =	vld [tilespmem:s23+$0xFFFFFF90];
	_ =	sdelay $0x4  }
0xe3: {  	[tilespmem:v4+s13+$0x0] =	vst.idx.msk $0xffff, v3  }
0xe4: {  	v2 =	vor.u32 v1, v2;
	v3 =	vld [tilespmem:s23+$0xFFFFFFA0]  }
0xe5: {  	s29 =	simm.s32 $0x1  }
0xe6: {  	v4 =	vmov s29  }
0xe7: {  	v4 =	vand.u32 $0x7D, v4  }
0xe8: {  	v4 =	vbroadcast v4, $0x0  }
0xe9: {  	[tilespmem:v2+s13+$0x0] =	vst.idx.msk $0xffff, v3  }
0xea: {  	v3 =	vor.u32 v0, v4;
	v2 =	vld [tilespmem:s23+$0xFFFFFFB0];
	_ =	sdelay $0x4  }
0xeb: {  	[tilespmem:v3+s13+$0x0] =	vst.idx.msk $0xffff, v2  }
0xec: {  	v3 =	vor.u32 v1, v4;
	v2 =	vld [tilespmem:s23+$0xFFFFFFC0]  }
0xed: {  	s30 =	simm.s32 $0x2  }
0xee: {  	v4 =	vmov s30  }
0xef: {  	v4 =	vand.u32 $0x7E, v4  }
0xf0: {  	v4 =	vbroadcast v4, $0x0  }
0xf1: {  	[tilespmem:v3+s13+$0x0] =	vst.idx.msk $0xffff, v2  }
0xf2: {  	v3 =	vor.u32 v0, v4;
	v2 =	vld [tilespmem:s23+$0xFFFFFFD0];
	_ =	sdelay $0x4  }
0xf3: {  	[tilespmem:v3+s13+$0x0] =	vst.idx.msk $0xffff, v2  }
0xf4: {  	v3 =	vor.u32 v1, v4;
	v2 =	vld [tilespmem:s23+$0xFFFFFFE0]  }
0xf5: {  	s31 =	simm.s32 $0x3  }
0xf6: {  	v4 =	vmov s31  }
0xf7: {  	v4 =	vand.u32 $0x7F, v4  }
0xf8: {  	v4 =	vbroadcast v4, $0x0  }
0xf9: {  	[tilespmem:v3+s13+$0x0] =	vst.idx.msk $0xffff, v2  }
0xfa: {  	v3 =	vor.u32 v0, v4;
	v2 =	vld [tilespmem:s23+$0xFFFFFFF0];
	_ =	sdelay $0x4  }
0xfb: {  	[tilespmem:v3+s13+$0x0] =	vst.idx.msk $0xffff, v2  }
0xfc: {  	v3 =	vor.u32 v1, v4;
	v2 =	vld [tilespmem:s23+$0x0]  }
0xfd: {  	s24 =	simm.s32 $0x4  }
0xfe: {  	s25 =	simm.s32 $0x8;
	v4 =	vmov s24  }
.LBB2_7:
0xff: {  	p0 =	slt.u32 s25, $0x7C;
	v4 =	vand.u32 $0x7C, v4  }
0x100: {  	v4 =	vbroadcast v4, $0x0  }
0x101: {  	s23 =	sadd.s32 $0x80, s23;
	[tilespmem:v3+s13+$0x0] =	vst.idx.msk $0xffff, v2  }
0x102: {  	v2 =	vld [tilespmem:s23+$0xFFFFFF90];
	v3 =	vor.u32 v0, v4;
	_ =	sdelay $0x4  }
0x103: {  	[tilespmem:v3+s13+$0x0] =	vst.idx.msk $0xffff, v2  }
0x104: {  	v3 =	vor.u32 v1, v4;
	v2 =	vld [tilespmem:s23+$0xFFFFFFA0]  }
0x105: {  	s26 =	sadd.s32 $0x1, s24  }
0x106: {  	v4 =	vmov s26  }
0x107: {  	v4 =	vand.u32 $0x7D, v4  }
0x108: {  	v4 =	vbroadcast v4, $0x0  }
0x109: {  	[tilespmem:v3+s13+$0x0] =	vst.idx.msk $0xffff, v2  }
0x10a: {  	v3 =	vor.u32 v0, v4;
	v2 =	vld [tilespmem:s23+$0xFFFFFFB0];
	_ =	sdelay $0x4  }
0x10b: {  	[tilespmem:v3+s13+$0x0] =	vst.idx.msk $0xffff, v2  }
0x10c: {  	v3 =	vor.u32 v1, v4;
	v2 =	vld [tilespmem:s23+$0xFFFFFFC0]  }
0x10d: {  	s26 =	sadd.s32 $0x2, s24  }
0x10e: {  	v4 =	vmov s26  }
0x10f: {  	v4 =	vand.u32 $0x7E, v4  }
0x110: {  	v4 =	vbroadcast v4, $0x0  }
0x111: {  	[tilespmem:v3+s13+$0x0] =	vst.idx.msk $0xffff, v2  }
0x112: {  	v3 =	vor.u32 v0, v4;
	v2 =	vld [tilespmem:s23+$0xFFFFFFD0];
	_ =	sdelay $0x4  }
0x113: {  	[tilespmem:v3+s13+$0x0] =	vst.idx.msk $0xffff, v2  }
0x114: {  	v3 =	vor.u32 v1, v4;
	v2 =	vld [tilespmem:s23+$0xFFFFFFE0]  }
0x115: {  	s26 =	sadd.s32 $0x3, s24;
	s24 =	smov.u32 s25  }
0x116: {  	v4 =	vmov s26  }
0x117: {  	v4 =	vand.u32 $0x7F, v4  }
0x118: {  	v4 =	vbroadcast v4, $0x0  }
0x119: {  	[tilespmem:v3+s13+$0x0] =	vst.idx.msk $0xffff, v2  }
0x11a: {  	v3 =	vor.u32 v0, v4;
	v2 =	vld [tilespmem:s23+$0xFFFFFFF0];
	_ =	sdelay $0x3  }
.Ltmp2:
0x11b: {  	(pc) =	sbr.rel @p0 .LBB2_7-.Ltmp2, $3  }
0x11c: {  	[tilespmem:v3+s13+$0x0] =	vst.idx.msk $0xffff, v2  }
0x11d: {  	v3 =	vor.u32 v1, v4;
	v2 =	vld [tilespmem:s23+$0x0];
	_ =	sdelay $0x1  }
0x11e: {  	s25 =	sadd.s32 $0x4, s25;
	v4 =	vmov s24  }
0x11f: {  	_ =	sdelay $0x1  }
0x120: {  	v4 =	vand.u32 $0x7C, v4  }
0x121: {  	v4 =	vbroadcast v4, $0x0  }
0x122: {  	s23 =	sadd.s32 $0x80, s23;
	[tilespmem:v3+s13+$0x0] =	vst.idx.msk $0xffff, v2  }
0x123: {  	v2 =	vld [tilespmem:s23+$0xFFFFFF90];
	v3 =	vor.u32 v0, v4;
	_ =	sdelay $0x4  }
0x124: {  	[tilespmem:v3+s13+$0x0] =	vst.idx.msk $0xffff, v2  }
0x125: {  	v3 =	vor.u32 v1, v4;
	v2 =	vld [tilespmem:s23+$0xFFFFFFA0]  }
0x126: {  	s25 =	sadd.s32 $0x1, s24  }
0x127: {  	v4 =	vmov s25  }
0x128: {  	v4 =	vand.u32 $0x7D, v4  }
0x129: {  	v4 =	vbroadcast v4, $0x0  }
0x12a: {  	[tilespmem:v3+s13+$0x0] =	vst.idx.msk $0xffff, v2  }
0x12b: {  	v3 =	vor.u32 v0, v4;
	v2 =	vld [tilespmem:s23+$0xFFFFFFB0];
	_ =	sdelay $0x4  }
0x12c: {  	[tilespmem:v3+s13+$0x0] =	vst.idx.msk $0xffff, v2  }
0x12d: {  	v3 =	vor.u32 v1, v4;
	v2 =	vld [tilespmem:s23+$0xFFFFFFC0]  }
0x12e: {  	s30 =	sadd.s32 $0x2, s24  }
0x12f: {  	v4 =	vmov s30  }
0x130: {  	v4 =	vand.u32 $0x7E, v4  }
0x131: {  	v4 =	vbroadcast v4, $0x0  }
0x132: {  	[tilespmem:v3+s13+$0x0] =	vst.idx.msk $0xffff, v2  }
0x133: {  	v3 =	vor.u32 v0, v4;
	v2 =	vld [tilespmem:s23+$0xFFFFFFD0];
	_ =	sdelay $0x4  }
0x134: {  	[tilespmem:v3+s13+$0x0] =	vst.idx.msk $0xffff, v2  }
0x135: {  	v3 =	vor.u32 v1, v4;
	v2 =	vld [tilespmem:s23+$0xFFFFFFE0]  }
0x136: {  	s31 =	sadd.s32 $0x3, s24  }
0x137: {  	v4 =	vmov s31  }
0x138: {  	v4 =	vand.u32 $0x7F, v4  }
0x139: {  	v4 =	vbroadcast v4, $0x0  }
0x13a: {  	[tilespmem:v3+s13+$0x0] =	vst.idx.msk $0xffff, v2  }
0x13b: {  	v3 =	vor.u32 v0, v4;
	v2 =	vld [tilespmem:s23+$0xFFFFFFF0];
	_ =	sdelay $0x4  }
0x13c: {  	[tilespmem:v3+s13+$0x0] =	vst.idx.msk $0xffff, v2  }
0x13d: {  	s22 =	sadd.s32 s22, s5;
	v3 =	vor.u32 v1, v4;
	v2 =	vld [tilespmem:s23+$0x0]  }
0x13e: {  	s25 =	sadd.s32 $0x2, s22  }
0x13f: {  	s26 =	sshll.u32 s25, $0x7  }
0x140: {  	s24 =	sand.u32 $0x3900, s26;
	s23 =	sshll.u32 s25, $0x9  }
0x141: {  	s24 =	sadd.s32 s2, s24;
	s23 =	sand.u32 $0xFFF0000, s23  }
0x142: {  	s28 =	simm.s32 $0x0;
	s23 =	sadd.s32 s23, s24;
	[tilespmem:v3+s13+$0x0] =	vst.idx.msk $0xffff, v2  }
0x143: {  	v2 =	vmov s28;
	[hbm4b:s23+s9] =	stream.strided.scatter [tilespmem:s13], [sflag:$0x3], $0x1000, s14, s9, $0x38;
	[tilespmem:$0x1E800] =	vst v63  }
0x144: {  	v2 =	vand.u32 $0x7C, v2;
	_ =	swait.ge [sflag:s17], $0x1000  }
0x145: {  	v2 =	vbroadcast v2, $0x0;
	[sflag:s17] =	ssyncset.done $0x0  }
0x146: {  	s23 =	simm.s32 $0xF870;
	[sflag:s17] =	ssyncadd.s32 $0xFFFFF000  }
0x147: {  	v4 =	vor.u32 v0, v2;
	v3 =	vld [tilespmem:s23+$0xFFFFFF90];
	_ =	sdelay $0x4  }
0x148: {  	[tilespmem:v4+s15+$0x0] =	vst.idx.msk $0xffff, v3  }
0x149: {  	v2 =	vor.u32 v1, v2;
	v3 =	vld [tilespmem:s23+$0xFFFFFFA0]  }
0x14a: {  	s29 =	simm.s32 $0x1  }
0x14b: {  	v4 =	vmov s29  }
0x14c: {  	v4 =	vand.u32 $0x7D, v4  }
0x14d: {  	v4 =	vbroadcast v4, $0x0  }
0x14e: {  	[tilespmem:v2+s15+$0x0] =	vst.idx.msk $0xffff, v3  }
0x14f: {  	v3 =	vor.u32 v0, v4;
	v2 =	vld [tilespmem:s23+$0xFFFFFFB0];
	_ =	sdelay $0x4  }
0x150: {  	[tilespmem:v3+s15+$0x0] =	vst.idx.msk $0xffff, v2  }
0x151: {  	v3 =	vor.u32 v1, v4;
	v2 =	vld [tilespmem:s23+$0xFFFFFFC0]  }
0x152: {  	s30 =	simm.s32 $0x2  }
0x153: {  	v4 =	vmov s30  }
0x154: {  	v4 =	vand.u32 $0x7E, v4  }
0x155: {  	v4 =	vbroadcast v4, $0x0  }
0x156: {  	[tilespmem:v3+s15+$0x0] =	vst.idx.msk $0xffff, v2  }
0x157: {  	v3 =	vor.u32 v0, v4;
	v2 =	vld [tilespmem:s23+$0xFFFFFFD0];
	_ =	sdelay $0x4  }
0x158: {  	[tilespmem:v3+s15+$0x0] =	vst.idx.msk $0xffff, v2  }
0x159: {  	v3 =	vor.u32 v1, v4;
	v2 =	vld [tilespmem:s23+$0xFFFFFFE0]  }
0x15a: {  	s31 =	simm.s32 $0x3  }
0x15b: {  	v4 =	vmov s31  }
0x15c: {  	v4 =	vand.u32 $0x7F, v4  }
0x15d: {  	v4 =	vbroadcast v4, $0x0  }
0x15e: {  	[tilespmem:v3+s15+$0x0] =	vst.idx.msk $0xffff, v2  }
0x15f: {  	v3 =	vor.u32 v0, v4;
	v2 =	vld [tilespmem:s23+$0xFFFFFFF0];
	_ =	sdelay $0x4  }
0x160: {  	[tilespmem:v3+s15+$0x0] =	vst.idx.msk $0xffff, v2  }
0x161: {  	v3 =	vor.u32 v1, v4;
	v2 =	vld [tilespmem:s23+$0x0]  }
0x162: {  	s24 =	simm.s32 $0x4  }
0x163: {  	s25 =	simm.s32 $0x8;
	v4 =	vmov s24  }
.LBB2_9:
0x164: {  	p0 =	slt.u32 s25, $0x7C;
	v4 =	vand.u32 $0x7C, v4  }
0x165: {  	v4 =	vbroadcast v4, $0x0  }
0x166: {  	s23 =	sadd.s32 $0x80, s23;
	[tilespmem:v3+s15+$0x0] =	vst.idx.msk $0xffff, v2  }
0x167: {  	v2 =	vld [tilespmem:s23+$0xFFFFFF90];
	v3 =	vor.u32 v0, v4;
	_ =	sdelay $0x4  }
0x168: {  	[tilespmem:v3+s15+$0x0] =	vst.idx.msk $0xffff, v2  }
0x169: {  	v3 =	vor.u32 v1, v4;
	v2 =	vld [tilespmem:s23+$0xFFFFFFA0]  }
0x16a: {  	s26 =	sadd.s32 $0x1, s24  }
0x16b: {  	v4 =	vmov s26  }
0x16c: {  	v4 =	vand.u32 $0x7D, v4  }
0x16d: {  	v4 =	vbroadcast v4, $0x0  }
0x16e: {  	[tilespmem:v3+s15+$0x0] =	vst.idx.msk $0xffff, v2  }
0x16f: {  	v3 =	vor.u32 v0, v4;
	v2 =	vld [tilespmem:s23+$0xFFFFFFB0];
	_ =	sdelay $0x4  }
0x170: {  	[tilespmem:v3+s15+$0x0] =	vst.idx.msk $0xffff, v2  }
0x171: {  	v3 =	vor.u32 v1, v4;
	v2 =	vld [tilespmem:s23+$0xFFFFFFC0]  }
0x172: {  	s26 =	sadd.s32 $0x2, s24  }
0x173: {  	v4 =	vmov s26  }
0x174: {  	v4 =	vand.u32 $0x7E, v4  }
0x175: {  	v4 =	vbroadcast v4, $0x0  }
0x176: {  	[tilespmem:v3+s15+$0x0] =	vst.idx.msk $0xffff, v2  }
0x177: {  	v3 =	vor.u32 v0, v4;
	v2 =	vld [tilespmem:s23+$0xFFFFFFD0];
	_ =	sdelay $0x4  }
0x178: {  	[tilespmem:v3+s15+$0x0] =	vst.idx.msk $0xffff, v2  }
0x179: {  	v3 =	vor.u32 v1, v4;
	v2 =	vld [tilespmem:s23+$0xFFFFFFE0]  }
0x17a: {  	s26 =	sadd.s32 $0x3, s24;
	s24 =	smov.u32 s25  }
0x17b: {  	v4 =	vmov s26  }
0x17c: {  	v4 =	vand.u32 $0x7F, v4  }
0x17d: {  	v4 =	vbroadcast v4, $0x0  }
0x17e: {  	[tilespmem:v3+s15+$0x0] =	vst.idx.msk $0xffff, v2  }
0x17f: {  	v3 =	vor.u32 v0, v4;
	v2 =	vld [tilespmem:s23+$0xFFFFFFF0];
	_ =	sdelay $0x3  }
.Ltmp3:
0x180: {  	(pc) =	sbr.rel @p0 .LBB2_9-.Ltmp3, $3  }
0x181: {  	[tilespmem:v3+s15+$0x0] =	vst.idx.msk $0xffff, v2  }
0x182: {  	v3 =	vor.u32 v1, v4;
	v2 =	vld [tilespmem:s23+$0x0];
	_ =	sdelay $0x1  }
0x183: {  	s25 =	sadd.s32 $0x4, s25;
	v4 =	vmov s24  }
0x184: {  	_ =	sdelay $0x1  }
0x185: {  	v4 =	vand.u32 $0x7C, v4  }
0x186: {  	v4 =	vbroadcast v4, $0x0  }
0x187: {  	s23 =	sadd.s32 $0x80, s23;
	[tilespmem:v3+s15+$0x0] =	vst.idx.msk $0xffff, v2  }
0x188: {  	v2 =	vld [tilespmem:s23+$0xFFFFFF90];
	v3 =	vor.u32 v0, v4;
	_ =	sdelay $0x4  }
0x189: {  	[tilespmem:v3+s15+$0x0] =	vst.idx.msk $0xffff, v2  }
0x18a: {  	v3 =	vor.u32 v1, v4;
	v2 =	vld [tilespmem:s23+$0xFFFFFFA0]  }
0x18b: {  	s25 =	sadd.s32 $0x1, s24  }
0x18c: {  	v4 =	vmov s25  }
0x18d: {  	v4 =	vand.u32 $0x7D, v4  }
0x18e: {  	v4 =	vbroadcast v4, $0x0  }
0x18f: {  	[tilespmem:v3+s15+$0x0] =	vst.idx.msk $0xffff, v2  }
0x190: {  	v3 =	vor.u32 v0, v4;
	v2 =	vld [tilespmem:s23+$0xFFFFFFB0];
	_ =	sdelay $0x4  }
0x191: {  	[tilespmem:v3+s15+$0x0] =	vst.idx.msk $0xffff, v2  }
0x192: {  	v3 =	vor.u32 v1, v4;
	v2 =	vld [tilespmem:s23+$0xFFFFFFC0]  }
0x193: {  	s30 =	sadd.s32 $0x2, s24  }
0x194: {  	v4 =	vmov s30  }
0x195: {  	v4 =	vand.u32 $0x7E, v4  }
0x196: {  	v4 =	vbroadcast v4, $0x0  }
0x197: {  	[tilespmem:v3+s15+$0x0] =	vst.idx.msk $0xffff, v2  }
0x198: {  	v3 =	vor.u32 v0, v4;
	v2 =	vld [tilespmem:s23+$0xFFFFFFD0];
	_ =	sdelay $0x4  }
0x199: {  	[tilespmem:v3+s15+$0x0] =	vst.idx.msk $0xffff, v2  }
0x19a: {  	v3 =	vor.u32 v1, v4;
	v2 =	vld [tilespmem:s23+$0xFFFFFFE0]  }
0x19b: {  	s31 =	sadd.s32 $0x3, s24  }
0x19c: {  	v4 =	vmov s31  }
0x19d: {  	v4 =	vand.u32 $0x7F, v4  }
0x19e: {  	v4 =	vbroadcast v4, $0x0  }
0x19f: {  	[tilespmem:v3+s15+$0x0] =	vst.idx.msk $0xffff, v2  }
0x1a0: {  	v3 =	vor.u32 v0, v4;
	v2 =	vld [tilespmem:s23+$0xFFFFFFF0];
	_ =	sdelay $0x4  }
0x1a1: {  	[tilespmem:v3+s15+$0x0] =	vst.idx.msk $0xffff, v2  }
0x1a2: {  	v3 =	vor.u32 v1, v4;
	v2 =	vld [tilespmem:s23+$0x0]  }
0x1a3: {  	s25 =	sadd.s32 $0x3, s22  }
0x1a4: {  	s26 =	sshll.u32 s25, $0x7  }
0x1a5: {  	s24 =	sand.u32 $0x3980, s26;
	s23 =	sshll.u32 s25, $0x9  }
0x1a6: {  	s24 =	sadd.s32 s2, s24;
	s23 =	sand.u32 $0xFFF0000, s23  }
0x1a7: {  	s28 =	simm.s32 $0x0;
	s23 =	sadd.s32 s23, s24;
	[tilespmem:v3+s15+$0x0] =	vst.idx.msk $0xffff, v2  }
0x1a8: {  	v2 =	vmov s28;
	[hbm4b:s23+s9] =	stream.strided.scatter [tilespmem:s15], [sflag:$0x4], $0x1000, s14, s9, $0x38;
	[tilespmem:$0x1E800] =	vst v63  }
0x1a9: {  	v2 =	vand.u32 $0x7C, v2;
	_ =	swait.ge [sflag:s16], $0x1000  }
0x1aa: {  	v2 =	vbroadcast v2, $0x0;
	[sflag:s16] =	ssyncset.done $0x0  }
0x1ab: {  	s23 =	simm.s32 $0x10800;
	[sflag:s16] =	ssyncadd.s32 $0xFFFFF000  }
0x1ac: {  	v4 =	vor.u32 v0, v2;
	v3 =	vld [tilespmem:s23+$0x0];
	_ =	sdelay $0x4  }
0x1ad: {  	[tilespmem:v4+s13+$0x0] =	vst.idx.msk $0xffff, v3  }
0x1ae: {  	v2 =	vor.u32 v1, v2;
	v3 =	vld [tilespmem:s23+$0x10]  }
0x1af: {  	s29 =	simm.s32 $0x1  }
0x1b0: {  	v4 =	vmov s29  }
0x1b1: {  	v4 =	vand.u32 $0x7D, v4  }
0x1b2: {  	v4 =	vbroadcast v4, $0x0  }
0x1b3: {  	[tilespmem:v2+s13+$0x0] =	vst.idx.msk $0xffff, v3  }
0x1b4: {  	v3 =	vor.u32 v0, v4;
	v2 =	vld [tilespmem:s23+$0x20];
	_ =	sdelay $0x4  }
0x1b5: {  	[tilespmem:v3+s13+$0x0] =	vst.idx.msk $0xffff, v2  }
0x1b6: {  	v3 =	vor.u32 v1, v4;
	v2 =	vld [tilespmem:s23+$0x30]  }
0x1b7: {  	s30 =	simm.s32 $0x2  }
0x1b8: {  	v4 =	vmov s30  }
0x1b9: {  	v4 =	vand.u32 $0x7E, v4  }
0x1ba: {  	v4 =	vbroadcast v4, $0x0  }
0x1bb: {  	[tilespmem:v3+s13+$0x0] =	vst.idx.msk $0xffff, v2  }
0x1bc: {  	v3 =	vor.u32 v0, v4;
	v2 =	vld [tilespmem:s23+$0x40];
	_ =	sdelay $0x4  }
0x1bd: {  	[tilespmem:v3+s13+$0x0] =	vst.idx.msk $0xffff, v2  }
0x1be: {  	v3 =	vor.u32 v1, v4;
	v2 =	vld [tilespmem:s23+$0x50]  }
0x1bf: {  	s31 =	simm.s32 $0x3  }
0x1c0: {  	v4 =	vmov s31  }
0x1c1: {  	v4 =	vand.u32 $0x7F, v4  }
0x1c2: {  	v4 =	vbroadcast v4, $0x0  }
0x1c3: {  	[tilespmem:v3+s13+$0x0] =	vst.idx.msk $0xffff, v2  }
0x1c4: {  	v3 =	vor.u32 v0, v4;
	v2 =	vld [tilespmem:s23+$0x60];
	_ =	sdelay $0x4  }
0x1c5: {  	[tilespmem:v3+s13+$0x0] =	vst.idx.msk $0xffff, v2  }
0x1c6: {  	v3 =	vor.u32 v1, v4;
	v2 =	vld [tilespmem:s23+$0x70]  }
0x1c7: {  	s24 =	simm.s32 $0x4  }
0x1c8: {  	s25 =	simm.s32 $0x8;
	v4 =	vmov s24  }
.LBB2_11:
0x1c9: {  	p0 =	slt.u32 s25, $0x7C;
	v4 =	vand.u32 $0x7C, v4  }
0x1ca: {  	v4 =	vbroadcast v4, $0x0  }
0x1cb: {  	s23 =	sadd.s32 $0x80, s23;
	[tilespmem:v3+s13+$0x0] =	vst.idx.msk $0xffff, v2  }
0x1cc: {  	v2 =	vld [tilespmem:s23+$0x0];
	v3 =	vor.u32 v0, v4;
	_ =	sdelay $0x4  }
0x1cd: {  	[tilespmem:v3+s13+$0x0] =	vst.idx.msk $0xffff, v2  }
0x1ce: {  	v3 =	vor.u32 v1, v4;
	v2 =	vld [tilespmem:s23+$0x10]  }
0x1cf: {  	s26 =	sadd.s32 $0x1, s24  }
0x1d0: {  	v4 =	vmov s26  }
0x1d1: {  	v4 =	vand.u32 $0x7D, v4  }
0x1d2: {  	v4 =	vbroadcast v4, $0x0  }
0x1d3: {  	[tilespmem:v3+s13+$0x0] =	vst.idx.msk $0xffff, v2  }
0x1d4: {  	v3 =	vor.u32 v0, v4;
	v2 =	vld [tilespmem:s23+$0x20];
	_ =	sdelay $0x4  }
0x1d5: {  	[tilespmem:v3+s13+$0x0] =	vst.idx.msk $0xffff, v2  }
0x1d6: {  	v3 =	vor.u32 v1, v4;
	v2 =	vld [tilespmem:s23+$0x30]  }
0x1d7: {  	s26 =	sadd.s32 $0x2, s24  }
0x1d8: {  	v4 =	vmov s26  }
0x1d9: {  	v4 =	vand.u32 $0x7E, v4  }
0x1da: {  	v4 =	vbroadcast v4, $0x0  }
0x1db: {  	[tilespmem:v3+s13+$0x0] =	vst.idx.msk $0xffff, v2  }
0x1dc: {  	v3 =	vor.u32 v0, v4;
	v2 =	vld [tilespmem:s23+$0x40];
	_ =	sdelay $0x4  }
0x1dd: {  	[tilespmem:v3+s13+$0x0] =	vst.idx.msk $0xffff, v2  }
0x1de: {  	v3 =	vor.u32 v1, v4;
	v2 =	vld [tilespmem:s23+$0x50]  }
0x1df: {  	s26 =	sadd.s32 $0x3, s24;
	s24 =	smov.u32 s25  }
0x1e0: {  	v4 =	vmov s26  }
0x1e1: {  	v4 =	vand.u32 $0x7F, v4  }
0x1e2: {  	v4 =	vbroadcast v4, $0x0  }
0x1e3: {  	[tilespmem:v3+s13+$0x0] =	vst.idx.msk $0xffff, v2  }
0x1e4: {  	v3 =	vor.u32 v0, v4;
	v2 =	vld [tilespmem:s23+$0x60];
	_ =	sdelay $0x3  }
.Ltmp4:
0x1e5: {  	(pc) =	sbr.rel @p0 .LBB2_11-.Ltmp4, $3  }
0x1e6: {  	[tilespmem:v3+s13+$0x0] =	vst.idx.msk $0xffff, v2  }
0x1e7: {  	v3 =	vor.u32 v1, v4;
	v2 =	vld [tilespmem:s23+$0x70];
	_ =	sdelay $0x1  }
0x1e8: {  	s25 =	sadd.s32 $0x4, s25;
	v4 =	vmov s24  }
0x1e9: {  	_ =	sdelay $0x1  }
0x1ea: {  	v4 =	vand.u32 $0x7C, v4  }
0x1eb: {  	v4 =	vbroadcast v4, $0x0  }
0x1ec: {  	s23 =	sadd.s32 $0x80, s23;
	[tilespmem:v3+s13+$0x0] =	vst.idx.msk $0xffff, v2  }
0x1ed: {  	v2 =	vld [tilespmem:s23+$0x0];
	v3 =	vor.u32 v0, v4;
	_ =	sdelay $0x4  }
0x1ee: {  	[tilespmem:v3+s13+$0x0] =	vst.idx.msk $0xffff, v2  }
0x1ef: {  	v3 =	vor.u32 v1, v4;
	v2 =	vld [tilespmem:s23+$0x10]  }
0x1f0: {  	s25 =	sadd.s32 $0x1, s24  }
0x1f1: {  	v4 =	vmov s25  }
0x1f2: {  	v4 =	vand.u32 $0x7D, v4  }
0x1f3: {  	v4 =	vbroadcast v4, $0x0  }
0x1f4: {  	[tilespmem:v3+s13+$0x0] =	vst.idx.msk $0xffff, v2  }
0x1f5: {  	v3 =	vor.u32 v0, v4;
	v2 =	vld [tilespmem:s23+$0x20];
	_ =	sdelay $0x4  }
0x1f6: {  	[tilespmem:v3+s13+$0x0] =	vst.idx.msk $0xffff, v2  }
0x1f7: {  	v3 =	vor.u32 v1, v4;
	v2 =	vld [tilespmem:s23+$0x30]  }
0x1f8: {  	s30 =	sadd.s32 $0x2, s24  }
0x1f9: {  	v4 =	vmov s30  }
0x1fa: {  	v4 =	vand.u32 $0x7E, v4  }
0x1fb: {  	v4 =	vbroadcast v4, $0x0  }
0x1fc: {  	[tilespmem:v3+s13+$0x0] =	vst.idx.msk $0xffff, v2  }
0x1fd: {  	v3 =	vor.u32 v0, v4;
	v2 =	vld [tilespmem:s23+$0x40];
	_ =	sdelay $0x4  }
0x1fe: {  	[tilespmem:v3+s13+$0x0] =	vst.idx.msk $0xffff, v2  }
0x1ff: {  	v3 =	vor.u32 v1, v4;
	v2 =	vld [tilespmem:s23+$0x50]  }
0x200: {  	s31 =	sadd.s32 $0x3, s24  }
0x201: {  	v4 =	vmov s31  }
0x202: {  	v4 =	vand.u32 $0x7F, v4  }
0x203: {  	v4 =	vbroadcast v4, $0x0  }
0x204: {  	[tilespmem:v3+s13+$0x0] =	vst.idx.msk $0xffff, v2  }
0x205: {  	v3 =	vor.u32 v0, v4;
	v2 =	vld [tilespmem:s23+$0x60];
	_ =	sdelay $0x4  }
0x206: {  	[tilespmem:v3+s13+$0x0] =	vst.idx.msk $0xffff, v2  }
0x207: {  	v3 =	vor.u32 v1, v4;
	v2 =	vld [tilespmem:s23+$0x70]  }
0x208: {  	s25 =	sadd.s32 $0x4, s22  }
0x209: {  	s26 =	sshll.u32 s25, $0x7  }
0x20a: {  	s24 =	sand.u32 $0x3A00, s26;
	s23 =	sshll.u32 s25, $0x9  }
0x20b: {  	s24 =	sadd.s32 s2, s24;
	s23 =	sand.u32 $0xFFF0000, s23  }
0x20c: {  	s28 =	simm.s32 $0x0;
	s23 =	sadd.s32 s23, s24;
	[tilespmem:v3+s13+$0x0] =	vst.idx.msk $0xffff, v2  }
0x20d: {  	v2 =	vmov s28;
	[hbm4b:s23+s9] =	stream.strided.scatter [tilespmem:s13], [sflag:$0x3], $0x1000, s14, s9, $0x38;
	[tilespmem:$0x1E800] =	vst v63  }
0x20e: {  	v2 =	vand.u32 $0x7C, v2;
	_ =	swait.ge [sflag:s17], $0x1000  }
0x20f: {  	v2 =	vbroadcast v2, $0x0;
	[sflag:s17] =	ssyncset.done $0x0  }
0x210: {  	s23 =	simm.s32 $0x11800;
	[sflag:s17] =	ssyncadd.s32 $0xFFFFF000  }
0x211: {  	v4 =	vor.u32 v0, v2;
	v3 =	vld [tilespmem:s23+$0x0];
	_ =	sdelay $0x4  }
0x212: {  	[tilespmem:v4+s15+$0x0] =	vst.idx.msk $0xffff, v3  }
0x213: {  	v2 =	vor.u32 v1, v2;
	v3 =	vld [tilespmem:s23+$0x10]  }
0x214: {  	s29 =	simm.s32 $0x1  }
0x215: {  	v4 =	vmov s29  }
0x216: {  	v4 =	vand.u32 $0x7D, v4  }
0x217: {  	v4 =	vbroadcast v4, $0x0  }
0x218: {  	[tilespmem:v2+s15+$0x0] =	vst.idx.msk $0xffff, v3  }
0x219: {  	v3 =	vor.u32 v0, v4;
	v2 =	vld [tilespmem:s23+$0x20];
	_ =	sdelay $0x4  }
0x21a: {  	[tilespmem:v3+s15+$0x0] =	vst.idx.msk $0xffff, v2  }
0x21b: {  	v3 =	vor.u32 v1, v4;
	v2 =	vld [tilespmem:s23+$0x30]  }
0x21c: {  	s30 =	simm.s32 $0x2  }
0x21d: {  	v4 =	vmov s30  }
0x21e: {  	v4 =	vand.u32 $0x7E, v4  }
0x21f: {  	v4 =	vbroadcast v4, $0x0  }
0x220: {  	[tilespmem:v3+s15+$0x0] =	vst.idx.msk $0xffff, v2  }
0x221: {  	v3 =	vor.u32 v0, v4;
	v2 =	vld [tilespmem:s23+$0x40];
	_ =	sdelay $0x4  }
0x222: {  	[tilespmem:v3+s15+$0x0] =	vst.idx.msk $0xffff, v2  }
0x223: {  	v3 =	vor.u32 v1, v4;
	v2 =	vld [tilespmem:s23+$0x50]  }
0x224: {  	s31 =	simm.s32 $0x3  }
0x225: {  	v4 =	vmov s31  }
0x226: {  	v4 =	vand.u32 $0x7F, v4  }
0x227: {  	v4 =	vbroadcast v4, $0x0  }
0x228: {  	[tilespmem:v3+s15+$0x0] =	vst.idx.msk $0xffff, v2  }
0x229: {  	v3 =	vor.u32 v0, v4;
	v2 =	vld [tilespmem:s23+$0x60];
	_ =	sdelay $0x4  }
0x22a: {  	[tilespmem:v3+s15+$0x0] =	vst.idx.msk $0xffff, v2  }
0x22b: {  	v3 =	vor.u32 v1, v4;
	v2 =	vld [tilespmem:s23+$0x70]  }
0x22c: {  	s24 =	simm.s32 $0x4  }
0x22d: {  	s25 =	simm.s32 $0x8;
	v4 =	vmov s24  }
.LBB2_13:
0x22e: {  	p0 =	slt.u32 s25, $0x7C;
	v4 =	vand.u32 $0x7C, v4  }
0x22f: {  	v4 =	vbroadcast v4, $0x0  }
0x230: {  	s23 =	sadd.s32 $0x80, s23;
	[tilespmem:v3+s15+$0x0] =	vst.idx.msk $0xffff, v2  }
0x231: {  	v2 =	vld [tilespmem:s23+$0x0];
	v3 =	vor.u32 v0, v4;
	_ =	sdelay $0x4  }
0x232: {  	[tilespmem:v3+s15+$0x0] =	vst.idx.msk $0xffff, v2  }
0x233: {  	v3 =	vor.u32 v1, v4;
	v2 =	vld [tilespmem:s23+$0x10]  }
0x234: {  	s26 =	sadd.s32 $0x1, s24  }
0x235: {  	v4 =	vmov s26  }
0x236: {  	v4 =	vand.u32 $0x7D, v4  }
0x237: {  	v4 =	vbroadcast v4, $0x0  }
0x238: {  	[tilespmem:v3+s15+$0x0] =	vst.idx.msk $0xffff, v2  }
0x239: {  	v3 =	vor.u32 v0, v4;
	v2 =	vld [tilespmem:s23+$0x20];
	_ =	sdelay $0x4  }
0x23a: {  	[tilespmem:v3+s15+$0x0] =	vst.idx.msk $0xffff, v2  }
0x23b: {  	v3 =	vor.u32 v1, v4;
	v2 =	vld [tilespmem:s23+$0x30]  }
0x23c: {  	s26 =	sadd.s32 $0x2, s24  }
0x23d: {  	v4 =	vmov s26  }
0x23e: {  	v4 =	vand.u32 $0x7E, v4  }
0x23f: {  	v4 =	vbroadcast v4, $0x0  }
0x240: {  	[tilespmem:v3+s15+$0x0] =	vst.idx.msk $0xffff, v2  }
0x241: {  	v3 =	vor.u32 v0, v4;
	v2 =	vld [tilespmem:s23+$0x40];
	_ =	sdelay $0x4  }
0x242: {  	[tilespmem:v3+s15+$0x0] =	vst.idx.msk $0xffff, v2  }
0x243: {  	v3 =	vor.u32 v1, v4;
	v2 =	vld [tilespmem:s23+$0x50]  }
0x244: {  	s26 =	sadd.s32 $0x3, s24;
	s24 =	smov.u32 s25  }
0x245: {  	v4 =	vmov s26  }
0x246: {  	v4 =	vand.u32 $0x7F, v4  }
0x247: {  	v4 =	vbroadcast v4, $0x0  }
0x248: {  	[tilespmem:v3+s15+$0x0] =	vst.idx.msk $0xffff, v2  }
0x249: {  	v3 =	vor.u32 v0, v4;
	v2 =	vld [tilespmem:s23+$0x60];
	_ =	sdelay $0x3  }
.Ltmp5:
0x24a: {  	(pc) =	sbr.rel @p0 .LBB2_13-.Ltmp5, $3  }
0x24b: {  	[tilespmem:v3+s15+$0x0] =	vst.idx.msk $0xffff, v2  }
0x24c: {  	v3 =	vor.u32 v1, v4;
	v2 =	vld [tilespmem:s23+$0x70];
	_ =	sdelay $0x1  }
0x24d: {  	s25 =	sadd.s32 $0x4, s25;
	v4 =	vmov s24  }
0x24e: {  	_ =	sdelay $0x1  }
0x24f: {  	v4 =	vand.u32 $0x7C, v4  }
0x250: {  	v4 =	vbroadcast v4, $0x0  }
0x251: {  	s23 =	sadd.s32 $0x80, s23;
	[tilespmem:v3+s15+$0x0] =	vst.idx.msk $0xffff, v2  }
0x252: {  	v2 =	vld [tilespmem:s23+$0x0];
	v3 =	vor.u32 v0, v4;
	_ =	sdelay $0x4  }
0x253: {  	[tilespmem:v3+s15+$0x0] =	vst.idx.msk $0xffff, v2  }
0x254: {  	v3 =	vor.u32 v1, v4;
	v2 =	vld [tilespmem:s23+$0x10]  }
0x255: {  	s25 =	sadd.s32 $0x1, s24  }
0x256: {  	v4 =	vmov s25  }
0x257: {  	v4 =	vand.u32 $0x7D, v4  }
0x258: {  	v4 =	vbroadcast v4, $0x0  }
0x259: {  	[tilespmem:v3+s15+$0x0] =	vst.idx.msk $0xffff, v2  }
0x25a: {  	v3 =	vor.u32 v0, v4;
	v2 =	vld [tilespmem:s23+$0x20];
	_ =	sdelay $0x4  }
0x25b: {  	[tilespmem:v3+s15+$0x0] =	vst.idx.msk $0xffff, v2  }
0x25c: {  	v3 =	vor.u32 v1, v4;
	v2 =	vld [tilespmem:s23+$0x30]  }
0x25d: {  	s30 =	sadd.s32 $0x2, s24  }
0x25e: {  	v4 =	vmov s30  }
0x25f: {  	v4 =	vand.u32 $0x7E, v4  }
0x260: {  	v4 =	vbroadcast v4, $0x0  }
0x261: {  	[tilespmem:v3+s15+$0x0] =	vst.idx.msk $0xffff, v2  }
0x262: {  	v3 =	vor.u32 v0, v4;
	v2 =	vld [tilespmem:s23+$0x40];
	_ =	sdelay $0x4  }
0x263: {  	[tilespmem:v3+s15+$0x0] =	vst.idx.msk $0xffff, v2  }
0x264: {  	v3 =	vor.u32 v1, v4;
	v2 =	vld [tilespmem:s23+$0x50]  }
0x265: {  	s31 =	sadd.s32 $0x3, s24  }
0x266: {  	v4 =	vmov s31  }
0x267: {  	v4 =	vand.u32 $0x7F, v4  }
0x268: {  	v4 =	vbroadcast v4, $0x0  }
0x269: {  	[tilespmem:v3+s15+$0x0] =	vst.idx.msk $0xffff, v2  }
0x26a: {  	v3 =	vor.u32 v0, v4;
	v2 =	vld [tilespmem:s23+$0x60];
	_ =	sdelay $0x4  }
0x26b: {  	[tilespmem:v3+s15+$0x0] =	vst.idx.msk $0xffff, v2  }
0x26c: {  	v3 =	vor.u32 v1, v4;
	v2 =	vld [tilespmem:s23+$0x70]  }
0x26d: {  	s25 =	sadd.s32 $0x5, s22  }
0x26e: {  	s26 =	sshll.u32 s25, $0x7  }
0x26f: {  	s24 =	sand.u32 $0x3A80, s26;
	s23 =	sshll.u32 s25, $0x9  }
0x270: {  	s24 =	sadd.s32 s2, s24;
	s23 =	sand.u32 $0xFFF0000, s23  }
0x271: {  	s28 =	simm.s32 $0x0;
	s23 =	sadd.s32 s23, s24;
	[tilespmem:v3+s15+$0x0] =	vst.idx.msk $0xffff, v2  }
0x272: {  	v2 =	vmov s28;
	[hbm4b:s23+s9] =	stream.strided.scatter [tilespmem:s15], [sflag:$0x4], $0x1000, s14, s9, $0x38;
	[tilespmem:$0x1E800] =	vst v63  }
0x273: {  	v2 =	vand.u32 $0x7C, v2;
	_ =	swait.ge [sflag:s16], $0x1000  }
0x274: {  	v2 =	vbroadcast v2, $0x0;
	[sflag:s16] =	ssyncset.done $0x0  }
0x275: {  	s23 =	simm.s32 $0x12800;
	[sflag:s16] =	ssyncadd.s32 $0xFFFFF000  }
0x276: {  	v4 =	vor.u32 v0, v2;
	v3 =	vld [tilespmem:s23+$0x0];
	_ =	sdelay $0x4  }
0x277: {  	[tilespmem:v4+s13+$0x0] =	vst.idx.msk $0xffff, v3  }
0x278: {  	v2 =	vor.u32 v1, v2;
	v3 =	vld [tilespmem:s23+$0x10]  }
0x279: {  	s29 =	simm.s32 $0x1  }
0x27a: {  	v4 =	vmov s29  }
0x27b: {  	v4 =	vand.u32 $0x7D, v4  }
0x27c: {  	v4 =	vbroadcast v4, $0x0  }
0x27d: {  	[tilespmem:v2+s13+$0x0] =	vst.idx.msk $0xffff, v3  }
0x27e: {  	v3 =	vor.u32 v0, v4;
	v2 =	vld [tilespmem:s23+$0x20];
	_ =	sdelay $0x4  }
0x27f: {  	[tilespmem:v3+s13+$0x0] =	vst.idx.msk $0xffff, v2  }
0x280: {  	v3 =	vor.u32 v1, v4;
	v2 =	vld [tilespmem:s23+$0x30]  }
0x281: {  	s30 =	simm.s32 $0x2  }
0x282: {  	v4 =	vmov s30  }
0x283: {  	v4 =	vand.u32 $0x7E, v4  }
0x284: {  	v4 =	vbroadcast v4, $0x0  }
0x285: {  	[tilespmem:v3+s13+$0x0] =	vst.idx.msk $0xffff, v2  }
0x286: {  	v3 =	vor.u32 v0, v4;
	v2 =	vld [tilespmem:s23+$0x40];
	_ =	sdelay $0x4  }
0x287: {  	[tilespmem:v3+s13+$0x0] =	vst.idx.msk $0xffff, v2  }
0x288: {  	v3 =	vor.u32 v1, v4;
	v2 =	vld [tilespmem:s23+$0x50]  }
0x289: {  	s31 =	simm.s32 $0x3  }
0x28a: {  	v4 =	vmov s31  }
0x28b: {  	v4 =	vand.u32 $0x7F, v4  }
0x28c: {  	v4 =	vbroadcast v4, $0x0  }
0x28d: {  	[tilespmem:v3+s13+$0x0] =	vst.idx.msk $0xffff, v2  }
0x28e: {  	v3 =	vor.u32 v0, v4;
	v2 =	vld [tilespmem:s23+$0x60];
	_ =	sdelay $0x4  }
0x28f: {  	[tilespmem:v3+s13+$0x0] =	vst.idx.msk $0xffff, v2  }
0x290: {  	v3 =	vor.u32 v1, v4;
	v2 =	vld [tilespmem:s23+$0x70]  }
0x291: {  	s24 =	simm.s32 $0x4  }
0x292: {  	s25 =	simm.s32 $0x8;
	v4 =	vmov s24  }
.LBB2_15:
0x293: {  	p0 =	slt.u32 s25, $0x7C;
	v4 =	vand.u32 $0x7C, v4  }
0x294: {  	v4 =	vbroadcast v4, $0x0  }
0x295: {  	s23 =	sadd.s32 $0x80, s23;
	[tilespmem:v3+s13+$0x0] =	vst.idx.msk $0xffff, v2  }
0x296: {  	v2 =	vld [tilespmem:s23+$0x0];
	v3 =	vor.u32 v0, v4;
	_ =	sdelay $0x4  }
0x297: {  	[tilespmem:v3+s13+$0x0] =	vst.idx.msk $0xffff, v2  }
0x298: {  	v3 =	vor.u32 v1, v4;
	v2 =	vld [tilespmem:s23+$0x10]  }
0x299: {  	s26 =	sadd.s32 $0x1, s24  }
0x29a: {  	v4 =	vmov s26  }
0x29b: {  	v4 =	vand.u32 $0x7D, v4  }
0x29c: {  	v4 =	vbroadcast v4, $0x0  }
0x29d: {  	[tilespmem:v3+s13+$0x0] =	vst.idx.msk $0xffff, v2  }
0x29e: {  	v3 =	vor.u32 v0, v4;
	v2 =	vld [tilespmem:s23+$0x20];
	_ =	sdelay $0x4  }
0x29f: {  	[tilespmem:v3+s13+$0x0] =	vst.idx.msk $0xffff, v2  }
0x2a0: {  	v3 =	vor.u32 v1, v4;
	v2 =	vld [tilespmem:s23+$0x30]  }
0x2a1: {  	s26 =	sadd.s32 $0x2, s24  }
0x2a2: {  	v4 =	vmov s26  }
0x2a3: {  	v4 =	vand.u32 $0x7E, v4  }
0x2a4: {  	v4 =	vbroadcast v4, $0x0  }
0x2a5: {  	[tilespmem:v3+s13+$0x0] =	vst.idx.msk $0xffff, v2  }
0x2a6: {  	v3 =	vor.u32 v0, v4;
	v2 =	vld [tilespmem:s23+$0x40];
	_ =	sdelay $0x4  }
0x2a7: {  	[tilespmem:v3+s13+$0x0] =	vst.idx.msk $0xffff, v2  }
0x2a8: {  	v3 =	vor.u32 v1, v4;
	v2 =	vld [tilespmem:s23+$0x50]  }
0x2a9: {  	s26 =	sadd.s32 $0x3, s24;
	s24 =	smov.u32 s25  }
0x2aa: {  	v4 =	vmov s26  }
0x2ab: {  	v4 =	vand.u32 $0x7F, v4  }
0x2ac: {  	v4 =	vbroadcast v4, $0x0  }
0x2ad: {  	[tilespmem:v3+s13+$0x0] =	vst.idx.msk $0xffff, v2  }
0x2ae: {  	v3 =	vor.u32 v0, v4;
	v2 =	vld [tilespmem:s23+$0x60];
	_ =	sdelay $0x3  }
.Ltmp6:
0x2af: {  	(pc) =	sbr.rel @p0 .LBB2_15-.Ltmp6, $3  }
0x2b0: {  	[tilespmem:v3+s13+$0x0] =	vst.idx.msk $0xffff, v2  }
0x2b1: {  	v3 =	vor.u32 v1, v4;
	v2 =	vld [tilespmem:s23+$0x70];
	_ =	sdelay $0x1  }
0x2b2: {  	s25 =	sadd.s32 $0x4, s25;
	v4 =	vmov s24  }
0x2b3: {  	_ =	sdelay $0x1  }
0x2b4: {  	v4 =	vand.u32 $0x7C, v4  }
0x2b5: {  	v4 =	vbroadcast v4, $0x0  }
0x2b6: {  	s23 =	sadd.s32 $0x80, s23;
	[tilespmem:v3+s13+$0x0] =	vst.idx.msk $0xffff, v2  }
0x2b7: {  	v2 =	vld [tilespmem:s23+$0x0];
	v3 =	vor.u32 v0, v4;
	_ =	sdelay $0x4  }
0x2b8: {  	[tilespmem:v3+s13+$0x0] =	vst.idx.msk $0xffff, v2  }
0x2b9: {  	v3 =	vor.u32 v1, v4;
	v2 =	vld [tilespmem:s23+$0x10]  }
0x2ba: {  	s25 =	sadd.s32 $0x1, s24  }
0x2bb: {  	v4 =	vmov s25  }
0x2bc: {  	v4 =	vand.u32 $0x7D, v4  }
0x2bd: {  	v4 =	vbroadcast v4, $0x0  }
0x2be: {  	[tilespmem:v3+s13+$0x0] =	vst.idx.msk $0xffff, v2  }
0x2bf: {  	v3 =	vor.u32 v0, v4;
	v2 =	vld [tilespmem:s23+$0x20];
	_ =	sdelay $0x4  }
0x2c0: {  	[tilespmem:v3+s13+$0x0] =	vst.idx.msk $0xffff, v2  }
0x2c1: {  	v3 =	vor.u32 v1, v4;
	v2 =	vld [tilespmem:s23+$0x30]  }
0x2c2: {  	s30 =	sadd.s32 $0x2, s24  }
0x2c3: {  	v4 =	vmov s30  }
0x2c4: {  	v4 =	vand.u32 $0x7E, v4  }
0x2c5: {  	v4 =	vbroadcast v4, $0x0  }
0x2c6: {  	[tilespmem:v3+s13+$0x0] =	vst.idx.msk $0xffff, v2  }
0x2c7: {  	v3 =	vor.u32 v0, v4;
	v2 =	vld [tilespmem:s23+$0x40];
	_ =	sdelay $0x4  }
0x2c8: {  	[tilespmem:v3+s13+$0x0] =	vst.idx.msk $0xffff, v2  }
0x2c9: {  	v3 =	vor.u32 v1, v4;
	v2 =	vld [tilespmem:s23+$0x50]  }
0x2ca: {  	s31 =	sadd.s32 $0x3, s24  }
0x2cb: {  	v4 =	vmov s31  }
0x2cc: {  	v4 =	vand.u32 $0x7F, v4  }
0x2cd: {  	v4 =	vbroadcast v4, $0x0  }
0x2ce: {  	[tilespmem:v3+s13+$0x0] =	vst.idx.msk $0xffff, v2  }
0x2cf: {  	v3 =	vor.u32 v0, v4;
	v2 =	vld [tilespmem:s23+$0x60];
	_ =	sdelay $0x4  }
0x2d0: {  	[tilespmem:v3+s13+$0x0] =	vst.idx.msk $0xffff, v2  }
0x2d1: {  	v3 =	vor.u32 v1, v4;
	v2 =	vld [tilespmem:s23+$0x70]  }
0x2d2: {  	s25 =	sadd.s32 $0x6, s22  }
0x2d3: {  	s26 =	sshll.u32 s25, $0x7  }
0x2d4: {  	s24 =	sand.u32 $0x3B00, s26;
	s23 =	sshll.u32 s25, $0x9  }
0x2d5: {  	s24 =	sadd.s32 s2, s24;
	s23 =	sand.u32 $0xFFF0000, s23  }
0x2d6: {  	s28 =	simm.s32 $0x0;
	s23 =	sadd.s32 s23, s24;
	[tilespmem:v3+s13+$0x0] =	vst.idx.msk $0xffff, v2  }
0x2d7: {  	v2 =	vmov s28;
	[hbm4b:s23+s9] =	stream.strided.scatter [tilespmem:s13], [sflag:$0x3], $0x1000, s14, s9, $0x38;
	[tilespmem:$0x1E800] =	vst v63  }
0x2d8: {  	v2 =	vand.u32 $0x7C, v2;
	_ =	swait.ge [sflag:s17], $0x1000  }
0x2d9: {  	v2 =	vbroadcast v2, $0x0;
	[sflag:s17] =	ssyncset.done $0x0  }
0x2da: {  	s23 =	simm.s32 $0x13800;
	[sflag:s17] =	ssyncadd.s32 $0xFFFFF000  }
0x2db: {  	v4 =	vor.u32 v0, v2;
	v3 =	vld [tilespmem:s23+$0x0];
	_ =	sdelay $0x4  }
0x2dc: {  	[tilespmem:v4+s15+$0x0] =	vst.idx.msk $0xffff, v3  }
0x2dd: {  	v2 =	vor.u32 v1, v2;
	v3 =	vld [tilespmem:s23+$0x10]  }
0x2de: {  	s29 =	simm.s32 $0x1  }
0x2df: {  	v4 =	vmov s29  }
0x2e0: {  	v4 =	vand.u32 $0x7D, v4  }
0x2e1: {  	v4 =	vbroadcast v4, $0x0  }
0x2e2: {  	[tilespmem:v2+s15+$0x0] =	vst.idx.msk $0xffff, v3  }
0x2e3: {  	v3 =	vor.u32 v0, v4;
	v2 =	vld [tilespmem:s23+$0x20];
	_ =	sdelay $0x4  }
0x2e4: {  	[tilespmem:v3+s15+$0x0] =	vst.idx.msk $0xffff, v2  }
0x2e5: {  	v3 =	vor.u32 v1, v4;
	v2 =	vld [tilespmem:s23+$0x30]  }
0x2e6: {  	s30 =	simm.s32 $0x2  }
0x2e7: {  	v4 =	vmov s30  }
0x2e8: {  	v4 =	vand.u32 $0x7E, v4  }
0x2e9: {  	v4 =	vbroadcast v4, $0x0  }
0x2ea: {  	[tilespmem:v3+s15+$0x0] =	vst.idx.msk $0xffff, v2  }
0x2eb: {  	v3 =	vor.u32 v0, v4;
	v2 =	vld [tilespmem:s23+$0x40];
	_ =	sdelay $0x4  }
0x2ec: {  	[tilespmem:v3+s15+$0x0] =	vst.idx.msk $0xffff, v2  }
0x2ed: {  	v3 =	vor.u32 v1, v4;
	v2 =	vld [tilespmem:s23+$0x50]  }
0x2ee: {  	s31 =	simm.s32 $0x3  }
0x2ef: {  	v4 =	vmov s31  }
0x2f0: {  	v4 =	vand.u32 $0x7F, v4  }
0x2f1: {  	v4 =	vbroadcast v4, $0x0  }
0x2f2: {  	[tilespmem:v3+s15+$0x0] =	vst.idx.msk $0xffff, v2  }
0x2f3: {  	v3 =	vor.u32 v0, v4;
	v2 =	vld [tilespmem:s23+$0x60];
	_ =	sdelay $0x4  }
0x2f4: {  	[tilespmem:v3+s15+$0x0] =	vst.idx.msk $0xffff, v2  }
0x2f5: {  	v3 =	vor.u32 v1, v4;
	v2 =	vld [tilespmem:s23+$0x70]  }
0x2f6: {  	s24 =	simm.s32 $0x4  }
0x2f7: {  	s25 =	simm.s32 $0x8;
	v4 =	vmov s24  }
.LBB2_17:
0x2f8: {  	p0 =	slt.u32 s25, $0x7C;
	v4 =	vand.u32 $0x7C, v4  }
0x2f9: {  	v4 =	vbroadcast v4, $0x0  }
0x2fa: {  	s23 =	sadd.s32 $0x80, s23;
	[tilespmem:v3+s15+$0x0] =	vst.idx.msk $0xffff, v2  }
0x2fb: {  	v2 =	vld [tilespmem:s23+$0x0];
	v3 =	vor.u32 v0, v4;
	_ =	sdelay $0x4  }
0x2fc: {  	[tilespmem:v3+s15+$0x0] =	vst.idx.msk $0xffff, v2  }
0x2fd: {  	v3 =	vor.u32 v1, v4;
	v2 =	vld [tilespmem:s23+$0x10]  }
0x2fe: {  	s26 =	sadd.s32 $0x1, s24  }
0x2ff: {  	v4 =	vmov s26  }
0x300: {  	v4 =	vand.u32 $0x7D, v4  }
0x301: {  	v4 =	vbroadcast v4, $0x0  }
0x302: {  	[tilespmem:v3+s15+$0x0] =	vst.idx.msk $0xffff, v2  }
0x303: {  	v3 =	vor.u32 v0, v4;
	v2 =	vld [tilespmem:s23+$0x20];
	_ =	sdelay $0x4  }
0x304: {  	[tilespmem:v3+s15+$0x0] =	vst.idx.msk $0xffff, v2  }
0x305: {  	v3 =	vor.u32 v1, v4;
	v2 =	vld [tilespmem:s23+$0x30]  }
0x306: {  	s26 =	sadd.s32 $0x2, s24  }
0x307: {  	v4 =	vmov s26  }
0x308: {  	v4 =	vand.u32 $0x7E, v4  }
0x309: {  	v4 =	vbroadcast v4, $0x0  }
0x30a: {  	[tilespmem:v3+s15+$0x0] =	vst.idx.msk $0xffff, v2  }
0x30b: {  	v3 =	vor.u32 v0, v4;
	v2 =	vld [tilespmem:s23+$0x40];
	_ =	sdelay $0x4  }
0x30c: {  	[tilespmem:v3+s15+$0x0] =	vst.idx.msk $0xffff, v2  }
0x30d: {  	v3 =	vor.u32 v1, v4;
	v2 =	vld [tilespmem:s23+$0x50]  }
0x30e: {  	s26 =	sadd.s32 $0x3, s24;
	s24 =	smov.u32 s25  }
0x30f: {  	v4 =	vmov s26  }
0x310: {  	v4 =	vand.u32 $0x7F, v4  }
0x311: {  	v4 =	vbroadcast v4, $0x0  }
0x312: {  	[tilespmem:v3+s15+$0x0] =	vst.idx.msk $0xffff, v2  }
0x313: {  	v3 =	vor.u32 v0, v4;
	v2 =	vld [tilespmem:s23+$0x60];
	_ =	sdelay $0x3  }
.Ltmp7:
0x314: {  	(pc) =	sbr.rel @p0 .LBB2_17-.Ltmp7, $3  }
0x315: {  	[tilespmem:v3+s15+$0x0] =	vst.idx.msk $0xffff, v2  }
0x316: {  	v3 =	vor.u32 v1, v4;
	v2 =	vld [tilespmem:s23+$0x70];
	_ =	sdelay $0x1  }
0x317: {  	s25 =	sadd.s32 $0x4, s25;
	v4 =	vmov s24  }
0x318: {  	_ =	sdelay $0x1  }
0x319: {  	v4 =	vand.u32 $0x7C, v4  }
0x31a: {  	v4 =	vbroadcast v4, $0x0  }
0x31b: {  	s23 =	sadd.s32 $0x80, s23;
	[tilespmem:v3+s15+$0x0] =	vst.idx.msk $0xffff, v2  }
0x31c: {  	v2 =	vld [tilespmem:s23+$0x0];
	v3 =	vor.u32 v0, v4;
	_ =	sdelay $0x4  }
0x31d: {  	[tilespmem:v3+s15+$0x0] =	vst.idx.msk $0xffff, v2  }
0x31e: {  	v3 =	vor.u32 v1, v4;
	v2 =	vld [tilespmem:s23+$0x10]  }
0x31f: {  	s25 =	sadd.s32 $0x1, s24  }
0x320: {  	v4 =	vmov s25  }
0x321: {  	v4 =	vand.u32 $0x7D, v4  }
0x322: {  	v4 =	vbroadcast v4, $0x0  }
0x323: {  	[tilespmem:v3+s15+$0x0] =	vst.idx.msk $0xffff, v2  }
0x324: {  	v3 =	vor.u32 v0, v4;
	v2 =	vld [tilespmem:s23+$0x20];
	_ =	sdelay $0x4  }
0x325: {  	[tilespmem:v3+s15+$0x0] =	vst.idx.msk $0xffff, v2  }
0x326: {  	v3 =	vor.u32 v1, v4;
	v2 =	vld [tilespmem:s23+$0x30]  }
0x327: {  	s31 =	sadd.s32 $0x2, s24  }
0x328: {  	v4 =	vmov s31  }
0x329: {  	v4 =	vand.u32 $0x7E, v4  }
0x32a: {  	v4 =	vbroadcast v4, $0x0  }
0x32b: {  	[tilespmem:v3+s15+$0x0] =	vst.idx.msk $0xffff, v2  }
0x32c: {  	v3 =	vor.u32 v0, v4;
	v2 =	vld [tilespmem:s23+$0x40];
	_ =	sdelay $0x4  }
0x32d: {  	[tilespmem:v3+s15+$0x0] =	vst.idx.msk $0xffff, v2  }
0x32e: {  	v3 =	vor.u32 v1, v4;
	v2 =	vld [tilespmem:s23+$0x50]  }
0x32f: {  	s25 =	sadd.s32 $0x3, s24  }
0x330: {  	v4 =	vmov s25  }
0x331: {  	v4 =	vand.u32 $0x7F, v4  }
0x332: {  	v4 =	vbroadcast v4, $0x0  }
0x333: {  	[tilespmem:v3+s15+$0x0] =	vst.idx.msk $0xffff, v2  }
0x334: {  	v3 =	vor.u32 v0, v4;
	v2 =	vld [tilespmem:s23+$0x60];
	_ =	sdelay $0x4  }
0x335: {  	[tilespmem:v3+s15+$0x0] =	vst.idx.msk $0xffff, v2  }
0x336: {  	v3 =	vor.u32 v1, v4;
	v2 =	vld [tilespmem:s23+$0x70]  }
0x337: {  	s22 =	sadd.s32 $0x7, s22  }
0x338: {  	s26 =	sshll.u32 s22, $0x7  }
0x339: {  	s22 =	sshll.u32 s22, $0x9;
	s23 =	sand.u32 $0x3B80, s26  }
0x33a: {  	s22 =	sand.u32 $0xFFF0000, s22;
	s23 =	sadd.s32 s2, s23  }
0x33b: {  	p0 =	seq.s32 s20, $0x18;
	s22 =	sadd.s32 s22, s23;
	[tilespmem:v3+s15+$0x0] =	vst.idx.msk $0xffff, v2  }
0x33c: {  	[hbm4b:s22+s9] =	stream.strided.scatter [tilespmem:s15], [sflag:$0x4], $0x1000, s14, s9, $0x38;
	[tilespmem:$0x1E800] =	vst v63  }
0x33d: {  	s28 =	simm.s32 $0x0;
	s22 =	sshll.u32 @!p0 s20, $0xB;
	_ =	swait.ge [sflag:s18], $0x8000  }
0x33e: {  	s24 =	simm.s32 @!p0 $0xC800;
	s22 =	sand.u32 @!p0 $0x3FFFF800, s22;
	[sflag:s18] =	ssyncset.done $0x0  }
0x33f: {  	s23 =	simm.s32 @!p0 $0x400;
	s22 =	sadd.s32 @!p0 $0x800, s22;
	[sflag:s18] =	ssyncadd.s32 $0xFFFF8000  }
0x340: {  	v2 =	vmov s28;
	[tilespmem:s24], [sflag:$0x1] =	stream.indirect.gather @!p0 [hbm4b:s4+s23], $0x20, s22, s23, $0xb8;
	[tilespmem:$0x1E800] =	vst v63  }
0x341: {  	v2 =	vand.u32 $0x7C, v2;
	_ =	swait.ge [sflag:s16], $0x1000  }
0x342: {  	v2 =	vbroadcast v2, $0x0;
	[sflag:s16] =	ssyncset.done $0x0  }
0x343: {  	s22 =	simm.s32 $0x14870;
	[sflag:s16] =	ssyncadd.s32 $0xFFFFF000  }
0x344: {  	v4 =	vor.u32 v0, v2;
	v3 =	vld [tilespmem:s22+$0xFFFFFF90];
	_ =	sdelay $0x4  }
0x345: {  	[tilespmem:v4+s13+$0x0] =	vst.idx.msk $0xffff, v3  }
0x346: {  	v2 =	vor.u32 v1, v2;
	v3 =	vld [tilespmem:s22+$0xFFFFFFA0]  }
0x347: {  	s29 =	simm.s32 $0x1  }
0x348: {  	v4 =	vmov s29  }
0x349: {  	v4 =	vand.u32 $0x7D, v4  }
0x34a: {  	v4 =	vbroadcast v4, $0x0  }
0x34b: {  	[tilespmem:v2+s13+$0x0] =	vst.idx.msk $0xffff, v3  }
0x34c: {  	v3 =	vor.u32 v0, v4;
	v2 =	vld [tilespmem:s22+$0xFFFFFFB0];
	_ =	sdelay $0x4  }
0x34d: {  	[tilespmem:v3+s13+$0x0] =	vst.idx.msk $0xffff, v2  }
0x34e: {  	v3 =	vor.u32 v1, v4;
	v2 =	vld [tilespmem:s22+$0xFFFFFFC0]  }
0x34f: {  	s30 =	simm.s32 $0x2  }
0x350: {  	v4 =	vmov s30  }
0x351: {  	v4 =	vand.u32 $0x7E, v4  }
0x352: {  	v4 =	vbroadcast v4, $0x0  }
0x353: {  	[tilespmem:v3+s13+$0x0] =	vst.idx.msk $0xffff, v2  }
0x354: {  	v3 =	vor.u32 v0, v4;
	v2 =	vld [tilespmem:s22+$0xFFFFFFD0];
	_ =	sdelay $0x4  }
0x355: {  	[tilespmem:v3+s13+$0x0] =	vst.idx.msk $0xffff, v2  }
0x356: {  	v3 =	vor.u32 v1, v4;
	v2 =	vld [tilespmem:s22+$0xFFFFFFE0]  }
0x357: {  	s31 =	simm.s32 $0x3  }
0x358: {  	v4 =	vmov s31  }
0x359: {  	v4 =	vand.u32 $0x7F, v4  }
0x35a: {  	v4 =	vbroadcast v4, $0x0  }
0x35b: {  	[tilespmem:v3+s13+$0x0] =	vst.idx.msk $0xffff, v2  }
0x35c: {  	v3 =	vor.u32 v0, v4;
	v2 =	vld [tilespmem:s22+$0xFFFFFFF0];
	_ =	sdelay $0x4  }
0x35d: {  	[tilespmem:v3+s13+$0x0] =	vst.idx.msk $0xffff, v2  }
0x35e: {  	v3 =	vor.u32 v1, v4;
	v2 =	vld [tilespmem:s22+$0x0]  }
0x35f: {  	s23 =	simm.s32 $0x4  }
0x360: {  	s24 =	simm.s32 $0x8;
	v4 =	vmov s23  }
.LBB2_19:
0x361: {  	p0 =	slt.u32 s24, $0x7C;
	v4 =	vand.u32 $0x7C, v4  }
0x362: {  	v4 =	vbroadcast v4, $0x0  }
0x363: {  	s22 =	sadd.s32 $0x80, s22;
	[tilespmem:v3+s13+$0x0] =	vst.idx.msk $0xffff, v2  }
0x364: {  	v2 =	vld [tilespmem:s22+$0xFFFFFF90];
	v3 =	vor.u32 v0, v4;
	_ =	sdelay $0x4  }
0x365: {  	[tilespmem:v3+s13+$0x0] =	vst.idx.msk $0xffff, v2  }
0x366: {  	v3 =	vor.u32 v1, v4;
	v2 =	vld [tilespmem:s22+$0xFFFFFFA0]  }
0x367: {  	s25 =	sadd.s32 $0x1, s23  }
0x368: {  	v4 =	vmov s25  }
0x369: {  	v4 =	vand.u32 $0x7D, v4  }
0x36a: {  	v4 =	vbroadcast v4, $0x0  }
0x36b: {  	[tilespmem:v3+s13+$0x0] =	vst.idx.msk $0xffff, v2  }
0x36c: {  	v3 =	vor.u32 v0, v4;
	v2 =	vld [tilespmem:s22+$0xFFFFFFB0];
	_ =	sdelay $0x4  }
0x36d: {  	[tilespmem:v3+s13+$0x0] =	vst.idx.msk $0xffff, v2  }
0x36e: {  	v3 =	vor.u32 v1, v4;
	v2 =	vld [tilespmem:s22+$0xFFFFFFC0]  }
0x36f: {  	s25 =	sadd.s32 $0x2, s23  }
0x370: {  	v4 =	vmov s25  }
0x371: {  	v4 =	vand.u32 $0x7E, v4  }
0x372: {  	v4 =	vbroadcast v4, $0x0  }
0x373: {  	[tilespmem:v3+s13+$0x0] =	vst.idx.msk $0xffff, v2  }
0x374: {  	v3 =	vor.u32 v0, v4;
	v2 =	vld [tilespmem:s22+$0xFFFFFFD0];
	_ =	sdelay $0x4  }
0x375: {  	[tilespmem:v3+s13+$0x0] =	vst.idx.msk $0xffff, v2  }
0x376: {  	v3 =	vor.u32 v1, v4;
	v2 =	vld [tilespmem:s22+$0xFFFFFFE0]  }
0x377: {  	s25 =	sadd.s32 $0x3, s23;
	s23 =	smov.u32 s24  }
0x378: {  	v4 =	vmov s25  }
0x379: {  	v4 =	vand.u32 $0x7F, v4  }
0x37a: {  	v4 =	vbroadcast v4, $0x0  }
0x37b: {  	[tilespmem:v3+s13+$0x0] =	vst.idx.msk $0xffff, v2  }
0x37c: {  	v3 =	vor.u32 v0, v4;
	v2 =	vld [tilespmem:s22+$0xFFFFFFF0];
	_ =	sdelay $0x3  }
.Ltmp8:
0x37d: {  	(pc) =	sbr.rel @p0 .LBB2_19-.Ltmp8, $3  }
0x37e: {  	[tilespmem:v3+s13+$0x0] =	vst.idx.msk $0xffff, v2  }
0x37f: {  	v3 =	vor.u32 v1, v4;
	v2 =	vld [tilespmem:s22+$0x0];
	_ =	sdelay $0x1  }
0x380: {  	s24 =	sadd.s32 $0x4, s24;
	v4 =	vmov s23  }
0x381: {  	_ =	sdelay $0x1  }
0x382: {  	v4 =	vand.u32 $0x7C, v4  }
0x383: {  	v4 =	vbroadcast v4, $0x0  }
0x384: {  	s22 =	sadd.s32 $0x80, s22;
	[tilespmem:v3+s13+$0x0] =	vst.idx.msk $0xffff, v2  }
0x385: {  	v2 =	vld [tilespmem:s22+$0xFFFFFF90];
	v3 =	vor.u32 v0, v4;
	_ =	sdelay $0x4  }
0x386: {  	[tilespmem:v3+s13+$0x0] =	vst.idx.msk $0xffff, v2  }
0x387: {  	v3 =	vor.u32 v1, v4;
	v2 =	vld [tilespmem:s22+$0xFFFFFFA0]  }
0x388: {  	s24 =	sadd.s32 $0x1, s23  }
0x389: {  	v4 =	vmov s24  }
0x38a: {  	v4 =	vand.u32 $0x7D, v4  }
0x38b: {  	v4 =	vbroadcast v4, $0x0  }
0x38c: {  	[tilespmem:v3+s13+$0x0] =	vst.idx.msk $0xffff, v2  }
0x38d: {  	v3 =	vor.u32 v0, v4;
	v2 =	vld [tilespmem:s22+$0xFFFFFFB0];
	_ =	sdelay $0x4  }
0x38e: {  	[tilespmem:v3+s13+$0x0] =	vst.idx.msk $0xffff, v2  }
0x38f: {  	v3 =	vor.u32 v1, v4;
	v2 =	vld [tilespmem:s22+$0xFFFFFFC0]  }
0x390: {  	s31 =	sadd.s32 $0x2, s23  }
0x391: {  	v4 =	vmov s31  }
0x392: {  	v4 =	vand.u32 $0x7E, v4  }
0x393: {  	v4 =	vbroadcast v4, $0x0  }
0x394: {  	[tilespmem:v3+s13+$0x0] =	vst.idx.msk $0xffff, v2  }
0x395: {  	v3 =	vor.u32 v0, v4;
	v2 =	vld [tilespmem:s22+$0xFFFFFFD0];
	_ =	sdelay $0x4  }
0x396: {  	[tilespmem:v3+s13+$0x0] =	vst.idx.msk $0xffff, v2  }
0x397: {  	v3 =	vor.u32 v1, v4;
	v2 =	vld [tilespmem:s22+$0xFFFFFFE0]  }
0x398: {  	s24 =	sadd.s32 $0x3, s23  }
0x399: {  	v4 =	vmov s24  }
0x39a: {  	v4 =	vand.u32 $0x7F, v4  }
0x39b: {  	v4 =	vbroadcast v4, $0x0  }
0x39c: {  	[tilespmem:v3+s13+$0x0] =	vst.idx.msk $0xffff, v2  }
0x39d: {  	v3 =	vor.u32 v0, v4;
	v2 =	vld [tilespmem:s22+$0xFFFFFFF0];
	_ =	sdelay $0x4  }
0x39e: {  	[tilespmem:v3+s13+$0x0] =	vst.idx.msk $0xffff, v2  }
0x39f: {  	s21 =	sshll.u32 s21, $0x3;
	v3 =	vor.u32 v1, v4;
	v2 =	vld [tilespmem:s22+$0x0]  }
0x3a0: {  	s25 =	sadd.s32 s5, s21  }
0x3a1: {  	s26 =	sshll.u32 s25, $0x7  }
0x3a2: {  	s23 =	sand.u32 $0x3C00, s26;
	s22 =	sshll.u32 s25, $0x9  }
0x3a3: {  	s23 =	sadd.s32 s2, s23;
	s22 =	sand.u32 $0xFFF0000, s22  }
0x3a4: {  	s28 =	simm.s32 $0x0;
	s22 =	sadd.s32 s22, s23;
	[tilespmem:v3+s13+$0x0] =	vst.idx.msk $0xffff, v2  }
0x3a5: {  	v2 =	vmov s28;
	[hbm4b:s22+s9] =	stream.strided.scatter [tilespmem:s13], [sflag:$0x3], $0x1000, s14, s9, $0x38;
	[tilespmem:$0x1E800] =	vst v63  }
0x3a6: {  	v2 =	vand.u32 $0x7C, v2;
	_ =	swait.ge [sflag:s17], $0x1000  }
0x3a7: {  	v2 =	vbroadcast v2, $0x0;
	[sflag:s17] =	ssyncset.done $0x0  }
0x3a8: {  	s22 =	simm.s32 $0x15800;
	[sflag:s17] =	ssyncadd.s32 $0xFFFFF000  }
0x3a9: {  	v4 =	vor.u32 v0, v2;
	v3 =	vld [tilespmem:s22+$0x0];
	_ =	sdelay $0x4  }
0x3aa: {  	[tilespmem:v4+s15+$0x0] =	vst.idx.msk $0xffff, v3  }
0x3ab: {  	v2 =	vor.u32 v1, v2;
	v3 =	vld [tilespmem:s22+$0x10]  }
0x3ac: {  	s29 =	simm.s32 $0x1  }
0x3ad: {  	v4 =	vmov s29  }
0x3ae: {  	v4 =	vand.u32 $0x7D, v4  }
0x3af: {  	v4 =	vbroadcast v4, $0x0  }
0x3b0: {  	[tilespmem:v2+s15+$0x0] =	vst.idx.msk $0xffff, v3  }
0x3b1: {  	v3 =	vor.u32 v0, v4;
	v2 =	vld [tilespmem:s22+$0x20];
	_ =	sdelay $0x4  }
0x3b2: {  	[tilespmem:v3+s15+$0x0] =	vst.idx.msk $0xffff, v2  }
0x3b3: {  	v3 =	vor.u32 v1, v4;
	v2 =	vld [tilespmem:s22+$0x30]  }
0x3b4: {  	s30 =	simm.s32 $0x2  }
0x3b5: {  	v4 =	vmov s30  }
0x3b6: {  	v4 =	vand.u32 $0x7E, v4  }
0x3b7: {  	v4 =	vbroadcast v4, $0x0  }
0x3b8: {  	[tilespmem:v3+s15+$0x0] =	vst.idx.msk $0xffff, v2  }
0x3b9: {  	v3 =	vor.u32 v0, v4;
	v2 =	vld [tilespmem:s22+$0x40];
	_ =	sdelay $0x4  }
0x3ba: {  	[tilespmem:v3+s15+$0x0] =	vst.idx.msk $0xffff, v2  }
0x3bb: {  	v3 =	vor.u32 v1, v4;
	v2 =	vld [tilespmem:s22+$0x50]  }
0x3bc: {  	s31 =	simm.s32 $0x3  }
0x3bd: {  	v4 =	vmov s31  }
0x3be: {  	v4 =	vand.u32 $0x7F, v4  }
0x3bf: {  	v4 =	vbroadcast v4, $0x0  }
0x3c0: {  	[tilespmem:v3+s15+$0x0] =	vst.idx.msk $0xffff, v2  }
0x3c1: {  	v3 =	vor.u32 v0, v4;
	v2 =	vld [tilespmem:s22+$0x60];
	_ =	sdelay $0x4  }
0x3c2: {  	[tilespmem:v3+s15+$0x0] =	vst.idx.msk $0xffff, v2  }
0x3c3: {  	v3 =	vor.u32 v1, v4;
	v2 =	vld [tilespmem:s22+$0x70]  }
0x3c4: {  	s23 =	simm.s32 $0x4  }
0x3c5: {  	s24 =	simm.s32 $0x8;
	v4 =	vmov s23  }
.LBB2_21:
0x3c6: {  	p0 =	slt.u32 s24, $0x7C;
	v4 =	vand.u32 $0x7C, v4  }
0x3c7: {  	v4 =	vbroadcast v4, $0x0  }
0x3c8: {  	s22 =	sadd.s32 $0x80, s22;
	[tilespmem:v3+s15+$0x0] =	vst.idx.msk $0xffff, v2  }
0x3c9: {  	v2 =	vld [tilespmem:s22+$0x0];
	v3 =	vor.u32 v0, v4;
	_ =	sdelay $0x4  }
0x3ca: {  	[tilespmem:v3+s15+$0x0] =	vst.idx.msk $0xffff, v2  }
0x3cb: {  	v3 =	vor.u32 v1, v4;
	v2 =	vld [tilespmem:s22+$0x10]  }
0x3cc: {  	s25 =	sadd.s32 $0x1, s23  }
0x3cd: {  	v4 =	vmov s25  }
0x3ce: {  	v4 =	vand.u32 $0x7D, v4  }
0x3cf: {  	v4 =	vbroadcast v4, $0x0  }
0x3d0: {  	[tilespmem:v3+s15+$0x0] =	vst.idx.msk $0xffff, v2  }
0x3d1: {  	v3 =	vor.u32 v0, v4;
	v2 =	vld [tilespmem:s22+$0x20];
	_ =	sdelay $0x4  }
0x3d2: {  	[tilespmem:v3+s15+$0x0] =	vst.idx.msk $0xffff, v2  }
0x3d3: {  	v3 =	vor.u32 v1, v4;
	v2 =	vld [tilespmem:s22+$0x30]  }
0x3d4: {  	s25 =	sadd.s32 $0x2, s23  }
0x3d5: {  	v4 =	vmov s25  }
0x3d6: {  	v4 =	vand.u32 $0x7E, v4  }
0x3d7: {  	v4 =	vbroadcast v4, $0x0  }
0x3d8: {  	[tilespmem:v3+s15+$0x0] =	vst.idx.msk $0xffff, v2  }
0x3d9: {  	v3 =	vor.u32 v0, v4;
	v2 =	vld [tilespmem:s22+$0x40];
	_ =	sdelay $0x4  }
0x3da: {  	[tilespmem:v3+s15+$0x0] =	vst.idx.msk $0xffff, v2  }
0x3db: {  	v3 =	vor.u32 v1, v4;
	v2 =	vld [tilespmem:s22+$0x50]  }
0x3dc: {  	s25 =	sadd.s32 $0x3, s23;
	s23 =	smov.u32 s24  }
0x3dd: {  	v4 =	vmov s25  }
0x3de: {  	v4 =	vand.u32 $0x7F, v4  }
0x3df: {  	v4 =	vbroadcast v4, $0x0  }
0x3e0: {  	[tilespmem:v3+s15+$0x0] =	vst.idx.msk $0xffff, v2  }
0x3e1: {  	v3 =	vor.u32 v0, v4;
	v2 =	vld [tilespmem:s22+$0x60];
	_ =	sdelay $0x3  }
.Ltmp9:
0x3e2: {  	(pc) =	sbr.rel @p0 .LBB2_21-.Ltmp9, $3  }
0x3e3: {  	[tilespmem:v3+s15+$0x0] =	vst.idx.msk $0xffff, v2  }
0x3e4: {  	v3 =	vor.u32 v1, v4;
	v2 =	vld [tilespmem:s22+$0x70];
	_ =	sdelay $0x1  }
0x3e5: {  	s24 =	sadd.s32 $0x4, s24;
	v4 =	vmov s23  }
0x3e6: {  	_ =	sdelay $0x1  }
0x3e7: {  	v4 =	vand.u32 $0x7C, v4  }
0x3e8: {  	v4 =	vbroadcast v4, $0x0  }
0x3e9: {  	s22 =	sadd.s32 $0x80, s22;
	[tilespmem:v3+s15+$0x0] =	vst.idx.msk $0xffff, v2  }
0x3ea: {  	v2 =	vld [tilespmem:s22+$0x0];
	v3 =	vor.u32 v0, v4;
	_ =	sdelay $0x4  }
0x3eb: {  	[tilespmem:v3+s15+$0x0] =	vst.idx.msk $0xffff, v2  }
0x3ec: {  	v3 =	vor.u32 v1, v4;
	v2 =	vld [tilespmem:s22+$0x10]  }
0x3ed: {  	s24 =	sadd.s32 $0x1, s23  }
0x3ee: {  	v4 =	vmov s24  }
0x3ef: {  	v4 =	vand.u32 $0x7D, v4  }
0x3f0: {  	v4 =	vbroadcast v4, $0x0  }
0x3f1: {  	[tilespmem:v3+s15+$0x0] =	vst.idx.msk $0xffff, v2  }
0x3f2: {  	v3 =	vor.u32 v0, v4;
	v2 =	vld [tilespmem:s22+$0x20];
	_ =	sdelay $0x4  }
0x3f3: {  	[tilespmem:v3+s15+$0x0] =	vst.idx.msk $0xffff, v2  }
0x3f4: {  	v3 =	vor.u32 v1, v4;
	v2 =	vld [tilespmem:s22+$0x30]  }
0x3f5: {  	s31 =	sadd.s32 $0x2, s23  }
0x3f6: {  	v4 =	vmov s31  }
0x3f7: {  	v4 =	vand.u32 $0x7E, v4  }
0x3f8: {  	v4 =	vbroadcast v4, $0x0  }
0x3f9: {  	[tilespmem:v3+s15+$0x0] =	vst.idx.msk $0xffff, v2  }
0x3fa: {  	v3 =	vor.u32 v0, v4;
	v2 =	vld [tilespmem:s22+$0x40];
	_ =	sdelay $0x4  }
0x3fb: {  	[tilespmem:v3+s15+$0x0] =	vst.idx.msk $0xffff, v2  }
0x3fc: {  	v3 =	vor.u32 v1, v4;
	v2 =	vld [tilespmem:s22+$0x50]  }
0x3fd: {  	s24 =	sadd.s32 $0x3, s23  }
0x3fe: {  	v4 =	vmov s24  }
0x3ff: {  	v4 =	vand.u32 $0x7F, v4  }
0x400: {  	v4 =	vbroadcast v4, $0x0  }
0x401: {  	[tilespmem:v3+s15+$0x0] =	vst.idx.msk $0xffff, v2  }
0x402: {  	v3 =	vor.u32 v0, v4;
	v2 =	vld [tilespmem:s22+$0x60];
	_ =	sdelay $0x4  }
0x403: {  	[tilespmem:v3+s15+$0x0] =	vst.idx.msk $0xffff, v2  }
0x404: {  	s21 =	sadd.s32 s21, s5;
	v3 =	vor.u32 v1, v4;
	v2 =	vld [tilespmem:s22+$0x70]  }
0x405: {  	s25 =	sadd.s32 $0x1, s21  }
0x406: {  	s26 =	sshll.u32 s25, $0x7  }
0x407: {  	s23 =	sand.u32 $0x3C80, s26;
	s22 =	sshll.u32 s25, $0x9  }
0x408: {  	s23 =	sadd.s32 s2, s23;
	s22 =	sand.u32 $0xFFF0000, s22  }
0x409: {  	s28 =	simm.s32 $0x0;
	s22 =	sadd.s32 s22, s23;
	[tilespmem:v3+s15+$0x0] =	vst.idx.msk $0xffff, v2  }
0x40a: {  	v2 =	vmov s28;
	[hbm4b:s22+s9] =	stream.strided.scatter [tilespmem:s15], [sflag:$0x4], $0x1000, s14, s9, $0x38;
	[tilespmem:$0x1E800] =	vst v63  }
0x40b: {  	v2 =	vand.u32 $0x7C, v2;
	_ =	swait.ge [sflag:s16], $0x1000  }
0x40c: {  	v2 =	vbroadcast v2, $0x0;
	[sflag:s16] =	ssyncset.done $0x0  }
0x40d: {  	s22 =	simm.s32 $0x16800;
	[sflag:s16] =	ssyncadd.s32 $0xFFFFF000  }
0x40e: {  	v4 =	vor.u32 v0, v2;
	v3 =	vld [tilespmem:s22+$0x0];
	_ =	sdelay $0x4  }
0x40f: {  	[tilespmem:v4+s13+$0x0] =	vst.idx.msk $0xffff, v3  }
0x410: {  	v2 =	vor.u32 v1, v2;
	v3 =	vld [tilespmem:s22+$0x10]  }
0x411: {  	s29 =	simm.s32 $0x1  }
0x412: {  	v4 =	vmov s29  }
0x413: {  	v4 =	vand.u32 $0x7D, v4  }
0x414: {  	v4 =	vbroadcast v4, $0x0  }
0x415: {  	[tilespmem:v2+s13+$0x0] =	vst.idx.msk $0xffff, v3  }
0x416: {  	v3 =	vor.u32 v0, v4;
	v2 =	vld [tilespmem:s22+$0x20];
	_ =	sdelay $0x4  }
0x417: {  	[tilespmem:v3+s13+$0x0] =	vst.idx.msk $0xffff, v2  }
0x418: {  	v3 =	vor.u32 v1, v4;
	v2 =	vld [tilespmem:s22+$0x30]  }
0x419: {  	s30 =	simm.s32 $0x2  }
0x41a: {  	v4 =	vmov s30  }
0x41b: {  	v4 =	vand.u32 $0x7E, v4  }
0x41c: {  	v4 =	vbroadcast v4, $0x0  }
0x41d: {  	[tilespmem:v3+s13+$0x0] =	vst.idx.msk $0xffff, v2  }
0x41e: {  	v3 =	vor.u32 v0, v4;
	v2 =	vld [tilespmem:s22+$0x40];
	_ =	sdelay $0x4  }
0x41f: {  	[tilespmem:v3+s13+$0x0] =	vst.idx.msk $0xffff, v2  }
0x420: {  	v3 =	vor.u32 v1, v4;
	v2 =	vld [tilespmem:s22+$0x50]  }
0x421: {  	s31 =	simm.s32 $0x3  }
0x422: {  	v4 =	vmov s31  }
0x423: {  	v4 =	vand.u32 $0x7F, v4  }
0x424: {  	v4 =	vbroadcast v4, $0x0  }
0x425: {  	[tilespmem:v3+s13+$0x0] =	vst.idx.msk $0xffff, v2  }
0x426: {  	v3 =	vor.u32 v0, v4;
	v2 =	vld [tilespmem:s22+$0x60];
	_ =	sdelay $0x4  }
0x427: {  	[tilespmem:v3+s13+$0x0] =	vst.idx.msk $0xffff, v2  }
0x428: {  	v3 =	vor.u32 v1, v4;
	v2 =	vld [tilespmem:s22+$0x70]  }
0x429: {  	s23 =	simm.s32 $0x4  }
0x42a: {  	s24 =	simm.s32 $0x8;
	v4 =	vmov s23  }
.LBB2_23:
0x42b: {  	p0 =	slt.u32 s24, $0x7C;
	v4 =	vand.u32 $0x7C, v4  }
0x42c: {  	v4 =	vbroadcast v4, $0x0  }
0x42d: {  	s22 =	sadd.s32 $0x80, s22;
	[tilespmem:v3+s13+$0x0] =	vst.idx.msk $0xffff, v2  }
0x42e: {  	v2 =	vld [tilespmem:s22+$0x0];
	v3 =	vor.u32 v0, v4;
	_ =	sdelay $0x4  }
0x42f: {  	[tilespmem:v3+s13+$0x0] =	vst.idx.msk $0xffff, v2  }
0x430: {  	v3 =	vor.u32 v1, v4;
	v2 =	vld [tilespmem:s22+$0x10]  }
0x431: {  	s25 =	sadd.s32 $0x1, s23  }
0x432: {  	v4 =	vmov s25  }
0x433: {  	v4 =	vand.u32 $0x7D, v4  }
0x434: {  	v4 =	vbroadcast v4, $0x0  }
0x435: {  	[tilespmem:v3+s13+$0x0] =	vst.idx.msk $0xffff, v2  }
0x436: {  	v3 =	vor.u32 v0, v4;
	v2 =	vld [tilespmem:s22+$0x20];
	_ =	sdelay $0x4  }
0x437: {  	[tilespmem:v3+s13+$0x0] =	vst.idx.msk $0xffff, v2  }
0x438: {  	v3 =	vor.u32 v1, v4;
	v2 =	vld [tilespmem:s22+$0x30]  }
0x439: {  	s25 =	sadd.s32 $0x2, s23  }
0x43a: {  	v4 =	vmov s25  }
0x43b: {  	v4 =	vand.u32 $0x7E, v4  }
0x43c: {  	v4 =	vbroadcast v4, $0x0  }
0x43d: {  	[tilespmem:v3+s13+$0x0] =	vst.idx.msk $0xffff, v2  }
0x43e: {  	v3 =	vor.u32 v0, v4;
	v2 =	vld [tilespmem:s22+$0x40];
	_ =	sdelay $0x4  }
0x43f: {  	[tilespmem:v3+s13+$0x0] =	vst.idx.msk $0xffff, v2  }
0x440: {  	v3 =	vor.u32 v1, v4;
	v2 =	vld [tilespmem:s22+$0x50]  }
0x441: {  	s25 =	sadd.s32 $0x3, s23;
	s23 =	smov.u32 s24  }
0x442: {  	v4 =	vmov s25  }
0x443: {  	v4 =	vand.u32 $0x7F, v4  }
0x444: {  	v4 =	vbroadcast v4, $0x0  }
0x445: {  	[tilespmem:v3+s13+$0x0] =	vst.idx.msk $0xffff, v2  }
0x446: {  	v3 =	vor.u32 v0, v4;
	v2 =	vld [tilespmem:s22+$0x60];
	_ =	sdelay $0x3  }
.Ltmp10:
0x447: {  	(pc) =	sbr.rel @p0 .LBB2_23-.Ltmp10, $3  }
0x448: {  	[tilespmem:v3+s13+$0x0] =	vst.idx.msk $0xffff, v2  }
0x449: {  	v3 =	vor.u32 v1, v4;
	v2 =	vld [tilespmem:s22+$0x70];
	_ =	sdelay $0x1  }
0x44a: {  	s24 =	sadd.s32 $0x4, s24;
	v4 =	vmov s23  }
0x44b: {  	_ =	sdelay $0x1  }
0x44c: {  	v4 =	vand.u32 $0x7C, v4  }
0x44d: {  	v4 =	vbroadcast v4, $0x0  }
0x44e: {  	s22 =	sadd.s32 $0x80, s22;
	[tilespmem:v3+s13+$0x0] =	vst.idx.msk $0xffff, v2  }
0x44f: {  	v2 =	vld [tilespmem:s22+$0x0];
	v3 =	vor.u32 v0, v4;
	_ =	sdelay $0x4  }
0x450: {  	[tilespmem:v3+s13+$0x0] =	vst.idx.msk $0xffff, v2  }
0x451: {  	v3 =	vor.u32 v1, v4;
	v2 =	vld [tilespmem:s22+$0x10]  }
0x452: {  	s24 =	sadd.s32 $0x1, s23  }
0x453: {  	v4 =	vmov s24  }
0x454: {  	v4 =	vand.u32 $0x7D, v4  }
0x455: {  	v4 =	vbroadcast v4, $0x0  }
0x456: {  	[tilespmem:v3+s13+$0x0] =	vst.idx.msk $0xffff, v2  }
0x457: {  	v3 =	vor.u32 v0, v4;
	v2 =	vld [tilespmem:s22+$0x20];
	_ =	sdelay $0x4  }
0x458: {  	[tilespmem:v3+s13+$0x0] =	vst.idx.msk $0xffff, v2  }
0x459: {  	v3 =	vor.u32 v1, v4;
	v2 =	vld [tilespmem:s22+$0x30]  }
0x45a: {  	s31 =	sadd.s32 $0x2, s23  }
0x45b: {  	v4 =	vmov s31  }
0x45c: {  	v4 =	vand.u32 $0x7E, v4  }
0x45d: {  	v4 =	vbroadcast v4, $0x0  }
0x45e: {  	[tilespmem:v3+s13+$0x0] =	vst.idx.msk $0xffff, v2  }
0x45f: {  	v3 =	vor.u32 v0, v4;
	v2 =	vld [tilespmem:s22+$0x40];
	_ =	sdelay $0x4  }
0x460: {  	[tilespmem:v3+s13+$0x0] =	vst.idx.msk $0xffff, v2  }
0x461: {  	v3 =	vor.u32 v1, v4;
	v2 =	vld [tilespmem:s22+$0x50]  }
0x462: {  	s24 =	sadd.s32 $0x3, s23  }
0x463: {  	v4 =	vmov s24  }
0x464: {  	v4 =	vand.u32 $0x7F, v4  }
0x465: {  	v4 =	vbroadcast v4, $0x0  }
0x466: {  	[tilespmem:v3+s13+$0x0] =	vst.idx.msk $0xffff, v2  }
0x467: {  	v3 =	vor.u32 v0, v4;
	v2 =	vld [tilespmem:s22+$0x60];
	_ =	sdelay $0x4  }
0x468: {  	[tilespmem:v3+s13+$0x0] =	vst.idx.msk $0xffff, v2  }
0x469: {  	v3 =	vor.u32 v1, v4;
	v2 =	vld [tilespmem:s22+$0x70]  }
0x46a: {  	s25 =	sadd.s32 $0x2, s21  }
0x46b: {  	s26 =	sshll.u32 s25, $0x7  }
0x46c: {  	s23 =	sand.u32 $0x3D00, s26;
	s22 =	sshll.u32 s25, $0x9  }
0x46d: {  	s23 =	sadd.s32 s2, s23;
	s22 =	sand.u32 $0xFFF0000, s22  }
0x46e: {  	s28 =	simm.s32 $0x0;
	s22 =	sadd.s32 s22, s23;
	[tilespmem:v3+s13+$0x0] =	vst.idx.msk $0xffff, v2  }
0x46f: {  	v2 =	vmov s28;
	[hbm4b:s22+s9] =	stream.strided.scatter [tilespmem:s13], [sflag:$0x3], $0x1000, s14, s9, $0x38;
	[tilespmem:$0x1E800] =	vst v63  }
0x470: {  	v2 =	vand.u32 $0x7C, v2;
	_ =	swait.ge [sflag:s17], $0x1000  }
0x471: {  	v2 =	vbroadcast v2, $0x0;
	[sflag:s17] =	ssyncset.done $0x0  }
0x472: {  	s22 =	simm.s32 $0x17800;
	[sflag:s17] =	ssyncadd.s32 $0xFFFFF000  }
0x473: {  	v4 =	vor.u32 v0, v2;
	v3 =	vld [tilespmem:s22+$0x0];
	_ =	sdelay $0x4  }
0x474: {  	[tilespmem:v4+s15+$0x0] =	vst.idx.msk $0xffff, v3  }
0x475: {  	v2 =	vor.u32 v1, v2;
	v3 =	vld [tilespmem:s22+$0x10]  }
0x476: {  	s29 =	simm.s32 $0x1  }
0x477: {  	v4 =	vmov s29  }
0x478: {  	v4 =	vand.u32 $0x7D, v4  }
0x479: {  	v4 =	vbroadcast v4, $0x0  }
0x47a: {  	[tilespmem:v2+s15+$0x0] =	vst.idx.msk $0xffff, v3  }
0x47b: {  	v3 =	vor.u32 v0, v4;
	v2 =	vld [tilespmem:s22+$0x20];
	_ =	sdelay $0x4  }
0x47c: {  	[tilespmem:v3+s15+$0x0] =	vst.idx.msk $0xffff, v2  }
0x47d: {  	v3 =	vor.u32 v1, v4;
	v2 =	vld [tilespmem:s22+$0x30]  }
0x47e: {  	s30 =	simm.s32 $0x2  }
0x47f: {  	v4 =	vmov s30  }
0x480: {  	v4 =	vand.u32 $0x7E, v4  }
0x481: {  	v4 =	vbroadcast v4, $0x0  }
0x482: {  	[tilespmem:v3+s15+$0x0] =	vst.idx.msk $0xffff, v2  }
0x483: {  	v3 =	vor.u32 v0, v4;
	v2 =	vld [tilespmem:s22+$0x40];
	_ =	sdelay $0x4  }
0x484: {  	[tilespmem:v3+s15+$0x0] =	vst.idx.msk $0xffff, v2  }
0x485: {  	v3 =	vor.u32 v1, v4;
	v2 =	vld [tilespmem:s22+$0x50]  }
0x486: {  	s31 =	simm.s32 $0x3  }
0x487: {  	v4 =	vmov s31  }
0x488: {  	v4 =	vand.u32 $0x7F, v4  }
0x489: {  	v4 =	vbroadcast v4, $0x0  }
0x48a: {  	[tilespmem:v3+s15+$0x0] =	vst.idx.msk $0xffff, v2  }
0x48b: {  	v3 =	vor.u32 v0, v4;
	v2 =	vld [tilespmem:s22+$0x60];
	_ =	sdelay $0x4  }
0x48c: {  	[tilespmem:v3+s15+$0x0] =	vst.idx.msk $0xffff, v2  }
0x48d: {  	v3 =	vor.u32 v1, v4;
	v2 =	vld [tilespmem:s22+$0x70]  }
0x48e: {  	s23 =	simm.s32 $0x4  }
0x48f: {  	s24 =	simm.s32 $0x8;
	v4 =	vmov s23  }
.LBB2_25:
0x490: {  	p0 =	slt.u32 s24, $0x7C;
	v4 =	vand.u32 $0x7C, v4  }
0x491: {  	v4 =	vbroadcast v4, $0x0  }
0x492: {  	s22 =	sadd.s32 $0x80, s22;
	[tilespmem:v3+s15+$0x0] =	vst.idx.msk $0xffff, v2  }
0x493: {  	v2 =	vld [tilespmem:s22+$0x0];
	v3 =	vor.u32 v0, v4;
	_ =	sdelay $0x4  }
0x494: {  	[tilespmem:v3+s15+$0x0] =	vst.idx.msk $0xffff, v2  }
0x495: {  	v3 =	vor.u32 v1, v4;
	v2 =	vld [tilespmem:s22+$0x10]  }
0x496: {  	s25 =	sadd.s32 $0x1, s23  }
0x497: {  	v4 =	vmov s25  }
0x498: {  	v4 =	vand.u32 $0x7D, v4  }
0x499: {  	v4 =	vbroadcast v4, $0x0  }
0x49a: {  	[tilespmem:v3+s15+$0x0] =	vst.idx.msk $0xffff, v2  }
0x49b: {  	v3 =	vor.u32 v0, v4;
	v2 =	vld [tilespmem:s22+$0x20];
	_ =	sdelay $0x4  }
0x49c: {  	[tilespmem:v3+s15+$0x0] =	vst.idx.msk $0xffff, v2  }
0x49d: {  	v3 =	vor.u32 v1, v4;
	v2 =	vld [tilespmem:s22+$0x30]  }
0x49e: {  	s25 =	sadd.s32 $0x2, s23  }
0x49f: {  	v4 =	vmov s25  }
0x4a0: {  	v4 =	vand.u32 $0x7E, v4  }
0x4a1: {  	v4 =	vbroadcast v4, $0x0  }
0x4a2: {  	[tilespmem:v3+s15+$0x0] =	vst.idx.msk $0xffff, v2  }
0x4a3: {  	v3 =	vor.u32 v0, v4;
	v2 =	vld [tilespmem:s22+$0x40];
	_ =	sdelay $0x4  }
0x4a4: {  	[tilespmem:v3+s15+$0x0] =	vst.idx.msk $0xffff, v2  }
0x4a5: {  	v3 =	vor.u32 v1, v4;
	v2 =	vld [tilespmem:s22+$0x50]  }
0x4a6: {  	s25 =	sadd.s32 $0x3, s23;
	s23 =	smov.u32 s24  }
0x4a7: {  	v4 =	vmov s25  }
0x4a8: {  	v4 =	vand.u32 $0x7F, v4  }
0x4a9: {  	v4 =	vbroadcast v4, $0x0  }
0x4aa: {  	[tilespmem:v3+s15+$0x0] =	vst.idx.msk $0xffff, v2  }
0x4ab: {  	v3 =	vor.u32 v0, v4;
	v2 =	vld [tilespmem:s22+$0x60];
	_ =	sdelay $0x3  }
.Ltmp11:
0x4ac: {  	(pc) =	sbr.rel @p0 .LBB2_25-.Ltmp11, $3  }
0x4ad: {  	[tilespmem:v3+s15+$0x0] =	vst.idx.msk $0xffff, v2  }
0x4ae: {  	v3 =	vor.u32 v1, v4;
	v2 =	vld [tilespmem:s22+$0x70];
	_ =	sdelay $0x1  }
0x4af: {  	s24 =	sadd.s32 $0x4, s24;
	v4 =	vmov s23  }
0x4b0: {  	_ =	sdelay $0x1  }
0x4b1: {  	v4 =	vand.u32 $0x7C, v4  }
0x4b2: {  	v4 =	vbroadcast v4, $0x0  }
0x4b3: {  	s22 =	sadd.s32 $0x80, s22;
	[tilespmem:v3+s15+$0x0] =	vst.idx.msk $0xffff, v2  }
0x4b4: {  	v2 =	vld [tilespmem:s22+$0x0];
	v3 =	vor.u32 v0, v4;
	_ =	sdelay $0x4  }
0x4b5: {  	[tilespmem:v3+s15+$0x0] =	vst.idx.msk $0xffff, v2  }
0x4b6: {  	v3 =	vor.u32 v1, v4;
	v2 =	vld [tilespmem:s22+$0x10]  }
0x4b7: {  	s24 =	sadd.s32 $0x1, s23  }
0x4b8: {  	v4 =	vmov s24  }
0x4b9: {  	v4 =	vand.u32 $0x7D, v4  }
0x4ba: {  	v4 =	vbroadcast v4, $0x0  }
0x4bb: {  	[tilespmem:v3+s15+$0x0] =	vst.idx.msk $0xffff, v2  }
0x4bc: {  	v3 =	vor.u32 v0, v4;
	v2 =	vld [tilespmem:s22+$0x20];
	_ =	sdelay $0x4  }
0x4bd: {  	[tilespmem:v3+s15+$0x0] =	vst.idx.msk $0xffff, v2  }
0x4be: {  	v3 =	vor.u32 v1, v4;
	v2 =	vld [tilespmem:s22+$0x30]  }
0x4bf: {  	s31 =	sadd.s32 $0x2, s23  }
0x4c0: {  	v4 =	vmov s31  }
0x4c1: {  	v4 =	vand.u32 $0x7E, v4  }
0x4c2: {  	v4 =	vbroadcast v4, $0x0  }
0x4c3: {  	[tilespmem:v3+s15+$0x0] =	vst.idx.msk $0xffff, v2  }
0x4c4: {  	v3 =	vor.u32 v0, v4;
	v2 =	vld [tilespmem:s22+$0x40];
	_ =	sdelay $0x4  }
0x4c5: {  	[tilespmem:v3+s15+$0x0] =	vst.idx.msk $0xffff, v2  }
0x4c6: {  	v3 =	vor.u32 v1, v4;
	v2 =	vld [tilespmem:s22+$0x50]  }
0x4c7: {  	s24 =	sadd.s32 $0x3, s23  }
0x4c8: {  	v4 =	vmov s24  }
0x4c9: {  	v4 =	vand.u32 $0x7F, v4  }
0x4ca: {  	v4 =	vbroadcast v4, $0x0  }
0x4cb: {  	[tilespmem:v3+s15+$0x0] =	vst.idx.msk $0xffff, v2  }
0x4cc: {  	v3 =	vor.u32 v0, v4;
	v2 =	vld [tilespmem:s22+$0x60];
	_ =	sdelay $0x4  }
0x4cd: {  	[tilespmem:v3+s15+$0x0] =	vst.idx.msk $0xffff, v2  }
0x4ce: {  	v3 =	vor.u32 v1, v4;
	v2 =	vld [tilespmem:s22+$0x70]  }
0x4cf: {  	s25 =	sadd.s32 $0x3, s21  }
0x4d0: {  	s26 =	sshll.u32 s25, $0x7  }
0x4d1: {  	s23 =	sand.u32 $0x3D80, s26;
	s22 =	sshll.u32 s25, $0x9  }
0x4d2: {  	s23 =	sadd.s32 s2, s23;
	s22 =	sand.u32 $0xFFF0000, s22  }
0x4d3: {  	s28 =	simm.s32 $0x0;
	s22 =	sadd.s32 s22, s23;
	[tilespmem:v3+s15+$0x0] =	vst.idx.msk $0xffff, v2  }
0x4d4: {  	v2 =	vmov s28;
	[hbm4b:s22+s9] =	stream.strided.scatter [tilespmem:s15], [sflag:$0x4], $0x1000, s14, s9, $0x38;
	[tilespmem:$0x1E800] =	vst v63  }
0x4d5: {  	v2 =	vand.u32 $0x7C, v2;
	_ =	swait.ge [sflag:s16], $0x1000  }
0x4d6: {  	v2 =	vbroadcast v2, $0x0;
	[sflag:s16] =	ssyncset.done $0x0  }
0x4d7: {  	s22 =	simm.s32 $0x18800;
	[sflag:s16] =	ssyncadd.s32 $0xFFFFF000  }
0x4d8: {  	v4 =	vor.u32 v0, v2;
	v3 =	vld [tilespmem:s22+$0x0];
	_ =	sdelay $0x4  }
0x4d9: {  	[tilespmem:v4+s13+$0x0] =	vst.idx.msk $0xffff, v3  }
0x4da: {  	v2 =	vor.u32 v1, v2;
	v3 =	vld [tilespmem:s22+$0x10]  }
0x4db: {  	s29 =	simm.s32 $0x1  }
0x4dc: {  	v4 =	vmov s29  }
0x4dd: {  	v4 =	vand.u32 $0x7D, v4  }
0x4de: {  	v4 =	vbroadcast v4, $0x0  }
0x4df: {  	[tilespmem:v2+s13+$0x0] =	vst.idx.msk $0xffff, v3  }
0x4e0: {  	v3 =	vor.u32 v0, v4;
	v2 =	vld [tilespmem:s22+$0x20];
	_ =	sdelay $0x4  }
0x4e1: {  	[tilespmem:v3+s13+$0x0] =	vst.idx.msk $0xffff, v2  }
0x4e2: {  	v3 =	vor.u32 v1, v4;
	v2 =	vld [tilespmem:s22+$0x30]  }
0x4e3: {  	s30 =	simm.s32 $0x2  }
0x4e4: {  	v4 =	vmov s30  }
0x4e5: {  	v4 =	vand.u32 $0x7E, v4  }
0x4e6: {  	v4 =	vbroadcast v4, $0x0  }
0x4e7: {  	[tilespmem:v3+s13+$0x0] =	vst.idx.msk $0xffff, v2  }
0x4e8: {  	v3 =	vor.u32 v0, v4;
	v2 =	vld [tilespmem:s22+$0x40];
	_ =	sdelay $0x4  }
0x4e9: {  	[tilespmem:v3+s13+$0x0] =	vst.idx.msk $0xffff, v2  }
0x4ea: {  	v3 =	vor.u32 v1, v4;
	v2 =	vld [tilespmem:s22+$0x50]  }
0x4eb: {  	s31 =	simm.s32 $0x3  }
0x4ec: {  	v4 =	vmov s31  }
0x4ed: {  	v4 =	vand.u32 $0x7F, v4  }
0x4ee: {  	v4 =	vbroadcast v4, $0x0  }
0x4ef: {  	[tilespmem:v3+s13+$0x0] =	vst.idx.msk $0xffff, v2  }
0x4f0: {  	v3 =	vor.u32 v0, v4;
	v2 =	vld [tilespmem:s22+$0x60];
	_ =	sdelay $0x4  }
0x4f1: {  	[tilespmem:v3+s13+$0x0] =	vst.idx.msk $0xffff, v2  }
0x4f2: {  	v3 =	vor.u32 v1, v4;
	v2 =	vld [tilespmem:s22+$0x70]  }
0x4f3: {  	s23 =	simm.s32 $0x4  }
0x4f4: {  	s24 =	simm.s32 $0x8;
	v4 =	vmov s23  }
.LBB2_27:
0x4f5: {  	p0 =	slt.u32 s24, $0x7C;
	v4 =	vand.u32 $0x7C, v4  }
0x4f6: {  	v4 =	vbroadcast v4, $0x0  }
0x4f7: {  	s22 =	sadd.s32 $0x80, s22;
	[tilespmem:v3+s13+$0x0] =	vst.idx.msk $0xffff, v2  }
0x4f8: {  	v2 =	vld [tilespmem:s22+$0x0];
	v3 =	vor.u32 v0, v4;
	_ =	sdelay $0x4  }
0x4f9: {  	[tilespmem:v3+s13+$0x0] =	vst.idx.msk $0xffff, v2  }
0x4fa: {  	v3 =	vor.u32 v1, v4;
	v2 =	vld [tilespmem:s22+$0x10]  }
0x4fb: {  	s25 =	sadd.s32 $0x1, s23  }
0x4fc: {  	v4 =	vmov s25  }
0x4fd: {  	v4 =	vand.u32 $0x7D, v4  }
0x4fe: {  	v4 =	vbroadcast v4, $0x0  }
0x4ff: {  	[tilespmem:v3+s13+$0x0] =	vst.idx.msk $0xffff, v2  }
0x500: {  	v3 =	vor.u32 v0, v4;
	v2 =	vld [tilespmem:s22+$0x20];
	_ =	sdelay $0x4  }
0x501: {  	[tilespmem:v3+s13+$0x0] =	vst.idx.msk $0xffff, v2  }
0x502: {  	v3 =	vor.u32 v1, v4;
	v2 =	vld [tilespmem:s22+$0x30]  }
0x503: {  	s25 =	sadd.s32 $0x2, s23  }
0x504: {  	v4 =	vmov s25  }
0x505: {  	v4 =	vand.u32 $0x7E, v4  }
0x506: {  	v4 =	vbroadcast v4, $0x0  }
0x507: {  	[tilespmem:v3+s13+$0x0] =	vst.idx.msk $0xffff, v2  }
0x508: {  	v3 =	vor.u32 v0, v4;
	v2 =	vld [tilespmem:s22+$0x40];
	_ =	sdelay $0x4  }
0x509: {  	[tilespmem:v3+s13+$0x0] =	vst.idx.msk $0xffff, v2  }
0x50a: {  	v3 =	vor.u32 v1, v4;
	v2 =	vld [tilespmem:s22+$0x50]  }
0x50b: {  	s25 =	sadd.s32 $0x3, s23;
	s23 =	smov.u32 s24  }
0x50c: {  	v4 =	vmov s25  }
0x50d: {  	v4 =	vand.u32 $0x7F, v4  }
0x50e: {  	v4 =	vbroadcast v4, $0x0  }
0x50f: {  	[tilespmem:v3+s13+$0x0] =	vst.idx.msk $0xffff, v2  }
0x510: {  	v3 =	vor.u32 v0, v4;
	v2 =	vld [tilespmem:s22+$0x60];
	_ =	sdelay $0x3  }
.Ltmp12:
0x511: {  	(pc) =	sbr.rel @p0 .LBB2_27-.Ltmp12, $3  }
0x512: {  	[tilespmem:v3+s13+$0x0] =	vst.idx.msk $0xffff, v2  }
0x513: {  	v3 =	vor.u32 v1, v4;
	v2 =	vld [tilespmem:s22+$0x70];
	_ =	sdelay $0x1  }
0x514: {  	s24 =	sadd.s32 $0x4, s24;
	v4 =	vmov s23  }
0x515: {  	_ =	sdelay $0x1  }
0x516: {  	v4 =	vand.u32 $0x7C, v4  }
0x517: {  	v4 =	vbroadcast v4, $0x0  }
0x518: {  	s22 =	sadd.s32 $0x80, s22;
	[tilespmem:v3+s13+$0x0] =	vst.idx.msk $0xffff, v2  }
0x519: {  	v2 =	vld [tilespmem:s22+$0x0];
	v3 =	vor.u32 v0, v4;
	_ =	sdelay $0x4  }
0x51a: {  	[tilespmem:v3+s13+$0x0] =	vst.idx.msk $0xffff, v2  }
0x51b: {  	v3 =	vor.u32 v1, v4;
	v2 =	vld [tilespmem:s22+$0x10]  }
0x51c: {  	s24 =	sadd.s32 $0x1, s23  }
0x51d: {  	v4 =	vmov s24  }
0x51e: {  	v4 =	vand.u32 $0x7D, v4  }
0x51f: {  	v4 =	vbroadcast v4, $0x0  }
0x520: {  	[tilespmem:v3+s13+$0x0] =	vst.idx.msk $0xffff, v2  }
0x521: {  	v3 =	vor.u32 v0, v4;
	v2 =	vld [tilespmem:s22+$0x20];
	_ =	sdelay $0x4  }
0x522: {  	[tilespmem:v3+s13+$0x0] =	vst.idx.msk $0xffff, v2  }
0x523: {  	v3 =	vor.u32 v1, v4;
	v2 =	vld [tilespmem:s22+$0x30]  }
0x524: {  	s31 =	sadd.s32 $0x2, s23  }
0x525: {  	v4 =	vmov s31  }
0x526: {  	v4 =	vand.u32 $0x7E, v4  }
0x527: {  	v4 =	vbroadcast v4, $0x0  }
0x528: {  	[tilespmem:v3+s13+$0x0] =	vst.idx.msk $0xffff, v2  }
0x529: {  	v3 =	vor.u32 v0, v4;
	v2 =	vld [tilespmem:s22+$0x40];
	_ =	sdelay $0x4  }
0x52a: {  	[tilespmem:v3+s13+$0x0] =	vst.idx.msk $0xffff, v2  }
0x52b: {  	v3 =	vor.u32 v1, v4;
	v2 =	vld [tilespmem:s22+$0x50]  }
0x52c: {  	s24 =	sadd.s32 $0x3, s23  }
0x52d: {  	v4 =	vmov s24  }
0x52e: {  	v4 =	vand.u32 $0x7F, v4  }
0x52f: {  	v4 =	vbroadcast v4, $0x0  }
0x530: {  	[tilespmem:v3+s13+$0x0] =	vst.idx.msk $0xffff, v2  }
0x531: {  	v3 =	vor.u32 v0, v4;
	v2 =	vld [tilespmem:s22+$0x60];
	_ =	sdelay $0x4  }
0x532: {  	[tilespmem:v3+s13+$0x0] =	vst.idx.msk $0xffff, v2  }
0x533: {  	v3 =	vor.u32 v1, v4;
	v2 =	vld [tilespmem:s22+$0x70]  }
0x534: {  	s25 =	sadd.s32 $0x4, s21  }
0x535: {  	s26 =	sshll.u32 s25, $0x7  }
0x536: {  	s23 =	sand.u32 $0x3E00, s26;
	s22 =	sshll.u32 s25, $0x9  }
0x537: {  	s23 =	sadd.s32 s2, s23;
	s22 =	sand.u32 $0xFFF0000, s22  }
0x538: {  	s28 =	simm.s32 $0x0;
	s22 =	sadd.s32 s22, s23;
	[tilespmem:v3+s13+$0x0] =	vst.idx.msk $0xffff, v2  }
0x539: {  	v2 =	vmov s28;
	[hbm4b:s22+s9] =	stream.strided.scatter [tilespmem:s13], [sflag:$0x3], $0x1000, s14, s9, $0x38;
	[tilespmem:$0x1E800] =	vst v63  }
0x53a: {  	v2 =	vand.u32 $0x7C, v2;
	_ =	swait.ge [sflag:s17], $0x1000  }
0x53b: {  	v2 =	vbroadcast v2, $0x0;
	[sflag:s17] =	ssyncset.done $0x0  }
0x53c: {  	s22 =	simm.s32 $0x19800;
	[sflag:s17] =	ssyncadd.s32 $0xFFFFF000  }
0x53d: {  	v4 =	vor.u32 v0, v2;
	v3 =	vld [tilespmem:s22+$0x0];
	_ =	sdelay $0x4  }
0x53e: {  	[tilespmem:v4+s15+$0x0] =	vst.idx.msk $0xffff, v3  }
0x53f: {  	v2 =	vor.u32 v1, v2;
	v3 =	vld [tilespmem:s22+$0x10]  }
0x540: {  	s29 =	simm.s32 $0x1  }
0x541: {  	v4 =	vmov s29  }
0x542: {  	v4 =	vand.u32 $0x7D, v4  }
0x543: {  	v4 =	vbroadcast v4, $0x0  }
0x544: {  	[tilespmem:v2+s15+$0x0] =	vst.idx.msk $0xffff, v3  }
0x545: {  	v3 =	vor.u32 v0, v4;
	v2 =	vld [tilespmem:s22+$0x20];
	_ =	sdelay $0x4  }
0x546: {  	[tilespmem:v3+s15+$0x0] =	vst.idx.msk $0xffff, v2  }
0x547: {  	v3 =	vor.u32 v1, v4;
	v2 =	vld [tilespmem:s22+$0x30]  }
0x548: {  	s30 =	simm.s32 $0x2  }
0x549: {  	v4 =	vmov s30  }
0x54a: {  	v4 =	vand.u32 $0x7E, v4  }
0x54b: {  	v4 =	vbroadcast v4, $0x0  }
0x54c: {  	[tilespmem:v3+s15+$0x0] =	vst.idx.msk $0xffff, v2  }
0x54d: {  	v3 =	vor.u32 v0, v4;
	v2 =	vld [tilespmem:s22+$0x40];
	_ =	sdelay $0x4  }
0x54e: {  	[tilespmem:v3+s15+$0x0] =	vst.idx.msk $0xffff, v2  }
0x54f: {  	v3 =	vor.u32 v1, v4;
	v2 =	vld [tilespmem:s22+$0x50]  }
0x550: {  	s31 =	simm.s32 $0x3  }
0x551: {  	v4 =	vmov s31  }
0x552: {  	v4 =	vand.u32 $0x7F, v4  }
0x553: {  	v4 =	vbroadcast v4, $0x0  }
0x554: {  	[tilespmem:v3+s15+$0x0] =	vst.idx.msk $0xffff, v2  }
0x555: {  	v3 =	vor.u32 v0, v4;
	v2 =	vld [tilespmem:s22+$0x60];
	_ =	sdelay $0x4  }
0x556: {  	[tilespmem:v3+s15+$0x0] =	vst.idx.msk $0xffff, v2  }
0x557: {  	v3 =	vor.u32 v1, v4;
	v2 =	vld [tilespmem:s22+$0x70]  }
0x558: {  	s23 =	simm.s32 $0x4  }
0x559: {  	s24 =	simm.s32 $0x8;
	v4 =	vmov s23  }
.LBB2_29:
0x55a: {  	p0 =	slt.u32 s24, $0x7C;
	v4 =	vand.u32 $0x7C, v4  }
0x55b: {  	v4 =	vbroadcast v4, $0x0  }
0x55c: {  	s22 =	sadd.s32 $0x80, s22;
	[tilespmem:v3+s15+$0x0] =	vst.idx.msk $0xffff, v2  }
0x55d: {  	v2 =	vld [tilespmem:s22+$0x0];
	v3 =	vor.u32 v0, v4;
	_ =	sdelay $0x4  }
0x55e: {  	[tilespmem:v3+s15+$0x0] =	vst.idx.msk $0xffff, v2  }
0x55f: {  	v3 =	vor.u32 v1, v4;
	v2 =	vld [tilespmem:s22+$0x10]  }
0x560: {  	s25 =	sadd.s32 $0x1, s23  }
0x561: {  	v4 =	vmov s25  }
0x562: {  	v4 =	vand.u32 $0x7D, v4  }
0x563: {  	v4 =	vbroadcast v4, $0x0  }
0x564: {  	[tilespmem:v3+s15+$0x0] =	vst.idx.msk $0xffff, v2  }
0x565: {  	v3 =	vor.u32 v0, v4;
	v2 =	vld [tilespmem:s22+$0x20];
	_ =	sdelay $0x4  }
0x566: {  	[tilespmem:v3+s15+$0x0] =	vst.idx.msk $0xffff, v2  }
0x567: {  	v3 =	vor.u32 v1, v4;
	v2 =	vld [tilespmem:s22+$0x30]  }
0x568: {  	s25 =	sadd.s32 $0x2, s23  }
0x569: {  	v4 =	vmov s25  }
0x56a: {  	v4 =	vand.u32 $0x7E, v4  }
0x56b: {  	v4 =	vbroadcast v4, $0x0  }
0x56c: {  	[tilespmem:v3+s15+$0x0] =	vst.idx.msk $0xffff, v2  }
0x56d: {  	v3 =	vor.u32 v0, v4;
	v2 =	vld [tilespmem:s22+$0x40];
	_ =	sdelay $0x4  }
0x56e: {  	[tilespmem:v3+s15+$0x0] =	vst.idx.msk $0xffff, v2  }
0x56f: {  	v3 =	vor.u32 v1, v4;
	v2 =	vld [tilespmem:s22+$0x50]  }
0x570: {  	s25 =	sadd.s32 $0x3, s23;
	s23 =	smov.u32 s24  }
0x571: {  	v4 =	vmov s25  }
0x572: {  	v4 =	vand.u32 $0x7F, v4  }
0x573: {  	v4 =	vbroadcast v4, $0x0  }
0x574: {  	[tilespmem:v3+s15+$0x0] =	vst.idx.msk $0xffff, v2  }
0x575: {  	v3 =	vor.u32 v0, v4;
	v2 =	vld [tilespmem:s22+$0x60];
	_ =	sdelay $0x3  }
.Ltmp13:
0x576: {  	(pc) =	sbr.rel @p0 .LBB2_29-.Ltmp13, $3  }
0x577: {  	[tilespmem:v3+s15+$0x0] =	vst.idx.msk $0xffff, v2  }
0x578: {  	v3 =	vor.u32 v1, v4;
	v2 =	vld [tilespmem:s22+$0x70];
	_ =	sdelay $0x1  }
0x579: {  	s24 =	sadd.s32 $0x4, s24;
	v4 =	vmov s23  }
0x57a: {  	_ =	sdelay $0x1  }
0x57b: {  	v4 =	vand.u32 $0x7C, v4  }
0x57c: {  	v4 =	vbroadcast v4, $0x0  }
0x57d: {  	s22 =	sadd.s32 $0x80, s22;
	[tilespmem:v3+s15+$0x0] =	vst.idx.msk $0xffff, v2  }
0x57e: {  	v2 =	vld [tilespmem:s22+$0x0];
	v3 =	vor.u32 v0, v4;
	_ =	sdelay $0x4  }
0x57f: {  	[tilespmem:v3+s15+$0x0] =	vst.idx.msk $0xffff, v2  }
0x580: {  	v3 =	vor.u32 v1, v4;
	v2 =	vld [tilespmem:s22+$0x10]  }
0x581: {  	s24 =	sadd.s32 $0x1, s23  }
0x582: {  	v4 =	vmov s24  }
0x583: {  	v4 =	vand.u32 $0x7D, v4  }
0x584: {  	v4 =	vbroadcast v4, $0x0  }
0x585: {  	[tilespmem:v3+s15+$0x0] =	vst.idx.msk $0xffff, v2  }
0x586: {  	v3 =	vor.u32 v0, v4;
	v2 =	vld [tilespmem:s22+$0x20];
	_ =	sdelay $0x4  }
0x587: {  	[tilespmem:v3+s15+$0x0] =	vst.idx.msk $0xffff, v2  }
0x588: {  	v3 =	vor.u32 v1, v4;
	v2 =	vld [tilespmem:s22+$0x30]  }
0x589: {  	s31 =	sadd.s32 $0x2, s23  }
0x58a: {  	v4 =	vmov s31  }
0x58b: {  	v4 =	vand.u32 $0x7E, v4  }
0x58c: {  	v4 =	vbroadcast v4, $0x0  }
0x58d: {  	[tilespmem:v3+s15+$0x0] =	vst.idx.msk $0xffff, v2  }
0x58e: {  	v3 =	vor.u32 v0, v4;
	v2 =	vld [tilespmem:s22+$0x40];
	_ =	sdelay $0x4  }
0x58f: {  	[tilespmem:v3+s15+$0x0] =	vst.idx.msk $0xffff, v2  }
0x590: {  	v3 =	vor.u32 v1, v4;
	v2 =	vld [tilespmem:s22+$0x50]  }
0x591: {  	s24 =	sadd.s32 $0x3, s23  }
0x592: {  	v4 =	vmov s24  }
0x593: {  	v4 =	vand.u32 $0x7F, v4  }
0x594: {  	v4 =	vbroadcast v4, $0x0  }
0x595: {  	[tilespmem:v3+s15+$0x0] =	vst.idx.msk $0xffff, v2  }
0x596: {  	v3 =	vor.u32 v0, v4;
	v2 =	vld [tilespmem:s22+$0x60];
	_ =	sdelay $0x4  }
0x597: {  	[tilespmem:v3+s15+$0x0] =	vst.idx.msk $0xffff, v2  }
0x598: {  	v3 =	vor.u32 v1, v4;
	v2 =	vld [tilespmem:s22+$0x70]  }
0x599: {  	s25 =	sadd.s32 $0x5, s21  }
0x59a: {  	s26 =	sshll.u32 s25, $0x7  }
0x59b: {  	s23 =	sand.u32 $0x3E80, s26;
	s22 =	sshll.u32 s25, $0x9  }
0x59c: {  	s23 =	sadd.s32 s2, s23;
	s22 =	sand.u32 $0xFFF0000, s22  }
0x59d: {  	s28 =	simm.s32 $0x0;
	s22 =	sadd.s32 s22, s23;
	[tilespmem:v3+s15+$0x0] =	vst.idx.msk $0xffff, v2  }
0x59e: {  	v2 =	vmov s28;
	[hbm4b:s22+s9] =	stream.strided.scatter [tilespmem:s15], [sflag:$0x4], $0x1000, s14, s9, $0x38;
	[tilespmem:$0x1E800] =	vst v63  }
0x59f: {  	v2 =	vand.u32 $0x7C, v2;
	_ =	swait.ge [sflag:s16], $0x1000  }
0x5a0: {  	v2 =	vbroadcast v2, $0x0;
	[sflag:s16] =	ssyncset.done $0x0  }
0x5a1: {  	s22 =	simm.s32 $0x1A800;
	[sflag:s16] =	ssyncadd.s32 $0xFFFFF000  }
0x5a2: {  	v4 =	vor.u32 v0, v2;
	v3 =	vld [tilespmem:s22+$0x0];
	_ =	sdelay $0x4  }
0x5a3: {  	[tilespmem:v4+s13+$0x0] =	vst.idx.msk $0xffff, v3  }
0x5a4: {  	v2 =	vor.u32 v1, v2;
	v3 =	vld [tilespmem:s22+$0x10]  }
0x5a5: {  	s29 =	simm.s32 $0x1  }
0x5a6: {  	v4 =	vmov s29  }
0x5a7: {  	v4 =	vand.u32 $0x7D, v4  }
0x5a8: {  	v4 =	vbroadcast v4, $0x0  }
0x5a9: {  	[tilespmem:v2+s13+$0x0] =	vst.idx.msk $0xffff, v3  }
0x5aa: {  	v3 =	vor.u32 v0, v4;
	v2 =	vld [tilespmem:s22+$0x20];
	_ =	sdelay $0x4  }
0x5ab: {  	[tilespmem:v3+s13+$0x0] =	vst.idx.msk $0xffff, v2  }
0x5ac: {  	v3 =	vor.u32 v1, v4;
	v2 =	vld [tilespmem:s22+$0x30]  }
0x5ad: {  	s30 =	simm.s32 $0x2  }
0x5ae: {  	v4 =	vmov s30  }
0x5af: {  	v4 =	vand.u32 $0x7E, v4  }
0x5b0: {  	v4 =	vbroadcast v4, $0x0  }
0x5b1: {  	[tilespmem:v3+s13+$0x0] =	vst.idx.msk $0xffff, v2  }
0x5b2: {  	v3 =	vor.u32 v0, v4;
	v2 =	vld [tilespmem:s22+$0x40];
	_ =	sdelay $0x4  }
0x5b3: {  	[tilespmem:v3+s13+$0x0] =	vst.idx.msk $0xffff, v2  }
0x5b4: {  	v3 =	vor.u32 v1, v4;
	v2 =	vld [tilespmem:s22+$0x50]  }
0x5b5: {  	s31 =	simm.s32 $0x3  }
0x5b6: {  	v4 =	vmov s31  }
0x5b7: {  	v4 =	vand.u32 $0x7F, v4  }
0x5b8: {  	v4 =	vbroadcast v4, $0x0  }
0x5b9: {  	[tilespmem:v3+s13+$0x0] =	vst.idx.msk $0xffff, v2  }
0x5ba: {  	v3 =	vor.u32 v0, v4;
	v2 =	vld [tilespmem:s22+$0x60];
	_ =	sdelay $0x4  }
0x5bb: {  	[tilespmem:v3+s13+$0x0] =	vst.idx.msk $0xffff, v2  }
0x5bc: {  	v3 =	vor.u32 v1, v4;
	v2 =	vld [tilespmem:s22+$0x70]  }
0x5bd: {  	s23 =	simm.s32 $0x4  }
0x5be: {  	s24 =	simm.s32 $0x8;
	v4 =	vmov s23  }
.LBB2_31:
0x5bf: {  	p0 =	slt.u32 s24, $0x7C;
	v4 =	vand.u32 $0x7C, v4  }
0x5c0: {  	v4 =	vbroadcast v4, $0x0  }
0x5c1: {  	s22 =	sadd.s32 $0x80, s22;
	[tilespmem:v3+s13+$0x0] =	vst.idx.msk $0xffff, v2  }
0x5c2: {  	v2 =	vld [tilespmem:s22+$0x0];
	v3 =	vor.u32 v0, v4;
	_ =	sdelay $0x4  }
0x5c3: {  	[tilespmem:v3+s13+$0x0] =	vst.idx.msk $0xffff, v2  }
0x5c4: {  	v3 =	vor.u32 v1, v4;
	v2 =	vld [tilespmem:s22+$0x10]  }
0x5c5: {  	s25 =	sadd.s32 $0x1, s23  }
0x5c6: {  	v4 =	vmov s25  }
0x5c7: {  	v4 =	vand.u32 $0x7D, v4  }
0x5c8: {  	v4 =	vbroadcast v4, $0x0  }
0x5c9: {  	[tilespmem:v3+s13+$0x0] =	vst.idx.msk $0xffff, v2  }
0x5ca: {  	v3 =	vor.u32 v0, v4;
	v2 =	vld [tilespmem:s22+$0x20];
	_ =	sdelay $0x4  }
0x5cb: {  	[tilespmem:v3+s13+$0x0] =	vst.idx.msk $0xffff, v2  }
0x5cc: {  	v3 =	vor.u32 v1, v4;
	v2 =	vld [tilespmem:s22+$0x30]  }
0x5cd: {  	s25 =	sadd.s32 $0x2, s23  }
0x5ce: {  	v4 =	vmov s25  }
0x5cf: {  	v4 =	vand.u32 $0x7E, v4  }
0x5d0: {  	v4 =	vbroadcast v4, $0x0  }
0x5d1: {  	[tilespmem:v3+s13+$0x0] =	vst.idx.msk $0xffff, v2  }
0x5d2: {  	v3 =	vor.u32 v0, v4;
	v2 =	vld [tilespmem:s22+$0x40];
	_ =	sdelay $0x4  }
0x5d3: {  	[tilespmem:v3+s13+$0x0] =	vst.idx.msk $0xffff, v2  }
0x5d4: {  	v3 =	vor.u32 v1, v4;
	v2 =	vld [tilespmem:s22+$0x50]  }
0x5d5: {  	s25 =	sadd.s32 $0x3, s23;
	s23 =	smov.u32 s24  }
0x5d6: {  	v4 =	vmov s25  }
0x5d7: {  	v4 =	vand.u32 $0x7F, v4  }
0x5d8: {  	v4 =	vbroadcast v4, $0x0  }
0x5d9: {  	[tilespmem:v3+s13+$0x0] =	vst.idx.msk $0xffff, v2  }
0x5da: {  	v3 =	vor.u32 v0, v4;
	v2 =	vld [tilespmem:s22+$0x60];
	_ =	sdelay $0x3  }
.Ltmp14:
0x5db: {  	(pc) =	sbr.rel @p0 .LBB2_31-.Ltmp14, $3  }
0x5dc: {  	[tilespmem:v3+s13+$0x0] =	vst.idx.msk $0xffff, v2  }
0x5dd: {  	v3 =	vor.u32 v1, v4;
	v2 =	vld [tilespmem:s22+$0x70];
	_ =	sdelay $0x1  }
0x5de: {  	s24 =	sadd.s32 $0x4, s24;
	v4 =	vmov s23  }
0x5df: {  	_ =	sdelay $0x1  }
0x5e0: {  	v4 =	vand.u32 $0x7C, v4  }
0x5e1: {  	v4 =	vbroadcast v4, $0x0  }
0x5e2: {  	s22 =	sadd.s32 $0x80, s22;
	[tilespmem:v3+s13+$0x0] =	vst.idx.msk $0xffff, v2  }
0x5e3: {  	v2 =	vld [tilespmem:s22+$0x0];
	v3 =	vor.u32 v0, v4;
	_ =	sdelay $0x4  }
0x5e4: {  	[tilespmem:v3+s13+$0x0] =	vst.idx.msk $0xffff, v2  }
0x5e5: {  	v3 =	vor.u32 v1, v4;
	v2 =	vld [tilespmem:s22+$0x10]  }
0x5e6: {  	s24 =	sadd.s32 $0x1, s23  }
0x5e7: {  	v4 =	vmov s24  }
0x5e8: {  	v4 =	vand.u32 $0x7D, v4  }
0x5e9: {  	v4 =	vbroadcast v4, $0x0  }
0x5ea: {  	[tilespmem:v3+s13+$0x0] =	vst.idx.msk $0xffff, v2  }
0x5eb: {  	v3 =	vor.u32 v0, v4;
	v2 =	vld [tilespmem:s22+$0x20];
	_ =	sdelay $0x4  }
0x5ec: {  	[tilespmem:v3+s13+$0x0] =	vst.idx.msk $0xffff, v2  }
0x5ed: {  	v3 =	vor.u32 v1, v4;
	v2 =	vld [tilespmem:s22+$0x30]  }
0x5ee: {  	s31 =	sadd.s32 $0x2, s23  }
0x5ef: {  	v4 =	vmov s31  }
0x5f0: {  	v4 =	vand.u32 $0x7E, v4  }
0x5f1: {  	v4 =	vbroadcast v4, $0x0  }
0x5f2: {  	[tilespmem:v3+s13+$0x0] =	vst.idx.msk $0xffff, v2  }
0x5f3: {  	v3 =	vor.u32 v0, v4;
	v2 =	vld [tilespmem:s22+$0x40];
	_ =	sdelay $0x4  }
0x5f4: {  	[tilespmem:v3+s13+$0x0] =	vst.idx.msk $0xffff, v2  }
0x5f5: {  	v3 =	vor.u32 v1, v4;
	v2 =	vld [tilespmem:s22+$0x50]  }
0x5f6: {  	s24 =	sadd.s32 $0x3, s23  }
0x5f7: {  	v4 =	vmov s24  }
0x5f8: {  	v4 =	vand.u32 $0x7F, v4  }
0x5f9: {  	v4 =	vbroadcast v4, $0x0  }
0x5fa: {  	[tilespmem:v3+s13+$0x0] =	vst.idx.msk $0xffff, v2  }
0x5fb: {  	v3 =	vor.u32 v0, v4;
	v2 =	vld [tilespmem:s22+$0x60];
	_ =	sdelay $0x4  }
0x5fc: {  	[tilespmem:v3+s13+$0x0] =	vst.idx.msk $0xffff, v2  }
0x5fd: {  	v3 =	vor.u32 v1, v4;
	v2 =	vld [tilespmem:s22+$0x70]  }
0x5fe: {  	s25 =	sadd.s32 $0x6, s21  }
0x5ff: {  	s26 =	sshll.u32 s25, $0x7  }
0x600: {  	s23 =	sand.u32 $0x3F00, s26;
	s22 =	sshll.u32 s25, $0x9  }
0x601: {  	s23 =	sadd.s32 s2, s23;
	s22 =	sand.u32 $0xFFF0000, s22  }
0x602: {  	s28 =	simm.s32 $0x0;
	s22 =	sadd.s32 s22, s23;
	[tilespmem:v3+s13+$0x0] =	vst.idx.msk $0xffff, v2  }
0x603: {  	v2 =	vmov s28;
	[hbm4b:s22+s9] =	stream.strided.scatter [tilespmem:s13], [sflag:$0x3], $0x1000, s14, s9, $0x38;
	[tilespmem:$0x1E800] =	vst v63  }
0x604: {  	v2 =	vand.u32 $0x7C, v2;
	_ =	swait.ge [sflag:s17], $0x1000  }
0x605: {  	v2 =	vbroadcast v2, $0x0;
	[sflag:s17] =	ssyncset.done $0x0  }
0x606: {  	s22 =	simm.s32 $0x1B800;
	[sflag:s17] =	ssyncadd.s32 $0xFFFFF000  }
0x607: {  	v4 =	vor.u32 v0, v2;
	v3 =	vld [tilespmem:s22+$0x0];
	_ =	sdelay $0x4  }
0x608: {  	[tilespmem:v4+s15+$0x0] =	vst.idx.msk $0xffff, v3  }
0x609: {  	v2 =	vor.u32 v1, v2;
	v3 =	vld [tilespmem:s22+$0x10]  }
0x60a: {  	s29 =	simm.s32 $0x1  }
0x60b: {  	v4 =	vmov s29  }
0x60c: {  	v4 =	vand.u32 $0x7D, v4  }
0x60d: {  	v4 =	vbroadcast v4, $0x0  }
0x60e: {  	[tilespmem:v2+s15+$0x0] =	vst.idx.msk $0xffff, v3  }
0x60f: {  	v3 =	vor.u32 v0, v4;
	v2 =	vld [tilespmem:s22+$0x20];
	_ =	sdelay $0x4  }
0x610: {  	[tilespmem:v3+s15+$0x0] =	vst.idx.msk $0xffff, v2  }
0x611: {  	v3 =	vor.u32 v1, v4;
	v2 =	vld [tilespmem:s22+$0x30]  }
0x612: {  	s30 =	simm.s32 $0x2  }
0x613: {  	v4 =	vmov s30  }
0x614: {  	v4 =	vand.u32 $0x7E, v4  }
0x615: {  	v4 =	vbroadcast v4, $0x0  }
0x616: {  	[tilespmem:v3+s15+$0x0] =	vst.idx.msk $0xffff, v2  }
0x617: {  	v3 =	vor.u32 v0, v4;
	v2 =	vld [tilespmem:s22+$0x40];
	_ =	sdelay $0x4  }
0x618: {  	[tilespmem:v3+s15+$0x0] =	vst.idx.msk $0xffff, v2  }
0x619: {  	v3 =	vor.u32 v1, v4;
	v2 =	vld [tilespmem:s22+$0x50]  }
0x61a: {  	s31 =	simm.s32 $0x3  }
0x61b: {  	v4 =	vmov s31  }
0x61c: {  	v4 =	vand.u32 $0x7F, v4  }
0x61d: {  	v4 =	vbroadcast v4, $0x0  }
0x61e: {  	[tilespmem:v3+s15+$0x0] =	vst.idx.msk $0xffff, v2  }
0x61f: {  	v3 =	vor.u32 v0, v4;
	v2 =	vld [tilespmem:s22+$0x60];
	_ =	sdelay $0x4  }
0x620: {  	[tilespmem:v3+s15+$0x0] =	vst.idx.msk $0xffff, v2  }
0x621: {  	v3 =	vor.u32 v1, v4;
	v2 =	vld [tilespmem:s22+$0x70]  }
0x622: {  	s23 =	simm.s32 $0x4  }
0x623: {  	s24 =	simm.s32 $0x8;
	v4 =	vmov s23  }
.LBB2_33:
0x624: {  	p0 =	slt.u32 s24, $0x7C;
	v4 =	vand.u32 $0x7C, v4  }
0x625: {  	v4 =	vbroadcast v4, $0x0  }
0x626: {  	s22 =	sadd.s32 $0x80, s22;
	[tilespmem:v3+s15+$0x0] =	vst.idx.msk $0xffff, v2  }
0x627: {  	v2 =	vld [tilespmem:s22+$0x0];
	v3 =	vor.u32 v0, v4;
	_ =	sdelay $0x4  }
0x628: {  	[tilespmem:v3+s15+$0x0] =	vst.idx.msk $0xffff, v2  }
0x629: {  	v3 =	vor.u32 v1, v4;
	v2 =	vld [tilespmem:s22+$0x10]  }
0x62a: {  	s25 =	sadd.s32 $0x1, s23  }
0x62b: {  	v4 =	vmov s25  }
0x62c: {  	v4 =	vand.u32 $0x7D, v4  }
0x62d: {  	v4 =	vbroadcast v4, $0x0  }
0x62e: {  	[tilespmem:v3+s15+$0x0] =	vst.idx.msk $0xffff, v2  }
0x62f: {  	v3 =	vor.u32 v0, v4;
	v2 =	vld [tilespmem:s22+$0x20];
	_ =	sdelay $0x4  }
0x630: {  	[tilespmem:v3+s15+$0x0] =	vst.idx.msk $0xffff, v2  }
0x631: {  	v3 =	vor.u32 v1, v4;
	v2 =	vld [tilespmem:s22+$0x30]  }
0x632: {  	s25 =	sadd.s32 $0x2, s23  }
0x633: {  	v4 =	vmov s25  }
0x634: {  	v4 =	vand.u32 $0x7E, v4  }
0x635: {  	v4 =	vbroadcast v4, $0x0  }
0x636: {  	[tilespmem:v3+s15+$0x0] =	vst.idx.msk $0xffff, v2  }
0x637: {  	v3 =	vor.u32 v0, v4;
	v2 =	vld [tilespmem:s22+$0x40];
	_ =	sdelay $0x4  }
0x638: {  	[tilespmem:v3+s15+$0x0] =	vst.idx.msk $0xffff, v2  }
0x639: {  	v3 =	vor.u32 v1, v4;
	v2 =	vld [tilespmem:s22+$0x50]  }
0x63a: {  	s25 =	sadd.s32 $0x3, s23;
	s23 =	smov.u32 s24  }
0x63b: {  	v4 =	vmov s25  }
0x63c: {  	v4 =	vand.u32 $0x7F, v4  }
0x63d: {  	v4 =	vbroadcast v4, $0x0  }
0x63e: {  	[tilespmem:v3+s15+$0x0] =	vst.idx.msk $0xffff, v2  }
0x63f: {  	v3 =	vor.u32 v0, v4;
	v2 =	vld [tilespmem:s22+$0x60];
	_ =	sdelay $0x3  }
.Ltmp15:
0x640: {  	(pc) =	sbr.rel @p0 .LBB2_33-.Ltmp15, $3  }
0x641: {  	[tilespmem:v3+s15+$0x0] =	vst.idx.msk $0xffff, v2  }
0x642: {  	v3 =	vor.u32 v1, v4;
	v2 =	vld [tilespmem:s22+$0x70];
	_ =	sdelay $0x1  }
0x643: {  	s24 =	sadd.s32 $0x4, s24;
	v4 =	vmov s23  }
0x644: {  	_ =	sdelay $0x1  }
0x645: {  	v4 =	vand.u32 $0x7C, v4  }
0x646: {  	v4 =	vbroadcast v4, $0x0  }
0x647: {  	s22 =	sadd.s32 $0x80, s22;
	[tilespmem:v3+s15+$0x0] =	vst.idx.msk $0xffff, v2  }
0x648: {  	v2 =	vld [tilespmem:s22+$0x0];
	v3 =	vor.u32 v0, v4;
	_ =	sdelay $0x4  }
0x649: {  	[tilespmem:v3+s15+$0x0] =	vst.idx.msk $0xffff, v2  }
0x64a: {  	v3 =	vor.u32 v1, v4;
	v2 =	vld [tilespmem:s22+$0x10]  }
0x64b: {  	s24 =	sadd.s32 $0x1, s23  }
0x64c: {  	v61 =	vmov s24  }
0x64d: {  	v4 =	vand.u32 $0x7D, v61  }
0x64e: {  	v4 =	vbroadcast v4, $0x0  }
0x64f: {  	[tilespmem:v3+s15+$0x0] =	vst.idx.msk $0xffff, v2  }
0x650: {  	v3 =	vor.u32 v0, v4;
	v2 =	vld [tilespmem:s22+$0x20];
	_ =	sdelay $0x4  }
0x651: {  	[tilespmem:v3+s15+$0x0] =	vst.idx.msk $0xffff, v2  }
0x652: {  	v3 =	vor.u32 v1, v4;
	v2 =	vld [tilespmem:s22+$0x30]  }
0x653: {  	s29 =	sadd.s32 $0x2, s23  }
0x654: {  	v62 =	vmov s29  }
0x655: {  	v4 =	vand.u32 $0x7E, v62  }
0x656: {  	v4 =	vbroadcast v4, $0x0  }
0x657: {  	[tilespmem:v3+s15+$0x0] =	vst.idx.msk $0xffff, v2  }
0x658: {  	v3 =	vor.u32 v0, v4;
	v2 =	vld [tilespmem:s22+$0x40];
	_ =	sdelay $0x4  }
0x659: {  	[tilespmem:v3+s15+$0x0] =	vst.idx.msk $0xffff, v2  }
0x65a: {  	v3 =	vor.u32 v1, v4;
	v2 =	vld [tilespmem:s22+$0x50]  }
0x65b: {  	s30 =	sadd.s32 $0x3, s23  }
0x65c: {  	v63 =	vmov s30  }
0x65d: {  	v4 =	vand.u32 $0x7F, v63  }
0x65e: {  	v4 =	vbroadcast v4, $0x0  }
0x65f: {  	[tilespmem:v3+s15+$0x0] =	vst.idx.msk $0xffff, v2  }
0x660: {  	v3 =	vor.u32 v0, v4;
	v2 =	vld [tilespmem:s22+$0x60];
	_ =	sdelay $0x4  }
0x661: {  	[tilespmem:v3+s15+$0x0] =	vst.idx.msk $0xffff, v2  }
0x662: {  	s20 =	sadd.s32 $0x1, s20;
	v3 =	vor.u32 v1, v4;
	v2 =	vld [tilespmem:s22+$0x70]  }
0x663: {  	s21 =	sadd.s32 $0x7, s21;
	p0 =	sne.s32 s20, $0x19  }
.Ltmp16:
0x664: {  	s31 =	sshll.u32 s21, $0x7;
	(pc) =	sbr.rel @p0 .LBB2_2-.Ltmp16, $4  }
0x665: {  	s21 =	sshll.u32 s21, $0x9;
	s22 =	sand.u32 $0x3F80, s31  }
0x666: {  	s21 =	sand.u32 $0xFFF0000, s21;
	s22 =	sadd.s32 s2, s22  }
0x667: {  	s21 =	sadd.s32 s21, s22;
	[tilespmem:v3+s15+$0x0] =	vst.idx.msk $0xffff, v2  }
0x668: {  	[hbm4b:s21+s9] =	stream.strided.scatter [tilespmem:s15], [sflag:$0x4], $0x1000, s14, s9, $0x38;
	[tilespmem:$0x1E800] =	vst v63  }
0x669: {  	s19 =	sadd.s32 $0x1, s19  }
0x66a: {  	_ =	swait.ge [sflag:s16], $0x1000;
	p0 =	sne.s32 s19, s7  }
.Ltmp17:
0x66b: {  	[sflag:s16] =	ssyncset.done $0x0;
	(pc) =	sbr.rel @p0 .LBB2_1-.Ltmp17, $4  }
0x66c: {  	[sflag:s16] =	ssyncadd.s32 $0xFFFFF000  }
0x66d: {  	_ =	swait.ge [sflag:s17], $0x1000  }
0x66e: {  	[sflag:s17] =	ssyncset.done $0x0  }
0x66f: {  	[sflag:s17] =	ssyncadd.s32 $0xFFFFF000  }
0x670: {  	_ =	sfence.sel $0x180000  }
0x671: {  	[bflag:$0x0] =	sbarrier.arrive $0xFFFF  }
0x672: {  	p0 =	sne.s32 s0, $0x0;
	_ =	strace $0x90000047  }
0x673: {  	s0 =	sadd.s32 @!p0 $0x100000, s1;
	[bflag:$0x2] =	sbarrier.arrive $0xFFFF  }
0x674: {  	[sflag:s0] =	ssyncadd.tile.s32 @!p0 $0x1;
	_ =	shalt  }
.Lfunc_end2:
_tile_overlayer_lowered:
.L_overlay_start_2:
0x675: {  	(tag) =	ssettag $0x2  }
0x676: {  	s0 =	rddreg [dreg:$0x0];
	s2 =	stileid.u32  }
0x677: {  	s1 =	rddreg [dreg:$0x1];
	p0 =	sne.s32 s2, $0x0  }
0x678: {  	s3 =	rddreg [dreg:$0x2];
	[bflag:$0x3] =	sbarrier.arrive $0xFFFF;
	s2 =	simm.s32 @!p0 $0x1C05  }
0x679: {  	[timem:s3], [sflag:s2] =	dma.local @!p0 [hbm:s0], s1  }
0x67a: {  	s0 =	simm.s32 @!p0 $0x5  }
0x67b: {  	_ =	swait.ge @!p0 [sflag:s0], s1  }
0x67c: {  	s1 =	ssub.s32 @!p0 $0x0, s1;
	[sflag:s0] =	ssyncset.done @!p0 $0x0  }
0x67d: {  	[sflag:s0] =	ssyncadd.s32 @!p0 s1  }
0x67e: {  	[bflag:$0x3] =	sbarrier.arrive $0xFFFF  }
0x67f: {  	_ =	shalt  }

</sc_bundles>
